<compile_context>
chip_gen: v7x
topology: tpu7x:2x2x1
jax: 0.10.2.dev20260603
libtpu: 0.0.44.dev20260713+nightly
codegen_flags: <defaults>
</compile_context>

<pallas_src>
import functools

import jax
import jax.numpy as jnp
import numpy as np
from jax import lax
from jax.experimental import pallas as pl
from jax.experimental.pallas import tpu as pltpu
from jax.experimental.pallas import tpu_sc as plsc

_FIN = 16
_FOUT = 16
_FCH = 16
_NC = 2
_NS = 16
_NW = _NC * _NS
_PK = 4


@functools.lru_cache(maxsize=None)
def _gather_kernel(N, E):
    del N
    P = E // _PK
    rows_w = (P // _NW) // 8 * 8
    mesh = plsc.VectorSubcoreMesh(core_axis_name="c", subcore_axis_name="s")

    @functools.partial(
        pl.kernel,
        mesh=mesh,
        out_type=[
            jax.ShapeDtypeStruct((P, _PK * 2 * _FIN), jnp.float32),
            jax.ShapeDtypeStruct((_PK * 2 * _FIN, _PK * _FCH * _FOUT),
                                 jnp.float32),
            jax.ShapeDtypeStruct((_PK * 2 * _FIN, _PK * _FOUT),
                                 jnp.float32),
            jax.ShapeDtypeStruct((_PK * 2 * _FIN, _PK * _FCH),
                                 jnp.float32),
            jax.ShapeDtypeStruct((1, _PK * _FCH), jnp.float32),
        ],
        scratch_types=[
            pltpu.VMEM((2, rows_w), jnp.int32),
            pltpu.VMEM((2, rows_w, _FIN), jnp.float32),
            pltpu.SemaphoreType.DMA,
            pltpu.SemaphoreType.DMA,
            pltpu.SemaphoreType.DMA,
            pltpu.SemaphoreType.DMA,
            pltpu.VMEM((_FCH, 2 * _FIN * _FOUT), jnp.float32),
            pltpu.VMEM((2 * _FIN * _FOUT,), jnp.float32),
            pltpu.VMEM((2 * _FIN, _FCH * _FOUT), jnp.float32),
            pltpu.VMEM((2 * _FIN, _FOUT), jnp.float32),
            pltpu.VMEM((2 * _FIN, _FCH * _FOUT), jnp.float32),
            pltpu.VMEM((2 * _FIN, _FOUT), jnp.float32),
            pltpu.VMEM((3, _FCH), jnp.float32),
            pltpu.VMEM((_FCH,), jnp.float32),
            pltpu.VMEM((_PK * 2 * _FIN, _PK * _FCH), jnp.float32),
            pltpu.VMEM((1, _PK * _FCH), jnp.float32),
            pltpu.SemaphoreType.DMA,
        ],
        compiler_params=pltpu.CompilerParams(
            use_tc_tiling_on_sc=False, needs_layout_passes=False
        ),
    )
    def gather_k(x_hbm, src_hbm, dst_hbm, w1_hbm, b1_hbm, w2_hbm, b2_hbm,
                 cat_hbm, w2p4_hbm, b2f4_hbm, w1e4_hbm, b14_hbm,
                 idx_v, rows_v, isem0, isem1, osem0, osem1,
                 w2_v, b2_v, w2p_v, b2f_v, zb_v, zs_v,
                 w1_v, b1_v, w1e4_v, b14_v, sem):
        wid = lax.axis_index("s") * _NC + lax.axis_index("c")
        r0 = wid * rows_w
        lanes = lax.iota(jnp.int32, 16)

        @pl.when(wid == 0)
        def _permute_weights():
            pltpu.sync_copy(w2_hbm, w2_v)
            pltpu.sync_copy(b2_hbm, b2_v)
            pltpu.sync_copy(w1_hbm, w1_v)
            pltpu.sync_copy(b1_hbm, b1_v)

            def _w2_step(k, carry):
                i = k // _FCH
                c = k % _FCH
                vals = plsc.load_gather(w2_v, [jnp.full((16,), c, jnp.int32),
                                               lanes * (2 * _FIN) + i])
                plsc.store_scatter(w2p_v, [jnp.full((16,), i, jnp.int32),
                                           lanes + c * _FOUT], vals)
                return carry

            lax.fori_loop(0, 2 * _FIN * _FCH, _w2_step, 0)

            def _b2_step(i, carry):
                vals = plsc.load_gather(b2_v, [lanes * (2 * _FIN) + i])
                plsc.store_scatter(b2f_v, [jnp.full((16,), i, jnp.int32), lanes],
                                   vals)
                return carry

            lax.fori_loop(0, 2 * _FIN, _b2_step, 0)

            def _zero_big(k, carry):
                i = k // 16
                zb_v[i, pl.ds((k % 16) * 16, 16)] = jnp.zeros((16,), jnp.float32)
                return carry

            lax.fori_loop(0, 2 * _FIN * _FCH, _zero_big, 0)

            def _zero_small(i, carry):
                zs_v[i, :] = jnp.zeros((16,), jnp.float32)
                return carry

            lax.fori_loop(0, 2 * _FIN, _zero_small, 0)

            def _zero_w1e4(k, carry):
                i = k // _PK
                w1e4_v[i, pl.ds((k % _PK) * 16, 16)] = jnp.zeros((16,),
                                                                 jnp.float32)
                return carry

            lax.fori_loop(0, 2 * _FIN * _PK * _PK, _zero_w1e4, 0)
            for j in range(_PK):
                for k in range(3):
                    w1e4_v[j * 2 * _FIN + k, pl.ds(j * _FCH, 16)] = w1_v[k, :]
                b14_v[0, pl.ds(j * _FCH, 16)] = b1_v[:]

            for jr in range(_PK):
                for jc in range(_PK):
                    src_big = w2p_v if jr == jc else zb_v
                    src_sml = b2f_v if jr == jc else zs_v
                    pltpu.sync_copy(
                        src_big,
                        w2p4_hbm.at[pl.ds(jr * 2 * _FIN, 2 * _FIN),
                                    pl.ds(jc * _FCH * _FOUT, _FCH * _FOUT)],
                    )
                    pltpu.sync_copy(
                        src_sml,
                        b2f4_hbm.at[pl.ds(jr * 2 * _FIN, 2 * _FIN),
                                    pl.ds(jc * _FOUT, _FOUT)],
                    )
            pltpu.sync_copy(w1e4_v, w1e4_hbm)
            pltpu.sync_copy(b14_v, b14_hbm)

        rinfo = [(j, half) for j in range(_PK) for half in (0, 1)]

        def islice(r):
            j, half = rinfo[r]
            return (src_hbm if half == 0 else dst_hbm).at[
                pl.ds(j * P + r0, rows_w)
            ]

        def cslice(r):
            j, half = rinfo[r]
            return cat_hbm.at[pl.ds(r0, rows_w),
                              pl.ds(j * 2 * _FIN + half * _FIN, _FIN)]

        isems = (isem0, isem1)
        osems = (osem0, osem1)
        pend_idx = [None, None]
        pend_out = [None, None]
        pend_idx[0] = pltpu.async_copy(islice(0), idx_v.at[0], isems[0])
        for r in range(len(rinfo)):
            b = r % 2
            if r + 1 < len(rinfo):
                pend_idx[1 - b] = pltpu.async_copy(
                    islice(r + 1), idx_v.at[1 - b], isems[1 - b]
                )
            pend_idx[b].wait()
            if pend_out[b] is not None:
                pend_out[b].wait()
            pltpu.async_copy(x_hbm.at[idx_v.at[b]], rows_v.at[b], sem).wait()
            pend_out[b] = pltpu.async_copy(rows_v.at[b], cslice(r), osems[b])
        pend_out[0].wait()
        pend_out[1].wait()

        n_tail = (P - _NW * rows_w) // 8

        @pl.when(wid < n_tail)
        def _tail():
            t0 = _NW * rows_w + wid * 8
            for j in range(_PK):
                for half, idx_hbm in ((0, src_hbm), (1, dst_hbm)):
                    pltpu.sync_copy(idx_hbm.at[pl.ds(j * P + t0, 8)],
                                    idx_v.at[0, pl.ds(0, 8)])
                    pltpu.async_copy(
                        x_hbm.at[idx_v.at[0, pl.ds(0, 8)]],
                        rows_v.at[0, pl.ds(0, 8)], sem
                    ).wait()
                    pltpu.sync_copy(
                        rows_v.at[0, pl.ds(0, 8)],
                        cat_hbm.at[pl.ds(t0, 8),
                                   pl.ds(j * 2 * _FIN + half * _FIN, _FIN)],
                    )

    return gather_k


@functools.lru_cache(maxsize=None)
def _scatter_kernel(N, E):
    P = E // _PK
    rows_t = (P // _NS) // 8 * 8
    rows_out = N // _NS
    mesh = plsc.VectorSubcoreMesh(
        core_axis_name="c", subcore_axis_name="s", num_cores=1
    )

    @functools.partial(
        pl.kernel,
        mesh=mesh,
        out_type=jax.ShapeDtypeStruct((N, _FOUT), jnp.float32),
        scratch_types=[
            pltpu.VMEM((2, rows_t), jnp.int32),
            pltpu.VMEM((2, rows_t, _FOUT), jnp.float32),
            pltpu.VMEM((rows_out, _FOUT), jnp.float32),
            pltpu.VMEM_SHARED((N, _FOUT), jnp.float32),
            pltpu.SemaphoreType.DMA,
            pltpu.SemaphoreType.DMA,
            pltpu.SemaphoreType.DMA,
        ],
        compiler_params=pltpu.CompilerParams(use_tc_tiling_on_sc=False),
    )
    def scatter_k(ef_hbm, dst_hbm, out_hbm, idx_v, rows_v, zbuf, acc_sh,
                  sem, lsem0, lsem1):
        sid = lax.axis_index("s")
        o0 = sid * rows_out
        r0 = sid * rows_t

        def _zero_row(i, carry):
            zbuf[i, :] = jnp.zeros((_FOUT,), jnp.float32)
            return carry

        lax.fori_loop(0, rows_out, _zero_row, 0)
        pltpu.sync_copy(zbuf, acc_sh.at[pl.ds(o0, rows_out)])
        plsc.subcore_barrier()
        lsems = (lsem0, lsem1)

        def fire(j):
            b = j % 2
            return (
                pltpu.async_copy(dst_hbm.at[pl.ds(j * P + r0, rows_t)],
                                 idx_v.at[b], lsems[b]),
                pltpu.async_copy(
                    ef_hbm.at[pl.ds(r0, rows_t), pl.ds(j * _FOUT, _FOUT)],
                    rows_v.at[b], lsems[b]),
            )

        pend = fire(0)
        for j in range(_PK):
            nxt = fire(j + 1) if j + 1 < _PK else None
            pend[0].wait()
            pend[1].wait()
            b = j % 2
            pltpu.sync_copy(rows_v.at[b], acc_sh.at[idx_v.at[b]], add=True)
            pend = nxt

        n_tail = (P - _NS * rows_t) // 8

        @pl.when(sid < n_tail)
        def _tail():
            t0 = _NS * rows_t + sid * 8
            for j in range(_PK):
                pltpu.sync_copy(dst_hbm.at[pl.ds(j * P + t0, 8)],
                                idx_v.at[0, pl.ds(0, 8)])
                pltpu.sync_copy(
                    ef_hbm.at[pl.ds(t0, 8), pl.ds(j * _FOUT, _FOUT)],
                    rows_v.at[0, pl.ds(0, 8)],
                )
                pltpu.sync_copy(rows_v.at[0, pl.ds(0, 8)],
                                acc_sh.at[idx_v.at[0, pl.ds(0, 8)]], add=True)

        plsc.subcore_barrier()
        pltpu.sync_copy(
            acc_sh.at[pl.ds(o0, rows_out)], out_hbm.at[pl.ds(o0, rows_out)]
        )

    return scatter_k


def _dense_body(evn_ref, cat_ref, w1e4_ref, b14_ref, nsel_ref, w2p4_ref,
                q4_ref, r4_ref, b2f4_ref, out_ref):
    evn = evn_ref[...]
    cat = cat_ref[...]
    h = jnp.maximum(
        jnp.dot(evn, w1e4_ref[...], preferred_element_type=jnp.float32)
        + b14_ref[...],
        0.0,
    )
    nrm = jnp.dot(evn, nsel_ref[...], preferred_element_type=jnp.float32)
    t = jnp.dot(cat, w2p4_ref[...], preferred_element_type=jnp.float32)
    hb = jnp.dot(h, q4_ref[...], preferred_element_type=jnp.float32)
    msg = (
        jnp.dot(hb * t, r4_ref[...], preferred_element_type=jnp.float32)
        + jnp.dot(cat, b2f4_ref[...], preferred_element_type=jnp.float32)
    )
    ef = jnp.tanh(msg) * nrm
    out_ref[...] = jnp.concatenate([ef, jnp.zeros_like(ef)], axis=1)


@functools.lru_cache(maxsize=None)
def _dense_kernel(P, block_r):
    grid = (P // block_r,)
    full = lambda shape: pl.BlockSpec(shape, lambda i: (0,) * len(shape))
    return pl.pallas_call(
        _dense_body,
        grid=grid,
        in_specs=[
            pl.BlockSpec((block_r, _PK * 2 * _FIN), lambda i: (i, 0)),
            pl.BlockSpec((block_r, _PK * 2 * _FIN), lambda i: (i, 0)),
            full((_PK * 2 * _FIN, _PK * _FCH)),
            full((1, _PK * _FCH)),
            full((_PK * 2 * _FIN, _PK * _FOUT)),
            full((_PK * 2 * _FIN, _PK * _FCH * _FOUT)),
            full((_PK * _FCH, _PK * _FCH * _FOUT)),
            full((_PK * _FCH * _FOUT, _PK * _FOUT)),
            full((_PK * 2 * _FIN, _PK * _FOUT)),
        ],
        out_specs=pl.BlockSpec((block_r, _PK * 2 * _FIN), lambda i: (i, 0)),
        out_shape=jax.ShapeDtypeStruct((P, _PK * 2 * _FIN), jnp.float32),
    )


def _constants():
    q = np.kron(np.eye(_FCH, dtype=np.float32), np.ones((1, _FOUT), np.float32))
    r = np.tile(np.eye(_FOUT, dtype=np.float32), (_FCH, 1))
    nsel = np.zeros((2 * _FIN, _FOUT), np.float32)
    nsel[3, :] = 1.0
    eye = np.eye(_PK, dtype=np.float32)
    return (jnp.asarray(np.kron(eye, q)), jnp.asarray(np.kron(eye, r)),
            jnp.asarray(np.kron(eye, nsel)))


def kernel(x, edge_index, edge_vec, norm, num_nodes, W1, b1, W2, b2):
    N, fin = x.shape
    E = edge_index.shape[1]
    P = E // _PK
    src = edge_index[0]
    dst = edge_index[1]

    cat4, w2p4, b2f4, w1e4, b14 = _gather_kernel(N, E)(
        x, src, dst, W1, b1, W2, b2
    )
    q4, r4, nsel4 = _constants()

    evnr = jnp.concatenate([edge_vec, norm[:, None]], axis=1).reshape(_PK, P, 4)
    evn4 = jnp.pad(evnr, ((0, 0), (0, 0), (0, 2 * _FIN - 4))).transpose(
        1, 0, 2
    ).reshape(P, _PK * 2 * _FIN)

    ef4 = _dense_kernel(P, 4000)(
        evn4, cat4, w1e4, b14, nsel4, w2p4, q4, r4, b2f4
    )

    return _scatter_kernel(N, E)(ef4, dst)

# --- scband reference (transcript-rebuilt; emitter-appended) ---
"""Pipeline reference for scband-n-eq-nlmp-aniso-18013092840063 (READ-ONLY COPY).

The authoritative reference and input builder live on the scoring server;
editing this copy changes nothing except your own understanding.
"""

import jax, jax.numpy as jnp
import numpy as np

N = 10000
E = 160000
FIN = 16
FOUT = 16
FCH = 16


def setup_inputs(seed: int = 0) -> dict:
    key = jax.random.key(seed)
    ks = jax.random.split(key, 8)
    x = jax.random.normal(ks[0], (N, FIN), dtype=jnp.float32)
    edge_index = jax.random.randint(ks[1], (2, E), 0, N, dtype=jnp.int32)
    edge_vec = jax.random.normal(ks[2], (E, 3), dtype=jnp.float32)
    norm = jax.random.uniform(ks[3], (E,), dtype=jnp.float32)
    # fc = Linear(3, fch) -> ReLU -> Linear(fch, 2*FIN*FOUT)
    W1 = jax.random.normal(ks[4], (3, FCH), dtype=jnp.float32) * 0.1
    b1 = jnp.zeros((FCH,), dtype=jnp.float32)
    W2 = jax.random.normal(ks[5], (FCH, 2 * FIN * FOUT), dtype=jnp.float32) * 0.1
    b2 = jnp.zeros((2 * FIN * FOUT,), dtype=jnp.float32)
    return {
        'x': x,
        'edge_index': edge_index,
        'edge_vec': edge_vec,
        'norm': norm,
        'num_nodes': N,
        'W1': W1,
        'b1': b1,
        'W2': W2,
        'b2': b2,
    }


def reference(x, edge_index, edge_vec, norm, num_nodes, W1, b1, W2, b2):
    edge_src = edge_index[0]
    edge_dst = edge_index[1]
    edge_dst = jnp.minimum(edge_dst, num_nodes - 1).astype(edge_dst.dtype)
    # fc(edge_vec)
    h = jax.nn.relu(edge_vec @ W1 + b1)
    w = h @ W2 + b2
    weights = w.reshape(-1, FOUT, 2 * FIN)
    # gather endpoint features and concat
    cat = jnp.concatenate([jnp.take(x, edge_src, axis=0), jnp.take(x, edge_dst, axis=0)], axis=1)  # [E, 2*FIN]
    # weights @ cat.unsqueeze(-1) -> [E, FOUT, 1] -> squeeze -> [E, FOUT]
    msg = jnp.einsum('eoi,ei->eo', weights, cat)
    edge_ftr = jnp.tanh(msg) * norm[:, None]
    # scatter-add by destination node
    out = jax.ops.segment_sum(edge_ftr, edge_dst, num_segments=x.shape[0])
    return out

if __name__ == "__main__":
    import jax
    _d = setup_inputs()
    print(jax.jit(kernel)(*tuple(_d.values())))

</pallas_src>

<mosaic_0001>
#map = affine_map<(d0, d1) -> (0, 0)>
#map1 = affine_map<(d0, d1) -> (0)>
module attributes {stable_mosaic.version = 14 : i64} {
  func.func @scatter_k(%arg0: i32, %arg1: i32, %arg2: memref<40000x128xf32, #tpu.memory_space<hbm>>, %arg3: memref<160000xi32, #tpu.memory_space<hbm>>, %arg4: memref<10000x16xf32, #tpu.memory_space<hbm>>, %arg5: memref<2x2496xi32, #tpu.memory_space<vmem>>, %arg6: memref<2x2496x16xf32, #tpu.memory_space<vmem>>, %arg7: memref<625x16xf32, #tpu.memory_space<vmem>>, %arg8: memref<10000x16xf32, #tpu.memory_space<vmem_shared>>, %arg9: memref<!tpu.dma_semaphore, #tpu.memory_space<semaphore_mem>>, %arg10: memref<!tpu.dma_semaphore, #tpu.memory_space<semaphore_mem>>, %arg11: memref<!tpu.dma_semaphore, #tpu.memory_space<semaphore_mem>>) attributes {dimension_semantics = [#tpu.dimension_semantics<core_parallel>, #tpu.dimension_semantics<subcore_parallel>], iteration_bounds = array<i64: 1, 16>, scalar_prefetch = 0 : i64, scratch_operands = 7 : i64, tpu.core_type = #tpu.core_type<sc_vector_subcore>, window_params = [{transform_indices = #map}, {transform_indices = #map1}, {transform_indices = #map}]} {
    %mul3A = arith.constant 625 : i32
    %mul3A_0 = arith.muli %arg1, %mul3A : i32
    %mul3A_1 = arith.constant 2496 : i32
    %mul3A_2 = arith.muli %arg1, %mul3A_1 : i32
    %scan3A = arith.constant 0 : i32
    %scan3A_3 = arith.constant 0 : i32
    %scan3A_4 = arith.constant 625 : i32
    %scan3A_5 = arith.addi %scan3A_3, %scan3A_4 : i32
    %scan3A_6 = arith.constant 1 : i32
    scf.for %scan3A_199 = %scan3A_3 to %scan3A_5 step %scan3A_6  : i32 {
      %broadcast_in_dim3A = arith.constant 0.000000e+00 : f32
      %broadcast_in_dim3A_200 = vector.broadcast %broadcast_in_dim3A : f32 to vector<16xf32>
      %swap3A = arith.index_cast %scan3A_199 : i32 to index
      %swap3A_201 = arith.constant 0 : index
      %swap3A_202 = tpu.vector_load %arg7[%swap3A, %swap3A_201] {strides = array<i32>} : memref<625x16xf32, #tpu.memory_space<vmem>>, vector<1x16xf32>,
      %swap3A_203 = vector.shape_cast %swap3A_202 : vector<1x16xf32> to vector<16xf32>
      %swap3A_204 = vector.shape_cast %broadcast_in_dim3A_200 : vector<16xf32> to vector<1x16xf32>
      tpu.vector_store %arg7[%swap3A, %swap3A_201], %swap3A_204 {strides = array<i32>} : memref<625x16xf32, #tpu.memory_space<vmem>>, vector<1x16xf32>,
    }
    %scan3A_7 = arith.constant 625 : i32
    "tpu.region"() ({
      %run_scoped3A_199 = tpu.sem_alloc : memref<!tpu.dma_semaphore, #tpu.memory_space<semaphore_mem>>
      %dma_start3A_200 = arith.constant 0 : i32
      %dma_start3A_201 = tpu.memref_slice %arg8[%mul3A_0, %dma_start3A_200] : memref<10000x16xf32, #tpu.memory_space<vmem_shared>> -> memref<625x16xf32, #tpu.memory_space<vmem_shared>>
      %dma_start3A_202 = arith.constant 0 : i32
      %dma_start3A_203 = tpu.memref_slice %arg8[%mul3A_0, %dma_start3A_202] : memref<10000x16xf32, #tpu.memory_space<vmem_shared>> -> memref<625x16xf32, #tpu.memory_space<vmem_shared>>
      tpu.enqueue_dma source(%arg7 : memref<625x16xf32, #tpu.memory_space<vmem>>) target(%dma_start3A_203 : memref<625x16xf32, #tpu.memory_space<vmem_shared>>) target_semaphore(%run_scoped3A_199 : memref<!tpu.dma_semaphore, #tpu.memory_space<semaphore_mem>>)
      %dma_wait3A_204 = arith.constant 0 : i32
      %dma_wait3A_205 = tpu.memref_slice %arg8[%mul3A_0, %dma_wait3A_204] : memref<10000x16xf32, #tpu.memory_space<vmem_shared>> -> memref<625x16xf32, #tpu.memory_space<vmem_shared>>
      %dma_wait3A_206 = arith.constant 0 : i32
      %dma_wait3A_207 = tpu.memref_slice %arg8[%mul3A_0, %dma_wait3A_206] : memref<10000x16xf32, #tpu.memory_space<vmem_shared>> -> memref<625x16xf32, #tpu.memory_space<vmem_shared>>
      tpu.wait_dma2 semaphore(%run_scoped3A_199 : memref<!tpu.dma_semaphore, #tpu.memory_space<semaphore_mem>>) src(%arg7 : memref<625x16xf32, #tpu.memory_space<vmem>>) dst(%dma_wait3A_207 : memref<625x16xf32, #tpu.memory_space<vmem_shared>>)
      tpu.yield
    }) : () -> ()
    %barrier3A = arith.constant 0 : index
    tpu.barrier barrier_id(%barrier3A)
    %add3A = arith.constant 0 : i32
    %add3A_8 = arith.addi %add3A, %mul3A_2 : i32
    %dma_start3A = arith.constant 0 : i32
    %dma_start3A_9 = arith.constant 0 : i32
    %dma_start3A_10 = tpu.memref_slice %arg5[%dma_start3A, %dma_start3A_9] : memref<2x2496xi32, #tpu.memory_space<vmem>> -> memref<1x2496xi32, #tpu.memory_space<vmem>>
    %dma_start3A_11 = tpu.memref_squeeze %dma_start3A_10 : memref<1x2496xi32, #tpu.memory_space<vmem>> -> memref<2496xi32, #tpu.memory_space<vmem>>
    %dma_start3A_12 = tpu.memref_slice %arg3[%add3A_8] : memref<160000xi32, #tpu.memory_space<hbm>> -> memref<2496xi32, #tpu.memory_space<hbm>>
    %dma_start3A_13 = arith.constant 0 : i32
    %dma_start3A_14 = tpu.memref_slice %arg5[%dma_start3A, %dma_start3A_13] : memref<2x2496xi32, #tpu.memory_space<vmem>> -> memref<1x2496xi32, #tpu.memory_space<vmem>>
    %dma_start3A_15 = tpu.memref_squeeze %dma_start3A_14 : memref<1x2496xi32, #tpu.memory_space<vmem>> -> memref<2496xi32, #tpu.memory_space<vmem>>
    %dma_start3A_16 = tpu.memref_slice %arg3[%add3A_8] : memref<160000xi32, #tpu.memory_space<hbm>> -> memref<2496xi32, #tpu.memory_space<hbm>>
    tpu.enqueue_dma source(%dma_start3A_16 : memref<2496xi32, #tpu.memory_space<hbm>>) target(%dma_start3A_15 : memref<2496xi32, #tpu.memory_space<vmem>>) target_semaphore(%arg10 : memref<!tpu.dma_semaphore, #tpu.memory_space<semaphore_mem>>)
    %dma_start3A_17 = arith.constant 0 : i32
    %dma_start3A_18 = arith.constant 0 : i32
    %dma_start3A_19 = arith.constant 0 : i32
    %dma_start3A_20 = tpu.memref_slice %arg6[%dma_start3A_17, %dma_start3A_18, %dma_start3A_19] : memref<2x2496x16xf32, #tpu.memory_space<vmem>> -> memref<1x2496x16xf32, #tpu.memory_space<vmem>>
    %dma_start3A_21 = tpu.memref_squeeze %dma_start3A_20 : memref<1x2496x16xf32, #tpu.memory_space<vmem>> -> memref<2496x16xf32, #tpu.memory_space<vmem>>
    %dma_start3A_22 = arith.constant 0 : i32
    %dma_start3A_23 = tpu.memref_slice %arg2[%mul3A_2, %dma_start3A_22] : memref<40000x128xf32, #tpu.memory_space<hbm>> -> memref<2496x16xf32, #tpu.memory_space<hbm>>
    %dma_start3A_24 = arith.constant 0 : i32
    %dma_start3A_25 = arith.constant 0 : i32
    %dma_start3A_26 = tpu.memref_slice %arg6[%dma_start3A_17, %dma_start3A_24, %dma_start3A_25] : memref<2x2496x16xf32, #tpu.memory_space<vmem>> -> memref<1x2496x16xf32, #tpu.memory_space<vmem>>
    %dma_start3A_27 = tpu.memref_squeeze %dma_start3A_26 : memref<1x2496x16xf32, #tpu.memory_space<vmem>> -> memref<2496x16xf32, #tpu.memory_space<vmem>>
    %dma_start3A_28 = arith.constant 0 : i32
    %dma_start3A_29 = tpu.memref_slice %arg2[%mul3A_2, %dma_start3A_28] : memref<40000x128xf32, #tpu.memory_space<hbm>> -> memref<2496x16xf32, #tpu.memory_space<hbm>>
    tpu.enqueue_dma source(%dma_start3A_29 : memref<2496x16xf32, #tpu.memory_space<hbm>>) target(%dma_start3A_27 : memref<2496x16xf32, #tpu.memory_space<vmem>>) target_semaphore(%arg10 : memref<!tpu.dma_semaphore, #tpu.memory_space<semaphore_mem>>)
    %add3A_30 = arith.constant 40000 : i32
    %add3A_31 = arith.addi %add3A_30, %mul3A_2 : i32
    %dma_start3A_32 = arith.constant 1 : i32
    %dma_start3A_33 = arith.constant 0 : i32
    %dma_start3A_34 = tpu.memref_slice %arg5[%dma_start3A_32, %dma_start3A_33] : memref<2x2496xi32, #tpu.memory_space<vmem>> -> memref<1x2496xi32, #tpu.memory_space<vmem>>
    %dma_start3A_35 = tpu.memref_squeeze %dma_start3A_34 : memref<1x2496xi32, #tpu.memory_space<vmem>> -> memref<2496xi32, #tpu.memory_space<vmem>>
    %dma_start3A_36 = tpu.memref_slice %arg3[%add3A_31] : memref<160000xi32, #tpu.memory_space<hbm>> -> memref<2496xi32, #tpu.memory_space<hbm>>
    %dma_start3A_37 = arith.constant 0 : i32
    %dma_start3A_38 = tpu.memref_slice %arg5[%dma_start3A_32, %dma_start3A_37] : memref<2x2496xi32, #tpu.memory_space<vmem>> -> memref<1x2496xi32, #tpu.memory_space<vmem>>
    %dma_start3A_39 = tpu.memref_squeeze %dma_start3A_38 : memref<1x2496xi32, #tpu.memory_space<vmem>> -> memref<2496xi32, #tpu.memory_space<vmem>>
    %dma_start3A_40 = tpu.memref_slice %arg3[%add3A_31] : memref<160000xi32, #tpu.memory_space<hbm>> -> memref<2496xi32, #tpu.memory_space<hbm>>
    tpu.enqueue_dma source(%dma_start3A_40 : memref<2496xi32, #tpu.memory_space<hbm>>) target(%dma_start3A_39 : memref<2496xi32, #tpu.memory_space<vmem>>) target_semaphore(%arg11 : memref<!tpu.dma_semaphore, #tpu.memory_space<semaphore_mem>>)
    %dma_start3A_41 = arith.constant 1 : i32
    %dma_start3A_42 = arith.constant 0 : i32
    %dma_start3A_43 = arith.constant 0 : i32
    %dma_start3A_44 = tpu.memref_slice %arg6[%dma_start3A_41, %dma_start3A_42, %dma_start3A_43] : memref<2x2496x16xf32, #tpu.memory_space<vmem>> -> memref<1x2496x16xf32, #tpu.memory_space<vmem>>
    %dma_start3A_45 = tpu.memref_squeeze %dma_start3A_44 : memref<1x2496x16xf32, #tpu.memory_space<vmem>> -> memref<2496x16xf32, #tpu.memory_space<vmem>>
    %dma_start3A_46 = arith.constant 16 : i32
    %dma_start3A_47 = tpu.memref_slice %arg2[%mul3A_2, %dma_start3A_46] : memref<40000x128xf32, #tpu.memory_space<hbm>> -> memref<2496x16xf32, #tpu.memory_space<hbm>>
    %dma_start3A_48 = arith.constant 0 : i32
    %dma_start3A_49 = arith.constant 0 : i32
    %dma_start3A_50 = tpu.memref_slice %arg6[%dma_start3A_41, %dma_start3A_48, %dma_start3A_49] : memref<2x2496x16xf32, #tpu.memory_space<vmem>> -> memref<1x2496x16xf32, #tpu.memory_space<vmem>>
    %dma_start3A_51 = tpu.memref_squeeze %dma_start3A_50 : memref<1x2496x16xf32, #tpu.memory_space<vmem>> -> memref<2496x16xf32, #tpu.memory_space<vmem>>
    %dma_start3A_52 = arith.constant 16 : i32
    %dma_start3A_53 = tpu.memref_slice %arg2[%mul3A_2, %dma_start3A_52] : memref<40000x128xf32, #tpu.memory_space<hbm>> -> memref<2496x16xf32, #tpu.memory_space<hbm>>
    tpu.enqueue_dma source(%dma_start3A_53 : memref<2496x16xf32, #tpu.memory_space<hbm>>) target(%dma_start3A_51 : memref<2496x16xf32, #tpu.memory_space<vmem>>) target_semaphore(%arg11 : memref<!tpu.dma_semaphore, #tpu.memory_space<semaphore_mem>>)
    %dma_wait3A = arith.constant 0 : i32
    %dma_wait3A_54 = arith.constant 0 : i32
    %dma_wait3A_55 = tpu.memref_slice %arg5[%dma_wait3A, %dma_wait3A_54] : memref<2x2496xi32, #tpu.memory_space<vmem>> -> memref<1x2496xi32, #tpu.memory_space<vmem>>
    %dma_wait3A_56 = tpu.memref_squeeze %dma_wait3A_55 : memref<1x2496xi32, #tpu.memory_space<vmem>> -> memref<2496xi32, #tpu.memory_space<vmem>>
    %dma_wait3A_57 = tpu.memref_slice %arg3[%add3A_8] : memref<160000xi32, #tpu.memory_space<hbm>> -> memref<2496xi32, #tpu.memory_space<hbm>>
    %dma_wait3A_58 = arith.constant 0 : i32
    %dma_wait3A_59 = tpu.memref_slice %arg5[%dma_wait3A, %dma_wait3A_58] : memref<2x2496xi32, #tpu.memory_space<vmem>> -> memref<1x2496xi32, #tpu.memory_space<vmem>>
    %dma_wait3A_60 = tpu.memref_squeeze %dma_wait3A_59 : memref<1x2496xi32, #tpu.memory_space<vmem>> -> memref<2496xi32, #tpu.memory_space<vmem>>
    %dma_wait3A_61 = tpu.memref_slice %arg3[%add3A_8] : memref<160000xi32, #tpu.memory_space<hbm>> -> memref<2496xi32, #tpu.memory_space<hbm>>
    tpu.wait_dma2 semaphore(%arg10 : memref<!tpu.dma_semaphore, #tpu.memory_space<semaphore_mem>>) src(%dma_wait3A_61 : memref<2496xi32, #tpu.memory_space<hbm>>) dst(%dma_wait3A_60 : memref<2496xi32, #tpu.memory_space<vmem>>)
    %dma_wait3A_62 = arith.constant 0 : i32
    %dma_wait3A_63 = arith.constant 0 : i32
    %dma_wait3A_64 = arith.constant 0 : i32
    %dma_wait3A_65 = tpu.memref_slice %arg6[%dma_wait3A_62, %dma_wait3A_63, %dma_wait3A_64] : memref<2x2496x16xf32, #tpu.memory_space<vmem>> -> memref<1x2496x16xf32, #tpu.memory_space<vmem>>
    %dma_wait3A_66 = tpu.memref_squeeze %dma_wait3A_65 : memref<1x2496x16xf32, #tpu.memory_space<vmem>> -> memref<2496x16xf32, #tpu.memory_space<vmem>>
    %dma_wait3A_67 = arith.constant 0 : i32
    %dma_wait3A_68 = tpu.memref_slice %arg2[%mul3A_2, %dma_wait3A_67] : memref<40000x128xf32, #tpu.memory_space<hbm>> -> memref<2496x16xf32, #tpu.memory_space<hbm>>
    %dma_wait3A_69 = arith.constant 0 : i32
    %dma_wait3A_70 = arith.constant 0 : i32
    %dma_wait3A_71 = tpu.memref_slice %arg6[%dma_wait3A_62, %dma_wait3A_69, %dma_wait3A_70] : memref<2x2496x16xf32, #tpu.memory_space<vmem>> -> memref<1x2496x16xf32, #tpu.memory_space<vmem>>
    %dma_wait3A_72 = tpu.memref_squeeze %dma_wait3A_71 : memref<1x2496x16xf32, #tpu.memory_space<vmem>> -> memref<2496x16xf32, #tpu.memory_space<vmem>>
    %dma_wait3A_73 = arith.constant 0 : i32
    %dma_wait3A_74 = tpu.memref_slice %arg2[%mul3A_2, %dma_wait3A_73] : memref<40000x128xf32, #tpu.memory_space<hbm>> -> memref<2496x16xf32, #tpu.memory_space<hbm>>
    tpu.wait_dma2 semaphore(%arg10 : memref<!tpu.dma_semaphore, #tpu.memory_space<semaphore_mem>>) src(%dma_wait3A_74 : memref<2496x16xf32, #tpu.memory_space<hbm>>) dst(%dma_wait3A_72 : memref<2496x16xf32, #tpu.memory_space<vmem>>)
    %run_scoped3A = arith.constant 0 : i32
    %run_scoped3A_75 = arith.constant 0 : i32
    "tpu.region"() ({
      %run_scoped3A_199 = tpu.sem_alloc : memref<!tpu.dma_semaphore, #tpu.memory_space<semaphore_mem>>
      %dma_start3A_200 = arith.constant 0 : i32
      %dma_start3A_201 = arith.constant 0 : i32
      %dma_start3A_202 = tpu.memref_slice %arg6[%run_scoped3A, %dma_start3A_200, %dma_start3A_201] : memref<2x2496x16xf32, #tpu.memory_space<vmem>> -> memref<1x2496x16xf32, #tpu.memory_space<vmem>>
      %dma_start3A_203 = tpu.memref_squeeze %dma_start3A_202 : memref<1x2496x16xf32, #tpu.memory_space<vmem>> -> memref<2496x16xf32, #tpu.memory_space<vmem>>
      %dma_start3A_204 = arith.constant 0 : i32
      %dma_start3A_205 = tpu.memref_slice %arg5[%run_scoped3A_75, %dma_start3A_204] : memref<2x2496xi32, #tpu.memory_space<vmem>> -> memref<1x2496xi32, #tpu.memory_space<vmem>>
      %dma_start3A_206 = tpu.memref_squeeze %dma_start3A_205 : memref<1x2496xi32, #tpu.memory_space<vmem>> -> memref<2496xi32, #tpu.memory_space<vmem>>
      %dma_start3A_207 = arith.constant 0 : i32
      %dma_start3A_208 = arith.constant 0 : i32
      %dma_start3A_209 = tpu.memref_slice %arg8[%dma_start3A_207, %dma_start3A_208] : memref<10000x16xf32, #tpu.memory_space<vmem_shared>> -> memref<10000x16xf32, #tpu.memory_space<vmem_shared>>
      tpu.enqueue_indirect_dma source(%dma_start3A_203 : memref<2496x16xf32, #tpu.memory_space<vmem>>) target(%dma_start3A_209 : memref<10000x16xf32, #tpu.memory_space<vmem_shared>>) offsets(%dma_start3A_206 : memref<2496xi32, #tpu.memory_space<vmem>>) semaphore(%run_scoped3A_199 : memref<!tpu.dma_semaphore, #tpu.memory_space<semaphore_mem>>) {add = true}
      %dma_wait3A_210 = arith.constant 0 : i32
      %dma_wait3A_211 = arith.constant 0 : i32
      %dma_wait3A_212 = tpu.memref_slice %arg6[%run_scoped3A, %dma_wait3A_210, %dma_wait3A_211] : memref<2x2496x16xf32, #tpu.memory_space<vmem>> -> memref<1x2496x16xf32, #tpu.memory_space<vmem>>
      %dma_wait3A_213 = tpu.memref_squeeze %dma_wait3A_212 : memref<1x2496x16xf32, #tpu.memory_space<vmem>> -> memref<2496x16xf32, #tpu.memory_space<vmem>>
      %dma_wait3A_214 = arith.constant 0 : i32
      %dma_wait3A_215 = tpu.memref_slice %arg5[%run_scoped3A_75, %dma_wait3A_214] : memref<2x2496xi32, #tpu.memory_space<vmem>> -> memref<1x2496xi32, #tpu.memory_space<vmem>>
      %dma_wait3A_216 = tpu.memref_squeeze %dma_wait3A_215 : memref<1x2496xi32, #tpu.memory_space<vmem>> -> memref<2496xi32, #tpu.memory_space<vmem>>
      %dma_wait3A_217 = arith.constant 0 : i32
      %dma_wait3A_218 = arith.constant 0 : i32
      %dma_wait3A_219 = tpu.memref_slice %arg8[%dma_wait3A_217, %dma_wait3A_218] : memref<10000x16xf32, #tpu.memory_space<vmem_shared>> -> memref<10000x16xf32, #tpu.memory_space<vmem_shared>>
      tpu.wait_indirect_dma semaphore(%run_scoped3A_199 : memref<!tpu.dma_semaphore, #tpu.memory_space<semaphore_mem>>) src(%dma_wait3A_213 : memref<2496x16xf32, #tpu.memory_space<vmem>>) dst(%dma_wait3A_219 : memref<10000x16xf32, #tpu.memory_space<vmem_shared>>)
      tpu.yield
    }) : () -> ()
    %add3A_76 = arith.constant 80000 : i32
    %add3A_77 = arith.addi %add3A_76, %mul3A_2 : i32
    %dma_start3A_78 = arith.constant 0 : i32
    %dma_start3A_79 = arith.constant 0 : i32
    %dma_start3A_80 = tpu.memref_slice %arg5[%dma_start3A_78, %dma_start3A_79] : memref<2x2496xi32, #tpu.memory_space<vmem>> -> memref<1x2496xi32, #tpu.memory_space<vmem>>
    %dma_start3A_81 = tpu.memref_squeeze %dma_start3A_80 : memref<1x2496xi32, #tpu.memory_space<vmem>> -> memref<2496xi32, #tpu.memory_space<vmem>>
    %dma_start3A_82 = tpu.memref_slice %arg3[%add3A_77] : memref<160000xi32, #tpu.memory_space<hbm>> -> memref<2496xi32, #tpu.memory_space<hbm>>
    %dma_start3A_83 = arith.constant 0 : i32
    %dma_start3A_84 = tpu.memref_slice %arg5[%dma_start3A_78, %dma_start3A_83] : memref<2x2496xi32, #tpu.memory_space<vmem>> -> memref<1x2496xi32, #tpu.memory_space<vmem>>
    %dma_start3A_85 = tpu.memref_squeeze %dma_start3A_84 : memref<1x2496xi32, #tpu.memory_space<vmem>> -> memref<2496xi32, #tpu.memory_space<vmem>>
    %dma_start3A_86 = tpu.memref_slice %arg3[%add3A_77] : memref<160000xi32, #tpu.memory_space<hbm>> -> memref<2496xi32, #tpu.memory_space<hbm>>
    tpu.enqueue_dma source(%dma_start3A_86 : memref<2496xi32, #tpu.memory_space<hbm>>) target(%dma_start3A_85 : memref<2496xi32, #tpu.memory_space<vmem>>) target_semaphore(%arg10 : memref<!tpu.dma_semaphore, #tpu.memory_space<semaphore_mem>>)
    %dma_start3A_87 = arith.constant 0 : i32
    %dma_start3A_88 = arith.constant 0 : i32
    %dma_start3A_89 = arith.constant 0 : i32
    %dma_start3A_90 = tpu.memref_slice %arg6[%dma_start3A_87, %dma_start3A_88, %dma_start3A_89] : memref<2x2496x16xf32, #tpu.memory_space<vmem>> -> memref<1x2496x16xf32, #tpu.memory_space<vmem>>
    %dma_start3A_91 = tpu.memref_squeeze %dma_start3A_90 : memref<1x2496x16xf32, #tpu.memory_space<vmem>> -> memref<2496x16xf32, #tpu.memory_space<vmem>>
    %dma_start3A_92 = arith.constant 32 : i32
    %dma_start3A_93 = tpu.memref_slice %arg2[%mul3A_2, %dma_start3A_92] : memref<40000x128xf32, #tpu.memory_space<hbm>> -> memref<2496x16xf32, #tpu.memory_space<hbm>>
    %dma_start3A_94 = arith.constant 0 : i32
    %dma_start3A_95 = arith.constant 0 : i32
    %dma_start3A_96 = tpu.memref_slice %arg6[%dma_start3A_87, %dma_start3A_94, %dma_start3A_95] : memref<2x2496x16xf32, #tpu.memory_space<vmem>> -> memref<1x2496x16xf32, #tpu.memory_space<vmem>>
    %dma_start3A_97 = tpu.memref_squeeze %dma_start3A_96 : memref<1x2496x16xf32, #tpu.memory_space<vmem>> -> memref<2496x16xf32, #tpu.memory_space<vmem>>
    %dma_start3A_98 = arith.constant 32 : i32
    %dma_start3A_99 = tpu.memref_slice %arg2[%mul3A_2, %dma_start3A_98] : memref<40000x128xf32, #tpu.memory_space<hbm>> -> memref<2496x16xf32, #tpu.memory_space<hbm>>
    tpu.enqueue_dma source(%dma_start3A_99 : memref<2496x16xf32, #tpu.memory_space<hbm>>) target(%dma_start3A_97 : memref<2496x16xf32, #tpu.memory_space<vmem>>) target_semaphore(%arg10 : memref<!tpu.dma_semaphore, #tpu.memory_space<semaphore_mem>>)
    %dma_wait3A_100 = arith.constant 1 : i32
    %dma_wait3A_101 = arith.constant 0 : i32
    %dma_wait3A_102 = tpu.memref_slice %arg5[%dma_wait3A_100, %dma_wait3A_101] : memref<2x2496xi32, #tpu.memory_space<vmem>> -> memref<1x2496xi32, #tpu.memory_space<vmem>>
    %dma_wait3A_103 = tpu.memref_squeeze %dma_wait3A_102 : memref<1x2496xi32, #tpu.memory_space<vmem>> -> memref<2496xi32, #tpu.memory_space<vmem>>
    %dma_wait3A_104 = tpu.memref_slice %arg3[%add3A_31] : memref<160000xi32, #tpu.memory_space<hbm>> -> memref<2496xi32, #tpu.memory_space<hbm>>
    %dma_wait3A_105 = arith.constant 0 : i32
    %dma_wait3A_106 = tpu.memref_slice %arg5[%dma_wait3A_100, %dma_wait3A_105] : memref<2x2496xi32, #tpu.memory_space<vmem>> -> memref<1x2496xi32, #tpu.memory_space<vmem>>
    %dma_wait3A_107 = tpu.memref_squeeze %dma_wait3A_106 : memref<1x2496xi32, #tpu.memory_space<vmem>> -> memref<2496xi32, #tpu.memory_space<vmem>>
    %dma_wait3A_108 = tpu.memref_slice %arg3[%add3A_31] : memref<160000xi32, #tpu.memory_space<hbm>> -> memref<2496xi32, #tpu.memory_space<hbm>>
    tpu.wait_dma2 semaphore(%arg11 : memref<!tpu.dma_semaphore, #tpu.memory_space<semaphore_mem>>) src(%dma_wait3A_108 : memref<2496xi32, #tpu.memory_space<hbm>>) dst(%dma_wait3A_107 : memref<2496xi32, #tpu.memory_space<vmem>>)
    %dma_wait3A_109 = arith.constant 1 : i32
    %dma_wait3A_110 = arith.constant 0 : i32
    %dma_wait3A_111 = arith.constant 0 : i32
    %dma_wait3A_112 = tpu.memref_slice %arg6[%dma_wait3A_109, %dma_wait3A_110, %dma_wait3A_111] : memref<2x2496x16xf32, #tpu.memory_space<vmem>> -> memref<1x2496x16xf32, #tpu.memory_space<vmem>>
    %dma_wait3A_113 = tpu.memref_squeeze %dma_wait3A_112 : memref<1x2496x16xf32, #tpu.memory_space<vmem>> -> memref<2496x16xf32, #tpu.memory_space<vmem>>
    %dma_wait3A_114 = arith.constant 16 : i32
    %dma_wait3A_115 = tpu.memref_slice %arg2[%mul3A_2, %dma_wait3A_114] : memref<40000x128xf32, #tpu.memory_space<hbm>> -> memref<2496x16xf32, #tpu.memory_space<hbm>>
    %dma_wait3A_116 = arith.constant 0 : i32
    %dma_wait3A_117 = arith.constant 0 : i32
    %dma_wait3A_118 = tpu.memref_slice %arg6[%dma_wait3A_109, %dma_wait3A_116, %dma_wait3A_117] : memref<2x2496x16xf32, #tpu.memory_space<vmem>> -> memref<1x2496x16xf32, #tpu.memory_space<vmem>>
    %dma_wait3A_119 = tpu.memref_squeeze %dma_wait3A_118 : memref<1x2496x16xf32, #tpu.memory_space<vmem>> -> memref<2496x16xf32, #tpu.memory_space<vmem>>
    %dma_wait3A_120 = arith.constant 16 : i32
    %dma_wait3A_121 = tpu.memref_slice %arg2[%mul3A_2, %dma_wait3A_120] : memref<40000x128xf32, #tpu.memory_space<hbm>> -> memref<2496x16xf32, #tpu.memory_space<hbm>>
    tpu.wait_dma2 semaphore(%arg11 : memref<!tpu.dma_semaphore, #tpu.memory_space<semaphore_mem>>) src(%dma_wait3A_121 : memref<2496x16xf32, #tpu.memory_space<hbm>>) dst(%dma_wait3A_119 : memref<2496x16xf32, #tpu.memory_space<vmem>>)
    %run_scoped3A_122 = arith.constant 1 : i32
    %run_scoped3A_123 = arith.constant 1 : i32
    "tpu.region"() ({
      %run_scoped3A_199 = tpu.sem_alloc : memref<!tpu.dma_semaphore, #tpu.memory_space<semaphore_mem>>
      %dma_start3A_200 = arith.constant 0 : i32
      %dma_start3A_201 = arith.constant 0 : i32
      %dma_start3A_202 = tpu.memref_slice %arg6[%run_scoped3A_122, %dma_start3A_200, %dma_start3A_201] : memref<2x2496x16xf32, #tpu.memory_space<vmem>> -> memref<1x2496x16xf32, #tpu.memory_space<vmem>>
      %dma_start3A_203 = tpu.memref_squeeze %dma_start3A_202 : memref<1x2496x16xf32, #tpu.memory_space<vmem>> -> memref<2496x16xf32, #tpu.memory_space<vmem>>
      %dma_start3A_204 = arith.constant 0 : i32
      %dma_start3A_205 = tpu.memref_slice %arg5[%run_scoped3A_123, %dma_start3A_204] : memref<2x2496xi32, #tpu.memory_space<vmem>> -> memref<1x2496xi32, #tpu.memory_space<vmem>>
      %dma_start3A_206 = tpu.memref_squeeze %dma_start3A_205 : memref<1x2496xi32, #tpu.memory_space<vmem>> -> memref<2496xi32, #tpu.memory_space<vmem>>
      %dma_start3A_207 = arith.constant 0 : i32
      %dma_start3A_208 = arith.constant 0 : i32
      %dma_start3A_209 = tpu.memref_slice %arg8[%dma_start3A_207, %dma_start3A_208] : memref<10000x16xf32, #tpu.memory_space<vmem_shared>> -> memref<10000x16xf32, #tpu.memory_space<vmem_shared>>
      tpu.enqueue_indirect_dma source(%dma_start3A_203 : memref<2496x16xf32, #tpu.memory_space<vmem>>) target(%dma_start3A_209 : memref<10000x16xf32, #tpu.memory_space<vmem_shared>>) offsets(%dma_start3A_206 : memref<2496xi32, #tpu.memory_space<vmem>>) semaphore(%run_scoped3A_199 : memref<!tpu.dma_semaphore, #tpu.memory_space<semaphore_mem>>) {add = true}
      %dma_wait3A_210 = arith.constant 0 : i32
      %dma_wait3A_211 = arith.constant 0 : i32
      %dma_wait3A_212 = tpu.memref_slice %arg6[%run_scoped3A_122, %dma_wait3A_210, %dma_wait3A_211] : memref<2x2496x16xf32, #tpu.memory_space<vmem>> -> memref<1x2496x16xf32, #tpu.memory_space<vmem>>
      %dma_wait3A_213 = tpu.memref_squeeze %dma_wait3A_212 : memref<1x2496x16xf32, #tpu.memory_space<vmem>> -> memref<2496x16xf32, #tpu.memory_space<vmem>>
      %dma_wait3A_214 = arith.constant 0 : i32
      %dma_wait3A_215 = tpu.memref_slice %arg5[%run_scoped3A_123, %dma_wait3A_214] : memref<2x2496xi32, #tpu.memory_space<vmem>> -> memref<1x2496xi32, #tpu.memory_space<vmem>>
      %dma_wait3A_216 = tpu.memref_squeeze %dma_wait3A_215 : memref<1x2496xi32, #tpu.memory_space<vmem>> -> memref<2496xi32, #tpu.memory_space<vmem>>
      %dma_wait3A_217 = arith.constant 0 : i32
      %dma_wait3A_218 = arith.constant 0 : i32
      %dma_wait3A_219 = tpu.memref_slice %arg8[%dma_wait3A_217, %dma_wait3A_218] : memref<10000x16xf32, #tpu.memory_space<vmem_shared>> -> memref<10000x16xf32, #tpu.memory_space<vmem_shared>>
      tpu.wait_indirect_dma semaphore(%run_scoped3A_199 : memref<!tpu.dma_semaphore, #tpu.memory_space<semaphore_mem>>) src(%dma_wait3A_213 : memref<2496x16xf32, #tpu.memory_space<vmem>>) dst(%dma_wait3A_219 : memref<10000x16xf32, #tpu.memory_space<vmem_shared>>)
      tpu.yield
    }) : () -> ()
    %add3A_124 = arith.constant 120000 : i32
    %add3A_125 = arith.addi %add3A_124, %mul3A_2 : i32
    %dma_start3A_126 = arith.constant 1 : i32
    %dma_start3A_127 = arith.constant 0 : i32
    %dma_start3A_128 = tpu.memref_slice %arg5[%dma_start3A_126, %dma_start3A_127] : memref<2x2496xi32, #tpu.memory_space<vmem>> -> memref<1x2496xi32, #tpu.memory_space<vmem>>
    %dma_start3A_129 = tpu.memref_squeeze %dma_start3A_128 : memref<1x2496xi32, #tpu.memory_space<vmem>> -> memref<2496xi32, #tpu.memory_space<vmem>>
    %dma_start3A_130 = tpu.memref_slice %arg3[%add3A_125] : memref<160000xi32, #tpu.memory_space<hbm>> -> memref<2496xi32, #tpu.memory_space<hbm>>
    %dma_start3A_131 = arith.constant 0 : i32
    %dma_start3A_132 = tpu.memref_slice %arg5[%dma_start3A_126, %dma_start3A_131] : memref<2x2496xi32, #tpu.memory_space<vmem>> -> memref<1x2496xi32, #tpu.memory_space<vmem>>
    %dma_start3A_133 = tpu.memref_squeeze %dma_start3A_132 : memref<1x2496xi32, #tpu.memory_space<vmem>> -> memref<2496xi32, #tpu.memory_space<vmem>>
    %dma_start3A_134 = tpu.memref_slice %arg3[%add3A_125] : memref<160000xi32, #tpu.memory_space<hbm>> -> memref<2496xi32, #tpu.memory_space<hbm>>
    tpu.enqueue_dma source(%dma_start3A_134 : memref<2496xi32, #tpu.memory_space<hbm>>) target(%dma_start3A_133 : memref<2496xi32, #tpu.memory_space<vmem>>) target_semaphore(%arg11 : memref<!tpu.dma_semaphore, #tpu.memory_space<semaphore_mem>>)
    %dma_start3A_135 = arith.constant 1 : i32
    %dma_start3A_136 = arith.constant 0 : i32
    %dma_start3A_137 = arith.constant 0 : i32
    %dma_start3A_138 = tpu.memref_slice %arg6[%dma_start3A_135, %dma_start3A_136, %dma_start3A_137] : memref<2x2496x16xf32, #tpu.memory_space<vmem>> -> memref<1x2496x16xf32, #tpu.memory_space<vmem>>
    %dma_start3A_139 = tpu.memref_squeeze %dma_start3A_138 : memref<1x2496x16xf32, #tpu.memory_space<vmem>> -> memref<2496x16xf32, #tpu.memory_space<vmem>>
    %dma_start3A_140 = arith.constant 48 : i32
    %dma_start3A_141 = tpu.memref_slice %arg2[%mul3A_2, %dma_start3A_140] : memref<40000x128xf32, #tpu.memory_space<hbm>> -> memref<2496x16xf32, #tpu.memory_space<hbm>>
    %dma_start3A_142 = arith.constant 0 : i32
    %dma_start3A_143 = arith.constant 0 : i32
    %dma_start3A_144 = tpu.memref_slice %arg6[%dma_start3A_135, %dma_start3A_142, %dma_start3A_143] : memref<2x2496x16xf32, #tpu.memory_space<vmem>> -> memref<1x2496x16xf32, #tpu.memory_space<vmem>>
    %dma_start3A_145 = tpu.memref_squeeze %dma_start3A_144 : memref<1x2496x16xf32, #tpu.memory_space<vmem>> -> memref<2496x16xf32, #tpu.memory_space<vmem>>
    %dma_start3A_146 = arith.constant 48 : i32
    %dma_start3A_147 = tpu.memref_slice %arg2[%mul3A_2, %dma_start3A_146] : memref<40000x128xf32, #tpu.memory_space<hbm>> -> memref<2496x16xf32, #tpu.memory_space<hbm>>
    tpu.enqueue_dma source(%dma_start3A_147 : memref<2496x16xf32, #tpu.memory_space<hbm>>) target(%dma_start3A_145 : memref<2496x16xf32, #tpu.memory_space<vmem>>) target_semaphore(%arg11 : memref<!tpu.dma_semaphore, #tpu.memory_space<semaphore_mem>>)
    %dma_wait3A_148 = arith.constant 0 : i32
    %dma_wait3A_149 = arith.constant 0 : i32
    %dma_wait3A_150 = tpu.memref_slice %arg5[%dma_wait3A_148, %dma_wait3A_149] : memref<2x2496xi32, #tpu.memory_space<vmem>> -> memref<1x2496xi32, #tpu.memory_space<vmem>>
    %dma_wait3A_151 = tpu.memref_squeeze %dma_wait3A_150 : memref<1x2496xi32, #tpu.memory_space<vmem>> -> memref<2496xi32, #tpu.memory_space<vmem>>
    %dma_wait3A_152 = tpu.memref_slice %arg3[%add3A_77] : memref<160000xi32, #tpu.memory_space<hbm>> -> memref<2496xi32, #tpu.memory_space<hbm>>
    %dma_wait3A_153 = arith.constant 0 : i32
    %dma_wait3A_154 = tpu.memref_slice %arg5[%dma_wait3A_148, %dma_wait3A_153] : memref<2x2496xi32, #tpu.memory_space<vmem>> -> memref<1x2496xi32, #tpu.memory_space<vmem>>
    %dma_wait3A_155 = tpu.memref_squeeze %dma_wait3A_154 : memref<1x2496xi32, #tpu.memory_space<vmem>> -> memref<2496xi32, #tpu.memory_space<vmem>>
    %dma_wait3A_156 = tpu.memref_slice %arg3[%add3A_77] : memref<160000xi32, #tpu.memory_space<hbm>> -> memref<2496xi32, #tpu.memory_space<hbm>>
    tpu.wait_dma2 semaphore(%arg10 : memref<!tpu.dma_semaphore, #tpu.memory_space<semaphore_mem>>) src(%dma_wait3A_156 : memref<2496xi32, #tpu.memory_space<hbm>>) dst(%dma_wait3A_155 : memref<2496xi32, #tpu.memory_space<vmem>>)
    %dma_wait3A_157 = arith.constant 0 : i32
    %dma_wait3A_158 = arith.constant 0 : i32
    %dma_wait3A_159 = arith.constant 0 : i32
    %dma_wait3A_160 = tpu.memref_slice %arg6[%dma_wait3A_157, %dma_wait3A_158, %dma_wait3A_159] : memref<2x2496x16xf32, #tpu.memory_space<vmem>> -> memref<1x2496x16xf32, #tpu.memory_space<vmem>>
    %dma_wait3A_161 = tpu.memref_squeeze %dma_wait3A_160 : memref<1x2496x16xf32, #tpu.memory_space<vmem>> -> memref<2496x16xf32, #tpu.memory_space<vmem>>
    %dma_wait3A_162 = arith.constant 32 : i32
    %dma_wait3A_163 = tpu.memref_slice %arg2[%mul3A_2, %dma_wait3A_162] : memref<40000x128xf32, #tpu.memory_space<hbm>> -> memref<2496x16xf32, #tpu.memory_space<hbm>>
    %dma_wait3A_164 = arith.constant 0 : i32
    %dma_wait3A_165 = arith.constant 0 : i32
    %dma_wait3A_166 = tpu.memref_slice %arg6[%dma_wait3A_157, %dma_wait3A_164, %dma_wait3A_165] : memref<2x2496x16xf32, #tpu.memory_space<vmem>> -> memref<1x2496x16xf32, #tpu.memory_space<vmem>>
    %dma_wait3A_167 = tpu.memref_squeeze %dma_wait3A_166 : memref<1x2496x16xf32, #tpu.memory_space<vmem>> -> memref<2496x16xf32, #tpu.memory_space<vmem>>
    %dma_wait3A_168 = arith.constant 32 : i32
    %dma_wait3A_169 = tpu.memref_slice %arg2[%mul3A_2, %dma_wait3A_168] : memref<40000x128xf32, #tpu.memory_space<hbm>> -> memref<2496x16xf32, #tpu.memory_space<hbm>>
    tpu.wait_dma2 semaphore(%arg10 : memref<!tpu.dma_semaphore, #tpu.memory_space<semaphore_mem>>) src(%dma_wait3A_169 : memref<2496x16xf32, #tpu.memory_space<hbm>>) dst(%dma_wait3A_167 : memref<2496x16xf32, #tpu.memory_space<vmem>>)
    %run_scoped3A_170 = arith.constant 0 : i32
    %run_scoped3A_171 = arith.constant 0 : i32
    "tpu.region"() ({
      %run_scoped3A_199 = tpu.sem_alloc : memref<!tpu.dma_semaphore, #tpu.memory_space<semaphore_mem>>
      %dma_start3A_200 = arith.constant 0 : i32
      %dma_start3A_201 = arith.constant 0 : i32
      %dma_start3A_202 = tpu.memref_slice %arg6[%run_scoped3A_170, %dma_start3A_200, %dma_start3A_201] : memref<2x2496x16xf32, #tpu.memory_space<vmem>> -> memref<1x2496x16xf32, #tpu.memory_space<vmem>>
      %dma_start3A_203 = tpu.memref_squeeze %dma_start3A_202 : memref<1x2496x16xf32, #tpu.memory_space<vmem>> -> memref<2496x16xf32, #tpu.memory_space<vmem>>
      %dma_start3A_204 = arith.constant 0 : i32
      %dma_start3A_205 = tpu.memref_slice %arg5[%run_scoped3A_171, %dma_start3A_204] : memref<2x2496xi32, #tpu.memory_space<vmem>> -> memref<1x2496xi32, #tpu.memory_space<vmem>>
      %dma_start3A_206 = tpu.memref_squeeze %dma_start3A_205 : memref<1x2496xi32, #tpu.memory_space<vmem>> -> memref<2496xi32, #tpu.memory_space<vmem>>
      %dma_start3A_207 = arith.constant 0 : i32
      %dma_start3A_208 = arith.constant 0 : i32
      %dma_start3A_209 = tpu.memref_slice %arg8[%dma_start3A_207, %dma_start3A_208] : memref<10000x16xf32, #tpu.memory_space<vmem_shared>> -> memref<10000x16xf32, #tpu.memory_space<vmem_shared>>
      tpu.enqueue_indirect_dma source(%dma_start3A_203 : memref<2496x16xf32, #tpu.memory_space<vmem>>) target(%dma_start3A_209 : memref<10000x16xf32, #tpu.memory_space<vmem_shared>>) offsets(%dma_start3A_206 : memref<2496xi32, #tpu.memory_space<vmem>>) semaphore(%run_scoped3A_199 : memref<!tpu.dma_semaphore, #tpu.memory_space<semaphore_mem>>) {add = true}
      %dma_wait3A_210 = arith.constant 0 : i32
      %dma_wait3A_211 = arith.constant 0 : i32
      %dma_wait3A_212 = tpu.memref_slice %arg6[%run_scoped3A_170, %dma_wait3A_210, %dma_wait3A_211] : memref<2x2496x16xf32, #tpu.memory_space<vmem>> -> memref<1x2496x16xf32, #tpu.memory_space<vmem>>
      %dma_wait3A_213 = tpu.memref_squeeze %dma_wait3A_212 : memref<1x2496x16xf32, #tpu.memory_space<vmem>> -> memref<2496x16xf32, #tpu.memory_space<vmem>>
      %dma_wait3A_214 = arith.constant 0 : i32
      %dma_wait3A_215 = tpu.memref_slice %arg5[%run_scoped3A_171, %dma_wait3A_214] : memref<2x2496xi32, #tpu.memory_space<vmem>> -> memref<1x2496xi32, #tpu.memory_space<vmem>>
      %dma_wait3A_216 = tpu.memref_squeeze %dma_wait3A_215 : memref<1x2496xi32, #tpu.memory_space<vmem>> -> memref<2496xi32, #tpu.memory_space<vmem>>
      %dma_wait3A_217 = arith.constant 0 : i32
      %dma_wait3A_218 = arith.constant 0 : i32
      %dma_wait3A_219 = tpu.memref_slice %arg8[%dma_wait3A_217, %dma_wait3A_218] : memref<10000x16xf32, #tpu.memory_space<vmem_shared>> -> memref<10000x16xf32, #tpu.memory_space<vmem_shared>>
      tpu.wait_indirect_dma semaphore(%run_scoped3A_199 : memref<!tpu.dma_semaphore, #tpu.memory_space<semaphore_mem>>) src(%dma_wait3A_213 : memref<2496x16xf32, #tpu.memory_space<vmem>>) dst(%dma_wait3A_219 : memref<10000x16xf32, #tpu.memory_space<vmem_shared>>)
      tpu.yield
    }) : () -> ()
    %dma_wait3A_172 = arith.constant 1 : i32
    %dma_wait3A_173 = arith.constant 0 : i32
    %dma_wait3A_174 = tpu.memref_slice %arg5[%dma_wait3A_172, %dma_wait3A_173] : memref<2x2496xi32, #tpu.memory_space<vmem>> -> memref<1x2496xi32, #tpu.memory_space<vmem>>
    %dma_wait3A_175 = tpu.memref_squeeze %dma_wait3A_174 : memref<1x2496xi32, #tpu.memory_space<vmem>> -> memref<2496xi32, #tpu.memory_space<vmem>>
    %dma_wait3A_176 = tpu.memref_slice %arg3[%add3A_125] : memref<160000xi32, #tpu.memory_space<hbm>> -> memref<2496xi32, #tpu.memory_space<hbm>>
    %dma_wait3A_177 = arith.constant 0 : i32
    %dma_wait3A_178 = tpu.memref_slice %arg5[%dma_wait3A_172, %dma_wait3A_177] : memref<2x2496xi32, #tpu.memory_space<vmem>> -> memref<1x2496xi32, #tpu.memory_space<vmem>>
    %dma_wait3A_179 = tpu.memref_squeeze %dma_wait3A_178 : memref<1x2496xi32, #tpu.memory_space<vmem>> -> memref<2496xi32, #tpu.memory_space<vmem>>
    %dma_wait3A_180 = tpu.memref_slice %arg3[%add3A_125] : memref<160000xi32, #tpu.memory_space<hbm>> -> memref<2496xi32, #tpu.memory_space<hbm>>
    tpu.wait_dma2 semaphore(%arg11 : memref<!tpu.dma_semaphore, #tpu.memory_space<semaphore_mem>>) src(%dma_wait3A_180 : memref<2496xi32, #tpu.memory_space<hbm>>) dst(%dma_wait3A_179 : memref<2496xi32, #tpu.memory_space<vmem>>)
    %dma_wait3A_181 = arith.constant 1 : i32
    %dma_wait3A_182 = arith.constant 0 : i32
    %dma_wait3A_183 = arith.constant 0 : i32
    %dma_wait3A_184 = tpu.memref_slice %arg6[%dma_wait3A_181, %dma_wait3A_182, %dma_wait3A_183] : memref<2x2496x16xf32, #tpu.memory_space<vmem>> -> memref<1x2496x16xf32, #tpu.memory_space<vmem>>
    %dma_wait3A_185 = tpu.memref_squeeze %dma_wait3A_184 : memref<1x2496x16xf32, #tpu.memory_space<vmem>> -> memref<2496x16xf32, #tpu.memory_space<vmem>>
    %dma_wait3A_186 = arith.constant 48 : i32
    %dma_wait3A_187 = tpu.memref_slice %arg2[%mul3A_2, %dma_wait3A_186] : memref<40000x128xf32, #tpu.memory_space<hbm>> -> memref<2496x16xf32, #tpu.memory_space<hbm>>
    %dma_wait3A_188 = arith.constant 0 : i32
    %dma_wait3A_189 = arith.constant 0 : i32
    %dma_wait3A_190 = tpu.memref_slice %arg6[%dma_wait3A_181, %dma_wait3A_188, %dma_wait3A_189] : memref<2x2496x16xf32, #tpu.memory_space<vmem>> -> memref<1x2496x16xf32, #tpu.memory_space<vmem>>
    %dma_wait3A_191 = tpu.memref_squeeze %dma_wait3A_190 : memref<1x2496x16xf32, #tpu.memory_space<vmem>> -> memref<2496x16xf32, #tpu.memory_space<vmem>>
    %dma_wait3A_192 = arith.constant 48 : i32
    %dma_wait3A_193 = tpu.memref_slice %arg2[%mul3A_2, %dma_wait3A_192] : memref<40000x128xf32, #tpu.memory_space<hbm>> -> memref<2496x16xf32, #tpu.memory_space<hbm>>
    tpu.wait_dma2 semaphore(%arg11 : memref<!tpu.dma_semaphore, #tpu.memory_space<semaphore_mem>>) src(%dma_wait3A_193 : memref<2496x16xf32, #tpu.memory_space<hbm>>) dst(%dma_wait3A_191 : memref<2496x16xf32, #tpu.memory_space<vmem>>)
    %run_scoped3A_194 = arith.constant 1 : i32
    %run_scoped3A_195 = arith.constant 1 : i32
    "tpu.region"() ({
      %run_scoped3A_199 = tpu.sem_alloc : memref<!tpu.dma_semaphore, #tpu.memory_space<semaphore_mem>>
      %dma_start3A_200 = arith.constant 0 : i32
      %dma_start3A_201 = arith.constant 0 : i32
      %dma_start3A_202 = tpu.memref_slice %arg6[%run_scoped3A_194, %dma_start3A_200, %dma_start3A_201] : memref<2x2496x16xf32, #tpu.memory_space<vmem>> -> memref<1x2496x16xf32, #tpu.memory_space<vmem>>
      %dma_start3A_203 = tpu.memref_squeeze %dma_start3A_202 : memref<1x2496x16xf32, #tpu.memory_space<vmem>> -> memref<2496x16xf32, #tpu.memory_space<vmem>>
      %dma_start3A_204 = arith.constant 0 : i32
      %dma_start3A_205 = tpu.memref_slice %arg5[%run_scoped3A_195, %dma_start3A_204] : memref<2x2496xi32, #tpu.memory_space<vmem>> -> memref<1x2496xi32, #tpu.memory_space<vmem>>
      %dma_start3A_206 = tpu.memref_squeeze %dma_start3A_205 : memref<1x2496xi32, #tpu.memory_space<vmem>> -> memref<2496xi32, #tpu.memory_space<vmem>>
      %dma_start3A_207 = arith.constant 0 : i32
      %dma_start3A_208 = arith.constant 0 : i32
      %dma_start3A_209 = tpu.memref_slice %arg8[%dma_start3A_207, %dma_start3A_208] : memref<10000x16xf32, #tpu.memory_space<vmem_shared>> -> memref<10000x16xf32, #tpu.memory_space<vmem_shared>>
      tpu.enqueue_indirect_dma source(%dma_start3A_203 : memref<2496x16xf32, #tpu.memory_space<vmem>>) target(%dma_start3A_209 : memref<10000x16xf32, #tpu.memory_space<vmem_shared>>) offsets(%dma_start3A_206 : memref<2496xi32, #tpu.memory_space<vmem>>) semaphore(%run_scoped3A_199 : memref<!tpu.dma_semaphore, #tpu.memory_space<semaphore_mem>>) {add = true}
      %dma_wait3A_210 = arith.constant 0 : i32
      %dma_wait3A_211 = arith.constant 0 : i32
      %dma_wait3A_212 = tpu.memref_slice %arg6[%run_scoped3A_194, %dma_wait3A_210, %dma_wait3A_211] : memref<2x2496x16xf32, #tpu.memory_space<vmem>> -> memref<1x2496x16xf32, #tpu.memory_space<vmem>>
      %dma_wait3A_213 = tpu.memref_squeeze %dma_wait3A_212 : memref<1x2496x16xf32, #tpu.memory_space<vmem>> -> memref<2496x16xf32, #tpu.memory_space<vmem>>
      %dma_wait3A_214 = arith.constant 0 : i32
      %dma_wait3A_215 = tpu.memref_slice %arg5[%run_scoped3A_195, %dma_wait3A_214] : memref<2x2496xi32, #tpu.memory_space<vmem>> -> memref<1x2496xi32, #tpu.memory_space<vmem>>
      %dma_wait3A_216 = tpu.memref_squeeze %dma_wait3A_215 : memref<1x2496xi32, #tpu.memory_space<vmem>> -> memref<2496xi32, #tpu.memory_space<vmem>>
      %dma_wait3A_217 = arith.constant 0 : i32
      %dma_wait3A_218 = arith.constant 0 : i32
      %dma_wait3A_219 = tpu.memref_slice %arg8[%dma_wait3A_217, %dma_wait3A_218] : memref<10000x16xf32, #tpu.memory_space<vmem_shared>> -> memref<10000x16xf32, #tpu.memory_space<vmem_shared>>
      tpu.wait_indirect_dma semaphore(%run_scoped3A_199 : memref<!tpu.dma_semaphore, #tpu.memory_space<semaphore_mem>>) src(%dma_wait3A_213 : memref<2496x16xf32, #tpu.memory_space<vmem>>) dst(%dma_wait3A_219 : memref<10000x16xf32, #tpu.memory_space<vmem_shared>>)
      tpu.yield
    }) : () -> ()
    %lt3A = arith.constant 8 : i32
    %lt3A_196 = arith.cmpi slt, %arg1, %lt3A : i32
    %convert_element_type3A = arith.extui %lt3A_196 : i1 to i32
    %cond3A = arith.constant 0 : i32
    %cond3A_197 = arith.cmpi ne, %convert_element_type3A, %cond3A : i32
    scf.if %cond3A_197 {
      %mul3A_199 = arith.constant 8 : i32
      %mul3A_200 = arith.muli %arg1, %mul3A_199 : i32
      %add3A_201 = arith.constant 39936 : i32
      %add3A_202 = arith.addi %add3A_201, %mul3A_200 : i32
      %add3A_203 = arith.constant 0 : i32
      %add3A_204 = arith.addi %add3A_203, %add3A_202 : i32
      %run_scoped3A_205 = arith.constant 0 : i32
      "tpu.region"() ({
        %run_scoped3A_227 = tpu.sem_alloc : memref<!tpu.dma_semaphore, #tpu.memory_space<semaphore_mem>>
        %dma_start3A_228 = arith.constant 0 : i32
        %dma_start3A_229 = tpu.memref_slice %arg5[%run_scoped3A_205, %dma_start3A_228] : memref<2x2496xi32, #tpu.memory_space<vmem>> -> memref<1x8xi32, #tpu.memory_space<vmem>>
        %dma_start3A_230 = tpu.memref_squeeze %dma_start3A_229 : memref<1x8xi32, #tpu.memory_space<vmem>> -> memref<8xi32, #tpu.memory_space<vmem>>
        %dma_start3A_231 = tpu.memref_slice %arg3[%add3A_204] : memref<160000xi32, #tpu.memory_space<hbm>> -> memref<8xi32, #tpu.memory_space<hbm>>
        %dma_start3A_232 = arith.constant 0 : i32
        %dma_start3A_233 = tpu.memref_slice %arg5[%run_scoped3A_205, %dma_start3A_232] : memref<2x2496xi32, #tpu.memory_space<vmem>> -> memref<1x8xi32, #tpu.memory_space<vmem>>
        %dma_start3A_234 = tpu.memref_squeeze %dma_start3A_233 : memref<1x8xi32, #tpu.memory_space<vmem>> -> memref<8xi32, #tpu.memory_space<vmem>>
        %dma_start3A_235 = tpu.memref_slice %arg3[%add3A_204] : memref<160000xi32, #tpu.memory_space<hbm>> -> memref<8xi32, #tpu.memory_space<hbm>>
        tpu.enqueue_dma source(%dma_start3A_235 : memref<8xi32, #tpu.memory_space<hbm>>) target(%dma_start3A_234 : memref<8xi32, #tpu.memory_space<vmem>>) target_semaphore(%run_scoped3A_227 : memref<!tpu.dma_semaphore, #tpu.memory_space<semaphore_mem>>)
        %dma_wait3A_236 = arith.constant 0 : i32
        %dma_wait3A_237 = tpu.memref_slice %arg5[%run_scoped3A_205, %dma_wait3A_236] : memref<2x2496xi32, #tpu.memory_space<vmem>> -> memref<1x8xi32, #tpu.memory_space<vmem>>
        %dma_wait3A_238 = tpu.memref_squeeze %dma_wait3A_237 : memref<1x8xi32, #tpu.memory_space<vmem>> -> memref<8xi32, #tpu.memory_space<vmem>>
        %dma_wait3A_239 = tpu.memref_slice %arg3[%add3A_204] : memref<160000xi32, #tpu.memory_space<hbm>> -> memref<8xi32, #tpu.memory_space<hbm>>
        %dma_wait3A_240 = arith.constant 0 : i32
        %dma_wait3A_241 = tpu.memref_slice %arg5[%run_scoped3A_205, %dma_wait3A_240] : memref<2x2496xi32, #tpu.memory_space<vmem>> -> memref<1x8xi32, #tpu.memory_space<vmem>>
        %dma_wait3A_242 = tpu.memref_squeeze %dma_wait3A_241 : memref<1x8xi32, #tpu.memory_space<vmem>> -> memref<8xi32, #tpu.memory_space<vmem>>
        %dma_wait3A_243 = tpu.memref_slice %arg3[%add3A_204] : memref<160000xi32, #tpu.memory_space<hbm>> -> memref<8xi32, #tpu.memory_space<hbm>>
        tpu.wait_dma2 semaphore(%run_scoped3A_227 : memref<!tpu.dma_semaphore, #tpu.memory_space<semaphore_mem>>) src(%dma_wait3A_243 : memref<8xi32, #tpu.memory_space<hbm>>) dst(%dma_wait3A_242 : memref<8xi32, #tpu.memory_space<vmem>>)
        tpu.yield
      }) : () -> ()
      %run_scoped3A_206 = arith.constant 0 : i32
      "tpu.region"() ({
        %run_scoped3A_227 = tpu.sem_alloc : memref<!tpu.dma_semaphore, #tpu.memory_space<semaphore_mem>>
        %dma_start3A_228 = arith.constant 0 : i32
        %dma_start3A_229 = arith.constant 0 : i32
        %dma_start3A_230 = tpu.memref_slice %arg6[%run_scoped3A_206, %dma_start3A_228, %dma_start3A_229] : memref<2x2496x16xf32, #tpu.memory_space<vmem>> -> memref<1x8x16xf32, #tpu.memory_space<vmem>>
        %dma_start3A_231 = tpu.memref_squeeze %dma_start3A_230 : memref<1x8x16xf32, #tpu.memory_space<vmem>> -> memref<8x16xf32, #tpu.memory_space<vmem>>
        %dma_start3A_232 = arith.constant 0 : i32
        %dma_start3A_233 = tpu.memref_slice %arg2[%add3A_202, %dma_start3A_232] : memref<40000x128xf32, #tpu.memory_space<hbm>> -> memref<8x16xf32, #tpu.memory_space<hbm>>
        %dma_start3A_234 = arith.constant 0 : i32
        %dma_start3A_235 = arith.constant 0 : i32
        %dma_start3A_236 = tpu.memref_slice %arg6[%run_scoped3A_206, %dma_start3A_234, %dma_start3A_235] : memref<2x2496x16xf32, #tpu.memory_space<vmem>> -> memref<1x8x16xf32, #tpu.memory_space<vmem>>
        %dma_start3A_237 = tpu.memref_squeeze %dma_start3A_236 : memref<1x8x16xf32, #tpu.memory_space<vmem>> -> memref<8x16xf32, #tpu.memory_space<vmem>>
        %dma_start3A_238 = arith.constant 0 : i32
        %dma_start3A_239 = tpu.memref_slice %arg2[%add3A_202, %dma_start3A_238] : memref<40000x128xf32, #tpu.memory_space<hbm>> -> memref<8x16xf32, #tpu.memory_space<hbm>>
        tpu.enqueue_dma source(%dma_start3A_239 : memref<8x16xf32, #tpu.memory_space<hbm>>) target(%dma_start3A_237 : memref<8x16xf32, #tpu.memory_space<vmem>>) target_semaphore(%run_scoped3A_227 : memref<!tpu.dma_semaphore, #tpu.memory_space<semaphore_mem>>)
        %dma_wait3A_240 = arith.constant 0 : i32
        %dma_wait3A_241 = arith.constant 0 : i32
        %dma_wait3A_242 = tpu.memref_slice %arg6[%run_scoped3A_206, %dma_wait3A_240, %dma_wait3A_241] : memref<2x2496x16xf32, #tpu.memory_space<vmem>> -> memref<1x8x16xf32, #tpu.memory_space<vmem>>
        %dma_wait3A_243 = tpu.memref_squeeze %dma_wait3A_242 : memref<1x8x16xf32, #tpu.memory_space<vmem>> -> memref<8x16xf32, #tpu.memory_space<vmem>>
        %dma_wait3A_244 = arith.constant 0 : i32
        %dma_wait3A_245 = tpu.memref_slice %arg2[%add3A_202, %dma_wait3A_244] : memref<40000x128xf32, #tpu.memory_space<hbm>> -> memref<8x16xf32, #tpu.memory_space<hbm>>
        %dma_wait3A_246 = arith.constant 0 : i32
        %dma_wait3A_247 = arith.constant 0 : i32
        %dma_wait3A_248 = tpu.memref_slice %arg6[%run_scoped3A_206, %dma_wait3A_246, %dma_wait3A_247] : memref<2x2496x16xf32, #tpu.memory_space<vmem>> -> memref<1x8x16xf32, #tpu.memory_space<vmem>>
        %dma_wait3A_249 = tpu.memref_squeeze %dma_wait3A_248 : memref<1x8x16xf32, #tpu.memory_space<vmem>> -> memref<8x16xf32, #tpu.memory_space<vmem>>
        %dma_wait3A_250 = arith.constant 0 : i32
        %dma_wait3A_251 = tpu.memref_slice %arg2[%add3A_202, %dma_wait3A_250] : memref<40000x128xf32, #tpu.memory_space<hbm>> -> memref<8x16xf32, #tpu.memory_space<hbm>>
        tpu.wait_dma2 semaphore(%run_scoped3A_227 : memref<!tpu.dma_semaphore, #tpu.memory_space<semaphore_mem>>) src(%dma_wait3A_251 : memref<8x16xf32, #tpu.memory_space<hbm>>) dst(%dma_wait3A_249 : memref<8x16xf32, #tpu.memory_space<vmem>>)
        tpu.yield
      }) : () -> ()
      %run_scoped3A_207 = arith.constant 0 : i32
      %run_scoped3A_208 = arith.constant 0 : i32
      "tpu.region"() ({
        %run_scoped3A_227 = tpu.sem_alloc : memref<!tpu.dma_semaphore, #tpu.memory_space<semaphore_mem>>
        %dma_start3A_228 = arith.constant 0 : i32
        %dma_start3A_229 = arith.constant 0 : i32
        %dma_start3A_230 = tpu.memref_slice %arg6[%run_scoped3A_207, %dma_start3A_228, %dma_start3A_229] : memref<2x2496x16xf32, #tpu.memory_space<vmem>> -> memref<1x8x16xf32, #tpu.memory_space<vmem>>
        %dma_start3A_231 = tpu.memref_squeeze %dma_start3A_230 : memref<1x8x16xf32, #tpu.memory_space<vmem>> -> memref<8x16xf32, #tpu.memory_space<vmem>>
        %dma_start3A_232 = arith.constant 0 : i32
        %dma_start3A_233 = tpu.memref_slice %arg5[%run_scoped3A_208, %dma_start3A_232] : memref<2x2496xi32, #tpu.memory_space<vmem>> -> memref<1x8xi32, #tpu.memory_space<vmem>>
        %dma_start3A_234 = tpu.memref_squeeze %dma_start3A_233 : memref<1x8xi32, #tpu.memory_space<vmem>> -> memref<8xi32, #tpu.memory_space<vmem>>
        %dma_start3A_235 = arith.constant 0 : i32
        %dma_start3A_236 = arith.constant 0 : i32
        %dma_start3A_237 = tpu.memref_slice %arg8[%dma_start3A_235, %dma_start3A_236] : memref<10000x16xf32, #tpu.memory_space<vmem_shared>> -> memref<10000x16xf32, #tpu.memory_space<vmem_shared>>
        tpu.enqueue_indirect_dma source(%dma_start3A_231 : memref<8x16xf32, #tpu.memory_space<vmem>>) target(%dma_start3A_237 : memref<10000x16xf32, #tpu.memory_space<vmem_shared>>) offsets(%dma_start3A_234 : memref<8xi32, #tpu.memory_space<vmem>>) semaphore(%run_scoped3A_227 : memref<!tpu.dma_semaphore, #tpu.memory_space<semaphore_mem>>) {add = true}
        %dma_wait3A_238 = arith.constant 0 : i32
        %dma_wait3A_239 = arith.constant 0 : i32
        %dma_wait3A_240 = tpu.memref_slice %arg6[%run_scoped3A_207, %dma_wait3A_238, %dma_wait3A_239] : memref<2x2496x16xf32, #tpu.memory_space<vmem>> -> memref<1x8x16xf32, #tpu.memory_space<vmem>>
        %dma_wait3A_241 = tpu.memref_squeeze %dma_wait3A_240 : memref<1x8x16xf32, #tpu.memory_space<vmem>> -> memref<8x16xf32, #tpu.memory_space<vmem>>
        %dma_wait3A_242 = arith.constant 0 : i32
        %dma_wait3A_243 = tpu.memref_slice %arg5[%run_scoped3A_208, %dma_wait3A_242] : memref<2x2496xi32, #tpu.memory_space<vmem>> -> memref<1x8xi32, #tpu.memory_space<vmem>>
        %dma_wait3A_244 = tpu.memref_squeeze %dma_wait3A_243 : memref<1x8xi32, #tpu.memory_space<vmem>> -> memref<8xi32, #tpu.memory_space<vmem>>
        %dma_wait3A_245 = arith.constant 0 : i32
        %dma_wait3A_246 = arith.constant 0 : i32
        %dma_wait3A_247 = tpu.memref_slice %arg8[%dma_wait3A_245, %dma_wait3A_246] : memref<10000x16xf32, #tpu.memory_space<vmem_shared>> -> memref<10000x16xf32, #tpu.memory_space<vmem_shared>>
        tpu.wait_indirect_dma semaphore(%run_scoped3A_227 : memref<!tpu.dma_semaphore, #tpu.memory_space<semaphore_mem>>) src(%dma_wait3A_241 : memref<8x16xf32, #tpu.memory_space<vmem>>) dst(%dma_wait3A_247 : memref<10000x16xf32, #tpu.memory_space<vmem_shared>>)
        tpu.yield
      }) : () -> ()
      %add3A_209 = arith.constant 40000 : i32
      %add3A_210 = arith.addi %add3A_209, %add3A_202 : i32
      %run_scoped3A_211 = arith.constant 0 : i32
      "tpu.region"() ({
        %run_scoped3A_227 = tpu.sem_alloc : memref<!tpu.dma_semaphore, #tpu.memory_space<semaphore_mem>>
        %dma_start3A_228 = arith.constant 0 : i32
        %dma_start3A_229 = tpu.memref_slice %arg5[%run_scoped3A_211, %dma_start3A_228] : memref<2x2496xi32, #tpu.memory_space<vmem>> -> memref<1x8xi32, #tpu.memory_space<vmem>>
        %dma_start3A_230 = tpu.memref_squeeze %dma_start3A_229 : memref<1x8xi32, #tpu.memory_space<vmem>> -> memref<8xi32, #tpu.memory_space<vmem>>
        %dma_start3A_231 = tpu.memref_slice %arg3[%add3A_210] : memref<160000xi32, #tpu.memory_space<hbm>> -> memref<8xi32, #tpu.memory_space<hbm>>
        %dma_start3A_232 = arith.constant 0 : i32
        %dma_start3A_233 = tpu.memref_slice %arg5[%run_scoped3A_211, %dma_start3A_232] : memref<2x2496xi32, #tpu.memory_space<vmem>> -> memref<1x8xi32, #tpu.memory_space<vmem>>
        %dma_start3A_234 = tpu.memref_squeeze %dma_start3A_233 : memref<1x8xi32, #tpu.memory_space<vmem>> -> memref<8xi32, #tpu.memory_space<vmem>>
        %dma_start3A_235 = tpu.memref_slice %arg3[%add3A_210] : memref<160000xi32, #tpu.memory_space<hbm>> -> memref<8xi32, #tpu.memory_space<hbm>>
        tpu.enqueue_dma source(%dma_start3A_235 : memref<8xi32, #tpu.memory_space<hbm>>) target(%dma_start3A_234 : memref<8xi32, #tpu.memory_space<vmem>>) target_semaphore(%run_scoped3A_227 : memref<!tpu.dma_semaphore, #tpu.memory_space<semaphore_mem>>)
        %dma_wait3A_236 = arith.constant 0 : i32
        %dma_wait3A_237 = tpu.memref_slice %arg5[%run_scoped3A_211, %dma_wait3A_236] : memref<2x2496xi32, #tpu.memory_space<vmem>> -> memref<1x8xi32, #tpu.memory_space<vmem>>
        %dma_wait3A_238 = tpu.memref_squeeze %dma_wait3A_237 : memref<1x8xi32, #tpu.memory_space<vmem>> -> memref<8xi32, #tpu.memory_space<vmem>>
        %dma_wait3A_239 = tpu.memref_slice %arg3[%add3A_210] : memref<160000xi32, #tpu.memory_space<hbm>> -> memref<8xi32, #tpu.memory_space<hbm>>
        %dma_wait3A_240 = arith.constant 0 : i32
        %dma_wait3A_241 = tpu.memref_slice %arg5[%run_scoped3A_211, %dma_wait3A_240] : memref<2x2496xi32, #tpu.memory_space<vmem>> -> memref<1x8xi32, #tpu.memory_space<vmem>>
        %dma_wait3A_242 = tpu.memref_squeeze %dma_wait3A_241 : memref<1x8xi32, #tpu.memory_space<vmem>> -> memref<8xi32, #tpu.memory_space<vmem>>
        %dma_wait3A_243 = tpu.memref_slice %arg3[%add3A_210] : memref<160000xi32, #tpu.memory_space<hbm>> -> memref<8xi32, #tpu.memory_space<hbm>>
        tpu.wait_dma2 semaphore(%run_scoped3A_227 : memref<!tpu.dma_semaphore, #tpu.memory_space<semaphore_mem>>) src(%dma_wait3A_243 : memref<8xi32, #tpu.memory_space<hbm>>) dst(%dma_wait3A_242 : memref<8xi32, #tpu.memory_space<vmem>>)
        tpu.yield
      }) : () -> ()
      %run_scoped3A_212 = arith.constant 0 : i32
      "tpu.region"() ({
        %run_scoped3A_227 = tpu.sem_alloc : memref<!tpu.dma_semaphore, #tpu.memory_space<semaphore_mem>>
        %dma_start3A_228 = arith.constant 0 : i32
        %dma_start3A_229 = arith.constant 0 : i32
        %dma_start3A_230 = tpu.memref_slice %arg6[%run_scoped3A_212, %dma_start3A_228, %dma_start3A_229] : memref<2x2496x16xf32, #tpu.memory_space<vmem>> -> memref<1x8x16xf32, #tpu.memory_space<vmem>>
        %dma_start3A_231 = tpu.memref_squeeze %dma_start3A_230 : memref<1x8x16xf32, #tpu.memory_space<vmem>> -> memref<8x16xf32, #tpu.memory_space<vmem>>
        %dma_start3A_232 = arith.constant 16 : i32
        %dma_start3A_233 = tpu.memref_slice %arg2[%add3A_202, %dma_start3A_232] : memref<40000x128xf32, #tpu.memory_space<hbm>> -> memref<8x16xf32, #tpu.memory_space<hbm>>
        %dma_start3A_234 = arith.constant 0 : i32
        %dma_start3A_235 = arith.constant 0 : i32
        %dma_start3A_236 = tpu.memref_slice %arg6[%run_scoped3A_212, %dma_start3A_234, %dma_start3A_235] : memref<2x2496x16xf32, #tpu.memory_space<vmem>> -> memref<1x8x16xf32, #tpu.memory_space<vmem>>
        %dma_start3A_237 = tpu.memref_squeeze %dma_start3A_236 : memref<1x8x16xf32, #tpu.memory_space<vmem>> -> memref<8x16xf32, #tpu.memory_space<vmem>>
        %dma_start3A_238 = arith.constant 16 : i32
        %dma_start3A_239 = tpu.memref_slice %arg2[%add3A_202, %dma_start3A_238] : memref<40000x128xf32, #tpu.memory_space<hbm>> -> memref<8x16xf32, #tpu.memory_space<hbm>>
        tpu.enqueue_dma source(%dma_start3A_239 : memref<8x16xf32, #tpu.memory_space<hbm>>) target(%dma_start3A_237 : memref<8x16xf32, #tpu.memory_space<vmem>>) target_semaphore(%run_scoped3A_227 : memref<!tpu.dma_semaphore, #tpu.memory_space<semaphore_mem>>)
        %dma_wait3A_240 = arith.constant 0 : i32
        %dma_wait3A_241 = arith.constant 0 : i32
        %dma_wait3A_242 = tpu.memref_slice %arg6[%run_scoped3A_212, %dma_wait3A_240, %dma_wait3A_241] : memref<2x2496x16xf32, #tpu.memory_space<vmem>> -> memref<1x8x16xf32, #tpu.memory_space<vmem>>
        %dma_wait3A_243 = tpu.memref_squeeze %dma_wait3A_242 : memref<1x8x16xf32, #tpu.memory_space<vmem>> -> memref<8x16xf32, #tpu.memory_space<vmem>>
        %dma_wait3A_244 = arith.constant 16 : i32
        %dma_wait3A_245 = tpu.memref_slice %arg2[%add3A_202, %dma_wait3A_244] : memref<40000x128xf32, #tpu.memory_space<hbm>> -> memref<8x16xf32, #tpu.memory_space<hbm>>
        %dma_wait3A_246 = arith.constant 0 : i32
        %dma_wait3A_247 = arith.constant 0 : i32
        %dma_wait3A_248 = tpu.memref_slice %arg6[%run_scoped3A_212, %dma_wait3A_246, %dma_wait3A_247] : memref<2x2496x16xf32, #tpu.memory_space<vmem>> -> memref<1x8x16xf32, #tpu.memory_space<vmem>>
        %dma_wait3A_249 = tpu.memref_squeeze %dma_wait3A_248 : memref<1x8x16xf32, #tpu.memory_space<vmem>> -> memref<8x16xf32, #tpu.memory_space<vmem>>
        %dma_wait3A_250 = arith.constant 16 : i32
        %dma_wait3A_251 = tpu.memref_slice %arg2[%add3A_202, %dma_wait3A_250] : memref<40000x128xf32, #tpu.memory_space<hbm>> -> memref<8x16xf32, #tpu.memory_space<hbm>>
        tpu.wait_dma2 semaphore(%run_scoped3A_227 : memref<!tpu.dma_semaphore, #tpu.memory_space<semaphore_mem>>) src(%dma_wait3A_251 : memref<8x16xf32, #tpu.memory_space<hbm>>) dst(%dma_wait3A_249 : memref<8x16xf32, #tpu.memory_space<vmem>>)
        tpu.yield
      }) : () -> ()
      %run_scoped3A_213 = arith.constant 0 : i32
      %run_scoped3A_214 = arith.constant 0 : i32
      "tpu.region"() ({
        %run_scoped3A_227 = tpu.sem_alloc : memref<!tpu.dma_semaphore, #tpu.memory_space<semaphore_mem>>
        %dma_start3A_228 = arith.constant 0 : i32
        %dma_start3A_229 = arith.constant 0 : i32
        %dma_start3A_230 = tpu.memref_slice %arg6[%run_scoped3A_213, %dma_start3A_228, %dma_start3A_229] : memref<2x2496x16xf32, #tpu.memory_space<vmem>> -> memref<1x8x16xf32, #tpu.memory_space<vmem>>
        %dma_start3A_231 = tpu.memref_squeeze %dma_start3A_230 : memref<1x8x16xf32, #tpu.memory_space<vmem>> -> memref<8x16xf32, #tpu.memory_space<vmem>>
        %dma_start3A_232 = arith.constant 0 : i32
        %dma_start3A_233 = tpu.memref_slice %arg5[%run_scoped3A_214, %dma_start3A_232] : memref<2x2496xi32, #tpu.memory_space<vmem>> -> memref<1x8xi32, #tpu.memory_space<vmem>>
        %dma_start3A_234 = tpu.memref_squeeze %dma_start3A_233 : memref<1x8xi32, #tpu.memory_space<vmem>> -> memref<8xi32, #tpu.memory_space<vmem>>
        %dma_start3A_235 = arith.constant 0 : i32
        %dma_start3A_236 = arith.constant 0 : i32
        %dma_start3A_237 = tpu.memref_slice %arg8[%dma_start3A_235, %dma_start3A_236] : memref<10000x16xf32, #tpu.memory_space<vmem_shared>> -> memref<10000x16xf32, #tpu.memory_space<vmem_shared>>
        tpu.enqueue_indirect_dma source(%dma_start3A_231 : memref<8x16xf32, #tpu.memory_space<vmem>>) target(%dma_start3A_237 : memref<10000x16xf32, #tpu.memory_space<vmem_shared>>) offsets(%dma_start3A_234 : memref<8xi32, #tpu.memory_space<vmem>>) semaphore(%run_scoped3A_227 : memref<!tpu.dma_semaphore, #tpu.memory_space<semaphore_mem>>) {add = true}
        %dma_wait3A_238 = arith.constant 0 : i32
        %dma_wait3A_239 = arith.constant 0 : i32
        %dma_wait3A_240 = tpu.memref_slice %arg6[%run_scoped3A_213, %dma_wait3A_238, %dma_wait3A_239] : memref<2x2496x16xf32, #tpu.memory_space<vmem>> -> memref<1x8x16xf32, #tpu.memory_space<vmem>>
        %dma_wait3A_241 = tpu.memref_squeeze %dma_wait3A_240 : memref<1x8x16xf32, #tpu.memory_space<vmem>> -> memref<8x16xf32, #tpu.memory_space<vmem>>
        %dma_wait3A_242 = arith.constant 0 : i32
        %dma_wait3A_243 = tpu.memref_slice %arg5[%run_scoped3A_214, %dma_wait3A_242] : memref<2x2496xi32, #tpu.memory_space<vmem>> -> memref<1x8xi32, #tpu.memory_space<vmem>>
        %dma_wait3A_244 = tpu.memref_squeeze %dma_wait3A_243 : memref<1x8xi32, #tpu.memory_space<vmem>> -> memref<8xi32, #tpu.memory_space<vmem>>
        %dma_wait3A_245 = arith.constant 0 : i32
        %dma_wait3A_246 = arith.constant 0 : i32
        %dma_wait3A_247 = tpu.memref_slice %arg8[%dma_wait3A_245, %dma_wait3A_246] : memref<10000x16xf32, #tpu.memory_space<vmem_shared>> -> memref<10000x16xf32, #tpu.memory_space<vmem_shared>>
        tpu.wait_indirect_dma semaphore(%run_scoped3A_227 : memref<!tpu.dma_semaphore, #tpu.memory_space<semaphore_mem>>) src(%dma_wait3A_241 : memref<8x16xf32, #tpu.memory_space<vmem>>) dst(%dma_wait3A_247 : memref<10000x16xf32, #tpu.memory_space<vmem_shared>>)
        tpu.yield
      }) : () -> ()
      %add3A_215 = arith.constant 80000 : i32
      %add3A_216 = arith.addi %add3A_215, %add3A_202 : i32
      %run_scoped3A_217 = arith.constant 0 : i32
      "tpu.region"() ({
        %run_scoped3A_227 = tpu.sem_alloc : memref<!tpu.dma_semaphore, #tpu.memory_space<semaphore_mem>>
        %dma_start3A_228 = arith.constant 0 : i32
        %dma_start3A_229 = tpu.memref_slice %arg5[%run_scoped3A_217, %dma_start3A_228] : memref<2x2496xi32, #tpu.memory_space<vmem>> -> memref<1x8xi32, #tpu.memory_space<vmem>>
        %dma_start3A_230 = tpu.memref_squeeze %dma_start3A_229 : memref<1x8xi32, #tpu.memory_space<vmem>> -> memref<8xi32, #tpu.memory_space<vmem>>
        %dma_start3A_231 = tpu.memref_slice %arg3[%add3A_216] : memref<160000xi32, #tpu.memory_space<hbm>> -> memref<8xi32, #tpu.memory_space<hbm>>
        %dma_start3A_232 = arith.constant 0 : i32
        %dma_start3A_233 = tpu.memref_slice %arg5[%run_scoped3A_217, %dma_start3A_232] : memref<2x2496xi32, #tpu.memory_space<vmem>> -> memref<1x8xi32, #tpu.memory_space<vmem>>
        %dma_start3A_234 = tpu.memref_squeeze %dma_start3A_233 : memref<1x8xi32, #tpu.memory_space<vmem>> -> memref<8xi32, #tpu.memory_space<vmem>>
        %dma_start3A_235 = tpu.memref_slice %arg3[%add3A_216] : memref<160000xi32, #tpu.memory_space<hbm>> -> memref<8xi32, #tpu.memory_space<hbm>>
        tpu.enqueue_dma source(%dma_start3A_235 : memref<8xi32, #tpu.memory_space<hbm>>) target(%dma_start3A_234 : memref<8xi32, #tpu.memory_space<vmem>>) target_semaphore(%run_scoped3A_227 : memref<!tpu.dma_semaphore, #tpu.memory_space<semaphore_mem>>)
        %dma_wait3A_236 = arith.constant 0 : i32
        %dma_wait3A_237 = tpu.memref_slice %arg5[%run_scoped3A_217, %dma_wait3A_236] : memref<2x2496xi32, #tpu.memory_space<vmem>> -> memref<1x8xi32, #tpu.memory_space<vmem>>
        %dma_wait3A_238 = tpu.memref_squeeze %dma_wait3A_237 : memref<1x8xi32, #tpu.memory_space<vmem>> -> memref<8xi32, #tpu.memory_space<vmem>>
        %dma_wait3A_239 = tpu.memref_slice %arg3[%add3A_216] : memref<160000xi32, #tpu.memory_space<hbm>> -> memref<8xi32, #tpu.memory_space<hbm>>
        %dma_wait3A_240 = arith.constant 0 : i32
        %dma_wait3A_241 = tpu.memref_slice %arg5[%run_scoped3A_217, %dma_wait3A_240] : memref<2x2496xi32, #tpu.memory_space<vmem>> -> memref<1x8xi32, #tpu.memory_space<vmem>>
        %dma_wait3A_242 = tpu.memref_squeeze %dma_wait3A_241 : memref<1x8xi32, #tpu.memory_space<vmem>> -> memref<8xi32, #tpu.memory_space<vmem>>
        %dma_wait3A_243 = tpu.memref_slice %arg3[%add3A_216] : memref<160000xi32, #tpu.memory_space<hbm>> -> memref<8xi32, #tpu.memory_space<hbm>>
        tpu.wait_dma2 semaphore(%run_scoped3A_227 : memref<!tpu.dma_semaphore, #tpu.memory_space<semaphore_mem>>) src(%dma_wait3A_243 : memref<8xi32, #tpu.memory_space<hbm>>) dst(%dma_wait3A_242 : memref<8xi32, #tpu.memory_space<vmem>>)
        tpu.yield
      }) : () -> ()
      %run_scoped3A_218 = arith.constant 0 : i32
      "tpu.region"() ({
        %run_scoped3A_227 = tpu.sem_alloc : memref<!tpu.dma_semaphore, #tpu.memory_space<semaphore_mem>>
        %dma_start3A_228 = arith.constant 0 : i32
        %dma_start3A_229 = arith.constant 0 : i32
        %dma_start3A_230 = tpu.memref_slice %arg6[%run_scoped3A_218, %dma_start3A_228, %dma_start3A_229] : memref<2x2496x16xf32, #tpu.memory_space<vmem>> -> memref<1x8x16xf32, #tpu.memory_space<vmem>>
        %dma_start3A_231 = tpu.memref_squeeze %dma_start3A_230 : memref<1x8x16xf32, #tpu.memory_space<vmem>> -> memref<8x16xf32, #tpu.memory_space<vmem>>
        %dma_start3A_232 = arith.constant 32 : i32
        %dma_start3A_233 = tpu.memref_slice %arg2[%add3A_202, %dma_start3A_232] : memref<40000x128xf32, #tpu.memory_space<hbm>> -> memref<8x16xf32, #tpu.memory_space<hbm>>
        %dma_start3A_234 = arith.constant 0 : i32
        %dma_start3A_235 = arith.constant 0 : i32
        %dma_start3A_236 = tpu.memref_slice %arg6[%run_scoped3A_218, %dma_start3A_234, %dma_start3A_235] : memref<2x2496x16xf32, #tpu.memory_space<vmem>> -> memref<1x8x16xf32, #tpu.memory_space<vmem>>
        %dma_start3A_237 = tpu.memref_squeeze %dma_start3A_236 : memref<1x8x16xf32, #tpu.memory_space<vmem>> -> memref<8x16xf32, #tpu.memory_space<vmem>>
        %dma_start3A_238 = arith.constant 32 : i32
        %dma_start3A_239 = tpu.memref_slice %arg2[%add3A_202, %dma_start3A_238] : memref<40000x128xf32, #tpu.memory_space<hbm>> -> memref<8x16xf32, #tpu.memory_space<hbm>>
        tpu.enqueue_dma source(%dma_start3A_239 : memref<8x16xf32, #tpu.memory_space<hbm>>) target(%dma_start3A_237 : memref<8x16xf32, #tpu.memory_space<vmem>>) target_semaphore(%run_scoped3A_227 : memref<!tpu.dma_semaphore, #tpu.memory_space<semaphore_mem>>)
        %dma_wait3A_240 = arith.constant 0 : i32
        %dma_wait3A_241 = arith.constant 0 : i32
        %dma_wait3A_242 = tpu.memref_slice %arg6[%run_scoped3A_218, %dma_wait3A_240, %dma_wait3A_241] : memref<2x2496x16xf32, #tpu.memory_space<vmem>> -> memref<1x8x16xf32, #tpu.memory_space<vmem>>
        %dma_wait3A_243 = tpu.memref_squeeze %dma_wait3A_242 : memref<1x8x16xf32, #tpu.memory_space<vmem>> -> memref<8x16xf32, #tpu.memory_space<vmem>>
        %dma_wait3A_244 = arith.constant 32 : i32
        %dma_wait3A_245 = tpu.memref_slice %arg2[%add3A_202, %dma_wait3A_244] : memref<40000x128xf32, #tpu.memory_space<hbm>> -> memref<8x16xf32, #tpu.memory_space<hbm>>
        %dma_wait3A_246 = arith.constant 0 : i32
        %dma_wait3A_247 = arith.constant 0 : i32
        %dma_wait3A_248 = tpu.memref_slice %arg6[%run_scoped3A_218, %dma_wait3A_246, %dma_wait3A_247] : memref<2x2496x16xf32, #tpu.memory_space<vmem>> -> memref<1x8x16xf32, #tpu.memory_space<vmem>>
        %dma_wait3A_249 = tpu.memref_squeeze %dma_wait3A_248 : memref<1x8x16xf32, #tpu.memory_space<vmem>> -> memref<8x16xf32, #tpu.memory_space<vmem>>
        %dma_wait3A_250 = arith.constant 32 : i32
        %dma_wait3A_251 = tpu.memref_slice %arg2[%add3A_202, %dma_wait3A_250] : memref<40000x128xf32, #tpu.memory_space<hbm>> -> memref<8x16xf32, #tpu.memory_space<hbm>>
        tpu.wait_dma2 semaphore(%run_scoped3A_227 : memref<!tpu.dma_semaphore, #tpu.memory_space<semaphore_mem>>) src(%dma_wait3A_251 : memref<8x16xf32, #tpu.memory_space<hbm>>) dst(%dma_wait3A_249 : memref<8x16xf32, #tpu.memory_space<vmem>>)
        tpu.yield
      }) : () -> ()
      %run_scoped3A_219 = arith.constant 0 : i32
      %run_scoped3A_220 = arith.constant 0 : i32
      "tpu.region"() ({
        %run_scoped3A_227 = tpu.sem_alloc : memref<!tpu.dma_semaphore, #tpu.memory_space<semaphore_mem>>
        %dma_start3A_228 = arith.constant 0 : i32
        %dma_start3A_229 = arith.constant 0 : i32
        %dma_start3A_230 = tpu.memref_slice %arg6[%run_scoped3A_219, %dma_start3A_228, %dma_start3A_229] : memref<2x2496x16xf32, #tpu.memory_space<vmem>> -> memref<1x8x16xf32, #tpu.memory_space<vmem>>
        %dma_start3A_231 = tpu.memref_squeeze %dma_start3A_230 : memref<1x8x16xf32, #tpu.memory_space<vmem>> -> memref<8x16xf32, #tpu.memory_space<vmem>>
        %dma_start3A_232 = arith.constant 0 : i32
        %dma_start3A_233 = tpu.memref_slice %arg5[%run_scoped3A_220, %dma_start3A_232] : memref<2x2496xi32, #tpu.memory_space<vmem>> -> memref<1x8xi32, #tpu.memory_space<vmem>>
        %dma_start3A_234 = tpu.memref_squeeze %dma_start3A_233 : memref<1x8xi32, #tpu.memory_space<vmem>> -> memref<8xi32, #tpu.memory_space<vmem>>
        %dma_start3A_235 = arith.constant 0 : i32
        %dma_start3A_236 = arith.constant 0 : i32
        %dma_start3A_237 = tpu.memref_slice %arg8[%dma_start3A_235, %dma_start3A_236] : memref<10000x16xf32, #tpu.memory_space<vmem_shared>> -> memref<10000x16xf32, #tpu.memory_space<vmem_shared>>
        tpu.enqueue_indirect_dma source(%dma_start3A_231 : memref<8x16xf32, #tpu.memory_space<vmem>>) target(%dma_start3A_237 : memref<10000x16xf32, #tpu.memory_space<vmem_shared>>) offsets(%dma_start3A_234 : memref<8xi32, #tpu.memory_space<vmem>>) semaphore(%run_scoped3A_227 : memref<!tpu.dma_semaphore, #tpu.memory_space<semaphore_mem>>) {add = true}
        %dma_wait3A_238 = arith.constant 0 : i32
        %dma_wait3A_239 = arith.constant 0 : i32
        %dma_wait3A_240 = tpu.memref_slice %arg6[%run_scoped3A_219, %dma_wait3A_238, %dma_wait3A_239] : memref<2x2496x16xf32, #tpu.memory_space<vmem>> -> memref<1x8x16xf32, #tpu.memory_space<vmem>>
        %dma_wait3A_241 = tpu.memref_squeeze %dma_wait3A_240 : memref<1x8x16xf32, #tpu.memory_space<vmem>> -> memref<8x16xf32, #tpu.memory_space<vmem>>
        %dma_wait3A_242 = arith.constant 0 : i32
        %dma_wait3A_243 = tpu.memref_slice %arg5[%run_scoped3A_220, %dma_wait3A_242] : memref<2x2496xi32, #tpu.memory_space<vmem>> -> memref<1x8xi32, #tpu.memory_space<vmem>>
        %dma_wait3A_244 = tpu.memref_squeeze %dma_wait3A_243 : memref<1x8xi32, #tpu.memory_space<vmem>> -> memref<8xi32, #tpu.memory_space<vmem>>
        %dma_wait3A_245 = arith.constant 0 : i32
        %dma_wait3A_246 = arith.constant 0 : i32
        %dma_wait3A_247 = tpu.memref_slice %arg8[%dma_wait3A_245, %dma_wait3A_246] : memref<10000x16xf32, #tpu.memory_space<vmem_shared>> -> memref<10000x16xf32, #tpu.memory_space<vmem_shared>>
        tpu.wait_indirect_dma semaphore(%run_scoped3A_227 : memref<!tpu.dma_semaphore, #tpu.memory_space<semaphore_mem>>) src(%dma_wait3A_241 : memref<8x16xf32, #tpu.memory_space<vmem>>) dst(%dma_wait3A_247 : memref<10000x16xf32, #tpu.memory_space<vmem_shared>>)
        tpu.yield
      }) : () -> ()
      %add3A_221 = arith.constant 120000 : i32
      %add3A_222 = arith.addi %add3A_221, %add3A_202 : i32
      %run_scoped3A_223 = arith.constant 0 : i32
      "tpu.region"() ({
        %run_scoped3A_227 = tpu.sem_alloc : memref<!tpu.dma_semaphore, #tpu.memory_space<semaphore_mem>>
        %dma_start3A_228 = arith.constant 0 : i32
        %dma_start3A_229 = tpu.memref_slice %arg5[%run_scoped3A_223, %dma_start3A_228] : memref<2x2496xi32, #tpu.memory_space<vmem>> -> memref<1x8xi32, #tpu.memory_space<vmem>>
        %dma_start3A_230 = tpu.memref_squeeze %dma_start3A_229 : memref<1x8xi32, #tpu.memory_space<vmem>> -> memref<8xi32, #tpu.memory_space<vmem>>
        %dma_start3A_231 = tpu.memref_slice %arg3[%add3A_222] : memref<160000xi32, #tpu.memory_space<hbm>> -> memref<8xi32, #tpu.memory_space<hbm>>
        %dma_start3A_232 = arith.constant 0 : i32
        %dma_start3A_233 = tpu.memref_slice %arg5[%run_scoped3A_223, %dma_start3A_232] : memref<2x2496xi32, #tpu.memory_space<vmem>> -> memref<1x8xi32, #tpu.memory_space<vmem>>
        %dma_start3A_234 = tpu.memref_squeeze %dma_start3A_233 : memref<1x8xi32, #tpu.memory_space<vmem>> -> memref<8xi32, #tpu.memory_space<vmem>>
        %dma_start3A_235 = tpu.memref_slice %arg3[%add3A_222] : memref<160000xi32, #tpu.memory_space<hbm>> -> memref<8xi32, #tpu.memory_space<hbm>>
        tpu.enqueue_dma source(%dma_start3A_235 : memref<8xi32, #tpu.memory_space<hbm>>) target(%dma_start3A_234 : memref<8xi32, #tpu.memory_space<vmem>>) target_semaphore(%run_scoped3A_227 : memref<!tpu.dma_semaphore, #tpu.memory_space<semaphore_mem>>)
        %dma_wait3A_236 = arith.constant 0 : i32
        %dma_wait3A_237 = tpu.memref_slice %arg5[%run_scoped3A_223, %dma_wait3A_236] : memref<2x2496xi32, #tpu.memory_space<vmem>> -> memref<1x8xi32, #tpu.memory_space<vmem>>
        %dma_wait3A_238 = tpu.memref_squeeze %dma_wait3A_237 : memref<1x8xi32, #tpu.memory_space<vmem>> -> memref<8xi32, #tpu.memory_space<vmem>>
        %dma_wait3A_239 = tpu.memref_slice %arg3[%add3A_222] : memref<160000xi32, #tpu.memory_space<hbm>> -> memref<8xi32, #tpu.memory_space<hbm>>
        %dma_wait3A_240 = arith.constant 0 : i32
        %dma_wait3A_241 = tpu.memref_slice %arg5[%run_scoped3A_223, %dma_wait3A_240] : memref<2x2496xi32, #tpu.memory_space<vmem>> -> memref<1x8xi32, #tpu.memory_space<vmem>>
        %dma_wait3A_242 = tpu.memref_squeeze %dma_wait3A_241 : memref<1x8xi32, #tpu.memory_space<vmem>> -> memref<8xi32, #tpu.memory_space<vmem>>
        %dma_wait3A_243 = tpu.memref_slice %arg3[%add3A_222] : memref<160000xi32, #tpu.memory_space<hbm>> -> memref<8xi32, #tpu.memory_space<hbm>>
        tpu.wait_dma2 semaphore(%run_scoped3A_227 : memref<!tpu.dma_semaphore, #tpu.memory_space<semaphore_mem>>) src(%dma_wait3A_243 : memref<8xi32, #tpu.memory_space<hbm>>) dst(%dma_wait3A_242 : memref<8xi32, #tpu.memory_space<vmem>>)
        tpu.yield
      }) : () -> ()
      %run_scoped3A_224 = arith.constant 0 : i32
      "tpu.region"() ({
        %run_scoped3A_227 = tpu.sem_alloc : memref<!tpu.dma_semaphore, #tpu.memory_space<semaphore_mem>>
        %dma_start3A_228 = arith.constant 0 : i32
        %dma_start3A_229 = arith.constant 0 : i32
        %dma_start3A_230 = tpu.memref_slice %arg6[%run_scoped3A_224, %dma_start3A_228, %dma_start3A_229] : memref<2x2496x16xf32, #tpu.memory_space<vmem>> -> memref<1x8x16xf32, #tpu.memory_space<vmem>>
        %dma_start3A_231 = tpu.memref_squeeze %dma_start3A_230 : memref<1x8x16xf32, #tpu.memory_space<vmem>> -> memref<8x16xf32, #tpu.memory_space<vmem>>
        %dma_start3A_232 = arith.constant 48 : i32
        %dma_start3A_233 = tpu.memref_slice %arg2[%add3A_202, %dma_start3A_232] : memref<40000x128xf32, #tpu.memory_space<hbm>> -> memref<8x16xf32, #tpu.memory_space<hbm>>
        %dma_start3A_234 = arith.constant 0 : i32
        %dma_start3A_235 = arith.constant 0 : i32
        %dma_start3A_236 = tpu.memref_slice %arg6[%run_scoped3A_224, %dma_start3A_234, %dma_start3A_235] : memref<2x2496x16xf32, #tpu.memory_space<vmem>> -> memref<1x8x16xf32, #tpu.memory_space<vmem>>
        %dma_start3A_237 = tpu.memref_squeeze %dma_start3A_236 : memref<1x8x16xf32, #tpu.memory_space<vmem>> -> memref<8x16xf32, #tpu.memory_space<vmem>>
        %dma_start3A_238 = arith.constant 48 : i32
        %dma_start3A_239 = tpu.memref_slice %arg2[%add3A_202, %dma_start3A_238] : memref<40000x128xf32, #tpu.memory_space<hbm>> -> memref<8x16xf32, #tpu.memory_space<hbm>>
        tpu.enqueue_dma source(%dma_start3A_239 : memref<8x16xf32, #tpu.memory_space<hbm>>) target(%dma_start3A_237 : memref<8x16xf32, #tpu.memory_space<vmem>>) target_semaphore(%run_scoped3A_227 : memref<!tpu.dma_semaphore, #tpu.memory_space<semaphore_mem>>)
        %dma_wait3A_240 = arith.constant 0 : i32
        %dma_wait3A_241 = arith.constant 0 : i32
        %dma_wait3A_242 = tpu.memref_slice %arg6[%run_scoped3A_224, %dma_wait3A_240, %dma_wait3A_241] : memref<2x2496x16xf32, #tpu.memory_space<vmem>> -> memref<1x8x16xf32, #tpu.memory_space<vmem>>
        %dma_wait3A_243 = tpu.memref_squeeze %dma_wait3A_242 : memref<1x8x16xf32, #tpu.memory_space<vmem>> -> memref<8x16xf32, #tpu.memory_space<vmem>>
        %dma_wait3A_244 = arith.constant 48 : i32
        %dma_wait3A_245 = tpu.memref_slice %arg2[%add3A_202, %dma_wait3A_244] : memref<40000x128xf32, #tpu.memory_space<hbm>> -> memref<8x16xf32, #tpu.memory_space<hbm>>
        %dma_wait3A_246 = arith.constant 0 : i32
        %dma_wait3A_247 = arith.constant 0 : i32
        %dma_wait3A_248 = tpu.memref_slice %arg6[%run_scoped3A_224, %dma_wait3A_246, %dma_wait3A_247] : memref<2x2496x16xf32, #tpu.memory_space<vmem>> -> memref<1x8x16xf32, #tpu.memory_space<vmem>>
        %dma_wait3A_249 = tpu.memref_squeeze %dma_wait3A_248 : memref<1x8x16xf32, #tpu.memory_space<vmem>> -> memref<8x16xf32, #tpu.memory_space<vmem>>
        %dma_wait3A_250 = arith.constant 48 : i32
        %dma_wait3A_251 = tpu.memref_slice %arg2[%add3A_202, %dma_wait3A_250] : memref<40000x128xf32, #tpu.memory_space<hbm>> -> memref<8x16xf32, #tpu.memory_space<hbm>>
        tpu.wait_dma2 semaphore(%run_scoped3A_227 : memref<!tpu.dma_semaphore, #tpu.memory_space<semaphore_mem>>) src(%dma_wait3A_251 : memref<8x16xf32, #tpu.memory_space<hbm>>) dst(%dma_wait3A_249 : memref<8x16xf32, #tpu.memory_space<vmem>>)
        tpu.yield
      }) : () -> ()
      %run_scoped3A_225 = arith.constant 0 : i32
      %run_scoped3A_226 = arith.constant 0 : i32
      "tpu.region"() ({
        %run_scoped3A_227 = tpu.sem_alloc : memref<!tpu.dma_semaphore, #tpu.memory_space<semaphore_mem>>
        %dma_start3A_228 = arith.constant 0 : i32
        %dma_start3A_229 = arith.constant 0 : i32
        %dma_start3A_230 = tpu.memref_slice %arg6[%run_scoped3A_225, %dma_start3A_228, %dma_start3A_229] : memref<2x2496x16xf32, #tpu.memory_space<vmem>> -> memref<1x8x16xf32, #tpu.memory_space<vmem>>
        %dma_start3A_231 = tpu.memref_squeeze %dma_start3A_230 : memref<1x8x16xf32, #tpu.memory_space<vmem>> -> memref<8x16xf32, #tpu.memory_space<vmem>>
        %dma_start3A_232 = arith.constant 0 : i32
        %dma_start3A_233 = tpu.memref_slice %arg5[%run_scoped3A_226, %dma_start3A_232] : memref<2x2496xi32, #tpu.memory_space<vmem>> -> memref<1x8xi32, #tpu.memory_space<vmem>>
        %dma_start3A_234 = tpu.memref_squeeze %dma_start3A_233 : memref<1x8xi32, #tpu.memory_space<vmem>> -> memref<8xi32, #tpu.memory_space<vmem>>
        %dma_start3A_235 = arith.constant 0 : i32
        %dma_start3A_236 = arith.constant 0 : i32
        %dma_start3A_237 = tpu.memref_slice %arg8[%dma_start3A_235, %dma_start3A_236] : memref<10000x16xf32, #tpu.memory_space<vmem_shared>> -> memref<10000x16xf32, #tpu.memory_space<vmem_shared>>
        tpu.enqueue_indirect_dma source(%dma_start3A_231 : memref<8x16xf32, #tpu.memory_space<vmem>>) target(%dma_start3A_237 : memref<10000x16xf32, #tpu.memory_space<vmem_shared>>) offsets(%dma_start3A_234 : memref<8xi32, #tpu.memory_space<vmem>>) semaphore(%run_scoped3A_227 : memref<!tpu.dma_semaphore, #tpu.memory_space<semaphore_mem>>) {add = true}
        %dma_wait3A_238 = arith.constant 0 : i32
        %dma_wait3A_239 = arith.constant 0 : i32
        %dma_wait3A_240 = tpu.memref_slice %arg6[%run_scoped3A_225, %dma_wait3A_238, %dma_wait3A_239] : memref<2x2496x16xf32, #tpu.memory_space<vmem>> -> memref<1x8x16xf32, #tpu.memory_space<vmem>>
        %dma_wait3A_241 = tpu.memref_squeeze %dma_wait3A_240 : memref<1x8x16xf32, #tpu.memory_space<vmem>> -> memref<8x16xf32, #tpu.memory_space<vmem>>
        %dma_wait3A_242 = arith.constant 0 : i32
        %dma_wait3A_243 = tpu.memref_slice %arg5[%run_scoped3A_226, %dma_wait3A_242] : memref<2x2496xi32, #tpu.memory_space<vmem>> -> memref<1x8xi32, #tpu.memory_space<vmem>>
        %dma_wait3A_244 = tpu.memref_squeeze %dma_wait3A_243 : memref<1x8xi32, #tpu.memory_space<vmem>> -> memref<8xi32, #tpu.memory_space<vmem>>
        %dma_wait3A_245 = arith.constant 0 : i32
        %dma_wait3A_246 = arith.constant 0 : i32
        %dma_wait3A_247 = tpu.memref_slice %arg8[%dma_wait3A_245, %dma_wait3A_246] : memref<10000x16xf32, #tpu.memory_space<vmem_shared>> -> memref<10000x16xf32, #tpu.memory_space<vmem_shared>>
        tpu.wait_indirect_dma semaphore(%run_scoped3A_227 : memref<!tpu.dma_semaphore, #tpu.memory_space<semaphore_mem>>) src(%dma_wait3A_241 : memref<8x16xf32, #tpu.memory_space<vmem>>) dst(%dma_wait3A_247 : memref<10000x16xf32, #tpu.memory_space<vmem_shared>>)
        tpu.yield
      }) : () -> ()
    } else {
    }
    %barrier3A_198 = arith.constant 0 : index
    tpu.barrier barrier_id(%barrier3A_198)
    "tpu.region"() ({
      %run_scoped3A_199 = tpu.sem_alloc : memref<!tpu.dma_semaphore, #tpu.memory_space<semaphore_mem>>
      %dma_start3A_200 = arith.constant 0 : i32
      %dma_start3A_201 = tpu.memref_slice %arg4[%mul3A_0, %dma_start3A_200] : memref<10000x16xf32, #tpu.memory_space<hbm>> -> memref<625x16xf32, #tpu.memory_space<hbm>>
      %dma_start3A_202 = arith.constant 0 : i32
      %dma_start3A_203 = tpu.memref_slice %arg8[%mul3A_0, %dma_start3A_202] : memref<10000x16xf32, #tpu.memory_space<vmem_shared>> -> memref<625x16xf32, #tpu.memory_space<vmem_shared>>
      tpu.enqueue_dma source(%dma_start3A_203 : memref<625x16xf32, #tpu.memory_space<vmem_shared>>) target(%dma_start3A_201 : memref<625x16xf32, #tpu.memory_space<hbm>>) target_semaphore(%run_scoped3A_199 : memref<!tpu.dma_semaphore, #tpu.memory_space<semaphore_mem>>)
      %dma_wait3A_204 = arith.constant 0 : i32
      %dma_wait3A_205 = tpu.memref_slice %arg4[%mul3A_0, %dma_wait3A_204] : memref<10000x16xf32, #tpu.memory_space<hbm>> -> memref<625x16xf32, #tpu.memory_space<hbm>>
      %dma_wait3A_206 = arith.constant 0 : i32
      %dma_wait3A_207 = tpu.memref_slice %arg8[%mul3A_0, %dma_wait3A_206] : memref<10000x16xf32, #tpu.memory_space<vmem_shared>> -> memref<625x16xf32, #tpu.memory_space<vmem_shared>>
      tpu.wait_dma2 semaphore(%run_scoped3A_199 : memref<!tpu.dma_semaphore, #tpu.memory_space<semaphore_mem>>) src(%dma_wait3A_207 : memref<625x16xf32, #tpu.memory_space<vmem_shared>>) dst(%dma_wait3A_205 : memref<625x16xf32, #tpu.memory_space<hbm>>)
      tpu.yield
    }) : () -> ()
    return
  }
}

#map = affine_map<(d0, d1) -> (0, 0)>
#map1 = affine_map<(d0, d1) -> (0)>
module attributes {stable_mosaic.version = 14 : i64} {
  func.func @gather_k(%arg0: i32, %arg1: i32, %arg2: memref<10000x16xf32, #tpu.memory_space<hbm>>, %arg3: memref<160000xi32, #tpu.memory_space<hbm>>, %arg4: memref<160000xi32, #tpu.memory_space<hbm>>, %arg5: memref<3x16xf32, #tpu.memory_space<hbm>>, %arg6: memref<16xf32, #tpu.memory_space<hbm>>, %arg7: memref<16x512xf32, #tpu.memory_space<hbm>>, %arg8: memref<512xf32, #tpu.memory_space<hbm>>, %arg9: memref<40000x128xf32, #tpu.memory_space<hbm>>, %arg10: memref<128x1024xf32, #tpu.memory_space<hbm>>, %arg11: memref<128x64xf32, #tpu.memory_space<hbm>>, %arg12: memref<128x64xf32, #tpu.memory_space<hbm>>, %arg13: memref<1x64xf32, #tpu.memory_space<hbm>>, %arg14: memref<2x1248xi32, #tpu.memory_space<vmem>>, %arg15: memref<2x1248x16xf32, #tpu.memory_space<vmem>>, %arg16: memref<!tpu.dma_semaphore, #tpu.memory_space<semaphore_mem>>, %arg17: memref<!tpu.dma_semaphore, #tpu.memory_space<semaphore_mem>>, %arg18: memref<!tpu.dma_semaphore, #tpu.memory_space<semaphore_mem>>, %arg19: memref<!tpu.dma_semaphore, #tpu.memory_space<semaphore_mem>>, %arg20: memref<16x512xf32, #tpu.memory_space<vmem>>, %arg21: memref<512xf32, #tpu.memory_space<vmem>>, %arg22: memref<32x256xf32, #tpu.memory_space<vmem>>, %arg23: memref<32x16xf32, #tpu.memory_space<vmem>>, %arg24: memref<32x256xf32, #tpu.memory_space<vmem>>, %arg25: memref<32x16xf32, #tpu.memory_space<vmem>>, %arg26: memref<3x16xf32, #tpu.memory_space<vmem>>, %arg27: memref<16xf32, #tpu.memory_space<vmem>>, %arg28: memref<128x64xf32, #tpu.memory_space<vmem>>, %arg29: memref<1x64xf32, #tpu.memory_space<vmem>>, %arg30: memref<!tpu.dma_semaphore, #tpu.memory_space<semaphore_mem>>) attributes {dimension_semantics = [#tpu.dimension_semantics<core_parallel>, #tpu.dimension_semantics<subcore_parallel>], iteration_bounds = array<i64: 2, 16>, scalar_prefetch = 0 : i64, scratch_operands = 17 : i64, tpu.core_type = #tpu.core_type<sc_vector_subcore>, window_params = [{transform_indices = #map}, {transform_indices = #map1}, {transform_indices = #map1}, {transform_indices = #map}, {transform_indices = #map1}, {transform_indices = #map}, {transform_indices = #map1}, {transform_indices = #map}, {transform_indices = #map}, {transform_indices = #map}, {transform_indices = #map}, {transform_indices = #map}]} {
    %mul3A = arith.constant 2 : i32
    %mul3A_0 = arith.muli %arg1, %mul3A : i32
    %add3A = arith.addi %mul3A_0, %arg0 : i32
    %mul3A_1 = arith.constant 1248 : i32
    %mul3A_2 = arith.muli %add3A, %mul3A_1 : i32
    %iota3A = tpu.iota {dimensions = array<i32: 0>} : vector<16xi32>
    %eq3A = arith.constant 0 : i32
    %eq3A_3 = arith.cmpi eq, %add3A, %eq3A : i32
    %convert_element_type3A = arith.extui %eq3A_3 : i1 to i32
    %cond3A = arith.constant 0 : i32
    %cond3A_4 = arith.cmpi ne, %convert_element_type3A, %cond3A : i32
    scf.if %cond3A_4 {
      "tpu.region"() ({
        %run_scoped3A = tpu.sem_alloc : memref<!tpu.dma_semaphore, #tpu.memory_space<semaphore_mem>>
        tpu.enqueue_dma source(%arg7 : memref<16x512xf32, #tpu.memory_space<hbm>>) target(%arg20 : memref<16x512xf32, #tpu.memory_space<vmem>>) target_semaphore(%run_scoped3A : memref<!tpu.dma_semaphore, #tpu.memory_space<semaphore_mem>>)
        tpu.wait_dma2 semaphore(%run_scoped3A : memref<!tpu.dma_semaphore, #tpu.memory_space<semaphore_mem>>) src(%arg7 : memref<16x512xf32, #tpu.memory_space<hbm>>) dst(%arg20 : memref<16x512xf32, #tpu.memory_space<vmem>>)
        tpu.yield
      }) : () -> ()
      "tpu.region"() ({
        %run_scoped3A = tpu.sem_alloc : memref<!tpu.dma_semaphore, #tpu.memory_space<semaphore_mem>>
        tpu.enqueue_dma source(%arg8 : memref<512xf32, #tpu.memory_space<hbm>>) target(%arg21 : memref<512xf32, #tpu.memory_space<vmem>>) target_semaphore(%run_scoped3A : memref<!tpu.dma_semaphore, #tpu.memory_space<semaphore_mem>>)
        tpu.wait_dma2 semaphore(%run_scoped3A : memref<!tpu.dma_semaphore, #tpu.memory_space<semaphore_mem>>) src(%arg8 : memref<512xf32, #tpu.memory_space<hbm>>) dst(%arg21 : memref<512xf32, #tpu.memory_space<vmem>>)
        tpu.yield
      }) : () -> ()
      "tpu.region"() ({
        %run_scoped3A = tpu.sem_alloc : memref<!tpu.dma_semaphore, #tpu.memory_space<semaphore_mem>>
        tpu.enqueue_dma source(%arg5 : memref<3x16xf32, #tpu.memory_space<hbm>>) target(%arg26 : memref<3x16xf32, #tpu.memory_space<vmem>>) target_semaphore(%run_scoped3A : memref<!tpu.dma_semaphore, #tpu.memory_space<semaphore_mem>>)
        tpu.wait_dma2 semaphore(%run_scoped3A : memref<!tpu.dma_semaphore, #tpu.memory_space<semaphore_mem>>) src(%arg5 : memref<3x16xf32, #tpu.memory_space<hbm>>) dst(%arg26 : memref<3x16xf32, #tpu.memory_space<vmem>>)
        tpu.yield
      }) : () -> ()
      "tpu.region"() ({
        %run_scoped3A = tpu.sem_alloc : memref<!tpu.dma_semaphore, #tpu.memory_space<semaphore_mem>>
        tpu.enqueue_dma source(%arg6 : memref<16xf32, #tpu.memory_space<hbm>>) target(%arg27 : memref<16xf32, #tpu.memory_space<vmem>>) target_semaphore(%run_scoped3A : memref<!tpu.dma_semaphore, #tpu.memory_space<semaphore_mem>>)
        tpu.wait_dma2 semaphore(%run_scoped3A : memref<!tpu.dma_semaphore, #tpu.memory_space<semaphore_mem>>) src(%arg6 : memref<16xf32, #tpu.memory_space<hbm>>) dst(%arg27 : memref<16xf32, #tpu.memory_space<vmem>>)
        tpu.yield
      }) : () -> ()
      %scan3A = arith.constant 0 : i32
      %scan3A_567 = arith.constant 0 : i32
      %scan3A_568 = arith.constant 512 : i32
      %scan3A_569 = arith.addi %scan3A_567, %scan3A_568 : i32
      %scan3A_570 = arith.constant 1 : i32
      scf.for %scan3A_714 = %scan3A_567 to %scan3A_569 step %scan3A_570  : i32 {
        %jit3A = arith.constant 16 : i32
        %div3A = arith.divsi %scan3A_714, %jit3A : i32
        %sign3A = arith.constant 0 : i32
        %sign3A_715 = arith.cmpi sgt, %scan3A_714, %sign3A : i32
        %sign3A_716 = arith.extui %sign3A_715 : i1 to i32
        %sign3A_717 = arith.constant 0 : i32
        %sign3A_718 = arith.cmpi slt, %scan3A_714, %sign3A_717 : i32
        %sign3A_719 = arith.extui %sign3A_718 : i1 to i32
        %sign3A_720 = arith.subi %sign3A_716, %sign3A_719 : i32
        %sign3A_721 = arith.constant 0 : i32
        %sign3A_722 = arith.cmpi sgt, %jit3A, %sign3A_721 : i32
        %sign3A_723 = arith.extui %sign3A_722 : i1 to i32
        %sign3A_724 = arith.constant 0 : i32
        %sign3A_725 = arith.cmpi slt, %jit3A, %sign3A_724 : i32
        %sign3A_726 = arith.extui %sign3A_725 : i1 to i32
        %sign3A_727 = arith.subi %sign3A_723, %sign3A_726 : i32
        %ne3A = arith.cmpi ne, %sign3A_720, %sign3A_727 : i32
        %rem3A = arith.remsi %scan3A_714, %jit3A : i32
        %ne3A_728 = arith.constant 0 : i32
        %ne3A_729 = arith.cmpi ne, %rem3A, %ne3A_728 : i32
        %and3A = arith.andi %ne3A, %ne3A_729 : i1
        %sub3A = arith.constant 1 : i32
        %sub3A_730 = arith.subi %div3A, %sub3A : i32
        %select_n3A = arith.select %and3A, %sub3A_730, %div3A : i32
        %jit3A_731 = arith.constant 16 : i32
        %eq3A_732 = arith.constant 0 : i32
        %eq3A_733 = arith.cmpi eq, %jit3A_731, %eq3A_732 : i32
        %jit3A_734 = arith.constant 1 : i32
        %select_n3A_735 = arith.select %eq3A_733, %jit3A_734, %jit3A_731 : i32
        %rem3A_736 = arith.remsi %scan3A_714, %select_n3A_735 : i32
        %ne3A_737 = arith.constant 0 : i32
        %ne3A_738 = arith.cmpi ne, %rem3A_736, %ne3A_737 : i32
        %lt3A_739 = arith.constant 0 : i32
        %lt3A_740 = arith.cmpi slt, %rem3A_736, %lt3A_739 : i32
        %lt3A_741 = arith.constant 0 : i32
        %lt3A_742 = arith.cmpi slt, %select_n3A_735, %lt3A_741 : i32
        %ne3A_743 = arith.xori %lt3A_740, %lt3A_742 : i1
        %and3A_744 = arith.andi %ne3A_743, %ne3A_738 : i1
        %add3A_745 = arith.addi %rem3A_736, %select_n3A_735 : i32
        %select_n3A_746 = arith.select %and3A_744, %add3A_745, %rem3A_736 : i32
        %broadcast_in_dim3A = vector.broadcast %select_n3A_746 : i32 to vector<16xi32>
        %mul3A_747 = arith.constant 32 : i32
        %mul3A_748 = vector.broadcast %mul3A_747 : i32 to vector<16xi32>
        %mul3A_749 = arith.muli %iota3A, %mul3A_748 : vector<16xi32>
        %add3A_750 = vector.broadcast %select_n3A : i32 to vector<16xi32>
        %add3A_751 = arith.addi %mul3A_749, %add3A_750 : vector<16xi32>
        %gather3A = tpu.vector_load_idx %arg20[%broadcast_in_dim3A, %add3A_751] : memref<16x512xf32, #tpu.memory_space<vmem>>[vector<16xi32>, vector<16xi32>], vector<16xf32>,
        %broadcast_in_dim3A_752 = vector.broadcast %select_n3A : i32 to vector<16xi32>
        %mul3A_753 = arith.constant 16 : i32
        %mul3A_754 = arith.muli %select_n3A_746, %mul3A_753 : i32
        %add3A_755 = vector.broadcast %mul3A_754 : i32 to vector<16xi32>
        %add3A_756 = arith.addi %iota3A, %add3A_755 : vector<16xi32>
        tpu.vector_store_idx %arg22[%broadcast_in_dim3A_752, %add3A_756], %gather3A : memref<32x256xf32, #tpu.memory_space<vmem>>[vector<16xi32>, vector<16xi32>], vector<16xf32>,
      }
      %scan3A_571 = arith.constant 512 : i32
      %scan3A_572 = arith.constant 0 : i32
      %scan3A_573 = arith.constant 0 : i32
      %scan3A_574 = arith.constant 32 : i32
      %scan3A_575 = arith.addi %scan3A_573, %scan3A_574 : i32
      %scan3A_576 = arith.constant 1 : i32
      scf.for %scan3A_714 = %scan3A_573 to %scan3A_575 step %scan3A_576  : i32 {
        %mul3A_715 = arith.constant 32 : i32
        %mul3A_716 = vector.broadcast %mul3A_715 : i32 to vector<16xi32>
        %mul3A_717 = arith.muli %iota3A, %mul3A_716 : vector<16xi32>
        %add3A_718 = vector.broadcast %scan3A_714 : i32 to vector<16xi32>
        %add3A_719 = arith.addi %mul3A_717, %add3A_718 : vector<16xi32>
        %gather3A = tpu.vector_load_idx %arg21[%add3A_719] : memref<512xf32, #tpu.memory_space<vmem>>[vector<16xi32>], vector<16xf32>,
        %broadcast_in_dim3A = vector.broadcast %scan3A_714 : i32 to vector<16xi32>
        tpu.vector_store_idx %arg23[%broadcast_in_dim3A, %iota3A], %gather3A : memref<32x16xf32, #tpu.memory_space<vmem>>[vector<16xi32>, vector<16xi32>], vector<16xf32>,
      }
      %scan3A_577 = arith.constant 32 : i32
      %scan3A_578 = arith.constant 0 : i32
      %scan3A_579 = arith.constant 0 : i32
      %scan3A_580 = arith.constant 512 : i32
      %scan3A_581 = arith.addi %scan3A_579, %scan3A_580 : i32
      %scan3A_582 = arith.constant 1 : i32
      scf.for %scan3A_714 = %scan3A_579 to %scan3A_581 step %scan3A_582  : i32 {
        %jit3A = arith.constant 16 : i32
        %div3A = arith.divsi %scan3A_714, %jit3A : i32
        %sign3A = arith.constant 0 : i32
        %sign3A_715 = arith.cmpi sgt, %scan3A_714, %sign3A : i32
        %sign3A_716 = arith.extui %sign3A_715 : i1 to i32
        %sign3A_717 = arith.constant 0 : i32
        %sign3A_718 = arith.cmpi slt, %scan3A_714, %sign3A_717 : i32
        %sign3A_719 = arith.extui %sign3A_718 : i1 to i32
        %sign3A_720 = arith.subi %sign3A_716, %sign3A_719 : i32
        %sign3A_721 = arith.constant 0 : i32
        %sign3A_722 = arith.cmpi sgt, %jit3A, %sign3A_721 : i32
        %sign3A_723 = arith.extui %sign3A_722 : i1 to i32
        %sign3A_724 = arith.constant 0 : i32
        %sign3A_725 = arith.cmpi slt, %jit3A, %sign3A_724 : i32
        %sign3A_726 = arith.extui %sign3A_725 : i1 to i32
        %sign3A_727 = arith.subi %sign3A_723, %sign3A_726 : i32
        %ne3A = arith.cmpi ne, %sign3A_720, %sign3A_727 : i32
        %rem3A = arith.remsi %scan3A_714, %jit3A : i32
        %ne3A_728 = arith.constant 0 : i32
        %ne3A_729 = arith.cmpi ne, %rem3A, %ne3A_728 : i32
        %and3A = arith.andi %ne3A, %ne3A_729 : i1
        %sub3A = arith.constant 1 : i32
        %sub3A_730 = arith.subi %div3A, %sub3A : i32
        %select_n3A = arith.select %and3A, %sub3A_730, %div3A : i32
        %broadcast_in_dim3A = arith.constant 0.000000e+00 : f32
        %broadcast_in_dim3A_731 = vector.broadcast %broadcast_in_dim3A : f32 to vector<16xf32>
        %jit3A_732 = arith.constant 16 : i32
        %eq3A_733 = arith.constant 0 : i32
        %eq3A_734 = arith.cmpi eq, %jit3A_732, %eq3A_733 : i32
        %jit3A_735 = arith.constant 1 : i32
        %select_n3A_736 = arith.select %eq3A_734, %jit3A_735, %jit3A_732 : i32
        %rem3A_737 = arith.remsi %scan3A_714, %select_n3A_736 : i32
        %ne3A_738 = arith.constant 0 : i32
        %ne3A_739 = arith.cmpi ne, %rem3A_737, %ne3A_738 : i32
        %lt3A_740 = arith.constant 0 : i32
        %lt3A_741 = arith.cmpi slt, %rem3A_737, %lt3A_740 : i32
        %lt3A_742 = arith.constant 0 : i32
        %lt3A_743 = arith.cmpi slt, %select_n3A_736, %lt3A_742 : i32
        %ne3A_744 = arith.xori %lt3A_741, %lt3A_743 : i1
        %and3A_745 = arith.andi %ne3A_744, %ne3A_739 : i1
        %add3A_746 = arith.addi %rem3A_737, %select_n3A_736 : i32
        %select_n3A_747 = arith.select %and3A_745, %add3A_746, %rem3A_737 : i32
        %mul3A_748 = arith.constant 16 : i32
        %mul3A_749 = arith.muli %select_n3A_747, %mul3A_748 : i32
        %swap3A_750 = arith.index_cast %select_n3A : i32 to index
        %swap3A_751 = arith.index_cast %mul3A_749 : i32 to index
        %swap3A_752 = tpu.vector_load %arg24[%swap3A_750, %swap3A_751] {strides = array<i32>} : memref<32x256xf32, #tpu.memory_space<vmem>>, vector<16xf32>,
        tpu.vector_store %arg24[%swap3A_750, %swap3A_751], %broadcast_in_dim3A_731 {strides = array<i32>} : memref<32x256xf32, #tpu.memory_space<vmem>>, vector<16xf32>,
      }
      %scan3A_583 = arith.constant 512 : i32
      %scan3A_584 = arith.constant 0 : i32
      %scan3A_585 = arith.constant 0 : i32
      %scan3A_586 = arith.constant 32 : i32
      %scan3A_587 = arith.addi %scan3A_585, %scan3A_586 : i32
      %scan3A_588 = arith.constant 1 : i32
      scf.for %scan3A_714 = %scan3A_585 to %scan3A_587 step %scan3A_588  : i32 {
        %broadcast_in_dim3A = arith.constant 0.000000e+00 : f32
        %broadcast_in_dim3A_715 = vector.broadcast %broadcast_in_dim3A : f32 to vector<16xf32>
        %swap3A_716 = arith.index_cast %scan3A_714 : i32 to index
        %swap3A_717 = arith.constant 0 : index
        %swap3A_718 = tpu.vector_load %arg25[%swap3A_716, %swap3A_717] {strides = array<i32>} : memref<32x16xf32, #tpu.memory_space<vmem>>, vector<16xf32>,
        tpu.vector_store %arg25[%swap3A_716, %swap3A_717], %broadcast_in_dim3A_715 {strides = array<i32>} : memref<32x16xf32, #tpu.memory_space<vmem>>, vector<16xf32>,
      }
      %scan3A_589 = arith.constant 32 : i32
      %scan3A_590 = arith.constant 0 : i32
      %scan3A_591 = arith.constant 0 : i32
      %scan3A_592 = arith.constant 512 : i32
      %scan3A_593 = arith.addi %scan3A_591, %scan3A_592 : i32
      %scan3A_594 = arith.constant 1 : i32
      scf.for %scan3A_714 = %scan3A_591 to %scan3A_593 step %scan3A_594  : i32 {
        %jit3A = arith.constant 4 : i32
        %div3A = arith.divsi %scan3A_714, %jit3A : i32
        %sign3A = arith.constant 0 : i32
        %sign3A_715 = arith.cmpi sgt, %scan3A_714, %sign3A : i32
        %sign3A_716 = arith.extui %sign3A_715 : i1 to i32
        %sign3A_717 = arith.constant 0 : i32
        %sign3A_718 = arith.cmpi slt, %scan3A_714, %sign3A_717 : i32
        %sign3A_719 = arith.extui %sign3A_718 : i1 to i32
        %sign3A_720 = arith.subi %sign3A_716, %sign3A_719 : i32
        %sign3A_721 = arith.constant 0 : i32
        %sign3A_722 = arith.cmpi sgt, %jit3A, %sign3A_721 : i32
        %sign3A_723 = arith.extui %sign3A_722 : i1 to i32
        %sign3A_724 = arith.constant 0 : i32
        %sign3A_725 = arith.cmpi slt, %jit3A, %sign3A_724 : i32
        %sign3A_726 = arith.extui %sign3A_725 : i1 to i32
        %sign3A_727 = arith.subi %sign3A_723, %sign3A_726 : i32
        %ne3A = arith.cmpi ne, %sign3A_720, %sign3A_727 : i32
        %rem3A = arith.remsi %scan3A_714, %jit3A : i32
        %ne3A_728 = arith.constant 0 : i32
        %ne3A_729 = arith.cmpi ne, %rem3A, %ne3A_728 : i32
        %and3A = arith.andi %ne3A, %ne3A_729 : i1
        %sub3A = arith.constant 1 : i32
        %sub3A_730 = arith.subi %div3A, %sub3A : i32
        %select_n3A = arith.select %and3A, %sub3A_730, %div3A : i32
        %broadcast_in_dim3A = arith.constant 0.000000e+00 : f32
        %broadcast_in_dim3A_731 = vector.broadcast %broadcast_in_dim3A : f32 to vector<16xf32>
        %jit3A_732 = arith.constant 4 : i32
        %eq3A_733 = arith.constant 0 : i32
        %eq3A_734 = arith.cmpi eq, %jit3A_732, %eq3A_733 : i32
        %jit3A_735 = arith.constant 1 : i32
        %select_n3A_736 = arith.select %eq3A_734, %jit3A_735, %jit3A_732 : i32
        %rem3A_737 = arith.remsi %scan3A_714, %select_n3A_736 : i32
        %ne3A_738 = arith.constant 0 : i32
        %ne3A_739 = arith.cmpi ne, %rem3A_737, %ne3A_738 : i32
        %lt3A_740 = arith.constant 0 : i32
        %lt3A_741 = arith.cmpi slt, %rem3A_737, %lt3A_740 : i32
        %lt3A_742 = arith.constant 0 : i32
        %lt3A_743 = arith.cmpi slt, %select_n3A_736, %lt3A_742 : i32
        %ne3A_744 = arith.xori %lt3A_741, %lt3A_743 : i1
        %and3A_745 = arith.andi %ne3A_744, %ne3A_739 : i1
        %add3A_746 = arith.addi %rem3A_737, %select_n3A_736 : i32
        %select_n3A_747 = arith.select %and3A_745, %add3A_746, %rem3A_737 : i32
        %mul3A_748 = arith.constant 16 : i32
        %mul3A_749 = arith.muli %select_n3A_747, %mul3A_748 : i32
        %swap3A_750 = arith.index_cast %select_n3A : i32 to index
        %swap3A_751 = arith.index_cast %mul3A_749 : i32 to index
        %swap3A_752 = tpu.vector_load %arg28[%swap3A_750, %swap3A_751] {strides = array<i32>} : memref<128x64xf32, #tpu.memory_space<vmem>>, vector<16xf32>,
        tpu.vector_store %arg28[%swap3A_750, %swap3A_751], %broadcast_in_dim3A_731 {strides = array<i32>} : memref<128x64xf32, #tpu.memory_space<vmem>>, vector<16xf32>,
      }
      %scan3A_595 = arith.constant 512 : i32
      %get3A = arith.constant 0 : i32
      %get3A_596 = arith.index_cast %get3A : i32 to index
      %get3A_597 = arith.constant 0 : index
      %get3A_598 = tpu.vector_load %arg26[%get3A_596, %get3A_597] {strides = array<i32>} : memref<3x16xf32, #tpu.memory_space<vmem>>, vector<16xf32>,
      %swap3A = arith.constant 0 : i32
      %swap3A_599 = arith.index_cast %swap3A : i32 to index
      %swap3A_600 = arith.constant 0 : index
      %swap3A_601 = tpu.vector_load %arg28[%swap3A_599, %swap3A_600] {strides = array<i32>} : memref<128x64xf32, #tpu.memory_space<vmem>>, vector<16xf32>,
      tpu.vector_store %arg28[%swap3A_599, %swap3A_600], %get3A_598 {strides = array<i32>} : memref<128x64xf32, #tpu.memory_space<vmem>>, vector<16xf32>,
      %get3A_602 = arith.constant 1 : i32
      %get3A_603 = arith.index_cast %get3A_602 : i32 to index
      %get3A_604 = arith.constant 0 : index
      %get3A_605 = tpu.vector_load %arg26[%get3A_603, %get3A_604] {strides = array<i32>} : memref<3x16xf32, #tpu.memory_space<vmem>>, vector<16xf32>,
      %swap3A_606 = arith.constant 1 : i32
      %swap3A_607 = arith.index_cast %swap3A_606 : i32 to index
      %swap3A_608 = arith.constant 0 : index
      %swap3A_609 = tpu.vector_load %arg28[%swap3A_607, %swap3A_608] {strides = array<i32>} : memref<128x64xf32, #tpu.memory_space<vmem>>, vector<16xf32>,
      tpu.vector_store %arg28[%swap3A_607, %swap3A_608], %get3A_605 {strides = array<i32>} : memref<128x64xf32, #tpu.memory_space<vmem>>, vector<16xf32>,
      %get3A_610 = arith.constant 2 : i32
      %get3A_611 = arith.index_cast %get3A_610 : i32 to index
      %get3A_612 = arith.constant 0 : index
      %get3A_613 = tpu.vector_load %arg26[%get3A_611, %get3A_612] {strides = array<i32>} : memref<3x16xf32, #tpu.memory_space<vmem>>, vector<16xf32>,
      %swap3A_614 = arith.constant 2 : i32
      %swap3A_615 = arith.index_cast %swap3A_614 : i32 to index
      %swap3A_616 = arith.constant 0 : index
      %swap3A_617 = tpu.vector_load %arg28[%swap3A_615, %swap3A_616] {strides = array<i32>} : memref<128x64xf32, #tpu.memory_space<vmem>>, vector<16xf32>,
      tpu.vector_store %arg28[%swap3A_615, %swap3A_616], %get3A_613 {strides = array<i32>} : memref<128x64xf32, #tpu.memory_space<vmem>>, vector<16xf32>,
      %get3A_618 = arith.constant 0 : index
      %get3A_619 = tpu.vector_load %arg27[%get3A_618] {strides = array<i32>} : memref<16xf32, #tpu.memory_space<vmem>>, vector<16xf32>,
      %swap3A_620 = arith.constant 0 : i32
      %swap3A_621 = arith.index_cast %swap3A_620 : i32 to index
      %swap3A_622 = arith.constant 0 : index
      %swap3A_623 = tpu.vector_load %arg29[%swap3A_621, %swap3A_622] {strides = array<i32>} : memref<1x64xf32, #tpu.memory_space<vmem>>, vector<16xf32>,
      tpu.vector_store %arg29[%swap3A_621, %swap3A_622], %get3A_619 {strides = array<i32>} : memref<1x64xf32, #tpu.memory_space<vmem>>, vector<16xf32>,
      %get3A_624 = arith.constant 0 : i32
      %get3A_625 = arith.index_cast %get3A_624 : i32 to index
      %get3A_626 = arith.constant 0 : index
      %get3A_627 = tpu.vector_load %arg26[%get3A_625, %get3A_626] {strides = array<i32>} : memref<3x16xf32, #tpu.memory_space<vmem>>, vector<16xf32>,
      %swap3A_628 = arith.constant 32 : i32
      %swap3A_629 = arith.index_cast %swap3A_628 : i32 to index
      %swap3A_630 = arith.constant 16 : index
      %swap3A_631 = tpu.vector_load %arg28[%swap3A_629, %swap3A_630] {strides = array<i32>} : memref<128x64xf32, #tpu.memory_space<vmem>>, vector<16xf32>,
      tpu.vector_store %arg28[%swap3A_629, %swap3A_630], %get3A_627 {strides = array<i32>} : memref<128x64xf32, #tpu.memory_space<vmem>>, vector<16xf32>,
      %get3A_632 = arith.constant 1 : i32
      %get3A_633 = arith.index_cast %get3A_632 : i32 to index
      %get3A_634 = arith.constant 0 : index
      %get3A_635 = tpu.vector_load %arg26[%get3A_633, %get3A_634] {strides = array<i32>} : memref<3x16xf32, #tpu.memory_space<vmem>>, vector<16xf32>,
      %swap3A_636 = arith.constant 33 : i32
      %swap3A_637 = arith.index_cast %swap3A_636 : i32 to index
      %swap3A_638 = arith.constant 16 : index
      %swap3A_639 = tpu.vector_load %arg28[%swap3A_637, %swap3A_638] {strides = array<i32>} : memref<128x64xf32, #tpu.memory_space<vmem>>, vector<16xf32>,
      tpu.vector_store %arg28[%swap3A_637, %swap3A_638], %get3A_635 {strides = array<i32>} : memref<128x64xf32, #tpu.memory_space<vmem>>, vector<16xf32>,
      %get3A_640 = arith.constant 2 : i32
      %get3A_641 = arith.index_cast %get3A_640 : i32 to index
      %get3A_642 = arith.constant 0 : index
      %get3A_643 = tpu.vector_load %arg26[%get3A_641, %get3A_642] {strides = array<i32>} : memref<3x16xf32, #tpu.memory_space<vmem>>, vector<16xf32>,
      %swap3A_644 = arith.constant 34 : i32
      %swap3A_645 = arith.index_cast %swap3A_644 : i32 to index
      %swap3A_646 = arith.constant 16 : index
      %swap3A_647 = tpu.vector_load %arg28[%swap3A_645, %swap3A_646] {strides = array<i32>} : memref<128x64xf32, #tpu.memory_space<vmem>>, vector<16xf32>,
      tpu.vector_store %arg28[%swap3A_645, %swap3A_646], %get3A_643 {strides = array<i32>} : memref<128x64xf32, #tpu.memory_space<vmem>>, vector<16xf32>,
      %get3A_648 = arith.constant 0 : index
      %get3A_649 = tpu.vector_load %arg27[%get3A_648] {strides = array<i32>} : memref<16xf32, #tpu.memory_space<vmem>>, vector<16xf32>,
      %swap3A_650 = arith.constant 0 : i32
      %swap3A_651 = arith.index_cast %swap3A_650 : i32 to index
      %swap3A_652 = arith.constant 16 : index
      %swap3A_653 = tpu.vector_load %arg29[%swap3A_651, %swap3A_652] {strides = array<i32>} : memref<1x64xf32, #tpu.memory_space<vmem>>, vector<16xf32>,
      tpu.vector_store %arg29[%swap3A_651, %swap3A_652], %get3A_649 {strides = array<i32>} : memref<1x64xf32, #tpu.memory_space<vmem>>, vector<16xf32>,
      %get3A_654 = arith.constant 0 : i32
      %get3A_655 = arith.index_cast %get3A_654 : i32 to index
      %get3A_656 = arith.constant 0 : index
      %get3A_657 = tpu.vector_load %arg26[%get3A_655, %get3A_656] {strides = array<i32>} : memref<3x16xf32, #tpu.memory_space<vmem>>, vector<16xf32>,
      %swap3A_658 = arith.constant 64 : i32
      %swap3A_659 = arith.index_cast %swap3A_658 : i32 to index
      %swap3A_660 = arith.constant 32 : index
      %swap3A_661 = tpu.vector_load %arg28[%swap3A_659, %swap3A_660] {strides = array<i32>} : memref<128x64xf32, #tpu.memory_space<vmem>>, vector<16xf32>,
      tpu.vector_store %arg28[%swap3A_659, %swap3A_660], %get3A_657 {strides = array<i32>} : memref<128x64xf32, #tpu.memory_space<vmem>>, vector<16xf32>,
      %get3A_662 = arith.constant 1 : i32
      %get3A_663 = arith.index_cast %get3A_662 : i32 to index
      %get3A_664 = arith.constant 0 : index
      %get3A_665 = tpu.vector_load %arg26[%get3A_663, %get3A_664] {strides = array<i32>} : memref<3x16xf32, #tpu.memory_space<vmem>>, vector<16xf32>,
      %swap3A_666 = arith.constant 65 : i32
      %swap3A_667 = arith.index_cast %swap3A_666 : i32 to index
      %swap3A_668 = arith.constant 32 : index
      %swap3A_669 = tpu.vector_load %arg28[%swap3A_667, %swap3A_668] {strides = array<i32>} : memref<128x64xf32, #tpu.memory_space<vmem>>, vector<16xf32>,
      tpu.vector_store %arg28[%swap3A_667, %swap3A_668], %get3A_665 {strides = array<i32>} : memref<128x64xf32, #tpu.memory_space<vmem>>, vector<16xf32>,
      %get3A_670 = arith.constant 2 : i32
      %get3A_671 = arith.index_cast %get3A_670 : i32 to index
      %get3A_672 = arith.constant 0 : index
      %get3A_673 = tpu.vector_load %arg26[%get3A_671, %get3A_672] {strides = array<i32>} : memref<3x16xf32, #tpu.memory_space<vmem>>, vector<16xf32>,
      %swap3A_674 = arith.constant 66 : i32
      %swap3A_675 = arith.index_cast %swap3A_674 : i32 to index
      %swap3A_676 = arith.constant 32 : index
      %swap3A_677 = tpu.vector_load %arg28[%swap3A_675, %swap3A_676] {strides = array<i32>} : memref<128x64xf32, #tpu.memory_space<vmem>>, vector<16xf32>,
      tpu.vector_store %arg28[%swap3A_675, %swap3A_676], %get3A_673 {strides = array<i32>} : memref<128x64xf32, #tpu.memory_space<vmem>>, vector<16xf32>,
      %get3A_678 = arith.constant 0 : index
      %get3A_679 = tpu.vector_load %arg27[%get3A_678] {strides = array<i32>} : memref<16xf32, #tpu.memory_space<vmem>>, vector<16xf32>,
      %swap3A_680 = arith.constant 0 : i32
      %swap3A_681 = arith.index_cast %swap3A_680 : i32 to index
      %swap3A_682 = arith.constant 32 : index
      %swap3A_683 = tpu.vector_load %arg29[%swap3A_681, %swap3A_682] {strides = array<i32>} : memref<1x64xf32, #tpu.memory_space<vmem>>, vector<16xf32>,
      tpu.vector_store %arg29[%swap3A_681, %swap3A_682], %get3A_679 {strides = array<i32>} : memref<1x64xf32, #tpu.memory_space<vmem>>, vector<16xf32>,
      %get3A_684 = arith.constant 0 : i32
      %get3A_685 = arith.index_cast %get3A_684 : i32 to index
      %get3A_686 = arith.constant 0 : index
      %get3A_687 = tpu.vector_load %arg26[%get3A_685, %get3A_686] {strides = array<i32>} : memref<3x16xf32, #tpu.memory_space<vmem>>, vector<16xf32>,
      %swap3A_688 = arith.constant 96 : i32
      %swap3A_689 = arith.index_cast %swap3A_688 : i32 to index
      %swap3A_690 = arith.constant 48 : index
      %swap3A_691 = tpu.vector_load %arg28[%swap3A_689, %swap3A_690] {strides = array<i32>} : memref<128x64xf32, #tpu.memory_space<vmem>>, vector<16xf32>,
      tpu.vector_store %arg28[%swap3A_689, %swap3A_690], %get3A_687 {strides = array<i32>} : memref<128x64xf32, #tpu.memory_space<vmem>>, vector<16xf32>,
      %get3A_692 = arith.constant 1 : i32
      %get3A_693 = arith.index_cast %get3A_692 : i32 to index
      %get3A_694 = arith.constant 0 : index
      %get3A_695 = tpu.vector_load %arg26[%get3A_693, %get3A_694] {strides = array<i32>} : memref<3x16xf32, #tpu.memory_space<vmem>>, vector<16xf32>,
      %swap3A_696 = arith.constant 97 : i32
      %swap3A_697 = arith.index_cast %swap3A_696 : i32 to index
      %swap3A_698 = arith.constant 48 : index
      %swap3A_699 = tpu.vector_load %arg28[%swap3A_697, %swap3A_698] {strides = array<i32>} : memref<128x64xf32, #tpu.memory_space<vmem>>, vector<16xf32>,
      tpu.vector_store %arg28[%swap3A_697, %swap3A_698], %get3A_695 {strides = array<i32>} : memref<128x64xf32, #tpu.memory_space<vmem>>, vector<16xf32>,
      %get3A_700 = arith.constant 2 : i32
      %get3A_701 = arith.index_cast %get3A_700 : i32 to index
      %get3A_702 = arith.constant 0 : index
      %get3A_703 = tpu.vector_load %arg26[%get3A_701, %get3A_702] {strides = array<i32>} : memref<3x16xf32, #tpu.memory_space<vmem>>, vector<16xf32>,
      %swap3A_704 = arith.constant 98 : i32
      %swap3A_705 = arith.index_cast %swap3A_704 : i32 to index
      %swap3A_706 = arith.constant 48 : index
      %swap3A_707 = tpu.vector_load %arg28[%swap3A_705, %swap3A_706] {strides = array<i32>} : memref<128x64xf32, #tpu.memory_space<vmem>>, vector<16xf32>,
      tpu.vector_store %arg28[%swap3A_705, %swap3A_706], %get3A_703 {strides = array<i32>} : memref<128x64xf32, #tpu.memory_space<vmem>>, vector<16xf32>,
      %get3A_708 = arith.constant 0 : index
      %get3A_709 = tpu.vector_load %arg27[%get3A_708] {strides = array<i32>} : memref<16xf32, #tpu.memory_space<vmem>>, vector<16xf32>,
      %swap3A_710 = arith.constant 0 : i32
      %swap3A_711 = arith.index_cast %swap3A_710 : i32 to index
      %swap3A_712 = arith.constant 48 : index
      %swap3A_713 = tpu.vector_load %arg29[%swap3A_711, %swap3A_712] {strides = array<i32>} : memref<1x64xf32, #tpu.memory_space<vmem>>, vector<16xf32>,
      tpu.vector_store %arg29[%swap3A_711, %swap3A_712], %get3A_709 {strides = array<i32>} : memref<1x64xf32, #tpu.memory_space<vmem>>, vector<16xf32>,
      "tpu.region"() ({
        %run_scoped3A = tpu.sem_alloc : memref<!tpu.dma_semaphore, #tpu.memory_space<semaphore_mem>>
        %dma_start3A_714 = arith.constant 0 : i32
        %dma_start3A_715 = arith.constant 0 : i32
        %dma_start3A_716 = tpu.memref_slice %arg10[%dma_start3A_714, %dma_start3A_715] : memref<128x1024xf32, #tpu.memory_space<hbm>> -> memref<32x256xf32, #tpu.memory_space<hbm>>
        %dma_start3A_717 = arith.constant 0 : i32
        %dma_start3A_718 = arith.constant 0 : i32
        %dma_start3A_719 = tpu.memref_slice %arg10[%dma_start3A_717, %dma_start3A_718] : memref<128x1024xf32, #tpu.memory_space<hbm>> -> memref<32x256xf32, #tpu.memory_space<hbm>>
        tpu.enqueue_dma source(%arg22 : memref<32x256xf32, #tpu.memory_space<vmem>>) target(%dma_start3A_719 : memref<32x256xf32, #tpu.memory_space<hbm>>) target_semaphore(%run_scoped3A : memref<!tpu.dma_semaphore, #tpu.memory_space<semaphore_mem>>)
        %dma_wait3A_720 = arith.constant 0 : i32
        %dma_wait3A_721 = arith.constant 0 : i32
        %dma_wait3A_722 = tpu.memref_slice %arg10[%dma_wait3A_720, %dma_wait3A_721] : memref<128x1024xf32, #tpu.memory_space<hbm>> -> memref<32x256xf32, #tpu.memory_space<hbm>>
        %dma_wait3A_723 = arith.constant 0 : i32
        %dma_wait3A_724 = arith.constant 0 : i32
        %dma_wait3A_725 = tpu.memref_slice %arg10[%dma_wait3A_723, %dma_wait3A_724] : memref<128x1024xf32, #tpu.memory_space<hbm>> -> memref<32x256xf32, #tpu.memory_space<hbm>>
        tpu.wait_dma2 semaphore(%run_scoped3A : memref<!tpu.dma_semaphore, #tpu.memory_space<semaphore_mem>>) src(%arg22 : memref<32x256xf32, #tpu.memory_space<vmem>>) dst(%dma_wait3A_725 : memref<32x256xf32, #tpu.memory_space<hbm>>)
        tpu.yield
      }) : () -> ()
      "tpu.region"() ({
        %run_scoped3A = tpu.sem_alloc : memref<!tpu.dma_semaphore, #tpu.memory_space<semaphore_mem>>
        %dma_start3A_714 = arith.constant 0 : i32
        %dma_start3A_715 = arith.constant 0 : i32
        %dma_start3A_716 = tpu.memref_slice %arg11[%dma_start3A_714, %dma_start3A_715] : memref<128x64xf32, #tpu.memory_space<hbm>> -> memref<32x16xf32, #tpu.memory_space<hbm>>
        %dma_start3A_717 = arith.constant 0 : i32
        %dma_start3A_718 = arith.constant 0 : i32
        %dma_start3A_719 = tpu.memref_slice %arg11[%dma_start3A_717, %dma_start3A_718] : memref<128x64xf32, #tpu.memory_space<hbm>> -> memref<32x16xf32, #tpu.memory_space<hbm>>
        tpu.enqueue_dma source(%arg23 : memref<32x16xf32, #tpu.memory_space<vmem>>) target(%dma_start3A_719 : memref<32x16xf32, #tpu.memory_space<hbm>>) target_semaphore(%run_scoped3A : memref<!tpu.dma_semaphore, #tpu.memory_space<semaphore_mem>>)
        %dma_wait3A_720 = arith.constant 0 : i32
        %dma_wait3A_721 = arith.constant 0 : i32
        %dma_wait3A_722 = tpu.memref_slice %arg11[%dma_wait3A_720, %dma_wait3A_721] : memref<128x64xf32, #tpu.memory_space<hbm>> -> memref<32x16xf32, #tpu.memory_space<hbm>>
        %dma_wait3A_723 = arith.constant 0 : i32
        %dma_wait3A_724 = arith.constant 0 : i32
        %dma_wait3A_725 = tpu.memref_slice %arg11[%dma_wait3A_723, %dma_wait3A_724] : memref<128x64xf32, #tpu.memory_space<hbm>> -> memref<32x16xf32, #tpu.memory_space<hbm>>
        tpu.wait_dma2 semaphore(%run_scoped3A : memref<!tpu.dma_semaphore, #tpu.memory_space<semaphore_mem>>) src(%arg23 : memref<32x16xf32, #tpu.memory_space<vmem>>) dst(%dma_wait3A_725 : memref<32x16xf32, #tpu.memory_space<hbm>>)
        tpu.yield
      }) : () -> ()
      "tpu.region"() ({
        %run_scoped3A = tpu.sem_alloc : memref<!tpu.dma_semaphore, #tpu.memory_space<semaphore_mem>>
        %dma_start3A_714 = arith.constant 0 : i32
        %dma_start3A_715 = arith.constant 256 : i32
        %dma_start3A_716 = tpu.memref_slice %arg10[%dma_start3A_714, %dma_start3A_715] : memref<128x1024xf32, #tpu.memory_space<hbm>> -> memref<32x256xf32, #tpu.memory_space<hbm>>
        %dma_start3A_717 = arith.constant 0 : i32
        %dma_start3A_718 = arith.constant 256 : i32
        %dma_start3A_719 = tpu.memref_slice %arg10[%dma_start3A_717, %dma_start3A_718] : memref<128x1024xf32, #tpu.memory_space<hbm>> -> memref<32x256xf32, #tpu.memory_space<hbm>>
        tpu.enqueue_dma source(%arg24 : memref<32x256xf32, #tpu.memory_space<vmem>>) target(%dma_start3A_719 : memref<32x256xf32, #tpu.memory_space<hbm>>) target_semaphore(%run_scoped3A : memref<!tpu.dma_semaphore, #tpu.memory_space<semaphore_mem>>)
        %dma_wait3A_720 = arith.constant 0 : i32
        %dma_wait3A_721 = arith.constant 256 : i32
        %dma_wait3A_722 = tpu.memref_slice %arg10[%dma_wait3A_720, %dma_wait3A_721] : memref<128x1024xf32, #tpu.memory_space<hbm>> -> memref<32x256xf32, #tpu.memory_space<hbm>>
        %dma_wait3A_723 = arith.constant 0 : i32
        %dma_wait3A_724 = arith.constant 256 : i32
        %dma_wait3A_725 = tpu.memref_slice %arg10[%dma_wait3A_723, %dma_wait3A_724] : memref<128x1024xf32, #tpu.memory_space<hbm>> -> memref<32x256xf32, #tpu.memory_space<hbm>>
        tpu.wait_dma2 semaphore(%run_scoped3A : memref<!tpu.dma_semaphore, #tpu.memory_space<semaphore_mem>>) src(%arg24 : memref<32x256xf32, #tpu.memory_space<vmem>>) dst(%dma_wait3A_725 : memref<32x256xf32, #tpu.memory_space<hbm>>)
        tpu.yield
      }) : () -> ()
      "tpu.region"() ({
        %run_scoped3A = tpu.sem_alloc : memref<!tpu.dma_semaphore, #tpu.memory_space<semaphore_mem>>
        %dma_start3A_714 = arith.constant 0 : i32
        %dma_start3A_715 = arith.constant 16 : i32
        %dma_start3A_716 = tpu.memref_slice %arg11[%dma_start3A_714, %dma_start3A_715] : memref<128x64xf32, #tpu.memory_space<hbm>> -> memref<32x16xf32, #tpu.memory_space<hbm>>
        %dma_start3A_717 = arith.constant 0 : i32
        %dma_start3A_718 = arith.constant 16 : i32
        %dma_start3A_719 = tpu.memref_slice %arg11[%dma_start3A_717, %dma_start3A_718] : memref<128x64xf32, #tpu.memory_space<hbm>> -> memref<32x16xf32, #tpu.memory_space<hbm>>
        tpu.enqueue_dma source(%arg25 : memref<32x16xf32, #tpu.memory_space<vmem>>) target(%dma_start3A_719 : memref<32x16xf32, #tpu.memory_space<hbm>>) target_semaphore(%run_scoped3A : memref<!tpu.dma_semaphore, #tpu.memory_space<semaphore_mem>>)
        %dma_wait3A_720 = arith.constant 0 : i32
        %dma_wait3A_721 = arith.constant 16 : i32
        %dma_wait3A_722 = tpu.memref_slice %arg11[%dma_wait3A_720, %dma_wait3A_721] : memref<128x64xf32, #tpu.memory_space<hbm>> -> memref<32x16xf32, #tpu.memory_space<hbm>>
        %dma_wait3A_723 = arith.constant 0 : i32
        %dma_wait3A_724 = arith.constant 16 : i32
        %dma_wait3A_725 = tpu.memref_slice %arg11[%dma_wait3A_723, %dma_wait3A_724] : memref<128x64xf32, #tpu.memory_space<hbm>> -> memref<32x16xf32, #tpu.memory_space<hbm>>
        tpu.wait_dma2 semaphore(%run_scoped3A : memref<!tpu.dma_semaphore, #tpu.memory_space<semaphore_mem>>) src(%arg25 : memref<32x16xf32, #tpu.memory_space<vmem>>) dst(%dma_wait3A_725 : memref<32x16xf32, #tpu.memory_space<hbm>>)
        tpu.yield
      }) : () -> ()
      "tpu.region"() ({
        %run_scoped3A = tpu.sem_alloc : memref<!tpu.dma_semaphore, #tpu.memory_space<semaphore_mem>>
        %dma_start3A_714 = arith.constant 0 : i32
        %dma_start3A_715 = arith.constant 512 : i32
        %dma_start3A_716 = tpu.memref_slice %arg10[%dma_start3A_714, %dma_start3A_715] : memref<128x1024xf32, #tpu.memory_space<hbm>> -> memref<32x256xf32, #tpu.memory_space<hbm>>
        %dma_start3A_717 = arith.constant 0 : i32
        %dma_start3A_718 = arith.constant 512 : i32
        %dma_start3A_719 = tpu.memref_slice %arg10[%dma_start3A_717, %dma_start3A_718] : memref<128x1024xf32, #tpu.memory_space<hbm>> -> memref<32x256xf32, #tpu.memory_space<hbm>>
        tpu.enqueue_dma source(%arg24 : memref<32x256xf32, #tpu.memory_space<vmem>>) target(%dma_start3A_719 : memref<32x256xf32, #tpu.memory_space<hbm>>) target_semaphore(%run_scoped3A : memref<!tpu.dma_semaphore, #tpu.memory_space<semaphore_mem>>)
        %dma_wait3A_720 = arith.constant 0 : i32
        %dma_wait3A_721 = arith.constant 512 : i32
        %dma_wait3A_722 = tpu.memref_slice %arg10[%dma_wait3A_720, %dma_wait3A_721] : memref<128x1024xf32, #tpu.memory_space<hbm>> -> memref<32x256xf32, #tpu.memory_space<hbm>>
        %dma_wait3A_723 = arith.constant 0 : i32
        %dma_wait3A_724 = arith.constant 512 : i32
        %dma_wait3A_725 = tpu.memref_slice %arg10[%dma_wait3A_723, %dma_wait3A_724] : memref<128x1024xf32, #tpu.memory_space<hbm>> -> memref<32x256xf32, #tpu.memory_space<hbm>>
        tpu.wait_dma2 semaphore(%run_scoped3A : memref<!tpu.dma_semaphore, #tpu.memory_space<semaphore_mem>>) src(%arg24 : memref<32x256xf32, #tpu.memory_space<vmem>>) dst(%dma_wait3A_725 : memref<32x256xf32, #tpu.memory_space<hbm>>)
        tpu.yield
      }) : () -> ()
      "tpu.region"() ({
        %run_scoped3A = tpu.sem_alloc : memref<!tpu.dma_semaphore, #tpu.memory_space<semaphore_mem>>
        %dma_start3A_714 = arith.constant 0 : i32
        %dma_start3A_715 = arith.constant 32 : i32
        %dma_start3A_716 = tpu.memref_slice %arg11[%dma_start3A_714, %dma_start3A_715] : memref<128x64xf32, #tpu.memory_space<hbm>> -> memref<32x16xf32, #tpu.memory_space<hbm>>
        %dma_start3A_717 = arith.constant 0 : i32
        %dma_start3A_718 = arith.constant 32 : i32
        %dma_start3A_719 = tpu.memref_slice %arg11[%dma_start3A_717, %dma_start3A_718] : memref<128x64xf32, #tpu.memory_space<hbm>> -> memref<32x16xf32, #tpu.memory_space<hbm>>
        tpu.enqueue_dma source(%arg25 : memref<32x16xf32, #tpu.memory_space<vmem>>) target(%dma_start3A_719 : memref<32x16xf32, #tpu.memory_space<hbm>>) target_semaphore(%run_scoped3A : memref<!tpu.dma_semaphore, #tpu.memory_space<semaphore_mem>>)
        %dma_wait3A_720 = arith.constant 0 : i32
        %dma_wait3A_721 = arith.constant 32 : i32
        %dma_wait3A_722 = tpu.memref_slice %arg11[%dma_wait3A_720, %dma_wait3A_721] : memref<128x64xf32, #tpu.memory_space<hbm>> -> memref<32x16xf32, #tpu.memory_space<hbm>>
        %dma_wait3A_723 = arith.constant 0 : i32
        %dma_wait3A_724 = arith.constant 32 : i32
        %dma_wait3A_725 = tpu.memref_slice %arg11[%dma_wait3A_723, %dma_wait3A_724] : memref<128x64xf32, #tpu.memory_space<hbm>> -> memref<32x16xf32, #tpu.memory_space<hbm>>
        tpu.wait_dma2 semaphore(%run_scoped3A : memref<!tpu.dma_semaphore, #tpu.memory_space<semaphore_mem>>) src(%arg25 : memref<32x16xf32, #tpu.memory_space<vmem>>) dst(%dma_wait3A_725 : memref<32x16xf32, #tpu.memory_space<hbm>>)
        tpu.yield
      }) : () -> ()
      "tpu.region"() ({
        %run_scoped3A = tpu.sem_alloc : memref<!tpu.dma_semaphore, #tpu.memory_space<semaphore_mem>>
        %dma_start3A_714 = arith.constant 0 : i32
        %dma_start3A_715 = arith.constant 768 : i32
        %dma_start3A_716 = tpu.memref_slice %arg10[%dma_start3A_714, %dma_start3A_715] : memref<128x1024xf32, #tpu.memory_space<hbm>> -> memref<32x256xf32, #tpu.memory_space<hbm>>
        %dma_start3A_717 = arith.constant 0 : i32
        %dma_start3A_718 = arith.constant 768 : i32
        %dma_start3A_719 = tpu.memref_slice %arg10[%dma_start3A_717, %dma_start3A_718] : memref<128x1024xf32, #tpu.memory_space<hbm>> -> memref<32x256xf32, #tpu.memory_space<hbm>>
        tpu.enqueue_dma source(%arg24 : memref<32x256xf32, #tpu.memory_space<vmem>>) target(%dma_start3A_719 : memref<32x256xf32, #tpu.memory_space<hbm>>) target_semaphore(%run_scoped3A : memref<!tpu.dma_semaphore, #tpu.memory_space<semaphore_mem>>)
        %dma_wait3A_720 = arith.constant 0 : i32
        %dma_wait3A_721 = arith.constant 768 : i32
        %dma_wait3A_722 = tpu.memref_slice %arg10[%dma_wait3A_720, %dma_wait3A_721] : memref<128x1024xf32, #tpu.memory_space<hbm>> -> memref<32x256xf32, #tpu.memory_space<hbm>>
        %dma_wait3A_723 = arith.constant 0 : i32
        %dma_wait3A_724 = arith.constant 768 : i32
        %dma_wait3A_725 = tpu.memref_slice %arg10[%dma_wait3A_723, %dma_wait3A_724] : memref<128x1024xf32, #tpu.memory_space<hbm>> -> memref<32x256xf32, #tpu.memory_space<hbm>>
        tpu.wait_dma2 semaphore(%run_scoped3A : memref<!tpu.dma_semaphore, #tpu.memory_space<semaphore_mem>>) src(%arg24 : memref<32x256xf32, #tpu.memory_space<vmem>>) dst(%dma_wait3A_725 : memref<32x256xf32, #tpu.memory_space<hbm>>)
        tpu.yield
      }) : () -> ()
      "tpu.region"() ({
        %run_scoped3A = tpu.sem_alloc : memref<!tpu.dma_semaphore, #tpu.memory_space<semaphore_mem>>
        %dma_start3A_714 = arith.constant 0 : i32
        %dma_start3A_715 = arith.constant 48 : i32
        %dma_start3A_716 = tpu.memref_slice %arg11[%dma_start3A_714, %dma_start3A_715] : memref<128x64xf32, #tpu.memory_space<hbm>> -> memref<32x16xf32, #tpu.memory_space<hbm>>
        %dma_start3A_717 = arith.constant 0 : i32
        %dma_start3A_718 = arith.constant 48 : i32
        %dma_start3A_719 = tpu.memref_slice %arg11[%dma_start3A_717, %dma_start3A_718] : memref<128x64xf32, #tpu.memory_space<hbm>> -> memref<32x16xf32, #tpu.memory_space<hbm>>
        tpu.enqueue_dma source(%arg25 : memref<32x16xf32, #tpu.memory_space<vmem>>) target(%dma_start3A_719 : memref<32x16xf32, #tpu.memory_space<hbm>>) target_semaphore(%run_scoped3A : memref<!tpu.dma_semaphore, #tpu.memory_space<semaphore_mem>>)
        %dma_wait3A_720 = arith.constant 0 : i32
        %dma_wait3A_721 = arith.constant 48 : i32
        %dma_wait3A_722 = tpu.memref_slice %arg11[%dma_wait3A_720, %dma_wait3A_721] : memref<128x64xf32, #tpu.memory_space<hbm>> -> memref<32x16xf32, #tpu.memory_space<hbm>>
        %dma_wait3A_723 = arith.constant 0 : i32
        %dma_wait3A_724 = arith.constant 48 : i32
        %dma_wait3A_725 = tpu.memref_slice %arg11[%dma_wait3A_723, %dma_wait3A_724] : memref<128x64xf32, #tpu.memory_space<hbm>> -> memref<32x16xf32, #tpu.memory_space<hbm>>
        tpu.wait_dma2 semaphore(%run_scoped3A : memref<!tpu.dma_semaphore, #tpu.memory_space<semaphore_mem>>) src(%arg25 : memref<32x16xf32, #tpu.memory_space<vmem>>) dst(%dma_wait3A_725 : memref<32x16xf32, #tpu.memory_space<hbm>>)
        tpu.yield
      }) : () -> ()
      "tpu.region"() ({
        %run_scoped3A = tpu.sem_alloc : memref<!tpu.dma_semaphore, #tpu.memory_space<semaphore_mem>>
        %dma_start3A_714 = arith.constant 32 : i32
        %dma_start3A_715 = arith.constant 0 : i32
        %dma_start3A_716 = tpu.memref_slice %arg10[%dma_start3A_714, %dma_start3A_715] : memref<128x1024xf32, #tpu.memory_space<hbm>> -> memref<32x256xf32, #tpu.memory_space<hbm>>
        %dma_start3A_717 = arith.constant 32 : i32
        %dma_start3A_718 = arith.constant 0 : i32
        %dma_start3A_719 = tpu.memref_slice %arg10[%dma_start3A_717, %dma_start3A_718] : memref<128x1024xf32, #tpu.memory_space<hbm>> -> memref<32x256xf32, #tpu.memory_space<hbm>>
        tpu.enqueue_dma source(%arg24 : memref<32x256xf32, #tpu.memory_space<vmem>>) target(%dma_start3A_719 : memref<32x256xf32, #tpu.memory_space<hbm>>) target_semaphore(%run_scoped3A : memref<!tpu.dma_semaphore, #tpu.memory_space<semaphore_mem>>)
        %dma_wait3A_720 = arith.constant 32 : i32
        %dma_wait3A_721 = arith.constant 0 : i32
        %dma_wait3A_722 = tpu.memref_slice %arg10[%dma_wait3A_720, %dma_wait3A_721] : memref<128x1024xf32, #tpu.memory_space<hbm>> -> memref<32x256xf32, #tpu.memory_space<hbm>>
        %dma_wait3A_723 = arith.constant 32 : i32
        %dma_wait3A_724 = arith.constant 0 : i32
        %dma_wait3A_725 = tpu.memref_slice %arg10[%dma_wait3A_723, %dma_wait3A_724] : memref<128x1024xf32, #tpu.memory_space<hbm>> -> memref<32x256xf32, #tpu.memory_space<hbm>>
        tpu.wait_dma2 semaphore(%run_scoped3A : memref<!tpu.dma_semaphore, #tpu.memory_space<semaphore_mem>>) src(%arg24 : memref<32x256xf32, #tpu.memory_space<vmem>>) dst(%dma_wait3A_725 : memref<32x256xf32, #tpu.memory_space<hbm>>)
        tpu.yield
      }) : () -> ()
      "tpu.region"() ({
        %run_scoped3A = tpu.sem_alloc : memref<!tpu.dma_semaphore, #tpu.memory_space<semaphore_mem>>
        %dma_start3A_714 = arith.constant 32 : i32
        %dma_start3A_715 = arith.constant 0 : i32
        %dma_start3A_716 = tpu.memref_slice %arg11[%dma_start3A_714, %dma_start3A_715] : memref<128x64xf32, #tpu.memory_space<hbm>> -> memref<32x16xf32, #tpu.memory_space<hbm>>
        %dma_start3A_717 = arith.constant 32 : i32
        %dma_start3A_718 = arith.constant 0 : i32
        %dma_start3A_719 = tpu.memref_slice %arg11[%dma_start3A_717, %dma_start3A_718] : memref<128x64xf32, #tpu.memory_space<hbm>> -> memref<32x16xf32, #tpu.memory_space<hbm>>
        tpu.enqueue_dma source(%arg25 : memref<32x16xf32, #tpu.memory_space<vmem>>) target(%dma_start3A_719 : memref<32x16xf32, #tpu.memory_space<hbm>>) target_semaphore(%run_scoped3A : memref<!tpu.dma_semaphore, #tpu.memory_space<semaphore_mem>>)
        %dma_wait3A_720 = arith.constant 32 : i32
        %dma_wait3A_721 = arith.constant 0 : i32
        %dma_wait3A_722 = tpu.memref_slice %arg11[%dma_wait3A_720, %dma_wait3A_721] : memref<128x64xf32, #tpu.memory_space<hbm>> -> memref<32x16xf32, #tpu.memory_space<hbm>>
        %dma_wait3A_723 = arith.constant 32 : i32
        %dma_wait3A_724 = arith.constant 0 : i32
        %dma_wait3A_725 = tpu.memref_slice %arg11[%dma_wait3A_723, %dma_wait3A_724] : memref<128x64xf32, #tpu.memory_space<hbm>> -> memref<32x16xf32, #tpu.memory_space<hbm>>
        tpu.wait_dma2 semaphore(%run_scoped3A : memref<!tpu.dma_semaphore, #tpu.memory_space<semaphore_mem>>) src(%arg25 : memref<32x16xf32, #tpu.memory_space<vmem>>) dst(%dma_wait3A_725 : memref<32x16xf32, #tpu.memory_space<hbm>>)
        tpu.yield
      }) : () -> ()
      "tpu.region"() ({
        %run_scoped3A = tpu.sem_alloc : memref<!tpu.dma_semaphore, #tpu.memory_space<semaphore_mem>>
        %dma_start3A_714 = arith.constant 32 : i32
        %dma_start3A_715 = arith.constant 256 : i32
        %dma_start3A_716 = tpu.memref_slice %arg10[%dma_start3A_714, %dma_start3A_715] : memref<128x1024xf32, #tpu.memory_space<hbm>> -> memref<32x256xf32, #tpu.memory_space<hbm>>
        %dma_start3A_717 = arith.constant 32 : i32
        %dma_start3A_718 = arith.constant 256 : i32
        %dma_start3A_719 = tpu.memref_slice %arg10[%dma_start3A_717, %dma_start3A_718] : memref<128x1024xf32, #tpu.memory_space<hbm>> -> memref<32x256xf32, #tpu.memory_space<hbm>>
        tpu.enqueue_dma source(%arg22 : memref<32x256xf32, #tpu.memory_space<vmem>>) target(%dma_start3A_719 : memref<32x256xf32, #tpu.memory_space<hbm>>) target_semaphore(%run_scoped3A : memref<!tpu.dma_semaphore, #tpu.memory_space<semaphore_mem>>)
        %dma_wait3A_720 = arith.constant 32 : i32
        %dma_wait3A_721 = arith.constant 256 : i32
        %dma_wait3A_722 = tpu.memref_slice %arg10[%dma_wait3A_720, %dma_wait3A_721] : memref<128x1024xf32, #tpu.memory_space<hbm>> -> memref<32x256xf32, #tpu.memory_space<hbm>>
        %dma_wait3A_723 = arith.constant 32 : i32
        %dma_wait3A_724 = arith.constant 256 : i32
        %dma_wait3A_725 = tpu.memref_slice %arg10[%dma_wait3A_723, %dma_wait3A_724] : memref<128x1024xf32, #tpu.memory_space<hbm>> -> memref<32x256xf32, #tpu.memory_space<hbm>>
        tpu.wait_dma2 semaphore(%run_scoped3A : memref<!tpu.dma_semaphore, #tpu.memory_space<semaphore_mem>>) src(%arg22 : memref<32x256xf32, #tpu.memory_space<vmem>>) dst(%dma_wait3A_725 : memref<32x256xf32, #tpu.memory_space<hbm>>)
        tpu.yield
      }) : () -> ()
      "tpu.region"() ({
        %run_scoped3A = tpu.sem_alloc : memref<!tpu.dma_semaphore, #tpu.memory_space<semaphore_mem>>
        %dma_start3A_714 = arith.constant 32 : i32
        %dma_start3A_715 = arith.constant 16 : i32
        %dma_start3A_716 = tpu.memref_slice %arg11[%dma_start3A_714, %dma_start3A_715] : memref<128x64xf32, #tpu.memory_space<hbm>> -> memref<32x16xf32, #tpu.memory_space<hbm>>
        %dma_start3A_717 = arith.constant 32 : i32
        %dma_start3A_718 = arith.constant 16 : i32
        %dma_start3A_719 = tpu.memref_slice %arg11[%dma_start3A_717, %dma_start3A_718] : memref<128x64xf32, #tpu.memory_space<hbm>> -> memref<32x16xf32, #tpu.memory_space<hbm>>
        tpu.enqueue_dma source(%arg23 : memref<32x16xf32, #tpu.memory_space<vmem>>) target(%dma_start3A_719 : memref<32x16xf32, #tpu.memory_space<hbm>>) target_semaphore(%run_scoped3A : memref<!tpu.dma_semaphore, #tpu.memory_space<semaphore_mem>>)
        %dma_wait3A_720 = arith.constant 32 : i32
        %dma_wait3A_721 = arith.constant 16 : i32
        %dma_wait3A_722 = tpu.memref_slice %arg11[%dma_wait3A_720, %dma_wait3A_721] : memref<128x64xf32, #tpu.memory_space<hbm>> -> memref<32x16xf32, #tpu.memory_space<hbm>>
        %dma_wait3A_723 = arith.constant 32 : i32
        %dma_wait3A_724 = arith.constant 16 : i32
        %dma_wait3A_725 = tpu.memref_slice %arg11[%dma_wait3A_723, %dma_wait3A_724] : memref<128x64xf32, #tpu.memory_space<hbm>> -> memref<32x16xf32, #tpu.memory_space<hbm>>
        tpu.wait_dma2 semaphore(%run_scoped3A : memref<!tpu.dma_semaphore, #tpu.memory_space<semaphore_mem>>) src(%arg23 : memref<32x16xf32, #tpu.memory_space<vmem>>) dst(%dma_wait3A_725 : memref<32x16xf32, #tpu.memory_space<hbm>>)
        tpu.yield
      }) : () -> ()
      "tpu.region"() ({
        %run_scoped3A = tpu.sem_alloc : memref<!tpu.dma_semaphore, #tpu.memory_space<semaphore_mem>>
        %dma_start3A_714 = arith.constant 32 : i32
        %dma_start3A_715 = arith.constant 512 : i32
        %dma_start3A_716 = tpu.memref_slice %arg10[%dma_start3A_714, %dma_start3A_715] : memref<128x1024xf32, #tpu.memory_space<hbm>> -> memref<32x256xf32, #tpu.memory_space<hbm>>
        %dma_start3A_717 = arith.constant 32 : i32
        %dma_start3A_718 = arith.constant 512 : i32
        %dma_start3A_719 = tpu.memref_slice %arg10[%dma_start3A_717, %dma_start3A_718] : memref<128x1024xf32, #tpu.memory_space<hbm>> -> memref<32x256xf32, #tpu.memory_space<hbm>>
        tpu.enqueue_dma source(%arg24 : memref<32x256xf32, #tpu.memory_space<vmem>>) target(%dma_start3A_719 : memref<32x256xf32, #tpu.memory_space<hbm>>) target_semaphore(%run_scoped3A : memref<!tpu.dma_semaphore, #tpu.memory_space<semaphore_mem>>)
        %dma_wait3A_720 = arith.constant 32 : i32
        %dma_wait3A_721 = arith.constant 512 : i32
        %dma_wait3A_722 = tpu.memref_slice %arg10[%dma_wait3A_720, %dma_wait3A_721] : memref<128x1024xf32, #tpu.memory_space<hbm>> -> memref<32x256xf32, #tpu.memory_space<hbm>>
        %dma_wait3A_723 = arith.constant 32 : i32
        %dma_wait3A_724 = arith.constant 512 : i32
        %dma_wait3A_725 = tpu.memref_slice %arg10[%dma_wait3A_723, %dma_wait3A_724] : memref<128x1024xf32, #tpu.memory_space<hbm>> -> memref<32x256xf32, #tpu.memory_space<hbm>>
        tpu.wait_dma2 semaphore(%run_scoped3A : memref<!tpu.dma_semaphore, #tpu.memory_space<semaphore_mem>>) src(%arg24 : memref<32x256xf32, #tpu.memory_space<vmem>>) dst(%dma_wait3A_725 : memref<32x256xf32, #tpu.memory_space<hbm>>)
        tpu.yield
      }) : () -> ()
      "tpu.region"() ({
        %run_scoped3A = tpu.sem_alloc : memref<!tpu.dma_semaphore, #tpu.memory_space<semaphore_mem>>
        %dma_start3A_714 = arith.constant 32 : i32
        %dma_start3A_715 = arith.constant 32 : i32
        %dma_start3A_716 = tpu.memref_slice %arg11[%dma_start3A_714, %dma_start3A_715] : memref<128x64xf32, #tpu.memory_space<hbm>> -> memref<32x16xf32, #tpu.memory_space<hbm>>
        %dma_start3A_717 = arith.constant 32 : i32
        %dma_start3A_718 = arith.constant 32 : i32
        %dma_start3A_719 = tpu.memref_slice %arg11[%dma_start3A_717, %dma_start3A_718] : memref<128x64xf32, #tpu.memory_space<hbm>> -> memref<32x16xf32, #tpu.memory_space<hbm>>
        tpu.enqueue_dma source(%arg25 : memref<32x16xf32, #tpu.memory_space<vmem>>) target(%dma_start3A_719 : memref<32x16xf32, #tpu.memory_space<hbm>>) target_semaphore(%run_scoped3A : memref<!tpu.dma_semaphore, #tpu.memory_space<semaphore_mem>>)
        %dma_wait3A_720 = arith.constant 32 : i32
        %dma_wait3A_721 = arith.constant 32 : i32
        %dma_wait3A_722 = tpu.memref_slice %arg11[%dma_wait3A_720, %dma_wait3A_721] : memref<128x64xf32, #tpu.memory_space<hbm>> -> memref<32x16xf32, #tpu.memory_space<hbm>>
        %dma_wait3A_723 = arith.constant 32 : i32
        %dma_wait3A_724 = arith.constant 32 : i32
        %dma_wait3A_725 = tpu.memref_slice %arg11[%dma_wait3A_723, %dma_wait3A_724] : memref<128x64xf32, #tpu.memory_space<hbm>> -> memref<32x16xf32, #tpu.memory_space<hbm>>
        tpu.wait_dma2 semaphore(%run_scoped3A : memref<!tpu.dma_semaphore, #tpu.memory_space<semaphore_mem>>) src(%arg25 : memref<32x16xf32, #tpu.memory_space<vmem>>) dst(%dma_wait3A_725 : memref<32x16xf32, #tpu.memory_space<hbm>>)
        tpu.yield
      }) : () -> ()
      "tpu.region"() ({
        %run_scoped3A = tpu.sem_alloc : memref<!tpu.dma_semaphore, #tpu.memory_space<semaphore_mem>>
        %dma_start3A_714 = arith.constant 32 : i32
        %dma_start3A_715 = arith.constant 768 : i32
        %dma_start3A_716 = tpu.memref_slice %arg10[%dma_start3A_714, %dma_start3A_715] : memref<128x1024xf32, #tpu.memory_space<hbm>> -> memref<32x256xf32, #tpu.memory_space<hbm>>
        %dma_start3A_717 = arith.constant 32 : i32
        %dma_start3A_718 = arith.constant 768 : i32
        %dma_start3A_719 = tpu.memref_slice %arg10[%dma_start3A_717, %dma_start3A_718] : memref<128x1024xf32, #tpu.memory_space<hbm>> -> memref<32x256xf32, #tpu.memory_space<hbm>>
        tpu.enqueue_dma source(%arg24 : memref<32x256xf32, #tpu.memory_space<vmem>>) target(%dma_start3A_719 : memref<32x256xf32, #tpu.memory_space<hbm>>) target_semaphore(%run_scoped3A : memref<!tpu.dma_semaphore, #tpu.memory_space<semaphore_mem>>)
        %dma_wait3A_720 = arith.constant 32 : i32
        %dma_wait3A_721 = arith.constant 768 : i32
        %dma_wait3A_722 = tpu.memref_slice %arg10[%dma_wait3A_720, %dma_wait3A_721] : memref<128x1024xf32, #tpu.memory_space<hbm>> -> memref<32x256xf32, #tpu.memory_space<hbm>>
        %dma_wait3A_723 = arith.constant 32 : i32
        %dma_wait3A_724 = arith.constant 768 : i32
        %dma_wait3A_725 = tpu.memref_slice %arg10[%dma_wait3A_723, %dma_wait3A_724] : memref<128x1024xf32, #tpu.memory_space<hbm>> -> memref<32x256xf32, #tpu.memory_space<hbm>>
        tpu.wait_dma2 semaphore(%run_scoped3A : memref<!tpu.dma_semaphore, #tpu.memory_space<semaphore_mem>>) src(%arg24 : memref<32x256xf32, #tpu.memory_space<vmem>>) dst(%dma_wait3A_725 : memref<32x256xf32, #tpu.memory_space<hbm>>)
        tpu.yield
      }) : () -> ()
      "tpu.region"() ({
        %run_scoped3A = tpu.sem_alloc : memref<!tpu.dma_semaphore, #tpu.memory_space<semaphore_mem>>
        %dma_start3A_714 = arith.constant 32 : i32
        %dma_start3A_715 = arith.constant 48 : i32
        %dma_start3A_716 = tpu.memref_slice %arg11[%dma_start3A_714, %dma_start3A_715] : memref<128x64xf32, #tpu.memory_space<hbm>> -> memref<32x16xf32, #tpu.memory_space<hbm>>
        %dma_start3A_717 = arith.constant 32 : i32
        %dma_start3A_718 = arith.constant 48 : i32
        %dma_start3A_719 = tpu.memref_slice %arg11[%dma_start3A_717, %dma_start3A_718] : memref<128x64xf32, #tpu.memory_space<hbm>> -> memref<32x16xf32, #tpu.memory_space<hbm>>
        tpu.enqueue_dma source(%arg25 : memref<32x16xf32, #tpu.memory_space<vmem>>) target(%dma_start3A_719 : memref<32x16xf32, #tpu.memory_space<hbm>>) target_semaphore(%run_scoped3A : memref<!tpu.dma_semaphore, #tpu.memory_space<semaphore_mem>>)
        %dma_wait3A_720 = arith.constant 32 : i32
        %dma_wait3A_721 = arith.constant 48 : i32
        %dma_wait3A_722 = tpu.memref_slice %arg11[%dma_wait3A_720, %dma_wait3A_721] : memref<128x64xf32, #tpu.memory_space<hbm>> -> memref<32x16xf32, #tpu.memory_space<hbm>>
        %dma_wait3A_723 = arith.constant 32 : i32
        %dma_wait3A_724 = arith.constant 48 : i32
        %dma_wait3A_725 = tpu.memref_slice %arg11[%dma_wait3A_723, %dma_wait3A_724] : memref<128x64xf32, #tpu.memory_space<hbm>> -> memref<32x16xf32, #tpu.memory_space<hbm>>
        tpu.wait_dma2 semaphore(%run_scoped3A : memref<!tpu.dma_semaphore, #tpu.memory_space<semaphore_mem>>) src(%arg25 : memref<32x16xf32, #tpu.memory_space<vmem>>) dst(%dma_wait3A_725 : memref<32x16xf32, #tpu.memory_space<hbm>>)
        tpu.yield
      }) : () -> ()
      "tpu.region"() ({
        %run_scoped3A = tpu.sem_alloc : memref<!tpu.dma_semaphore, #tpu.memory_space<semaphore_mem>>
        %dma_start3A_714 = arith.constant 64 : i32
        %dma_start3A_715 = arith.constant 0 : i32
        %dma_start3A_716 = tpu.memref_slice %arg10[%dma_start3A_714, %dma_start3A_715] : memref<128x1024xf32, #tpu.memory_space<hbm>> -> memref<32x256xf32, #tpu.memory_space<hbm>>
        %dma_start3A_717 = arith.constant 64 : i32
        %dma_start3A_718 = arith.constant 0 : i32
        %dma_start3A_719 = tpu.memref_slice %arg10[%dma_start3A_717, %dma_start3A_718] : memref<128x1024xf32, #tpu.memory_space<hbm>> -> memref<32x256xf32, #tpu.memory_space<hbm>>
        tpu.enqueue_dma source(%arg24 : memref<32x256xf32, #tpu.memory_space<vmem>>) target(%dma_start3A_719 : memref<32x256xf32, #tpu.memory_space<hbm>>) target_semaphore(%run_scoped3A : memref<!tpu.dma_semaphore, #tpu.memory_space<semaphore_mem>>)
        %dma_wait3A_720 = arith.constant 64 : i32
        %dma_wait3A_721 = arith.constant 0 : i32
        %dma_wait3A_722 = tpu.memref_slice %arg10[%dma_wait3A_720, %dma_wait3A_721] : memref<128x1024xf32, #tpu.memory_space<hbm>> -> memref<32x256xf32, #tpu.memory_space<hbm>>
        %dma_wait3A_723 = arith.constant 64 : i32
        %dma_wait3A_724 = arith.constant 0 : i32
        %dma_wait3A_725 = tpu.memref_slice %arg10[%dma_wait3A_723, %dma_wait3A_724] : memref<128x1024xf32, #tpu.memory_space<hbm>> -> memref<32x256xf32, #tpu.memory_space<hbm>>
        tpu.wait_dma2 semaphore(%run_scoped3A : memref<!tpu.dma_semaphore, #tpu.memory_space<semaphore_mem>>) src(%arg24 : memref<32x256xf32, #tpu.memory_space<vmem>>) dst(%dma_wait3A_725 : memref<32x256xf32, #tpu.memory_space<hbm>>)
        tpu.yield
      }) : () -> ()
      "tpu.region"() ({
        %run_scoped3A = tpu.sem_alloc : memref<!tpu.dma_semaphore, #tpu.memory_space<semaphore_mem>>
        %dma_start3A_714 = arith.constant 64 : i32
        %dma_start3A_715 = arith.constant 0 : i32
        %dma_start3A_716 = tpu.memref_slice %arg11[%dma_start3A_714, %dma_start3A_715] : memref<128x64xf32, #tpu.memory_space<hbm>> -> memref<32x16xf32, #tpu.memory_space<hbm>>
        %dma_start3A_717 = arith.constant 64 : i32
        %dma_start3A_718 = arith.constant 0 : i32
        %dma_start3A_719 = tpu.memref_slice %arg11[%dma_start3A_717, %dma_start3A_718] : memref<128x64xf32, #tpu.memory_space<hbm>> -> memref<32x16xf32, #tpu.memory_space<hbm>>
        tpu.enqueue_dma source(%arg25 : memref<32x16xf32, #tpu.memory_space<vmem>>) target(%dma_start3A_719 : memref<32x16xf32, #tpu.memory_space<hbm>>) target_semaphore(%run_scoped3A : memref<!tpu.dma_semaphore, #tpu.memory_space<semaphore_mem>>)
        %dma_wait3A_720 = arith.constant 64 : i32
        %dma_wait3A_721 = arith.constant 0 : i32
        %dma_wait3A_722 = tpu.memref_slice %arg11[%dma_wait3A_720, %dma_wait3A_721] : memref<128x64xf32, #tpu.memory_space<hbm>> -> memref<32x16xf32, #tpu.memory_space<hbm>>
        %dma_wait3A_723 = arith.constant 64 : i32
        %dma_wait3A_724 = arith.constant 0 : i32
        %dma_wait3A_725 = tpu.memref_slice %arg11[%dma_wait3A_723, %dma_wait3A_724] : memref<128x64xf32, #tpu.memory_space<hbm>> -> memref<32x16xf32, #tpu.memory_space<hbm>>
        tpu.wait_dma2 semaphore(%run_scoped3A : memref<!tpu.dma_semaphore, #tpu.memory_space<semaphore_mem>>) src(%arg25 : memref<32x16xf32, #tpu.memory_space<vmem>>) dst(%dma_wait3A_725 : memref<32x16xf32, #tpu.memory_space<hbm>>)
        tpu.yield
      }) : () -> ()
      "tpu.region"() ({
        %run_scoped3A = tpu.sem_alloc : memref<!tpu.dma_semaphore, #tpu.memory_space<semaphore_mem>>
        %dma_start3A_714 = arith.constant 64 : i32
        %dma_start3A_715 = arith.constant 256 : i32
        %dma_start3A_716 = tpu.memref_slice %arg10[%dma_start3A_714, %dma_start3A_715] : memref<128x1024xf32, #tpu.memory_space<hbm>> -> memref<32x256xf32, #tpu.memory_space<hbm>>
        %dma_start3A_717 = arith.constant 64 : i32
        %dma_start3A_718 = arith.constant 256 : i32
        %dma_start3A_719 = tpu.memref_slice %arg10[%dma_start3A_717, %dma_start3A_718] : memref<128x1024xf32, #tpu.memory_space<hbm>> -> memref<32x256xf32, #tpu.memory_space<hbm>>
        tpu.enqueue_dma source(%arg24 : memref<32x256xf32, #tpu.memory_space<vmem>>) target(%dma_start3A_719 : memref<32x256xf32, #tpu.memory_space<hbm>>) target_semaphore(%run_scoped3A : memref<!tpu.dma_semaphore, #tpu.memory_space<semaphore_mem>>)
        %dma_wait3A_720 = arith.constant 64 : i32
        %dma_wait3A_721 = arith.constant 256 : i32
        %dma_wait3A_722 = tpu.memref_slice %arg10[%dma_wait3A_720, %dma_wait3A_721] : memref<128x1024xf32, #tpu.memory_space<hbm>> -> memref<32x256xf32, #tpu.memory_space<hbm>>
        %dma_wait3A_723 = arith.constant 64 : i32
        %dma_wait3A_724 = arith.constant 256 : i32
        %dma_wait3A_725 = tpu.memref_slice %arg10[%dma_wait3A_723, %dma_wait3A_724] : memref<128x1024xf32, #tpu.memory_space<hbm>> -> memref<32x256xf32, #tpu.memory_space<hbm>>
        tpu.wait_dma2 semaphore(%run_scoped3A : memref<!tpu.dma_semaphore, #tpu.memory_space<semaphore_mem>>) src(%arg24 : memref<32x256xf32, #tpu.memory_space<vmem>>) dst(%dma_wait3A_725 : memref<32x256xf32, #tpu.memory_space<hbm>>)
        tpu.yield
      }) : () -> ()
      "tpu.region"() ({
        %run_scoped3A = tpu.sem_alloc : memref<!tpu.dma_semaphore, #tpu.memory_space<semaphore_mem>>
        %dma_start3A_714 = arith.constant 64 : i32
        %dma_start3A_715 = arith.constant 16 : i32
        %dma_start3A_716 = tpu.memref_slice %arg11[%dma_start3A_714, %dma_start3A_715] : memref<128x64xf32, #tpu.memory_space<hbm>> -> memref<32x16xf32, #tpu.memory_space<hbm>>
        %dma_start3A_717 = arith.constant 64 : i32
        %dma_start3A_718 = arith.constant 16 : i32
        %dma_start3A_719 = tpu.memref_slice %arg11[%dma_start3A_717, %dma_start3A_718] : memref<128x64xf32, #tpu.memory_space<hbm>> -> memref<32x16xf32, #tpu.memory_space<hbm>>
        tpu.enqueue_dma source(%arg25 : memref<32x16xf32, #tpu.memory_space<vmem>>) target(%dma_start3A_719 : memref<32x16xf32, #tpu.memory_space<hbm>>) target_semaphore(%run_scoped3A : memref<!tpu.dma_semaphore, #tpu.memory_space<semaphore_mem>>)
        %dma_wait3A_720 = arith.constant 64 : i32
        %dma_wait3A_721 = arith.constant 16 : i32
        %dma_wait3A_722 = tpu.memref_slice %arg11[%dma_wait3A_720, %dma_wait3A_721] : memref<128x64xf32, #tpu.memory_space<hbm>> -> memref<32x16xf32, #tpu.memory_space<hbm>>
        %dma_wait3A_723 = arith.constant 64 : i32
        %dma_wait3A_724 = arith.constant 16 : i32
        %dma_wait3A_725 = tpu.memref_slice %arg11[%dma_wait3A_723, %dma_wait3A_724] : memref<128x64xf32, #tpu.memory_space<hbm>> -> memref<32x16xf32, #tpu.memory_space<hbm>>
        tpu.wait_dma2 semaphore(%run_scoped3A : memref<!tpu.dma_semaphore, #tpu.memory_space<semaphore_mem>>) src(%arg25 : memref<32x16xf32, #tpu.memory_space<vmem>>) dst(%dma_wait3A_725 : memref<32x16xf32, #tpu.memory_space<hbm>>)
        tpu.yield
      }) : () -> ()
      "tpu.region"() ({
        %run_scoped3A = tpu.sem_alloc : memref<!tpu.dma_semaphore, #tpu.memory_space<semaphore_mem>>
        %dma_start3A_714 = arith.constant 64 : i32
        %dma_start3A_715 = arith.constant 512 : i32
        %dma_start3A_716 = tpu.memref_slice %arg10[%dma_start3A_714, %dma_start3A_715] : memref<128x1024xf32, #tpu.memory_space<hbm>> -> memref<32x256xf32, #tpu.memory_space<hbm>>
        %dma_start3A_717 = arith.constant 64 : i32
        %dma_start3A_718 = arith.constant 512 : i32
        %dma_start3A_719 = tpu.memref_slice %arg10[%dma_start3A_717, %dma_start3A_718] : memref<128x1024xf32, #tpu.memory_space<hbm>> -> memref<32x256xf32, #tpu.memory_space<hbm>>
        tpu.enqueue_dma source(%arg22 : memref<32x256xf32, #tpu.memory_space<vmem>>) target(%dma_start3A_719 : memref<32x256xf32, #tpu.memory_space<hbm>>) target_semaphore(%run_scoped3A : memref<!tpu.dma_semaphore, #tpu.memory_space<semaphore_mem>>)
        %dma_wait3A_720 = arith.constant 64 : i32
        %dma_wait3A_721 = arith.constant 512 : i32
        %dma_wait3A_722 = tpu.memref_slice %arg10[%dma_wait3A_720, %dma_wait3A_721] : memref<128x1024xf32, #tpu.memory_space<hbm>> -> memref<32x256xf32, #tpu.memory_space<hbm>>
        %dma_wait3A_723 = arith.constant 64 : i32
        %dma_wait3A_724 = arith.constant 512 : i32
        %dma_wait3A_725 = tpu.memref_slice %arg10[%dma_wait3A_723, %dma_wait3A_724] : memref<128x1024xf32, #tpu.memory_space<hbm>> -> memref<32x256xf32, #tpu.memory_space<hbm>>
        tpu.wait_dma2 semaphore(%run_scoped3A : memref<!tpu.dma_semaphore, #tpu.memory_space<semaphore_mem>>) src(%arg22 : memref<32x256xf32, #tpu.memory_space<vmem>>) dst(%dma_wait3A_725 : memref<32x256xf32, #tpu.memory_space<hbm>>)
        tpu.yield
      }) : () -> ()
      "tpu.region"() ({
        %run_scoped3A = tpu.sem_alloc : memref<!tpu.dma_semaphore, #tpu.memory_space<semaphore_mem>>
        %dma_start3A_714 = arith.constant 64 : i32
        %dma_start3A_715 = arith.constant 32 : i32
        %dma_start3A_716 = tpu.memref_slice %arg11[%dma_start3A_714, %dma_start3A_715] : memref<128x64xf32, #tpu.memory_space<hbm>> -> memref<32x16xf32, #tpu.memory_space<hbm>>
        %dma_start3A_717 = arith.constant 64 : i32
        %dma_start3A_718 = arith.constant 32 : i32
        %dma_start3A_719 = tpu.memref_slice %arg11[%dma_start3A_717, %dma_start3A_718] : memref<128x64xf32, #tpu.memory_space<hbm>> -> memref<32x16xf32, #tpu.memory_space<hbm>>
        tpu.enqueue_dma source(%arg23 : memref<32x16xf32, #tpu.memory_space<vmem>>) target(%dma_start3A_719 : memref<32x16xf32, #tpu.memory_space<hbm>>) target_semaphore(%run_scoped3A : memref<!tpu.dma_semaphore, #tpu.memory_space<semaphore_mem>>)
        %dma_wait3A_720 = arith.constant 64 : i32
        %dma_wait3A_721 = arith.constant 32 : i32
        %dma_wait3A_722 = tpu.memref_slice %arg11[%dma_wait3A_720, %dma_wait3A_721] : memref<128x64xf32, #tpu.memory_space<hbm>> -> memref<32x16xf32, #tpu.memory_space<hbm>>
        %dma_wait3A_723 = arith.constant 64 : i32
        %dma_wait3A_724 = arith.constant 32 : i32
        %dma_wait3A_725 = tpu.memref_slice %arg11[%dma_wait3A_723, %dma_wait3A_724] : memref<128x64xf32, #tpu.memory_space<hbm>> -> memref<32x16xf32, #tpu.memory_space<hbm>>
        tpu.wait_dma2 semaphore(%run_scoped3A : memref<!tpu.dma_semaphore, #tpu.memory_space<semaphore_mem>>) src(%arg23 : memref<32x16xf32, #tpu.memory_space<vmem>>) dst(%dma_wait3A_725 : memref<32x16xf32, #tpu.memory_space<hbm>>)
        tpu.yield
      }) : () -> ()
      "tpu.region"() ({
        %run_scoped3A = tpu.sem_alloc : memref<!tpu.dma_semaphore, #tpu.memory_space<semaphore_mem>>
        %dma_start3A_714 = arith.constant 64 : i32
        %dma_start3A_715 = arith.constant 768 : i32
        %dma_start3A_716 = tpu.memref_slice %arg10[%dma_start3A_714, %dma_start3A_715] : memref<128x1024xf32, #tpu.memory_space<hbm>> -> memref<32x256xf32, #tpu.memory_space<hbm>>
        %dma_start3A_717 = arith.constant 64 : i32
        %dma_start3A_718 = arith.constant 768 : i32
        %dma_start3A_719 = tpu.memref_slice %arg10[%dma_start3A_717, %dma_start3A_718] : memref<128x1024xf32, #tpu.memory_space<hbm>> -> memref<32x256xf32, #tpu.memory_space<hbm>>
        tpu.enqueue_dma source(%arg24 : memref<32x256xf32, #tpu.memory_space<vmem>>) target(%dma_start3A_719 : memref<32x256xf32, #tpu.memory_space<hbm>>) target_semaphore(%run_scoped3A : memref<!tpu.dma_semaphore, #tpu.memory_space<semaphore_mem>>)
        %dma_wait3A_720 = arith.constant 64 : i32
        %dma_wait3A_721 = arith.constant 768 : i32
        %dma_wait3A_722 = tpu.memref_slice %arg10[%dma_wait3A_720, %dma_wait3A_721] : memref<128x1024xf32, #tpu.memory_space<hbm>> -> memref<32x256xf32, #tpu.memory_space<hbm>>
        %dma_wait3A_723 = arith.constant 64 : i32
        %dma_wait3A_724 = arith.constant 768 : i32
        %dma_wait3A_725 = tpu.memref_slice %arg10[%dma_wait3A_723, %dma_wait3A_724] : memref<128x1024xf32, #tpu.memory_space<hbm>> -> memref<32x256xf32, #tpu.memory_space<hbm>>
        tpu.wait_dma2 semaphore(%run_scoped3A : memref<!tpu.dma_semaphore, #tpu.memory_space<semaphore_mem>>) src(%arg24 : memref<32x256xf32, #tpu.memory_space<vmem>>) dst(%dma_wait3A_725 : memref<32x256xf32, #tpu.memory_space<hbm>>)
        tpu.yield
      }) : () -> ()
      "tpu.region"() ({
        %run_scoped3A = tpu.sem_alloc : memref<!tpu.dma_semaphore, #tpu.memory_space<semaphore_mem>>
        %dma_start3A_714 = arith.constant 64 : i32
        %dma_start3A_715 = arith.constant 48 : i32
        %dma_start3A_716 = tpu.memref_slice %arg11[%dma_start3A_714, %dma_start3A_715] : memref<128x64xf32, #tpu.memory_space<hbm>> -> memref<32x16xf32, #tpu.memory_space<hbm>>
        %dma_start3A_717 = arith.constant 64 : i32
        %dma_start3A_718 = arith.constant 48 : i32
        %dma_start3A_719 = tpu.memref_slice %arg11[%dma_start3A_717, %dma_start3A_718] : memref<128x64xf32, #tpu.memory_space<hbm>> -> memref<32x16xf32, #tpu.memory_space<hbm>>
        tpu.enqueue_dma source(%arg25 : memref<32x16xf32, #tpu.memory_space<vmem>>) target(%dma_start3A_719 : memref<32x16xf32, #tpu.memory_space<hbm>>) target_semaphore(%run_scoped3A : memref<!tpu.dma_semaphore, #tpu.memory_space<semaphore_mem>>)
        %dma_wait3A_720 = arith.constant 64 : i32
        %dma_wait3A_721 = arith.constant 48 : i32
        %dma_wait3A_722 = tpu.memref_slice %arg11[%dma_wait3A_720, %dma_wait3A_721] : memref<128x64xf32, #tpu.memory_space<hbm>> -> memref<32x16xf32, #tpu.memory_space<hbm>>
        %dma_wait3A_723 = arith.constant 64 : i32
        %dma_wait3A_724 = arith.constant 48 : i32
        %dma_wait3A_725 = tpu.memref_slice %arg11[%dma_wait3A_723, %dma_wait3A_724] : memref<128x64xf32, #tpu.memory_space<hbm>> -> memref<32x16xf32, #tpu.memory_space<hbm>>
        tpu.wait_dma2 semaphore(%run_scoped3A : memref<!tpu.dma_semaphore, #tpu.memory_space<semaphore_mem>>) src(%arg25 : memref<32x16xf32, #tpu.memory_space<vmem>>) dst(%dma_wait3A_725 : memref<32x16xf32, #tpu.memory_space<hbm>>)
        tpu.yield
      }) : () -> ()
      "tpu.region"() ({
        %run_scoped3A = tpu.sem_alloc : memref<!tpu.dma_semaphore, #tpu.memory_space<semaphore_mem>>
        %dma_start3A_714 = arith.constant 96 : i32
        %dma_start3A_715 = arith.constant 0 : i32
        %dma_start3A_716 = tpu.memref_slice %arg10[%dma_start3A_714, %dma_start3A_715] : memref<128x1024xf32, #tpu.memory_space<hbm>> -> memref<32x256xf32, #tpu.memory_space<hbm>>
        %dma_start3A_717 = arith.constant 96 : i32
        %dma_start3A_718 = arith.constant 0 : i32
        %dma_start3A_719 = tpu.memref_slice %arg10[%dma_start3A_717, %dma_start3A_718] : memref<128x1024xf32, #tpu.memory_space<hbm>> -> memref<32x256xf32, #tpu.memory_space<hbm>>
        tpu.enqueue_dma source(%arg24 : memref<32x256xf32, #tpu.memory_space<vmem>>) target(%dma_start3A_719 : memref<32x256xf32, #tpu.memory_space<hbm>>) target_semaphore(%run_scoped3A : memref<!tpu.dma_semaphore, #tpu.memory_space<semaphore_mem>>)
        %dma_wait3A_720 = arith.constant 96 : i32
        %dma_wait3A_721 = arith.constant 0 : i32
        %dma_wait3A_722 = tpu.memref_slice %arg10[%dma_wait3A_720, %dma_wait3A_721] : memref<128x1024xf32, #tpu.memory_space<hbm>> -> memref<32x256xf32, #tpu.memory_space<hbm>>
        %dma_wait3A_723 = arith.constant 96 : i32
        %dma_wait3A_724 = arith.constant 0 : i32
        %dma_wait3A_725 = tpu.memref_slice %arg10[%dma_wait3A_723, %dma_wait3A_724] : memref<128x1024xf32, #tpu.memory_space<hbm>> -> memref<32x256xf32, #tpu.memory_space<hbm>>
        tpu.wait_dma2 semaphore(%run_scoped3A : memref<!tpu.dma_semaphore, #tpu.memory_space<semaphore_mem>>) src(%arg24 : memref<32x256xf32, #tpu.memory_space<vmem>>) dst(%dma_wait3A_725 : memref<32x256xf32, #tpu.memory_space<hbm>>)
        tpu.yield
      }) : () -> ()
      "tpu.region"() ({
        %run_scoped3A = tpu.sem_alloc : memref<!tpu.dma_semaphore, #tpu.memory_space<semaphore_mem>>
        %dma_start3A_714 = arith.constant 96 : i32
        %dma_start3A_715 = arith.constant 0 : i32
        %dma_start3A_716 = tpu.memref_slice %arg11[%dma_start3A_714, %dma_start3A_715] : memref<128x64xf32, #tpu.memory_space<hbm>> -> memref<32x16xf32, #tpu.memory_space<hbm>>
        %dma_start3A_717 = arith.constant 96 : i32
        %dma_start3A_718 = arith.constant 0 : i32
        %dma_start3A_719 = tpu.memref_slice %arg11[%dma_start3A_717, %dma_start3A_718] : memref<128x64xf32, #tpu.memory_space<hbm>> -> memref<32x16xf32, #tpu.memory_space<hbm>>
        tpu.enqueue_dma source(%arg25 : memref<32x16xf32, #tpu.memory_space<vmem>>) target(%dma_start3A_719 : memref<32x16xf32, #tpu.memory_space<hbm>>) target_semaphore(%run_scoped3A : memref<!tpu.dma_semaphore, #tpu.memory_space<semaphore_mem>>)
        %dma_wait3A_720 = arith.constant 96 : i32
        %dma_wait3A_721 = arith.constant 0 : i32
        %dma_wait3A_722 = tpu.memref_slice %arg11[%dma_wait3A_720, %dma_wait3A_721] : memref<128x64xf32, #tpu.memory_space<hbm>> -> memref<32x16xf32, #tpu.memory_space<hbm>>
        %dma_wait3A_723 = arith.constant 96 : i32
        %dma_wait3A_724 = arith.constant 0 : i32
        %dma_wait3A_725 = tpu.memref_slice %arg11[%dma_wait3A_723, %dma_wait3A_724] : memref<128x64xf32, #tpu.memory_space<hbm>> -> memref<32x16xf32, #tpu.memory_space<hbm>>
        tpu.wait_dma2 semaphore(%run_scoped3A : memref<!tpu.dma_semaphore, #tpu.memory_space<semaphore_mem>>) src(%arg25 : memref<32x16xf32, #tpu.memory_space<vmem>>) dst(%dma_wait3A_725 : memref<32x16xf32, #tpu.memory_space<hbm>>)
        tpu.yield
      }) : () -> ()
      "tpu.region"() ({
        %run_scoped3A = tpu.sem_alloc : memref<!tpu.dma_semaphore, #tpu.memory_space<semaphore_mem>>
        %dma_start3A_714 = arith.constant 96 : i32
        %dma_start3A_715 = arith.constant 256 : i32
        %dma_start3A_716 = tpu.memref_slice %arg10[%dma_start3A_714, %dma_start3A_715] : memref<128x1024xf32, #tpu.memory_space<hbm>> -> memref<32x256xf32, #tpu.memory_space<hbm>>
        %dma_start3A_717 = arith.constant 96 : i32
        %dma_start3A_718 = arith.constant 256 : i32
        %dma_start3A_719 = tpu.memref_slice %arg10[%dma_start3A_717, %dma_start3A_718] : memref<128x1024xf32, #tpu.memory_space<hbm>> -> memref<32x256xf32, #tpu.memory_space<hbm>>
        tpu.enqueue_dma source(%arg24 : memref<32x256xf32, #tpu.memory_space<vmem>>) target(%dma_start3A_719 : memref<32x256xf32, #tpu.memory_space<hbm>>) target_semaphore(%run_scoped3A : memref<!tpu.dma_semaphore, #tpu.memory_space<semaphore_mem>>)
        %dma_wait3A_720 = arith.constant 96 : i32
        %dma_wait3A_721 = arith.constant 256 : i32
        %dma_wait3A_722 = tpu.memref_slice %arg10[%dma_wait3A_720, %dma_wait3A_721] : memref<128x1024xf32, #tpu.memory_space<hbm>> -> memref<32x256xf32, #tpu.memory_space<hbm>>
        %dma_wait3A_723 = arith.constant 96 : i32
        %dma_wait3A_724 = arith.constant 256 : i32
        %dma_wait3A_725 = tpu.memref_slice %arg10[%dma_wait3A_723, %dma_wait3A_724] : memref<128x1024xf32, #tpu.memory_space<hbm>> -> memref<32x256xf32, #tpu.memory_space<hbm>>
        tpu.wait_dma2 semaphore(%run_scoped3A : memref<!tpu.dma_semaphore, #tpu.memory_space<semaphore_mem>>) src(%arg24 : memref<32x256xf32, #tpu.memory_space<vmem>>) dst(%dma_wait3A_725 : memref<32x256xf32, #tpu.memory_space<hbm>>)
        tpu.yield
      }) : () -> ()
      "tpu.region"() ({
        %run_scoped3A = tpu.sem_alloc : memref<!tpu.dma_semaphore, #tpu.memory_space<semaphore_mem>>
        %dma_start3A_714 = arith.constant 96 : i32
        %dma_start3A_715 = arith.constant 16 : i32
        %dma_start3A_716 = tpu.memref_slice %arg11[%dma_start3A_714, %dma_start3A_715] : memref<128x64xf32, #tpu.memory_space<hbm>> -> memref<32x16xf32, #tpu.memory_space<hbm>>
        %dma_start3A_717 = arith.constant 96 : i32
        %dma_start3A_718 = arith.constant 16 : i32
        %dma_start3A_719 = tpu.memref_slice %arg11[%dma_start3A_717, %dma_start3A_718] : memref<128x64xf32, #tpu.memory_space<hbm>> -> memref<32x16xf32, #tpu.memory_space<hbm>>
        tpu.enqueue_dma source(%arg25 : memref<32x16xf32, #tpu.memory_space<vmem>>) target(%dma_start3A_719 : memref<32x16xf32, #tpu.memory_space<hbm>>) target_semaphore(%run_scoped3A : memref<!tpu.dma_semaphore, #tpu.memory_space<semaphore_mem>>)
        %dma_wait3A_720 = arith.constant 96 : i32
        %dma_wait3A_721 = arith.constant 16 : i32
        %dma_wait3A_722 = tpu.memref_slice %arg11[%dma_wait3A_720, %dma_wait3A_721] : memref<128x64xf32, #tpu.memory_space<hbm>> -> memref<32x16xf32, #tpu.memory_space<hbm>>
        %dma_wait3A_723 = arith.constant 96 : i32
        %dma_wait3A_724 = arith.constant 16 : i32
        %dma_wait3A_725 = tpu.memref_slice %arg11[%dma_wait3A_723, %dma_wait3A_724] : memref<128x64xf32, #tpu.memory_space<hbm>> -> memref<32x16xf32, #tpu.memory_space<hbm>>
        tpu.wait_dma2 semaphore(%run_scoped3A : memref<!tpu.dma_semaphore, #tpu.memory_space<semaphore_mem>>) src(%arg25 : memref<32x16xf32, #tpu.memory_space<vmem>>) dst(%dma_wait3A_725 : memref<32x16xf32, #tpu.memory_space<hbm>>)
        tpu.yield
      }) : () -> ()
      "tpu.region"() ({
        %run_scoped3A = tpu.sem_alloc : memref<!tpu.dma_semaphore, #tpu.memory_space<semaphore_mem>>
        %dma_start3A_714 = arith.constant 96 : i32
        %dma_start3A_715 = arith.constant 512 : i32
        %dma_start3A_716 = tpu.memref_slice %arg10[%dma_start3A_714, %dma_start3A_715] : memref<128x1024xf32, #tpu.memory_space<hbm>> -> memref<32x256xf32, #tpu.memory_space<hbm>>
        %dma_start3A_717 = arith.constant 96 : i32
        %dma_start3A_718 = arith.constant 512 : i32
        %dma_start3A_719 = tpu.memref_slice %arg10[%dma_start3A_717, %dma_start3A_718] : memref<128x1024xf32, #tpu.memory_space<hbm>> -> memref<32x256xf32, #tpu.memory_space<hbm>>
        tpu.enqueue_dma source(%arg24 : memref<32x256xf32, #tpu.memory_space<vmem>>) target(%dma_start3A_719 : memref<32x256xf32, #tpu.memory_space<hbm>>) target_semaphore(%run_scoped3A : memref<!tpu.dma_semaphore, #tpu.memory_space<semaphore_mem>>)
        %dma_wait3A_720 = arith.constant 96 : i32
        %dma_wait3A_721 = arith.constant 512 : i32
        %dma_wait3A_722 = tpu.memref_slice %arg10[%dma_wait3A_720, %dma_wait3A_721] : memref<128x1024xf32, #tpu.memory_space<hbm>> -> memref<32x256xf32, #tpu.memory_space<hbm>>
        %dma_wait3A_723 = arith.constant 96 : i32
        %dma_wait3A_724 = arith.constant 512 : i32
        %dma_wait3A_725 = tpu.memref_slice %arg10[%dma_wait3A_723, %dma_wait3A_724] : memref<128x1024xf32, #tpu.memory_space<hbm>> -> memref<32x256xf32, #tpu.memory_space<hbm>>
        tpu.wait_dma2 semaphore(%run_scoped3A : memref<!tpu.dma_semaphore, #tpu.memory_space<semaphore_mem>>) src(%arg24 : memref<32x256xf32, #tpu.memory_space<vmem>>) dst(%dma_wait3A_725 : memref<32x256xf32, #tpu.memory_space<hbm>>)
        tpu.yield
      }) : () -> ()
      "tpu.region"() ({
        %run_scoped3A = tpu.sem_alloc : memref<!tpu.dma_semaphore, #tpu.memory_space<semaphore_mem>>
        %dma_start3A_714 = arith.constant 96 : i32
        %dma_start3A_715 = arith.constant 32 : i32
        %dma_start3A_716 = tpu.memref_slice %arg11[%dma_start3A_714, %dma_start3A_715] : memref<128x64xf32, #tpu.memory_space<hbm>> -> memref<32x16xf32, #tpu.memory_space<hbm>>
        %dma_start3A_717 = arith.constant 96 : i32
        %dma_start3A_718 = arith.constant 32 : i32
        %dma_start3A_719 = tpu.memref_slice %arg11[%dma_start3A_717, %dma_start3A_718] : memref<128x64xf32, #tpu.memory_space<hbm>> -> memref<32x16xf32, #tpu.memory_space<hbm>>
        tpu.enqueue_dma source(%arg25 : memref<32x16xf32, #tpu.memory_space<vmem>>) target(%dma_start3A_719 : memref<32x16xf32, #tpu.memory_space<hbm>>) target_semaphore(%run_scoped3A : memref<!tpu.dma_semaphore, #tpu.memory_space<semaphore_mem>>)
        %dma_wait3A_720 = arith.constant 96 : i32
        %dma_wait3A_721 = arith.constant 32 : i32
        %dma_wait3A_722 = tpu.memref_slice %arg11[%dma_wait3A_720, %dma_wait3A_721] : memref<128x64xf32, #tpu.memory_space<hbm>> -> memref<32x16xf32, #tpu.memory_space<hbm>>
        %dma_wait3A_723 = arith.constant 96 : i32
        %dma_wait3A_724 = arith.constant 32 : i32
        %dma_wait3A_725 = tpu.memref_slice %arg11[%dma_wait3A_723, %dma_wait3A_724] : memref<128x64xf32, #tpu.memory_space<hbm>> -> memref<32x16xf32, #tpu.memory_space<hbm>>
        tpu.wait_dma2 semaphore(%run_scoped3A : memref<!tpu.dma_semaphore, #tpu.memory_space<semaphore_mem>>) src(%arg25 : memref<32x16xf32, #tpu.memory_space<vmem>>) dst(%dma_wait3A_725 : memref<32x16xf32, #tpu.memory_space<hbm>>)
        tpu.yield
      }) : () -> ()
      "tpu.region"() ({
        %run_scoped3A = tpu.sem_alloc : memref<!tpu.dma_semaphore, #tpu.memory_space<semaphore_mem>>
        %dma_start3A_714 = arith.constant 96 : i32
        %dma_start3A_715 = arith.constant 768 : i32
        %dma_start3A_716 = tpu.memref_slice %arg10[%dma_start3A_714, %dma_start3A_715] : memref<128x1024xf32, #tpu.memory_space<hbm>> -> memref<32x256xf32, #tpu.memory_space<hbm>>
        %dma_start3A_717 = arith.constant 96 : i32
        %dma_start3A_718 = arith.constant 768 : i32
        %dma_start3A_719 = tpu.memref_slice %arg10[%dma_start3A_717, %dma_start3A_718] : memref<128x1024xf32, #tpu.memory_space<hbm>> -> memref<32x256xf32, #tpu.memory_space<hbm>>
        tpu.enqueue_dma source(%arg22 : memref<32x256xf32, #tpu.memory_space<vmem>>) target(%dma_start3A_719 : memref<32x256xf32, #tpu.memory_space<hbm>>) target_semaphore(%run_scoped3A : memref<!tpu.dma_semaphore, #tpu.memory_space<semaphore_mem>>)
        %dma_wait3A_720 = arith.constant 96 : i32
        %dma_wait3A_721 = arith.constant 768 : i32
        %dma_wait3A_722 = tpu.memref_slice %arg10[%dma_wait3A_720, %dma_wait3A_721] : memref<128x1024xf32, #tpu.memory_space<hbm>> -> memref<32x256xf32, #tpu.memory_space<hbm>>
        %dma_wait3A_723 = arith.constant 96 : i32
        %dma_wait3A_724 = arith.constant 768 : i32
        %dma_wait3A_725 = tpu.memref_slice %arg10[%dma_wait3A_723, %dma_wait3A_724] : memref<128x1024xf32, #tpu.memory_space<hbm>> -> memref<32x256xf32, #tpu.memory_space<hbm>>
        tpu.wait_dma2 semaphore(%run_scoped3A : memref<!tpu.dma_semaphore, #tpu.memory_space<semaphore_mem>>) src(%arg22 : memref<32x256xf32, #tpu.memory_space<vmem>>) dst(%dma_wait3A_725 : memref<32x256xf32, #tpu.memory_space<hbm>>)
        tpu.yield
      }) : () -> ()
      "tpu.region"() ({
        %run_scoped3A = tpu.sem_alloc : memref<!tpu.dma_semaphore, #tpu.memory_space<semaphore_mem>>
        %dma_start3A_714 = arith.constant 96 : i32
        %dma_start3A_715 = arith.constant 48 : i32
        %dma_start3A_716 = tpu.memref_slice %arg11[%dma_start3A_714, %dma_start3A_715] : memref<128x64xf32, #tpu.memory_space<hbm>> -> memref<32x16xf32, #tpu.memory_space<hbm>>
        %dma_start3A_717 = arith.constant 96 : i32
        %dma_start3A_718 = arith.constant 48 : i32
        %dma_start3A_719 = tpu.memref_slice %arg11[%dma_start3A_717, %dma_start3A_718] : memref<128x64xf32, #tpu.memory_space<hbm>> -> memref<32x16xf32, #tpu.memory_space<hbm>>
        tpu.enqueue_dma source(%arg23 : memref<32x16xf32, #tpu.memory_space<vmem>>) target(%dma_start3A_719 : memref<32x16xf32, #tpu.memory_space<hbm>>) target_semaphore(%run_scoped3A : memref<!tpu.dma_semaphore, #tpu.memory_space<semaphore_mem>>)
        %dma_wait3A_720 = arith.constant 96 : i32
        %dma_wait3A_721 = arith.constant 48 : i32
        %dma_wait3A_722 = tpu.memref_slice %arg11[%dma_wait3A_720, %dma_wait3A_721] : memref<128x64xf32, #tpu.memory_space<hbm>> -> memref<32x16xf32, #tpu.memory_space<hbm>>
        %dma_wait3A_723 = arith.constant 96 : i32
        %dma_wait3A_724 = arith.constant 48 : i32
        %dma_wait3A_725 = tpu.memref_slice %arg11[%dma_wait3A_723, %dma_wait3A_724] : memref<128x64xf32, #tpu.memory_space<hbm>> -> memref<32x16xf32, #tpu.memory_space<hbm>>
        tpu.wait_dma2 semaphore(%run_scoped3A : memref<!tpu.dma_semaphore, #tpu.memory_space<semaphore_mem>>) src(%arg23 : memref<32x16xf32, #tpu.memory_space<vmem>>) dst(%dma_wait3A_725 : memref<32x16xf32, #tpu.memory_space<hbm>>)
        tpu.yield
      }) : () -> ()
      "tpu.region"() ({
        %run_scoped3A = tpu.sem_alloc : memref<!tpu.dma_semaphore, #tpu.memory_space<semaphore_mem>>
        tpu.enqueue_dma source(%arg28 : memref<128x64xf32, #tpu.memory_space<vmem>>) target(%arg12 : memref<128x64xf32, #tpu.memory_space<hbm>>) target_semaphore(%run_scoped3A : memref<!tpu.dma_semaphore, #tpu.memory_space<semaphore_mem>>)
        tpu.wait_dma2 semaphore(%run_scoped3A : memref<!tpu.dma_semaphore, #tpu.memory_space<semaphore_mem>>) src(%arg28 : memref<128x64xf32, #tpu.memory_space<vmem>>) dst(%arg12 : memref<128x64xf32, #tpu.memory_space<hbm>>)
        tpu.yield
      }) : () -> ()
      "tpu.region"() ({
        %run_scoped3A = tpu.sem_alloc : memref<!tpu.dma_semaphore, #tpu.memory_space<semaphore_mem>>
        tpu.enqueue_dma source(%arg29 : memref<1x64xf32, #tpu.memory_space<vmem>>) target(%arg13 : memref<1x64xf32, #tpu.memory_space<hbm>>) target_semaphore(%run_scoped3A : memref<!tpu.dma_semaphore, #tpu.memory_space<semaphore_mem>>)
        tpu.wait_dma2 semaphore(%run_scoped3A : memref<!tpu.dma_semaphore, #tpu.memory_space<semaphore_mem>>) src(%arg29 : memref<1x64xf32, #tpu.memory_space<vmem>>) dst(%arg13 : memref<1x64xf32, #tpu.memory_space<hbm>>)
        tpu.yield
      }) : () -> ()
    } else {
    }
    %add3A_5 = arith.constant 0 : i32
    %add3A_6 = arith.addi %add3A_5, %mul3A_2 : i32
    %dma_start3A = arith.constant 0 : i32
    %dma_start3A_7 = arith.constant 0 : i32
    %dma_start3A_8 = tpu.memref_slice %arg14[%dma_start3A, %dma_start3A_7] : memref<2x1248xi32, #tpu.memory_space<vmem>> -> memref<1x1248xi32, #tpu.memory_space<vmem>>
    %dma_start3A_9 = tpu.memref_squeeze %dma_start3A_8 : memref<1x1248xi32, #tpu.memory_space<vmem>> -> memref<1248xi32, #tpu.memory_space<vmem>>
    %dma_start3A_10 = tpu.memref_slice %arg3[%add3A_6] : memref<160000xi32, #tpu.memory_space<hbm>> -> memref<1248xi32, #tpu.memory_space<hbm>>
    %dma_start3A_11 = arith.constant 0 : i32
    %dma_start3A_12 = tpu.memref_slice %arg14[%dma_start3A, %dma_start3A_11] : memref<2x1248xi32, #tpu.memory_space<vmem>> -> memref<1x1248xi32, #tpu.memory_space<vmem>>
    %dma_start3A_13 = tpu.memref_squeeze %dma_start3A_12 : memref<1x1248xi32, #tpu.memory_space<vmem>> -> memref<1248xi32, #tpu.memory_space<vmem>>
    %dma_start3A_14 = tpu.memref_slice %arg3[%add3A_6] : memref<160000xi32, #tpu.memory_space<hbm>> -> memref<1248xi32, #tpu.memory_space<hbm>>
    tpu.enqueue_dma source(%dma_start3A_14 : memref<1248xi32, #tpu.memory_space<hbm>>) target(%dma_start3A_13 : memref<1248xi32, #tpu.memory_space<vmem>>) target_semaphore(%arg16 : memref<!tpu.dma_semaphore, #tpu.memory_space<semaphore_mem>>)
    %add3A_15 = arith.constant 0 : i32
    %add3A_16 = arith.addi %add3A_15, %mul3A_2 : i32
    %dma_start3A_17 = arith.constant 1 : i32
    %dma_start3A_18 = arith.constant 0 : i32
    %dma_start3A_19 = tpu.memref_slice %arg14[%dma_start3A_17, %dma_start3A_18] : memref<2x1248xi32, #tpu.memory_space<vmem>> -> memref<1x1248xi32, #tpu.memory_space<vmem>>
    %dma_start3A_20 = tpu.memref_squeeze %dma_start3A_19 : memref<1x1248xi32, #tpu.memory_space<vmem>> -> memref<1248xi32, #tpu.memory_space<vmem>>
    %dma_start3A_21 = tpu.memref_slice %arg4[%add3A_16] : memref<160000xi32, #tpu.memory_space<hbm>> -> memref<1248xi32, #tpu.memory_space<hbm>>
    %dma_start3A_22 = arith.constant 0 : i32
    %dma_start3A_23 = tpu.memref_slice %arg14[%dma_start3A_17, %dma_start3A_22] : memref<2x1248xi32, #tpu.memory_space<vmem>> -> memref<1x1248xi32, #tpu.memory_space<vmem>>
    %dma_start3A_24 = tpu.memref_squeeze %dma_start3A_23 : memref<1x1248xi32, #tpu.memory_space<vmem>> -> memref<1248xi32, #tpu.memory_space<vmem>>
    %dma_start3A_25 = tpu.memref_slice %arg4[%add3A_16] : memref<160000xi32, #tpu.memory_space<hbm>> -> memref<1248xi32, #tpu.memory_space<hbm>>
    tpu.enqueue_dma source(%dma_start3A_25 : memref<1248xi32, #tpu.memory_space<hbm>>) target(%dma_start3A_24 : memref<1248xi32, #tpu.memory_space<vmem>>) target_semaphore(%arg17 : memref<!tpu.dma_semaphore, #tpu.memory_space<semaphore_mem>>)
    %dma_wait3A = arith.constant 0 : i32
    %dma_wait3A_26 = arith.constant 0 : i32
    %dma_wait3A_27 = tpu.memref_slice %arg14[%dma_wait3A, %dma_wait3A_26] : memref<2x1248xi32, #tpu.memory_space<vmem>> -> memref<1x1248xi32, #tpu.memory_space<vmem>>
    %dma_wait3A_28 = tpu.memref_squeeze %dma_wait3A_27 : memref<1x1248xi32, #tpu.memory_space<vmem>> -> memref<1248xi32, #tpu.memory_space<vmem>>
    %dma_wait3A_29 = tpu.memref_slice %arg3[%add3A_6] : memref<160000xi32, #tpu.memory_space<hbm>> -> memref<1248xi32, #tpu.memory_space<hbm>>
    %dma_wait3A_30 = arith.constant 0 : i32
    %dma_wait3A_31 = tpu.memref_slice %arg14[%dma_wait3A, %dma_wait3A_30] : memref<2x1248xi32, #tpu.memory_space<vmem>> -> memref<1x1248xi32, #tpu.memory_space<vmem>>
    %dma_wait3A_32 = tpu.memref_squeeze %dma_wait3A_31 : memref<1x1248xi32, #tpu.memory_space<vmem>> -> memref<1248xi32, #tpu.memory_space<vmem>>
    %dma_wait3A_33 = tpu.memref_slice %arg3[%add3A_6] : memref<160000xi32, #tpu.memory_space<hbm>> -> memref<1248xi32, #tpu.memory_space<hbm>>
    tpu.wait_dma2 semaphore(%arg16 : memref<!tpu.dma_semaphore, #tpu.memory_space<semaphore_mem>>) src(%dma_wait3A_33 : memref<1248xi32, #tpu.memory_space<hbm>>) dst(%dma_wait3A_32 : memref<1248xi32, #tpu.memory_space<vmem>>)
    %dma_start3A_34 = arith.constant 0 : i32
    %dma_start3A_35 = arith.constant 0 : i32
    %dma_start3A_36 = arith.constant 0 : i32
    %dma_start3A_37 = arith.constant 0 : i32
    %dma_start3A_38 = tpu.memref_slice %arg15[%dma_start3A_35, %dma_start3A_36, %dma_start3A_37] : memref<2x1248x16xf32, #tpu.memory_space<vmem>> -> memref<1x1248x16xf32, #tpu.memory_space<vmem>>
    %dma_start3A_39 = tpu.memref_squeeze %dma_start3A_38 : memref<1x1248x16xf32, #tpu.memory_space<vmem>> -> memref<1248x16xf32, #tpu.memory_space<vmem>>
    %dma_start3A_40 = arith.constant 0 : i32
    %dma_start3A_41 = tpu.memref_slice %arg14[%dma_start3A_34, %dma_start3A_40] : memref<2x1248xi32, #tpu.memory_space<vmem>> -> memref<1x1248xi32, #tpu.memory_space<vmem>>
    %dma_start3A_42 = tpu.memref_squeeze %dma_start3A_41 : memref<1x1248xi32, #tpu.memory_space<vmem>> -> memref<1248xi32, #tpu.memory_space<vmem>>
    %dma_start3A_43 = arith.constant 0 : i32
    %dma_start3A_44 = arith.constant 0 : i32
    %dma_start3A_45 = tpu.memref_slice %arg2[%dma_start3A_43, %dma_start3A_44] : memref<10000x16xf32, #tpu.memory_space<hbm>> -> memref<10000x16xf32, #tpu.memory_space<hbm>>
    tpu.enqueue_indirect_dma source(%dma_start3A_45 : memref<10000x16xf32, #tpu.memory_space<hbm>>) target(%dma_start3A_39 : memref<1248x16xf32, #tpu.memory_space<vmem>>) offsets(%dma_start3A_42 : memref<1248xi32, #tpu.memory_space<vmem>>) semaphore(%arg30 : memref<!tpu.dma_semaphore, #tpu.memory_space<semaphore_mem>>)
    %dma_wait3A_46 = arith.constant 0 : i32
    %dma_wait3A_47 = arith.constant 0 : i32
    %dma_wait3A_48 = arith.constant 0 : i32
    %dma_wait3A_49 = arith.constant 0 : i32
    %dma_wait3A_50 = tpu.memref_slice %arg15[%dma_wait3A_47, %dma_wait3A_48, %dma_wait3A_49] : memref<2x1248x16xf32, #tpu.memory_space<vmem>> -> memref<1x1248x16xf32, #tpu.memory_space<vmem>>
    %dma_wait3A_51 = tpu.memref_squeeze %dma_wait3A_50 : memref<1x1248x16xf32, #tpu.memory_space<vmem>> -> memref<1248x16xf32, #tpu.memory_space<vmem>>
    %dma_wait3A_52 = arith.constant 0 : i32
    %dma_wait3A_53 = tpu.memref_slice %arg14[%dma_wait3A_46, %dma_wait3A_52] : memref<2x1248xi32, #tpu.memory_space<vmem>> -> memref<1x1248xi32, #tpu.memory_space<vmem>>
    %dma_wait3A_54 = tpu.memref_squeeze %dma_wait3A_53 : memref<1x1248xi32, #tpu.memory_space<vmem>> -> memref<1248xi32, #tpu.memory_space<vmem>>
    %dma_wait3A_55 = arith.constant 0 : i32
    %dma_wait3A_56 = arith.constant 0 : i32
    %dma_wait3A_57 = tpu.memref_slice %arg2[%dma_wait3A_55, %dma_wait3A_56] : memref<10000x16xf32, #tpu.memory_space<hbm>> -> memref<10000x16xf32, #tpu.memory_space<hbm>>
    tpu.wait_indirect_dma semaphore(%arg30 : memref<!tpu.dma_semaphore, #tpu.memory_space<semaphore_mem>>) src(%dma_wait3A_57 : memref<10000x16xf32, #tpu.memory_space<hbm>>) dst(%dma_wait3A_51 : memref<1248x16xf32, #tpu.memory_space<vmem>>)
    %dma_start3A_58 = arith.constant 0 : i32
    %dma_start3A_59 = arith.constant 0 : i32
    %dma_start3A_60 = arith.constant 0 : i32
    %dma_start3A_61 = tpu.memref_slice %arg15[%dma_start3A_58, %dma_start3A_59, %dma_start3A_60] : memref<2x1248x16xf32, #tpu.memory_space<vmem>> -> memref<1x1248x16xf32, #tpu.memory_space<vmem>>
    %dma_start3A_62 = tpu.memref_squeeze %dma_start3A_61 : memref<1x1248x16xf32, #tpu.memory_space<vmem>> -> memref<1248x16xf32, #tpu.memory_space<vmem>>
    %dma_start3A_63 = arith.constant 0 : i32
    %dma_start3A_64 = tpu.memref_slice %arg9[%mul3A_2, %dma_start3A_63] : memref<40000x128xf32, #tpu.memory_space<hbm>> -> memref<1248x16xf32, #tpu.memory_space<hbm>>
    %dma_start3A_65 = arith.constant 0 : i32
    %dma_start3A_66 = tpu.memref_slice %arg9[%mul3A_2, %dma_start3A_65] : memref<40000x128xf32, #tpu.memory_space<hbm>> -> memref<1248x16xf32, #tpu.memory_space<hbm>>
    %dma_start3A_67 = arith.constant 0 : i32
    %dma_start3A_68 = arith.constant 0 : i32
    %dma_start3A_69 = tpu.memref_slice %arg15[%dma_start3A_58, %dma_start3A_67, %dma_start3A_68] : memref<2x1248x16xf32, #tpu.memory_space<vmem>> -> memref<1x1248x16xf32, #tpu.memory_space<vmem>>
    %dma_start3A_70 = tpu.memref_squeeze %dma_start3A_69 : memref<1x1248x16xf32, #tpu.memory_space<vmem>> -> memref<1248x16xf32, #tpu.memory_space<vmem>>
    tpu.enqueue_dma source(%dma_start3A_70 : memref<1248x16xf32, #tpu.memory_space<vmem>>) target(%dma_start3A_66 : memref<1248x16xf32, #tpu.memory_space<hbm>>) target_semaphore(%arg18 : memref<!tpu.dma_semaphore, #tpu.memory_space<semaphore_mem>>)
    %add3A_71 = arith.constant 40000 : i32
    %add3A_72 = arith.addi %add3A_71, %mul3A_2 : i32
    %dma_start3A_73 = arith.constant 0 : i32
    %dma_start3A_74 = arith.constant 0 : i32
    %dma_start3A_75 = tpu.memref_slice %arg14[%dma_start3A_73, %dma_start3A_74] : memref<2x1248xi32, #tpu.memory_space<vmem>> -> memref<1x1248xi32, #tpu.memory_space<vmem>>
    %dma_start3A_76 = tpu.memref_squeeze %dma_start3A_75 : memref<1x1248xi32, #tpu.memory_space<vmem>> -> memref<1248xi32, #tpu.memory_space<vmem>>
    %dma_start3A_77 = tpu.memref_slice %arg3[%add3A_72] : memref<160000xi32, #tpu.memory_space<hbm>> -> memref<1248xi32, #tpu.memory_space<hbm>>
    %dma_start3A_78 = arith.constant 0 : i32
    %dma_start3A_79 = tpu.memref_slice %arg14[%dma_start3A_73, %dma_start3A_78] : memref<2x1248xi32, #tpu.memory_space<vmem>> -> memref<1x1248xi32, #tpu.memory_space<vmem>>
    %dma_start3A_80 = tpu.memref_squeeze %dma_start3A_79 : memref<1x1248xi32, #tpu.memory_space<vmem>> -> memref<1248xi32, #tpu.memory_space<vmem>>
    %dma_start3A_81 = tpu.memref_slice %arg3[%add3A_72] : memref<160000xi32, #tpu.memory_space<hbm>> -> memref<1248xi32, #tpu.memory_space<hbm>>
    tpu.enqueue_dma source(%dma_start3A_81 : memref<1248xi32, #tpu.memory_space<hbm>>) target(%dma_start3A_80 : memref<1248xi32, #tpu.memory_space<vmem>>) target_semaphore(%arg16 : memref<!tpu.dma_semaphore, #tpu.memory_space<semaphore_mem>>)
    %dma_wait3A_82 = arith.constant 1 : i32
    %dma_wait3A_83 = arith.constant 0 : i32
    %dma_wait3A_84 = tpu.memref_slice %arg14[%dma_wait3A_82, %dma_wait3A_83] : memref<2x1248xi32, #tpu.memory_space<vmem>> -> memref<1x1248xi32, #tpu.memory_space<vmem>>
    %dma_wait3A_85 = tpu.memref_squeeze %dma_wait3A_84 : memref<1x1248xi32, #tpu.memory_space<vmem>> -> memref<1248xi32, #tpu.memory_space<vmem>>
    %dma_wait3A_86 = tpu.memref_slice %arg4[%add3A_16] : memref<160000xi32, #tpu.memory_space<hbm>> -> memref<1248xi32, #tpu.memory_space<hbm>>
    %dma_wait3A_87 = arith.constant 0 : i32
    %dma_wait3A_88 = tpu.memref_slice %arg14[%dma_wait3A_82, %dma_wait3A_87] : memref<2x1248xi32, #tpu.memory_space<vmem>> -> memref<1x1248xi32, #tpu.memory_space<vmem>>
    %dma_wait3A_89 = tpu.memref_squeeze %dma_wait3A_88 : memref<1x1248xi32, #tpu.memory_space<vmem>> -> memref<1248xi32, #tpu.memory_space<vmem>>
    %dma_wait3A_90 = tpu.memref_slice %arg4[%add3A_16] : memref<160000xi32, #tpu.memory_space<hbm>> -> memref<1248xi32, #tpu.memory_space<hbm>>
    tpu.wait_dma2 semaphore(%arg17 : memref<!tpu.dma_semaphore, #tpu.memory_space<semaphore_mem>>) src(%dma_wait3A_90 : memref<1248xi32, #tpu.memory_space<hbm>>) dst(%dma_wait3A_89 : memref<1248xi32, #tpu.memory_space<vmem>>)
    %dma_start3A_91 = arith.constant 1 : i32
    %dma_start3A_92 = arith.constant 1 : i32
    %dma_start3A_93 = arith.constant 0 : i32
    %dma_start3A_94 = arith.constant 0 : i32
    %dma_start3A_95 = tpu.memref_slice %arg15[%dma_start3A_92, %dma_start3A_93, %dma_start3A_94] : memref<2x1248x16xf32, #tpu.memory_space<vmem>> -> memref<1x1248x16xf32, #tpu.memory_space<vmem>>
    %dma_start3A_96 = tpu.memref_squeeze %dma_start3A_95 : memref<1x1248x16xf32, #tpu.memory_space<vmem>> -> memref<1248x16xf32, #tpu.memory_space<vmem>>
    %dma_start3A_97 = arith.constant 0 : i32
    %dma_start3A_98 = tpu.memref_slice %arg14[%dma_start3A_91, %dma_start3A_97] : memref<2x1248xi32, #tpu.memory_space<vmem>> -> memref<1x1248xi32, #tpu.memory_space<vmem>>
    %dma_start3A_99 = tpu.memref_squeeze %dma_start3A_98 : memref<1x1248xi32, #tpu.memory_space<vmem>> -> memref<1248xi32, #tpu.memory_space<vmem>>
    %dma_start3A_100 = arith.constant 0 : i32
    %dma_start3A_101 = arith.constant 0 : i32
    %dma_start3A_102 = tpu.memref_slice %arg2[%dma_start3A_100, %dma_start3A_101] : memref<10000x16xf32, #tpu.memory_space<hbm>> -> memref<10000x16xf32, #tpu.memory_space<hbm>>
    tpu.enqueue_indirect_dma source(%dma_start3A_102 : memref<10000x16xf32, #tpu.memory_space<hbm>>) target(%dma_start3A_96 : memref<1248x16xf32, #tpu.memory_space<vmem>>) offsets(%dma_start3A_99 : memref<1248xi32, #tpu.memory_space<vmem>>) semaphore(%arg30 : memref<!tpu.dma_semaphore, #tpu.memory_space<semaphore_mem>>)
    %dma_wait3A_103 = arith.constant 1 : i32
    %dma_wait3A_104 = arith.constant 1 : i32
    %dma_wait3A_105 = arith.constant 0 : i32
    %dma_wait3A_106 = arith.constant 0 : i32
    %dma_wait3A_107 = tpu.memref_slice %arg15[%dma_wait3A_104, %dma_wait3A_105, %dma_wait3A_106] : memref<2x1248x16xf32, #tpu.memory_space<vmem>> -> memref<1x1248x16xf32, #tpu.memory_space<vmem>>
    %dma_wait3A_108 = tpu.memref_squeeze %dma_wait3A_107 : memref<1x1248x16xf32, #tpu.memory_space<vmem>> -> memref<1248x16xf32, #tpu.memory_space<vmem>>
    %dma_wait3A_109 = arith.constant 0 : i32
    %dma_wait3A_110 = tpu.memref_slice %arg14[%dma_wait3A_103, %dma_wait3A_109] : memref<2x1248xi32, #tpu.memory_space<vmem>> -> memref<1x1248xi32, #tpu.memory_space<vmem>>
    %dma_wait3A_111 = tpu.memref_squeeze %dma_wait3A_110 : memref<1x1248xi32, #tpu.memory_space<vmem>> -> memref<1248xi32, #tpu.memory_space<vmem>>
    %dma_wait3A_112 = arith.constant 0 : i32
    %dma_wait3A_113 = arith.constant 0 : i32
    %dma_wait3A_114 = tpu.memref_slice %arg2[%dma_wait3A_112, %dma_wait3A_113] : memref<10000x16xf32, #tpu.memory_space<hbm>> -> memref<10000x16xf32, #tpu.memory_space<hbm>>
    tpu.wait_indirect_dma semaphore(%arg30 : memref<!tpu.dma_semaphore, #tpu.memory_space<semaphore_mem>>) src(%dma_wait3A_114 : memref<10000x16xf32, #tpu.memory_space<hbm>>) dst(%dma_wait3A_108 : memref<1248x16xf32, #tpu.memory_space<vmem>>)
    %dma_start3A_115 = arith.constant 1 : i32
    %dma_start3A_116 = arith.constant 0 : i32
    %dma_start3A_117 = arith.constant 0 : i32
    %dma_start3A_118 = tpu.memref_slice %arg15[%dma_start3A_115, %dma_start3A_116, %dma_start3A_117] : memref<2x1248x16xf32, #tpu.memory_space<vmem>> -> memref<1x1248x16xf32, #tpu.memory_space<vmem>>
    %dma_start3A_119 = tpu.memref_squeeze %dma_start3A_118 : memref<1x1248x16xf32, #tpu.memory_space<vmem>> -> memref<1248x16xf32, #tpu.memory_space<vmem>>
    %dma_start3A_120 = arith.constant 16 : i32
    %dma_start3A_121 = tpu.memref_slice %arg9[%mul3A_2, %dma_start3A_120] : memref<40000x128xf32, #tpu.memory_space<hbm>> -> memref<1248x16xf32, #tpu.memory_space<hbm>>
    %dma_start3A_122 = arith.constant 16 : i32
    %dma_start3A_123 = tpu.memref_slice %arg9[%mul3A_2, %dma_start3A_122] : memref<40000x128xf32, #tpu.memory_space<hbm>> -> memref<1248x16xf32, #tpu.memory_space<hbm>>
    %dma_start3A_124 = arith.constant 0 : i32
    %dma_start3A_125 = arith.constant 0 : i32
    %dma_start3A_126 = tpu.memref_slice %arg15[%dma_start3A_115, %dma_start3A_124, %dma_start3A_125] : memref<2x1248x16xf32, #tpu.memory_space<vmem>> -> memref<1x1248x16xf32, #tpu.memory_space<vmem>>
    %dma_start3A_127 = tpu.memref_squeeze %dma_start3A_126 : memref<1x1248x16xf32, #tpu.memory_space<vmem>> -> memref<1248x16xf32, #tpu.memory_space<vmem>>
    tpu.enqueue_dma source(%dma_start3A_127 : memref<1248x16xf32, #tpu.memory_space<vmem>>) target(%dma_start3A_123 : memref<1248x16xf32, #tpu.memory_space<hbm>>) target_semaphore(%arg19 : memref<!tpu.dma_semaphore, #tpu.memory_space<semaphore_mem>>)
    %add3A_128 = arith.constant 40000 : i32
    %add3A_129 = arith.addi %add3A_128, %mul3A_2 : i32
    %dma_start3A_130 = arith.constant 1 : i32
    %dma_start3A_131 = arith.constant 0 : i32
    %dma_start3A_132 = tpu.memref_slice %arg14[%dma_start3A_130, %dma_start3A_131] : memref<2x1248xi32, #tpu.memory_space<vmem>> -> memref<1x1248xi32, #tpu.memory_space<vmem>>
    %dma_start3A_133 = tpu.memref_squeeze %dma_start3A_132 : memref<1x1248xi32, #tpu.memory_space<vmem>> -> memref<1248xi32, #tpu.memory_space<vmem>>
    %dma_start3A_134 = tpu.memref_slice %arg4[%add3A_129] : memref<160000xi32, #tpu.memory_space<hbm>> -> memref<1248xi32, #tpu.memory_space<hbm>>
    %dma_start3A_135 = arith.constant 0 : i32
    %dma_start3A_136 = tpu.memref_slice %arg14[%dma_start3A_130, %dma_start3A_135] : memref<2x1248xi32, #tpu.memory_space<vmem>> -> memref<1x1248xi32, #tpu.memory_space<vmem>>
    %dma_start3A_137 = tpu.memref_squeeze %dma_start3A_136 : memref<1x1248xi32, #tpu.memory_space<vmem>> -> memref<1248xi32, #tpu.memory_space<vmem>>
    %dma_start3A_138 = tpu.memref_slice %arg4[%add3A_129] : memref<160000xi32, #tpu.memory_space<hbm>> -> memref<1248xi32, #tpu.memory_space<hbm>>
    tpu.enqueue_dma source(%dma_start3A_138 : memref<1248xi32, #tpu.memory_space<hbm>>) target(%dma_start3A_137 : memref<1248xi32, #tpu.memory_space<vmem>>) target_semaphore(%arg17 : memref<!tpu.dma_semaphore, #tpu.memory_space<semaphore_mem>>)
    %dma_wait3A_139 = arith.constant 0 : i32
    %dma_wait3A_140 = arith.constant 0 : i32
    %dma_wait3A_141 = tpu.memref_slice %arg14[%dma_wait3A_139, %dma_wait3A_140] : memref<2x1248xi32, #tpu.memory_space<vmem>> -> memref<1x1248xi32, #tpu.memory_space<vmem>>
    %dma_wait3A_142 = tpu.memref_squeeze %dma_wait3A_141 : memref<1x1248xi32, #tpu.memory_space<vmem>> -> memref<1248xi32, #tpu.memory_space<vmem>>
    %dma_wait3A_143 = tpu.memref_slice %arg3[%add3A_72] : memref<160000xi32, #tpu.memory_space<hbm>> -> memref<1248xi32, #tpu.memory_space<hbm>>
    %dma_wait3A_144 = arith.constant 0 : i32
    %dma_wait3A_145 = tpu.memref_slice %arg14[%dma_wait3A_139, %dma_wait3A_144] : memref<2x1248xi32, #tpu.memory_space<vmem>> -> memref<1x1248xi32, #tpu.memory_space<vmem>>
    %dma_wait3A_146 = tpu.memref_squeeze %dma_wait3A_145 : memref<1x1248xi32, #tpu.memory_space<vmem>> -> memref<1248xi32, #tpu.memory_space<vmem>>
    %dma_wait3A_147 = tpu.memref_slice %arg3[%add3A_72] : memref<160000xi32, #tpu.memory_space<hbm>> -> memref<1248xi32, #tpu.memory_space<hbm>>
    tpu.wait_dma2 semaphore(%arg16 : memref<!tpu.dma_semaphore, #tpu.memory_space<semaphore_mem>>) src(%dma_wait3A_147 : memref<1248xi32, #tpu.memory_space<hbm>>) dst(%dma_wait3A_146 : memref<1248xi32, #tpu.memory_space<vmem>>)
    %dma_wait3A_148 = arith.constant 0 : i32
    %dma_wait3A_149 = arith.constant 0 : i32
    %dma_wait3A_150 = arith.constant 0 : i32
    %dma_wait3A_151 = tpu.memref_slice %arg15[%dma_wait3A_148, %dma_wait3A_149, %dma_wait3A_150] : memref<2x1248x16xf32, #tpu.memory_space<vmem>> -> memref<1x1248x16xf32, #tpu.memory_space<vmem>>
    %dma_wait3A_152 = tpu.memref_squeeze %dma_wait3A_151 : memref<1x1248x16xf32, #tpu.memory_space<vmem>> -> memref<1248x16xf32, #tpu.memory_space<vmem>>
    %dma_wait3A_153 = arith.constant 0 : i32
    %dma_wait3A_154 = tpu.memref_slice %arg9[%mul3A_2, %dma_wait3A_153] : memref<40000x128xf32, #tpu.memory_space<hbm>> -> memref<1248x16xf32, #tpu.memory_space<hbm>>
    %dma_wait3A_155 = arith.constant 0 : i32
    %dma_wait3A_156 = tpu.memref_slice %arg9[%mul3A_2, %dma_wait3A_155] : memref<40000x128xf32, #tpu.memory_space<hbm>> -> memref<1248x16xf32, #tpu.memory_space<hbm>>
    %dma_wait3A_157 = arith.constant 0 : i32
    %dma_wait3A_158 = arith.constant 0 : i32
    %dma_wait3A_159 = tpu.memref_slice %arg15[%dma_wait3A_148, %dma_wait3A_157, %dma_wait3A_158] : memref<2x1248x16xf32, #tpu.memory_space<vmem>> -> memref<1x1248x16xf32, #tpu.memory_space<vmem>>
    %dma_wait3A_160 = tpu.memref_squeeze %dma_wait3A_159 : memref<1x1248x16xf32, #tpu.memory_space<vmem>> -> memref<1248x16xf32, #tpu.memory_space<vmem>>
    tpu.wait_dma2 semaphore(%arg18 : memref<!tpu.dma_semaphore, #tpu.memory_space<semaphore_mem>>) src(%dma_wait3A_160 : memref<1248x16xf32, #tpu.memory_space<vmem>>) dst(%dma_wait3A_156 : memref<1248x16xf32, #tpu.memory_space<hbm>>)
    %dma_start3A_161 = arith.constant 0 : i32
    %dma_start3A_162 = arith.constant 0 : i32
    %dma_start3A_163 = arith.constant 0 : i32
    %dma_start3A_164 = arith.constant 0 : i32
    %dma_start3A_165 = tpu.memref_slice %arg15[%dma_start3A_162, %dma_start3A_163, %dma_start3A_164] : memref<2x1248x16xf32, #tpu.memory_space<vmem>> -> memref<1x1248x16xf32, #tpu.memory_space<vmem>>
    %dma_start3A_166 = tpu.memref_squeeze %dma_start3A_165 : memref<1x1248x16xf32, #tpu.memory_space<vmem>> -> memref<1248x16xf32, #tpu.memory_space<vmem>>
    %dma_start3A_167 = arith.constant 0 : i32
    %dma_start3A_168 = tpu.memref_slice %arg14[%dma_start3A_161, %dma_start3A_167] : memref<2x1248xi32, #tpu.memory_space<vmem>> -> memref<1x1248xi32, #tpu.memory_space<vmem>>
    %dma_start3A_169 = tpu.memref_squeeze %dma_start3A_168 : memref<1x1248xi32, #tpu.memory_space<vmem>> -> memref<1248xi32, #tpu.memory_space<vmem>>
    %dma_start3A_170 = arith.constant 0 : i32
    %dma_start3A_171 = arith.constant 0 : i32
    %dma_start3A_172 = tpu.memref_slice %arg2[%dma_start3A_170, %dma_start3A_171] : memref<10000x16xf32, #tpu.memory_space<hbm>> -> memref<10000x16xf32, #tpu.memory_space<hbm>>
    tpu.enqueue_indirect_dma source(%dma_start3A_172 : memref<10000x16xf32, #tpu.memory_space<hbm>>) target(%dma_start3A_166 : memref<1248x16xf32, #tpu.memory_space<vmem>>) offsets(%dma_start3A_169 : memref<1248xi32, #tpu.memory_space<vmem>>) semaphore(%arg30 : memref<!tpu.dma_semaphore, #tpu.memory_space<semaphore_mem>>)
    %dma_wait3A_173 = arith.constant 0 : i32
    %dma_wait3A_174 = arith.constant 0 : i32
    %dma_wait3A_175 = arith.constant 0 : i32
    %dma_wait3A_176 = arith.constant 0 : i32
    %dma_wait3A_177 = tpu.memref_slice %arg15[%dma_wait3A_174, %dma_wait3A_175, %dma_wait3A_176] : memref<2x1248x16xf32, #tpu.memory_space<vmem>> -> memref<1x1248x16xf32, #tpu.memory_space<vmem>>
    %dma_wait3A_178 = tpu.memref_squeeze %dma_wait3A_177 : memref<1x1248x16xf32, #tpu.memory_space<vmem>> -> memref<1248x16xf32, #tpu.memory_space<vmem>>
    %dma_wait3A_179 = arith.constant 0 : i32
    %dma_wait3A_180 = tpu.memref_slice %arg14[%dma_wait3A_173, %dma_wait3A_179] : memref<2x1248xi32, #tpu.memory_space<vmem>> -> memref<1x1248xi32, #tpu.memory_space<vmem>>
    %dma_wait3A_181 = tpu.memref_squeeze %dma_wait3A_180 : memref<1x1248xi32, #tpu.memory_space<vmem>> -> memref<1248xi32, #tpu.memory_space<vmem>>
    %dma_wait3A_182 = arith.constant 0 : i32
    %dma_wait3A_183 = arith.constant 0 : i32
    %dma_wait3A_184 = tpu.memref_slice %arg2[%dma_wait3A_182, %dma_wait3A_183] : memref<10000x16xf32, #tpu.memory_space<hbm>> -> memref<10000x16xf32, #tpu.memory_space<hbm>>
    tpu.wait_indirect_dma semaphore(%arg30 : memref<!tpu.dma_semaphore, #tpu.memory_space<semaphore_mem>>) src(%dma_wait3A_184 : memref<10000x16xf32, #tpu.memory_space<hbm>>) dst(%dma_wait3A_178 : memref<1248x16xf32, #tpu.memory_space<vmem>>)
    %dma_start3A_185 = arith.constant 0 : i32
    %dma_start3A_186 = arith.constant 0 : i32
    %dma_start3A_187 = arith.constant 0 : i32
    %dma_start3A_188 = tpu.memref_slice %arg15[%dma_start3A_185, %dma_start3A_186, %dma_start3A_187] : memref<2x1248x16xf32, #tpu.memory_space<vmem>> -> memref<1x1248x16xf32, #tpu.memory_space<vmem>>
    %dma_start3A_189 = tpu.memref_squeeze %dma_start3A_188 : memref<1x1248x16xf32, #tpu.memory_space<vmem>> -> memref<1248x16xf32, #tpu.memory_space<vmem>>
    %dma_start3A_190 = arith.constant 32 : i32
    %dma_start3A_191 = tpu.memref_slice %arg9[%mul3A_2, %dma_start3A_190] : memref<40000x128xf32, #tpu.memory_space<hbm>> -> memref<1248x16xf32, #tpu.memory_space<hbm>>
    %dma_start3A_192 = arith.constant 32 : i32
    %dma_start3A_193 = tpu.memref_slice %arg9[%mul3A_2, %dma_start3A_192] : memref<40000x128xf32, #tpu.memory_space<hbm>> -> memref<1248x16xf32, #tpu.memory_space<hbm>>
    %dma_start3A_194 = arith.constant 0 : i32
    %dma_start3A_195 = arith.constant 0 : i32
    %dma_start3A_196 = tpu.memref_slice %arg15[%dma_start3A_185, %dma_start3A_194, %dma_start3A_195] : memref<2x1248x16xf32, #tpu.memory_space<vmem>> -> memref<1x1248x16xf32, #tpu.memory_space<vmem>>
    %dma_start3A_197 = tpu.memref_squeeze %dma_start3A_196 : memref<1x1248x16xf32, #tpu.memory_space<vmem>> -> memref<1248x16xf32, #tpu.memory_space<vmem>>
    tpu.enqueue_dma source(%dma_start3A_197 : memref<1248x16xf32, #tpu.memory_space<vmem>>) target(%dma_start3A_193 : memref<1248x16xf32, #tpu.memory_space<hbm>>) target_semaphore(%arg18 : memref<!tpu.dma_semaphore, #tpu.memory_space<semaphore_mem>>)
    %add3A_198 = arith.constant 80000 : i32
    %add3A_199 = arith.addi %add3A_198, %mul3A_2 : i32
    %dma_start3A_200 = arith.constant 0 : i32
    %dma_start3A_201 = arith.constant 0 : i32
    %dma_start3A_202 = tpu.memref_slice %arg14[%dma_start3A_200, %dma_start3A_201] : memref<2x1248xi32, #tpu.memory_space<vmem>> -> memref<1x1248xi32, #tpu.memory_space<vmem>>
    %dma_start3A_203 = tpu.memref_squeeze %dma_start3A_202 : memref<1x1248xi32, #tpu.memory_space<vmem>> -> memref<1248xi32, #tpu.memory_space<vmem>>
    %dma_start3A_204 = tpu.memref_slice %arg3[%add3A_199] : memref<160000xi32, #tpu.memory_space<hbm>> -> memref<1248xi32, #tpu.memory_space<hbm>>
    %dma_start3A_205 = arith.constant 0 : i32
    %dma_start3A_206 = tpu.memref_slice %arg14[%dma_start3A_200, %dma_start3A_205] : memref<2x1248xi32, #tpu.memory_space<vmem>> -> memref<1x1248xi32, #tpu.memory_space<vmem>>
    %dma_start3A_207 = tpu.memref_squeeze %dma_start3A_206 : memref<1x1248xi32, #tpu.memory_space<vmem>> -> memref<1248xi32, #tpu.memory_space<vmem>>
    %dma_start3A_208 = tpu.memref_slice %arg3[%add3A_199] : memref<160000xi32, #tpu.memory_space<hbm>> -> memref<1248xi32, #tpu.memory_space<hbm>>
    tpu.enqueue_dma source(%dma_start3A_208 : memref<1248xi32, #tpu.memory_space<hbm>>) target(%dma_start3A_207 : memref<1248xi32, #tpu.memory_space<vmem>>) target_semaphore(%arg16 : memref<!tpu.dma_semaphore, #tpu.memory_space<semaphore_mem>>)
    %dma_wait3A_209 = arith.constant 1 : i32
    %dma_wait3A_210 = arith.constant 0 : i32
    %dma_wait3A_211 = tpu.memref_slice %arg14[%dma_wait3A_209, %dma_wait3A_210] : memref<2x1248xi32, #tpu.memory_space<vmem>> -> memref<1x1248xi32, #tpu.memory_space<vmem>>
    %dma_wait3A_212 = tpu.memref_squeeze %dma_wait3A_211 : memref<1x1248xi32, #tpu.memory_space<vmem>> -> memref<1248xi32, #tpu.memory_space<vmem>>
    %dma_wait3A_213 = tpu.memref_slice %arg4[%add3A_129] : memref<160000xi32, #tpu.memory_space<hbm>> -> memref<1248xi32, #tpu.memory_space<hbm>>
    %dma_wait3A_214 = arith.constant 0 : i32
    %dma_wait3A_215 = tpu.memref_slice %arg14[%dma_wait3A_209, %dma_wait3A_214] : memref<2x1248xi32, #tpu.memory_space<vmem>> -> memref<1x1248xi32, #tpu.memory_space<vmem>>
    %dma_wait3A_216 = tpu.memref_squeeze %dma_wait3A_215 : memref<1x1248xi32, #tpu.memory_space<vmem>> -> memref<1248xi32, #tpu.memory_space<vmem>>
    %dma_wait3A_217 = tpu.memref_slice %arg4[%add3A_129] : memref<160000xi32, #tpu.memory_space<hbm>> -> memref<1248xi32, #tpu.memory_space<hbm>>
    tpu.wait_dma2 semaphore(%arg17 : memref<!tpu.dma_semaphore, #tpu.memory_space<semaphore_mem>>) src(%dma_wait3A_217 : memref<1248xi32, #tpu.memory_space<hbm>>) dst(%dma_wait3A_216 : memref<1248xi32, #tpu.memory_space<vmem>>)
    %dma_wait3A_218 = arith.constant 1 : i32
    %dma_wait3A_219 = arith.constant 0 : i32
    %dma_wait3A_220 = arith.constant 0 : i32
    %dma_wait3A_221 = tpu.memref_slice %arg15[%dma_wait3A_218, %dma_wait3A_219, %dma_wait3A_220] : memref<2x1248x16xf32, #tpu.memory_space<vmem>> -> memref<1x1248x16xf32, #tpu.memory_space<vmem>>
    %dma_wait3A_222 = tpu.memref_squeeze %dma_wait3A_221 : memref<1x1248x16xf32, #tpu.memory_space<vmem>> -> memref<1248x16xf32, #tpu.memory_space<vmem>>
    %dma_wait3A_223 = arith.constant 16 : i32
    %dma_wait3A_224 = tpu.memref_slice %arg9[%mul3A_2, %dma_wait3A_223] : memref<40000x128xf32, #tpu.memory_space<hbm>> -> memref<1248x16xf32, #tpu.memory_space<hbm>>
    %dma_wait3A_225 = arith.constant 16 : i32
    %dma_wait3A_226 = tpu.memref_slice %arg9[%mul3A_2, %dma_wait3A_225] : memref<40000x128xf32, #tpu.memory_space<hbm>> -> memref<1248x16xf32, #tpu.memory_space<hbm>>
    %dma_wait3A_227 = arith.constant 0 : i32
    %dma_wait3A_228 = arith.constant 0 : i32
    %dma_wait3A_229 = tpu.memref_slice %arg15[%dma_wait3A_218, %dma_wait3A_227, %dma_wait3A_228] : memref<2x1248x16xf32, #tpu.memory_space<vmem>> -> memref<1x1248x16xf32, #tpu.memory_space<vmem>>
    %dma_wait3A_230 = tpu.memref_squeeze %dma_wait3A_229 : memref<1x1248x16xf32, #tpu.memory_space<vmem>> -> memref<1248x16xf32, #tpu.memory_space<vmem>>
    tpu.wait_dma2 semaphore(%arg19 : memref<!tpu.dma_semaphore, #tpu.memory_space<semaphore_mem>>) src(%dma_wait3A_230 : memref<1248x16xf32, #tpu.memory_space<vmem>>) dst(%dma_wait3A_226 : memref<1248x16xf32, #tpu.memory_space<hbm>>)
    %dma_start3A_231 = arith.constant 1 : i32
    %dma_start3A_232 = arith.constant 1 : i32
    %dma_start3A_233 = arith.constant 0 : i32
    %dma_start3A_234 = arith.constant 0 : i32
    %dma_start3A_235 = tpu.memref_slice %arg15[%dma_start3A_232, %dma_start3A_233, %dma_start3A_234] : memref<2x1248x16xf32, #tpu.memory_space<vmem>> -> memref<1x1248x16xf32, #tpu.memory_space<vmem>>
    %dma_start3A_236 = tpu.memref_squeeze %dma_start3A_235 : memref<1x1248x16xf32, #tpu.memory_space<vmem>> -> memref<1248x16xf32, #tpu.memory_space<vmem>>
    %dma_start3A_237 = arith.constant 0 : i32
    %dma_start3A_238 = tpu.memref_slice %arg14[%dma_start3A_231, %dma_start3A_237] : memref<2x1248xi32, #tpu.memory_space<vmem>> -> memref<1x1248xi32, #tpu.memory_space<vmem>>
    %dma_start3A_239 = tpu.memref_squeeze %dma_start3A_238 : memref<1x1248xi32, #tpu.memory_space<vmem>> -> memref<1248xi32, #tpu.memory_space<vmem>>
    %dma_start3A_240 = arith.constant 0 : i32
    %dma_start3A_241 = arith.constant 0 : i32
    %dma_start3A_242 = tpu.memref_slice %arg2[%dma_start3A_240, %dma_start3A_241] : memref<10000x16xf32, #tpu.memory_space<hbm>> -> memref<10000x16xf32, #tpu.memory_space<hbm>>
    tpu.enqueue_indirect_dma source(%dma_start3A_242 : memref<10000x16xf32, #tpu.memory_space<hbm>>) target(%dma_start3A_236 : memref<1248x16xf32, #tpu.memory_space<vmem>>) offsets(%dma_start3A_239 : memref<1248xi32, #tpu.memory_space<vmem>>) semaphore(%arg30 : memref<!tpu.dma_semaphore, #tpu.memory_space<semaphore_mem>>)
    %dma_wait3A_243 = arith.constant 1 : i32
    %dma_wait3A_244 = arith.constant 1 : i32
    %dma_wait3A_245 = arith.constant 0 : i32
    %dma_wait3A_246 = arith.constant 0 : i32
    %dma_wait3A_247 = tpu.memref_slice %arg15[%dma_wait3A_244, %dma_wait3A_245, %dma_wait3A_246] : memref<2x1248x16xf32, #tpu.memory_space<vmem>> -> memref<1x1248x16xf32, #tpu.memory_space<vmem>>
    %dma_wait3A_248 = tpu.memref_squeeze %dma_wait3A_247 : memref<1x1248x16xf32, #tpu.memory_space<vmem>> -> memref<1248x16xf32, #tpu.memory_space<vmem>>
    %dma_wait3A_249 = arith.constant 0 : i32
    %dma_wait3A_250 = tpu.memref_slice %arg14[%dma_wait3A_243, %dma_wait3A_249] : memref<2x1248xi32, #tpu.memory_space<vmem>> -> memref<1x1248xi32, #tpu.memory_space<vmem>>
    %dma_wait3A_251 = tpu.memref_squeeze %dma_wait3A_250 : memref<1x1248xi32, #tpu.memory_space<vmem>> -> memref<1248xi32, #tpu.memory_space<vmem>>
    %dma_wait3A_252 = arith.constant 0 : i32
    %dma_wait3A_253 = arith.constant 0 : i32
    %dma_wait3A_254 = tpu.memref_slice %arg2[%dma_wait3A_252, %dma_wait3A_253] : memref<10000x16xf32, #tpu.memory_space<hbm>> -> memref<10000x16xf32, #tpu.memory_space<hbm>>
    tpu.wait_indirect_dma semaphore(%arg30 : memref<!tpu.dma_semaphore, #tpu.memory_space<semaphore_mem>>) src(%dma_wait3A_254 : memref<10000x16xf32, #tpu.memory_space<hbm>>) dst(%dma_wait3A_248 : memref<1248x16xf32, #tpu.memory_space<vmem>>)
    %dma_start3A_255 = arith.constant 1 : i32
    %dma_start3A_256 = arith.constant 0 : i32
    %dma_start3A_257 = arith.constant 0 : i32
    %dma_start3A_258 = tpu.memref_slice %arg15[%dma_start3A_255, %dma_start3A_256, %dma_start3A_257] : memref<2x1248x16xf32, #tpu.memory_space<vmem>> -> memref<1x1248x16xf32, #tpu.memory_space<vmem>>
    %dma_start3A_259 = tpu.memref_squeeze %dma_start3A_258 : memref<1x1248x16xf32, #tpu.memory_space<vmem>> -> memref<1248x16xf32, #tpu.memory_space<vmem>>
    %dma_start3A_260 = arith.constant 48 : i32
    %dma_start3A_261 = tpu.memref_slice %arg9[%mul3A_2, %dma_start3A_260] : memref<40000x128xf32, #tpu.memory_space<hbm>> -> memref<1248x16xf32, #tpu.memory_space<hbm>>
    %dma_start3A_262 = arith.constant 48 : i32
    %dma_start3A_263 = tpu.memref_slice %arg9[%mul3A_2, %dma_start3A_262] : memref<40000x128xf32, #tpu.memory_space<hbm>> -> memref<1248x16xf32, #tpu.memory_space<hbm>>
    %dma_start3A_264 = arith.constant 0 : i32
    %dma_start3A_265 = arith.constant 0 : i32
    %dma_start3A_266 = tpu.memref_slice %arg15[%dma_start3A_255, %dma_start3A_264, %dma_start3A_265] : memref<2x1248x16xf32, #tpu.memory_space<vmem>> -> memref<1x1248x16xf32, #tpu.memory_space<vmem>>
    %dma_start3A_267 = tpu.memref_squeeze %dma_start3A_266 : memref<1x1248x16xf32, #tpu.memory_space<vmem>> -> memref<1248x16xf32, #tpu.memory_space<vmem>>
    tpu.enqueue_dma source(%dma_start3A_267 : memref<1248x16xf32, #tpu.memory_space<vmem>>) target(%dma_start3A_263 : memref<1248x16xf32, #tpu.memory_space<hbm>>) target_semaphore(%arg19 : memref<!tpu.dma_semaphore, #tpu.memory_space<semaphore_mem>>)
    %add3A_268 = arith.constant 80000 : i32
    %add3A_269 = arith.addi %add3A_268, %mul3A_2 : i32
    %dma_start3A_270 = arith.constant 1 : i32
    %dma_start3A_271 = arith.constant 0 : i32
    %dma_start3A_272 = tpu.memref_slice %arg14[%dma_start3A_270, %dma_start3A_271] : memref<2x1248xi32, #tpu.memory_space<vmem>> -> memref<1x1248xi32, #tpu.memory_space<vmem>>
    %dma_start3A_273 = tpu.memref_squeeze %dma_start3A_272 : memref<1x1248xi32, #tpu.memory_space<vmem>> -> memref<1248xi32, #tpu.memory_space<vmem>>
    %dma_start3A_274 = tpu.memref_slice %arg4[%add3A_269] : memref<160000xi32, #tpu.memory_space<hbm>> -> memref<1248xi32, #tpu.memory_space<hbm>>
    %dma_start3A_275 = arith.constant 0 : i32
    %dma_start3A_276 = tpu.memref_slice %arg14[%dma_start3A_270, %dma_start3A_275] : memref<2x1248xi32, #tpu.memory_space<vmem>> -> memref<1x1248xi32, #tpu.memory_space<vmem>>
    %dma_start3A_277 = tpu.memref_squeeze %dma_start3A_276 : memref<1x1248xi32, #tpu.memory_space<vmem>> -> memref<1248xi32, #tpu.memory_space<vmem>>
    %dma_start3A_278 = tpu.memref_slice %arg4[%add3A_269] : memref<160000xi32, #tpu.memory_space<hbm>> -> memref<1248xi32, #tpu.memory_space<hbm>>
    tpu.enqueue_dma source(%dma_start3A_278 : memref<1248xi32, #tpu.memory_space<hbm>>) target(%dma_start3A_277 : memref<1248xi32, #tpu.memory_space<vmem>>) target_semaphore(%arg17 : memref<!tpu.dma_semaphore, #tpu.memory_space<semaphore_mem>>)
    %dma_wait3A_279 = arith.constant 0 : i32
    %dma_wait3A_280 = arith.constant 0 : i32
    %dma_wait3A_281 = tpu.memref_slice %arg14[%dma_wait3A_279, %dma_wait3A_280] : memref<2x1248xi32, #tpu.memory_space<vmem>> -> memref<1x1248xi32, #tpu.memory_space<vmem>>
    %dma_wait3A_282 = tpu.memref_squeeze %dma_wait3A_281 : memref<1x1248xi32, #tpu.memory_space<vmem>> -> memref<1248xi32, #tpu.memory_space<vmem>>
    %dma_wait3A_283 = tpu.memref_slice %arg3[%add3A_199] : memref<160000xi32, #tpu.memory_space<hbm>> -> memref<1248xi32, #tpu.memory_space<hbm>>
    %dma_wait3A_284 = arith.constant 0 : i32
    %dma_wait3A_285 = tpu.memref_slice %arg14[%dma_wait3A_279, %dma_wait3A_284] : memref<2x1248xi32, #tpu.memory_space<vmem>> -> memref<1x1248xi32, #tpu.memory_space<vmem>>
    %dma_wait3A_286 = tpu.memref_squeeze %dma_wait3A_285 : memref<1x1248xi32, #tpu.memory_space<vmem>> -> memref<1248xi32, #tpu.memory_space<vmem>>
    %dma_wait3A_287 = tpu.memref_slice %arg3[%add3A_199] : memref<160000xi32, #tpu.memory_space<hbm>> -> memref<1248xi32, #tpu.memory_space<hbm>>
    tpu.wait_dma2 semaphore(%arg16 : memref<!tpu.dma_semaphore, #tpu.memory_space<semaphore_mem>>) src(%dma_wait3A_287 : memref<1248xi32, #tpu.memory_space<hbm>>) dst(%dma_wait3A_286 : memref<1248xi32, #tpu.memory_space<vmem>>)
    %dma_wait3A_288 = arith.constant 0 : i32
    %dma_wait3A_289 = arith.constant 0 : i32
    %dma_wait3A_290 = arith.constant 0 : i32
    %dma_wait3A_291 = tpu.memref_slice %arg15[%dma_wait3A_288, %dma_wait3A_289, %dma_wait3A_290] : memref<2x1248x16xf32, #tpu.memory_space<vmem>> -> memref<1x1248x16xf32, #tpu.memory_space<vmem>>
    %dma_wait3A_292 = tpu.memref_squeeze %dma_wait3A_291 : memref<1x1248x16xf32, #tpu.memory_space<vmem>> -> memref<1248x16xf32, #tpu.memory_space<vmem>>
    %dma_wait3A_293 = arith.constant 32 : i32
    %dma_wait3A_294 = tpu.memref_slice %arg9[%mul3A_2, %dma_wait3A_293] : memref<40000x128xf32, #tpu.memory_space<hbm>> -> memref<1248x16xf32, #tpu.memory_space<hbm>>
    %dma_wait3A_295 = arith.constant 32 : i32
    %dma_wait3A_296 = tpu.memref_slice %arg9[%mul3A_2, %dma_wait3A_295] : memref<40000x128xf32, #tpu.memory_space<hbm>> -> memref<1248x16xf32, #tpu.memory_space<hbm>>
    %dma_wait3A_297 = arith.constant 0 : i32
    %dma_wait3A_298 = arith.constant 0 : i32
    %dma_wait3A_299 = tpu.memref_slice %arg15[%dma_wait3A_288, %dma_wait3A_297, %dma_wait3A_298] : memref<2x1248x16xf32, #tpu.memory_space<vmem>> -> memref<1x1248x16xf32, #tpu.memory_space<vmem>>
    %dma_wait3A_300 = tpu.memref_squeeze %dma_wait3A_299 : memref<1x1248x16xf32, #tpu.memory_space<vmem>> -> memref<1248x16xf32, #tpu.memory_space<vmem>>
    tpu.wait_dma2 semaphore(%arg18 : memref<!tpu.dma_semaphore, #tpu.memory_space<semaphore_mem>>) src(%dma_wait3A_300 : memref<1248x16xf32, #tpu.memory_space<vmem>>) dst(%dma_wait3A_296 : memref<1248x16xf32, #tpu.memory_space<hbm>>)
    %dma_start3A_301 = arith.constant 0 : i32
    %dma_start3A_302 = arith.constant 0 : i32
    %dma_start3A_303 = arith.constant 0 : i32
    %dma_start3A_304 = arith.constant 0 : i32
    %dma_start3A_305 = tpu.memref_slice %arg15[%dma_start3A_302, %dma_start3A_303, %dma_start3A_304] : memref<2x1248x16xf32, #tpu.memory_space<vmem>> -> memref<1x1248x16xf32, #tpu.memory_space<vmem>>
    %dma_start3A_306 = tpu.memref_squeeze %dma_start3A_305 : memref<1x1248x16xf32, #tpu.memory_space<vmem>> -> memref<1248x16xf32, #tpu.memory_space<vmem>>
    %dma_start3A_307 = arith.constant 0 : i32
    %dma_start3A_308 = tpu.memref_slice %arg14[%dma_start3A_301, %dma_start3A_307] : memref<2x1248xi32, #tpu.memory_space<vmem>> -> memref<1x1248xi32, #tpu.memory_space<vmem>>
    %dma_start3A_309 = tpu.memref_squeeze %dma_start3A_308 : memref<1x1248xi32, #tpu.memory_space<vmem>> -> memref<1248xi32, #tpu.memory_space<vmem>>
    %dma_start3A_310 = arith.constant 0 : i32
    %dma_start3A_311 = arith.constant 0 : i32
    %dma_start3A_312 = tpu.memref_slice %arg2[%dma_start3A_310, %dma_start3A_311] : memref<10000x16xf32, #tpu.memory_space<hbm>> -> memref<10000x16xf32, #tpu.memory_space<hbm>>
    tpu.enqueue_indirect_dma source(%dma_start3A_312 : memref<10000x16xf32, #tpu.memory_space<hbm>>) target(%dma_start3A_306 : memref<1248x16xf32, #tpu.memory_space<vmem>>) offsets(%dma_start3A_309 : memref<1248xi32, #tpu.memory_space<vmem>>) semaphore(%arg30 : memref<!tpu.dma_semaphore, #tpu.memory_space<semaphore_mem>>)
    %dma_wait3A_313 = arith.constant 0 : i32
    %dma_wait3A_314 = arith.constant 0 : i32
    %dma_wait3A_315 = arith.constant 0 : i32
    %dma_wait3A_316 = arith.constant 0 : i32
    %dma_wait3A_317 = tpu.memref_slice %arg15[%dma_wait3A_314, %dma_wait3A_315, %dma_wait3A_316] : memref<2x1248x16xf32, #tpu.memory_space<vmem>> -> memref<1x1248x16xf32, #tpu.memory_space<vmem>>
    %dma_wait3A_318 = tpu.memref_squeeze %dma_wait3A_317 : memref<1x1248x16xf32, #tpu.memory_space<vmem>> -> memref<1248x16xf32, #tpu.memory_space<vmem>>
    %dma_wait3A_319 = arith.constant 0 : i32
    %dma_wait3A_320 = tpu.memref_slice %arg14[%dma_wait3A_313, %dma_wait3A_319] : memref<2x1248xi32, #tpu.memory_space<vmem>> -> memref<1x1248xi32, #tpu.memory_space<vmem>>
    %dma_wait3A_321 = tpu.memref_squeeze %dma_wait3A_320 : memref<1x1248xi32, #tpu.memory_space<vmem>> -> memref<1248xi32, #tpu.memory_space<vmem>>
    %dma_wait3A_322 = arith.constant 0 : i32
    %dma_wait3A_323 = arith.constant 0 : i32
    %dma_wait3A_324 = tpu.memref_slice %arg2[%dma_wait3A_322, %dma_wait3A_323] : memref<10000x16xf32, #tpu.memory_space<hbm>> -> memref<10000x16xf32, #tpu.memory_space<hbm>>
    tpu.wait_indirect_dma semaphore(%arg30 : memref<!tpu.dma_semaphore, #tpu.memory_space<semaphore_mem>>) src(%dma_wait3A_324 : memref<10000x16xf32, #tpu.memory_space<hbm>>) dst(%dma_wait3A_318 : memref<1248x16xf32, #tpu.memory_space<vmem>>)
    %dma_start3A_325 = arith.constant 0 : i32
    %dma_start3A_326 = arith.constant 0 : i32
    %dma_start3A_327 = arith.constant 0 : i32
    %dma_start3A_328 = tpu.memref_slice %arg15[%dma_start3A_325, %dma_start3A_326, %dma_start3A_327] : memref<2x1248x16xf32, #tpu.memory_space<vmem>> -> memref<1x1248x16xf32, #tpu.memory_space<vmem>>
    %dma_start3A_329 = tpu.memref_squeeze %dma_start3A_328 : memref<1x1248x16xf32, #tpu.memory_space<vmem>> -> memref<1248x16xf32, #tpu.memory_space<vmem>>
    %dma_start3A_330 = arith.constant 64 : i32
    %dma_start3A_331 = tpu.memref_slice %arg9[%mul3A_2, %dma_start3A_330] : memref<40000x128xf32, #tpu.memory_space<hbm>> -> memref<1248x16xf32, #tpu.memory_space<hbm>>
    %dma_start3A_332 = arith.constant 64 : i32
    %dma_start3A_333 = tpu.memref_slice %arg9[%mul3A_2, %dma_start3A_332] : memref<40000x128xf32, #tpu.memory_space<hbm>> -> memref<1248x16xf32, #tpu.memory_space<hbm>>
    %dma_start3A_334 = arith.constant 0 : i32
    %dma_start3A_335 = arith.constant 0 : i32
    %dma_start3A_336 = tpu.memref_slice %arg15[%dma_start3A_325, %dma_start3A_334, %dma_start3A_335] : memref<2x1248x16xf32, #tpu.memory_space<vmem>> -> memref<1x1248x16xf32, #tpu.memory_space<vmem>>
    %dma_start3A_337 = tpu.memref_squeeze %dma_start3A_336 : memref<1x1248x16xf32, #tpu.memory_space<vmem>> -> memref<1248x16xf32, #tpu.memory_space<vmem>>
    tpu.enqueue_dma source(%dma_start3A_337 : memref<1248x16xf32, #tpu.memory_space<vmem>>) target(%dma_start3A_333 : memref<1248x16xf32, #tpu.memory_space<hbm>>) target_semaphore(%arg18 : memref<!tpu.dma_semaphore, #tpu.memory_space<semaphore_mem>>)
    %add3A_338 = arith.constant 120000 : i32
    %add3A_339 = arith.addi %add3A_338, %mul3A_2 : i32
    %dma_start3A_340 = arith.constant 0 : i32
    %dma_start3A_341 = arith.constant 0 : i32
    %dma_start3A_342 = tpu.memref_slice %arg14[%dma_start3A_340, %dma_start3A_341] : memref<2x1248xi32, #tpu.memory_space<vmem>> -> memref<1x1248xi32, #tpu.memory_space<vmem>>
    %dma_start3A_343 = tpu.memref_squeeze %dma_start3A_342 : memref<1x1248xi32, #tpu.memory_space<vmem>> -> memref<1248xi32, #tpu.memory_space<vmem>>
    %dma_start3A_344 = tpu.memref_slice %arg3[%add3A_339] : memref<160000xi32, #tpu.memory_space<hbm>> -> memref<1248xi32, #tpu.memory_space<hbm>>
    %dma_start3A_345 = arith.constant 0 : i32
    %dma_start3A_346 = tpu.memref_slice %arg14[%dma_start3A_340, %dma_start3A_345] : memref<2x1248xi32, #tpu.memory_space<vmem>> -> memref<1x1248xi32, #tpu.memory_space<vmem>>
    %dma_start3A_347 = tpu.memref_squeeze %dma_start3A_346 : memref<1x1248xi32, #tpu.memory_space<vmem>> -> memref<1248xi32, #tpu.memory_space<vmem>>
    %dma_start3A_348 = tpu.memref_slice %arg3[%add3A_339] : memref<160000xi32, #tpu.memory_space<hbm>> -> memref<1248xi32, #tpu.memory_space<hbm>>
    tpu.enqueue_dma source(%dma_start3A_348 : memref<1248xi32, #tpu.memory_space<hbm>>) target(%dma_start3A_347 : memref<1248xi32, #tpu.memory_space<vmem>>) target_semaphore(%arg16 : memref<!tpu.dma_semaphore, #tpu.memory_space<semaphore_mem>>)
    %dma_wait3A_349 = arith.constant 1 : i32
    %dma_wait3A_350 = arith.constant 0 : i32
    %dma_wait3A_351 = tpu.memref_slice %arg14[%dma_wait3A_349, %dma_wait3A_350] : memref<2x1248xi32, #tpu.memory_space<vmem>> -> memref<1x1248xi32, #tpu.memory_space<vmem>>
    %dma_wait3A_352 = tpu.memref_squeeze %dma_wait3A_351 : memref<1x1248xi32, #tpu.memory_space<vmem>> -> memref<1248xi32, #tpu.memory_space<vmem>>
    %dma_wait3A_353 = tpu.memref_slice %arg4[%add3A_269] : memref<160000xi32, #tpu.memory_space<hbm>> -> memref<1248xi32, #tpu.memory_space<hbm>>
    %dma_wait3A_354 = arith.constant 0 : i32
    %dma_wait3A_355 = tpu.memref_slice %arg14[%dma_wait3A_349, %dma_wait3A_354] : memref<2x1248xi32, #tpu.memory_space<vmem>> -> memref<1x1248xi32, #tpu.memory_space<vmem>>
    %dma_wait3A_356 = tpu.memref_squeeze %dma_wait3A_355 : memref<1x1248xi32, #tpu.memory_space<vmem>> -> memref<1248xi32, #tpu.memory_space<vmem>>
    %dma_wait3A_357 = tpu.memref_slice %arg4[%add3A_269] : memref<160000xi32, #tpu.memory_space<hbm>> -> memref<1248xi32, #tpu.memory_space<hbm>>
    tpu.wait_dma2 semaphore(%arg17 : memref<!tpu.dma_semaphore, #tpu.memory_space<semaphore_mem>>) src(%dma_wait3A_357 : memref<1248xi32, #tpu.memory_space<hbm>>) dst(%dma_wait3A_356 : memref<1248xi32, #tpu.memory_space<vmem>>)
    %dma_wait3A_358 = arith.constant 1 : i32
    %dma_wait3A_359 = arith.constant 0 : i32
    %dma_wait3A_360 = arith.constant 0 : i32
    %dma_wait3A_361 = tpu.memref_slice %arg15[%dma_wait3A_358, %dma_wait3A_359, %dma_wait3A_360] : memref<2x1248x16xf32, #tpu.memory_space<vmem>> -> memref<1x1248x16xf32, #tpu.memory_space<vmem>>
    %dma_wait3A_362 = tpu.memref_squeeze %dma_wait3A_361 : memref<1x1248x16xf32, #tpu.memory_space<vmem>> -> memref<1248x16xf32, #tpu.memory_space<vmem>>
    %dma_wait3A_363 = arith.constant 48 : i32
    %dma_wait3A_364 = tpu.memref_slice %arg9[%mul3A_2, %dma_wait3A_363] : memref<40000x128xf32, #tpu.memory_space<hbm>> -> memref<1248x16xf32, #tpu.memory_space<hbm>>
    %dma_wait3A_365 = arith.constant 48 : i32
    %dma_wait3A_366 = tpu.memref_slice %arg9[%mul3A_2, %dma_wait3A_365] : memref<40000x128xf32, #tpu.memory_space<hbm>> -> memref<1248x16xf32, #tpu.memory_space<hbm>>
    %dma_wait3A_367 = arith.constant 0 : i32
    %dma_wait3A_368 = arith.constant 0 : i32
    %dma_wait3A_369 = tpu.memref_slice %arg15[%dma_wait3A_358, %dma_wait3A_367, %dma_wait3A_368] : memref<2x1248x16xf32, #tpu.memory_space<vmem>> -> memref<1x1248x16xf32, #tpu.memory_space<vmem>>
    %dma_wait3A_370 = tpu.memref_squeeze %dma_wait3A_369 : memref<1x1248x16xf32, #tpu.memory_space<vmem>> -> memref<1248x16xf32, #tpu.memory_space<vmem>>
    tpu.wait_dma2 semaphore(%arg19 : memref<!tpu.dma_semaphore, #tpu.memory_space<semaphore_mem>>) src(%dma_wait3A_370 : memref<1248x16xf32, #tpu.memory_space<vmem>>) dst(%dma_wait3A_366 : memref<1248x16xf32, #tpu.memory_space<hbm>>)
    %dma_start3A_371 = arith.constant 1 : i32
    %dma_start3A_372 = arith.constant 1 : i32
    %dma_start3A_373 = arith.constant 0 : i32
    %dma_start3A_374 = arith.constant 0 : i32
    %dma_start3A_375 = tpu.memref_slice %arg15[%dma_start3A_372, %dma_start3A_373, %dma_start3A_374] : memref<2x1248x16xf32, #tpu.memory_space<vmem>> -> memref<1x1248x16xf32, #tpu.memory_space<vmem>>
    %dma_start3A_376 = tpu.memref_squeeze %dma_start3A_375 : memref<1x1248x16xf32, #tpu.memory_space<vmem>> -> memref<1248x16xf32, #tpu.memory_space<vmem>>
    %dma_start3A_377 = arith.constant 0 : i32
    %dma_start3A_378 = tpu.memref_slice %arg14[%dma_start3A_371, %dma_start3A_377] : memref<2x1248xi32, #tpu.memory_space<vmem>> -> memref<1x1248xi32, #tpu.memory_space<vmem>>
    %dma_start3A_379 = tpu.memref_squeeze %dma_start3A_378 : memref<1x1248xi32, #tpu.memory_space<vmem>> -> memref<1248xi32, #tpu.memory_space<vmem>>
    %dma_start3A_380 = arith.constant 0 : i32
    %dma_start3A_381 = arith.constant 0 : i32
    %dma_start3A_382 = tpu.memref_slice %arg2[%dma_start3A_380, %dma_start3A_381] : memref<10000x16xf32, #tpu.memory_space<hbm>> -> memref<10000x16xf32, #tpu.memory_space<hbm>>
    tpu.enqueue_indirect_dma source(%dma_start3A_382 : memref<10000x16xf32, #tpu.memory_space<hbm>>) target(%dma_start3A_376 : memref<1248x16xf32, #tpu.memory_space<vmem>>) offsets(%dma_start3A_379 : memref<1248xi32, #tpu.memory_space<vmem>>) semaphore(%arg30 : memref<!tpu.dma_semaphore, #tpu.memory_space<semaphore_mem>>)
    %dma_wait3A_383 = arith.constant 1 : i32
    %dma_wait3A_384 = arith.constant 1 : i32
    %dma_wait3A_385 = arith.constant 0 : i32
    %dma_wait3A_386 = arith.constant 0 : i32
    %dma_wait3A_387 = tpu.memref_slice %arg15[%dma_wait3A_384, %dma_wait3A_385, %dma_wait3A_386] : memref<2x1248x16xf32, #tpu.memory_space<vmem>> -> memref<1x1248x16xf32, #tpu.memory_space<vmem>>
    %dma_wait3A_388 = tpu.memref_squeeze %dma_wait3A_387 : memref<1x1248x16xf32, #tpu.memory_space<vmem>> -> memref<1248x16xf32, #tpu.memory_space<vmem>>
    %dma_wait3A_389 = arith.constant 0 : i32
    %dma_wait3A_390 = tpu.memref_slice %arg14[%dma_wait3A_383, %dma_wait3A_389] : memref<2x1248xi32, #tpu.memory_space<vmem>> -> memref<1x1248xi32, #tpu.memory_space<vmem>>
    %dma_wait3A_391 = tpu.memref_squeeze %dma_wait3A_390 : memref<1x1248xi32, #tpu.memory_space<vmem>> -> memref<1248xi32, #tpu.memory_space<vmem>>
    %dma_wait3A_392 = arith.constant 0 : i32
    %dma_wait3A_393 = arith.constant 0 : i32
    %dma_wait3A_394 = tpu.memref_slice %arg2[%dma_wait3A_392, %dma_wait3A_393] : memref<10000x16xf32, #tpu.memory_space<hbm>> -> memref<10000x16xf32, #tpu.memory_space<hbm>>
    tpu.wait_indirect_dma semaphore(%arg30 : memref<!tpu.dma_semaphore, #tpu.memory_space<semaphore_mem>>) src(%dma_wait3A_394 : memref<10000x16xf32, #tpu.memory_space<hbm>>) dst(%dma_wait3A_388 : memref<1248x16xf32, #tpu.memory_space<vmem>>)
    %dma_start3A_395 = arith.constant 1 : i32
    %dma_start3A_396 = arith.constant 0 : i32
    %dma_start3A_397 = arith.constant 0 : i32
    %dma_start3A_398 = tpu.memref_slice %arg15[%dma_start3A_395, %dma_start3A_396, %dma_start3A_397] : memref<2x1248x16xf32, #tpu.memory_space<vmem>> -> memref<1x1248x16xf32, #tpu.memory_space<vmem>>
    %dma_start3A_399 = tpu.memref_squeeze %dma_start3A_398 : memref<1x1248x16xf32, #tpu.memory_space<vmem>> -> memref<1248x16xf32, #tpu.memory_space<vmem>>
    %dma_start3A_400 = arith.constant 80 : i32
    %dma_start3A_401 = tpu.memref_slice %arg9[%mul3A_2, %dma_start3A_400] : memref<40000x128xf32, #tpu.memory_space<hbm>> -> memref<1248x16xf32, #tpu.memory_space<hbm>>
    %dma_start3A_402 = arith.constant 80 : i32
    %dma_start3A_403 = tpu.memref_slice %arg9[%mul3A_2, %dma_start3A_402] : memref<40000x128xf32, #tpu.memory_space<hbm>> -> memref<1248x16xf32, #tpu.memory_space<hbm>>
    %dma_start3A_404 = arith.constant 0 : i32
    %dma_start3A_405 = arith.constant 0 : i32
    %dma_start3A_406 = tpu.memref_slice %arg15[%dma_start3A_395, %dma_start3A_404, %dma_start3A_405] : memref<2x1248x16xf32, #tpu.memory_space<vmem>> -> memref<1x1248x16xf32, #tpu.memory_space<vmem>>
    %dma_start3A_407 = tpu.memref_squeeze %dma_start3A_406 : memref<1x1248x16xf32, #tpu.memory_space<vmem>> -> memref<1248x16xf32, #tpu.memory_space<vmem>>
    tpu.enqueue_dma source(%dma_start3A_407 : memref<1248x16xf32, #tpu.memory_space<vmem>>) target(%dma_start3A_403 : memref<1248x16xf32, #tpu.memory_space<hbm>>) target_semaphore(%arg19 : memref<!tpu.dma_semaphore, #tpu.memory_space<semaphore_mem>>)
    %add3A_408 = arith.constant 120000 : i32
    %add3A_409 = arith.addi %add3A_408, %mul3A_2 : i32
    %dma_start3A_410 = arith.constant 1 : i32
    %dma_start3A_411 = arith.constant 0 : i32
    %dma_start3A_412 = tpu.memref_slice %arg14[%dma_start3A_410, %dma_start3A_411] : memref<2x1248xi32, #tpu.memory_space<vmem>> -> memref<1x1248xi32, #tpu.memory_space<vmem>>
    %dma_start3A_413 = tpu.memref_squeeze %dma_start3A_412 : memref<1x1248xi32, #tpu.memory_space<vmem>> -> memref<1248xi32, #tpu.memory_space<vmem>>
    %dma_start3A_414 = tpu.memref_slice %arg4[%add3A_409] : memref<160000xi32, #tpu.memory_space<hbm>> -> memref<1248xi32, #tpu.memory_space<hbm>>
    %dma_start3A_415 = arith.constant 0 : i32
    %dma_start3A_416 = tpu.memref_slice %arg14[%dma_start3A_410, %dma_start3A_415] : memref<2x1248xi32, #tpu.memory_space<vmem>> -> memref<1x1248xi32, #tpu.memory_space<vmem>>
    %dma_start3A_417 = tpu.memref_squeeze %dma_start3A_416 : memref<1x1248xi32, #tpu.memory_space<vmem>> -> memref<1248xi32, #tpu.memory_space<vmem>>
    %dma_start3A_418 = tpu.memref_slice %arg4[%add3A_409] : memref<160000xi32, #tpu.memory_space<hbm>> -> memref<1248xi32, #tpu.memory_space<hbm>>
    tpu.enqueue_dma source(%dma_start3A_418 : memref<1248xi32, #tpu.memory_space<hbm>>) target(%dma_start3A_417 : memref<1248xi32, #tpu.memory_space<vmem>>) target_semaphore(%arg17 : memref<!tpu.dma_semaphore, #tpu.memory_space<semaphore_mem>>)
    %dma_wait3A_419 = arith.constant 0 : i32
    %dma_wait3A_420 = arith.constant 0 : i32
    %dma_wait3A_421 = tpu.memref_slice %arg14[%dma_wait3A_419, %dma_wait3A_420] : memref<2x1248xi32, #tpu.memory_space<vmem>> -> memref<1x1248xi32, #tpu.memory_space<vmem>>
    %dma_wait3A_422 = tpu.memref_squeeze %dma_wait3A_421 : memref<1x1248xi32, #tpu.memory_space<vmem>> -> memref<1248xi32, #tpu.memory_space<vmem>>
    %dma_wait3A_423 = tpu.memref_slice %arg3[%add3A_339] : memref<160000xi32, #tpu.memory_space<hbm>> -> memref<1248xi32, #tpu.memory_space<hbm>>
    %dma_wait3A_424 = arith.constant 0 : i32
    %dma_wait3A_425 = tpu.memref_slice %arg14[%dma_wait3A_419, %dma_wait3A_424] : memref<2x1248xi32, #tpu.memory_space<vmem>> -> memref<1x1248xi32, #tpu.memory_space<vmem>>
    %dma_wait3A_426 = tpu.memref_squeeze %dma_wait3A_425 : memref<1x1248xi32, #tpu.memory_space<vmem>> -> memref<1248xi32, #tpu.memory_space<vmem>>
    %dma_wait3A_427 = tpu.memref_slice %arg3[%add3A_339] : memref<160000xi32, #tpu.memory_space<hbm>> -> memref<1248xi32, #tpu.memory_space<hbm>>
    tpu.wait_dma2 semaphore(%arg16 : memref<!tpu.dma_semaphore, #tpu.memory_space<semaphore_mem>>) src(%dma_wait3A_427 : memref<1248xi32, #tpu.memory_space<hbm>>) dst(%dma_wait3A_426 : memref<1248xi32, #tpu.memory_space<vmem>>)
    %dma_wait3A_428 = arith.constant 0 : i32
    %dma_wait3A_429 = arith.constant 0 : i32
    %dma_wait3A_430 = arith.constant 0 : i32
    %dma_wait3A_431 = tpu.memref_slice %arg15[%dma_wait3A_428, %dma_wait3A_429, %dma_wait3A_430] : memref<2x1248x16xf32, #tpu.memory_space<vmem>> -> memref<1x1248x16xf32, #tpu.memory_space<vmem>>
    %dma_wait3A_432 = tpu.memref_squeeze %dma_wait3A_431 : memref<1x1248x16xf32, #tpu.memory_space<vmem>> -> memref<1248x16xf32, #tpu.memory_space<vmem>>
    %dma_wait3A_433 = arith.constant 64 : i32
    %dma_wait3A_434 = tpu.memref_slice %arg9[%mul3A_2, %dma_wait3A_433] : memref<40000x128xf32, #tpu.memory_space<hbm>> -> memref<1248x16xf32, #tpu.memory_space<hbm>>
    %dma_wait3A_435 = arith.constant 64 : i32
    %dma_wait3A_436 = tpu.memref_slice %arg9[%mul3A_2, %dma_wait3A_435] : memref<40000x128xf32, #tpu.memory_space<hbm>> -> memref<1248x16xf32, #tpu.memory_space<hbm>>
    %dma_wait3A_437 = arith.constant 0 : i32
    %dma_wait3A_438 = arith.constant 0 : i32
    %dma_wait3A_439 = tpu.memref_slice %arg15[%dma_wait3A_428, %dma_wait3A_437, %dma_wait3A_438] : memref<2x1248x16xf32, #tpu.memory_space<vmem>> -> memref<1x1248x16xf32, #tpu.memory_space<vmem>>
    %dma_wait3A_440 = tpu.memref_squeeze %dma_wait3A_439 : memref<1x1248x16xf32, #tpu.memory_space<vmem>> -> memref<1248x16xf32, #tpu.memory_space<vmem>>
    tpu.wait_dma2 semaphore(%arg18 : memref<!tpu.dma_semaphore, #tpu.memory_space<semaphore_mem>>) src(%dma_wait3A_440 : memref<1248x16xf32, #tpu.memory_space<vmem>>) dst(%dma_wait3A_436 : memref<1248x16xf32, #tpu.memory_space<hbm>>)
    %dma_start3A_441 = arith.constant 0 : i32
    %dma_start3A_442 = arith.constant 0 : i32
    %dma_start3A_443 = arith.constant 0 : i32
    %dma_start3A_444 = arith.constant 0 : i32
    %dma_start3A_445 = tpu.memref_slice %arg15[%dma_start3A_442, %dma_start3A_443, %dma_start3A_444] : memref<2x1248x16xf32, #tpu.memory_space<vmem>> -> memref<1x1248x16xf32, #tpu.memory_space<vmem>>
    %dma_start3A_446 = tpu.memref_squeeze %dma_start3A_445 : memref<1x1248x16xf32, #tpu.memory_space<vmem>> -> memref<1248x16xf32, #tpu.memory_space<vmem>>
    %dma_start3A_447 = arith.constant 0 : i32
    %dma_start3A_448 = tpu.memref_slice %arg14[%dma_start3A_441, %dma_start3A_447] : memref<2x1248xi32, #tpu.memory_space<vmem>> -> memref<1x1248xi32, #tpu.memory_space<vmem>>
    %dma_start3A_449 = tpu.memref_squeeze %dma_start3A_448 : memref<1x1248xi32, #tpu.memory_space<vmem>> -> memref<1248xi32, #tpu.memory_space<vmem>>
    %dma_start3A_450 = arith.constant 0 : i32
    %dma_start3A_451 = arith.constant 0 : i32
    %dma_start3A_452 = tpu.memref_slice %arg2[%dma_start3A_450, %dma_start3A_451] : memref<10000x16xf32, #tpu.memory_space<hbm>> -> memref<10000x16xf32, #tpu.memory_space<hbm>>
    tpu.enqueue_indirect_dma source(%dma_start3A_452 : memref<10000x16xf32, #tpu.memory_space<hbm>>) target(%dma_start3A_446 : memref<1248x16xf32, #tpu.memory_space<vmem>>) offsets(%dma_start3A_449 : memref<1248xi32, #tpu.memory_space<vmem>>) semaphore(%arg30 : memref<!tpu.dma_semaphore, #tpu.memory_space<semaphore_mem>>)
    %dma_wait3A_453 = arith.constant 0 : i32
    %dma_wait3A_454 = arith.constant 0 : i32
    %dma_wait3A_455 = arith.constant 0 : i32
    %dma_wait3A_456 = arith.constant 0 : i32
    %dma_wait3A_457 = tpu.memref_slice %arg15[%dma_wait3A_454, %dma_wait3A_455, %dma_wait3A_456] : memref<2x1248x16xf32, #tpu.memory_space<vmem>> -> memref<1x1248x16xf32, #tpu.memory_space<vmem>>
    %dma_wait3A_458 = tpu.memref_squeeze %dma_wait3A_457 : memref<1x1248x16xf32, #tpu.memory_space<vmem>> -> memref<1248x16xf32, #tpu.memory_space<vmem>>
    %dma_wait3A_459 = arith.constant 0 : i32
    %dma_wait3A_460 = tpu.memref_slice %arg14[%dma_wait3A_453, %dma_wait3A_459] : memref<2x1248xi32, #tpu.memory_space<vmem>> -> memref<1x1248xi32, #tpu.memory_space<vmem>>
    %dma_wait3A_461 = tpu.memref_squeeze %dma_wait3A_460 : memref<1x1248xi32, #tpu.memory_space<vmem>> -> memref<1248xi32, #tpu.memory_space<vmem>>
    %dma_wait3A_462 = arith.constant 0 : i32
    %dma_wait3A_463 = arith.constant 0 : i32
    %dma_wait3A_464 = tpu.memref_slice %arg2[%dma_wait3A_462, %dma_wait3A_463] : memref<10000x16xf32, #tpu.memory_space<hbm>> -> memref<10000x16xf32, #tpu.memory_space<hbm>>
    tpu.wait_indirect_dma semaphore(%arg30 : memref<!tpu.dma_semaphore, #tpu.memory_space<semaphore_mem>>) src(%dma_wait3A_464 : memref<10000x16xf32, #tpu.memory_space<hbm>>) dst(%dma_wait3A_458 : memref<1248x16xf32, #tpu.memory_space<vmem>>)
    %dma_start3A_465 = arith.constant 0 : i32
    %dma_start3A_466 = arith.constant 0 : i32
    %dma_start3A_467 = arith.constant 0 : i32
    %dma_start3A_468 = tpu.memref_slice %arg15[%dma_start3A_465, %dma_start3A_466, %dma_start3A_467] : memref<2x1248x16xf32, #tpu.memory_space<vmem>> -> memref<1x1248x16xf32, #tpu.memory_space<vmem>>
    %dma_start3A_469 = tpu.memref_squeeze %dma_start3A_468 : memref<1x1248x16xf32, #tpu.memory_space<vmem>> -> memref<1248x16xf32, #tpu.memory_space<vmem>>
    %dma_start3A_470 = arith.constant 96 : i32
    %dma_start3A_471 = tpu.memref_slice %arg9[%mul3A_2, %dma_start3A_470] : memref<40000x128xf32, #tpu.memory_space<hbm>> -> memref<1248x16xf32, #tpu.memory_space<hbm>>
    %dma_start3A_472 = arith.constant 96 : i32
    %dma_start3A_473 = tpu.memref_slice %arg9[%mul3A_2, %dma_start3A_472] : memref<40000x128xf32, #tpu.memory_space<hbm>> -> memref<1248x16xf32, #tpu.memory_space<hbm>>
    %dma_start3A_474 = arith.constant 0 : i32
    %dma_start3A_475 = arith.constant 0 : i32
    %dma_start3A_476 = tpu.memref_slice %arg15[%dma_start3A_465, %dma_start3A_474, %dma_start3A_475] : memref<2x1248x16xf32, #tpu.memory_space<vmem>> -> memref<1x1248x16xf32, #tpu.memory_space<vmem>>
    %dma_start3A_477 = tpu.memref_squeeze %dma_start3A_476 : memref<1x1248x16xf32, #tpu.memory_space<vmem>> -> memref<1248x16xf32, #tpu.memory_space<vmem>>
    tpu.enqueue_dma source(%dma_start3A_477 : memref<1248x16xf32, #tpu.memory_space<vmem>>) target(%dma_start3A_473 : memref<1248x16xf32, #tpu.memory_space<hbm>>) target_semaphore(%arg18 : memref<!tpu.dma_semaphore, #tpu.memory_space<semaphore_mem>>)
    %dma_wait3A_478 = arith.constant 1 : i32
    %dma_wait3A_479 = arith.constant 0 : i32
    %dma_wait3A_480 = tpu.memref_slice %arg14[%dma_wait3A_478, %dma_wait3A_479] : memref<2x1248xi32, #tpu.memory_space<vmem>> -> memref<1x1248xi32, #tpu.memory_space<vmem>>
    %dma_wait3A_481 = tpu.memref_squeeze %dma_wait3A_480 : memref<1x1248xi32, #tpu.memory_space<vmem>> -> memref<1248xi32, #tpu.memory_space<vmem>>
    %dma_wait3A_482 = tpu.memref_slice %arg4[%add3A_409] : memref<160000xi32, #tpu.memory_space<hbm>> -> memref<1248xi32, #tpu.memory_space<hbm>>
    %dma_wait3A_483 = arith.constant 0 : i32
    %dma_wait3A_484 = tpu.memref_slice %arg14[%dma_wait3A_478, %dma_wait3A_483] : memref<2x1248xi32, #tpu.memory_space<vmem>> -> memref<1x1248xi32, #tpu.memory_space<vmem>>
    %dma_wait3A_485 = tpu.memref_squeeze %dma_wait3A_484 : memref<1x1248xi32, #tpu.memory_space<vmem>> -> memref<1248xi32, #tpu.memory_space<vmem>>
    %dma_wait3A_486 = tpu.memref_slice %arg4[%add3A_409] : memref<160000xi32, #tpu.memory_space<hbm>> -> memref<1248xi32, #tpu.memory_space<hbm>>
    tpu.wait_dma2 semaphore(%arg17 : memref<!tpu.dma_semaphore, #tpu.memory_space<semaphore_mem>>) src(%dma_wait3A_486 : memref<1248xi32, #tpu.memory_space<hbm>>) dst(%dma_wait3A_485 : memref<1248xi32, #tpu.memory_space<vmem>>)
    %dma_wait3A_487 = arith.constant 1 : i32
    %dma_wait3A_488 = arith.constant 0 : i32
    %dma_wait3A_489 = arith.constant 0 : i32
    %dma_wait3A_490 = tpu.memref_slice %arg15[%dma_wait3A_487, %dma_wait3A_488, %dma_wait3A_489] : memref<2x1248x16xf32, #tpu.memory_space<vmem>> -> memref<1x1248x16xf32, #tpu.memory_space<vmem>>
    %dma_wait3A_491 = tpu.memref_squeeze %dma_wait3A_490 : memref<1x1248x16xf32, #tpu.memory_space<vmem>> -> memref<1248x16xf32, #tpu.memory_space<vmem>>
    %dma_wait3A_492 = arith.constant 80 : i32
    %dma_wait3A_493 = tpu.memref_slice %arg9[%mul3A_2, %dma_wait3A_492] : memref<40000x128xf32, #tpu.memory_space<hbm>> -> memref<1248x16xf32, #tpu.memory_space<hbm>>
    %dma_wait3A_494 = arith.constant 80 : i32
    %dma_wait3A_495 = tpu.memref_slice %arg9[%mul3A_2, %dma_wait3A_494] : memref<40000x128xf32, #tpu.memory_space<hbm>> -> memref<1248x16xf32, #tpu.memory_space<hbm>>
    %dma_wait3A_496 = arith.constant 0 : i32
    %dma_wait3A_497 = arith.constant 0 : i32
    %dma_wait3A_498 = tpu.memref_slice %arg15[%dma_wait3A_487, %dma_wait3A_496, %dma_wait3A_497] : memref<2x1248x16xf32, #tpu.memory_space<vmem>> -> memref<1x1248x16xf32, #tpu.memory_space<vmem>>
    %dma_wait3A_499 = tpu.memref_squeeze %dma_wait3A_498 : memref<1x1248x16xf32, #tpu.memory_space<vmem>> -> memref<1248x16xf32, #tpu.memory_space<vmem>>
    tpu.wait_dma2 semaphore(%arg19 : memref<!tpu.dma_semaphore, #tpu.memory_space<semaphore_mem>>) src(%dma_wait3A_499 : memref<1248x16xf32, #tpu.memory_space<vmem>>) dst(%dma_wait3A_495 : memref<1248x16xf32, #tpu.memory_space<hbm>>)
    %dma_start3A_500 = arith.constant 1 : i32
    %dma_start3A_501 = arith.constant 1 : i32
    %dma_start3A_502 = arith.constant 0 : i32
    %dma_start3A_503 = arith.constant 0 : i32
    %dma_start3A_504 = tpu.memref_slice %arg15[%dma_start3A_501, %dma_start3A_502, %dma_start3A_503] : memref<2x1248x16xf32, #tpu.memory_space<vmem>> -> memref<1x1248x16xf32, #tpu.memory_space<vmem>>
    %dma_start3A_505 = tpu.memref_squeeze %dma_start3A_504 : memref<1x1248x16xf32, #tpu.memory_space<vmem>> -> memref<1248x16xf32, #tpu.memory_space<vmem>>
    %dma_start3A_506 = arith.constant 0 : i32
    %dma_start3A_507 = tpu.memref_slice %arg14[%dma_start3A_500, %dma_start3A_506] : memref<2x1248xi32, #tpu.memory_space<vmem>> -> memref<1x1248xi32, #tpu.memory_space<vmem>>
    %dma_start3A_508 = tpu.memref_squeeze %dma_start3A_507 : memref<1x1248xi32, #tpu.memory_space<vmem>> -> memref<1248xi32, #tpu.memory_space<vmem>>
    %dma_start3A_509 = arith.constant 0 : i32
    %dma_start3A_510 = arith.constant 0 : i32
    %dma_start3A_511 = tpu.memref_slice %arg2[%dma_start3A_509, %dma_start3A_510] : memref<10000x16xf32, #tpu.memory_space<hbm>> -> memref<10000x16xf32, #tpu.memory_space<hbm>>
    tpu.enqueue_indirect_dma source(%dma_start3A_511 : memref<10000x16xf32, #tpu.memory_space<hbm>>) target(%dma_start3A_505 : memref<1248x16xf32, #tpu.memory_space<vmem>>) offsets(%dma_start3A_508 : memref<1248xi32, #tpu.memory_space<vmem>>) semaphore(%arg30 : memref<!tpu.dma_semaphore, #tpu.memory_space<semaphore_mem>>)
    %dma_wait3A_512 = arith.constant 1 : i32
    %dma_wait3A_513 = arith.constant 1 : i32
    %dma_wait3A_514 = arith.constant 0 : i32
    %dma_wait3A_515 = arith.constant 0 : i32
    %dma_wait3A_516 = tpu.memref_slice %arg15[%dma_wait3A_513, %dma_wait3A_514, %dma_wait3A_515] : memref<2x1248x16xf32, #tpu.memory_space<vmem>> -> memref<1x1248x16xf32, #tpu.memory_space<vmem>>
    %dma_wait3A_517 = tpu.memref_squeeze %dma_wait3A_516 : memref<1x1248x16xf32, #tpu.memory_space<vmem>> -> memref<1248x16xf32, #tpu.memory_space<vmem>>
    %dma_wait3A_518 = arith.constant 0 : i32
    %dma_wait3A_519 = tpu.memref_slice %arg14[%dma_wait3A_512, %dma_wait3A_518] : memref<2x1248xi32, #tpu.memory_space<vmem>> -> memref<1x1248xi32, #tpu.memory_space<vmem>>
    %dma_wait3A_520 = tpu.memref_squeeze %dma_wait3A_519 : memref<1x1248xi32, #tpu.memory_space<vmem>> -> memref<1248xi32, #tpu.memory_space<vmem>>
    %dma_wait3A_521 = arith.constant 0 : i32
    %dma_wait3A_522 = arith.constant 0 : i32
    %dma_wait3A_523 = tpu.memref_slice %arg2[%dma_wait3A_521, %dma_wait3A_522] : memref<10000x16xf32, #tpu.memory_space<hbm>> -> memref<10000x16xf32, #tpu.memory_space<hbm>>
    tpu.wait_indirect_dma semaphore(%arg30 : memref<!tpu.dma_semaphore, #tpu.memory_space<semaphore_mem>>) src(%dma_wait3A_523 : memref<10000x16xf32, #tpu.memory_space<hbm>>) dst(%dma_wait3A_517 : memref<1248x16xf32, #tpu.memory_space<vmem>>)
    %dma_start3A_524 = arith.constant 1 : i32
    %dma_start3A_525 = arith.constant 0 : i32
    %dma_start3A_526 = arith.constant 0 : i32
    %dma_start3A_527 = tpu.memref_slice %arg15[%dma_start3A_524, %dma_start3A_525, %dma_start3A_526] : memref<2x1248x16xf32, #tpu.memory_space<vmem>> -> memref<1x1248x16xf32, #tpu.memory_space<vmem>>
    %dma_start3A_528 = tpu.memref_squeeze %dma_start3A_527 : memref<1x1248x16xf32, #tpu.memory_space<vmem>> -> memref<1248x16xf32, #tpu.memory_space<vmem>>
    %dma_start3A_529 = arith.constant 112 : i32
    %dma_start3A_530 = tpu.memref_slice %arg9[%mul3A_2, %dma_start3A_529] : memref<40000x128xf32, #tpu.memory_space<hbm>> -> memref<1248x16xf32, #tpu.memory_space<hbm>>
    %dma_start3A_531 = arith.constant 112 : i32
    %dma_start3A_532 = tpu.memref_slice %arg9[%mul3A_2, %dma_start3A_531] : memref<40000x128xf32, #tpu.memory_space<hbm>> -> memref<1248x16xf32, #tpu.memory_space<hbm>>
    %dma_start3A_533 = arith.constant 0 : i32
    %dma_start3A_534 = arith.constant 0 : i32
    %dma_start3A_535 = tpu.memref_slice %arg15[%dma_start3A_524, %dma_start3A_533, %dma_start3A_534] : memref<2x1248x16xf32, #tpu.memory_space<vmem>> -> memref<1x1248x16xf32, #tpu.memory_space<vmem>>
    %dma_start3A_536 = tpu.memref_squeeze %dma_start3A_535 : memref<1x1248x16xf32, #tpu.memory_space<vmem>> -> memref<1248x16xf32, #tpu.memory_space<vmem>>
    tpu.enqueue_dma source(%dma_start3A_536 : memref<1248x16xf32, #tpu.memory_space<vmem>>) target(%dma_start3A_532 : memref<1248x16xf32, #tpu.memory_space<hbm>>) target_semaphore(%arg19 : memref<!tpu.dma_semaphore, #tpu.memory_space<semaphore_mem>>)
    %dma_wait3A_537 = arith.constant 0 : i32
    %dma_wait3A_538 = arith.constant 0 : i32
    %dma_wait3A_539 = arith.constant 0 : i32
    %dma_wait3A_540 = tpu.memref_slice %arg15[%dma_wait3A_537, %dma_wait3A_538, %dma_wait3A_539] : memref<2x1248x16xf32, #tpu.memory_space<vmem>> -> memref<1x1248x16xf32, #tpu.memory_space<vmem>>
    %dma_wait3A_541 = tpu.memref_squeeze %dma_wait3A_540 : memref<1x1248x16xf32, #tpu.memory_space<vmem>> -> memref<1248x16xf32, #tpu.memory_space<vmem>>
    %dma_wait3A_542 = arith.constant 96 : i32
    %dma_wait3A_543 = tpu.memref_slice %arg9[%mul3A_2, %dma_wait3A_542] : memref<40000x128xf32, #tpu.memory_space<hbm>> -> memref<1248x16xf32, #tpu.memory_space<hbm>>
    %dma_wait3A_544 = arith.constant 96 : i32
    %dma_wait3A_545 = tpu.memref_slice %arg9[%mul3A_2, %dma_wait3A_544] : memref<40000x128xf32, #tpu.memory_space<hbm>> -> memref<1248x16xf32, #tpu.memory_space<hbm>>
    %dma_wait3A_546 = arith.constant 0 : i32
    %dma_wait3A_547 = arith.constant 0 : i32
    %dma_wait3A_548 = tpu.memref_slice %arg15[%dma_wait3A_537, %dma_wait3A_546, %dma_wait3A_547] : memref<2x1248x16xf32, #tpu.memory_space<vmem>> -> memref<1x1248x16xf32, #tpu.memory_space<vmem>>
    %dma_wait3A_549 = tpu.memref_squeeze %dma_wait3A_548 : memref<1x1248x16xf32, #tpu.memory_space<vmem>> -> memref<1248x16xf32, #tpu.memory_space<vmem>>
    tpu.wait_dma2 semaphore(%arg18 : memref<!tpu.dma_semaphore, #tpu.memory_space<semaphore_mem>>) src(%dma_wait3A_549 : memref<1248x16xf32, #tpu.memory_space<vmem>>) dst(%dma_wait3A_545 : memref<1248x16xf32, #tpu.memory_space<hbm>>)
    %dma_wait3A_550 = arith.constant 1 : i32
    %dma_wait3A_551 = arith.constant 0 : i32
    %dma_wait3A_552 = arith.constant 0 : i32
    %dma_wait3A_553 = tpu.memref_slice %arg15[%dma_wait3A_550, %dma_wait3A_551, %dma_wait3A_552] : memref<2x1248x16xf32, #tpu.memory_space<vmem>> -> memref<1x1248x16xf32, #tpu.memory_space<vmem>>
    %dma_wait3A_554 = tpu.memref_squeeze %dma_wait3A_553 : memref<1x1248x16xf32, #tpu.memory_space<vmem>> -> memref<1248x16xf32, #tpu.memory_space<vmem>>
    %dma_wait3A_555 = arith.constant 112 : i32
    %dma_wait3A_556 = tpu.memref_slice %arg9[%mul3A_2, %dma_wait3A_555] : memref<40000x128xf32, #tpu.memory_space<hbm>> -> memref<1248x16xf32, #tpu.memory_space<hbm>>
    %dma_wait3A_557 = arith.constant 112 : i32
    %dma_wait3A_558 = tpu.memref_slice %arg9[%mul3A_2, %dma_wait3A_557] : memref<40000x128xf32, #tpu.memory_space<hbm>> -> memref<1248x16xf32, #tpu.memory_space<hbm>>
    %dma_wait3A_559 = arith.constant 0 : i32
    %dma_wait3A_560 = arith.constant 0 : i32
    %dma_wait3A_561 = tpu.memref_slice %arg15[%dma_wait3A_550, %dma_wait3A_559, %dma_wait3A_560] : memref<2x1248x16xf32, #tpu.memory_space<vmem>> -> memref<1x1248x16xf32, #tpu.memory_space<vmem>>
    %dma_wait3A_562 = tpu.memref_squeeze %dma_wait3A_561 : memref<1x1248x16xf32, #tpu.memory_space<vmem>> -> memref<1248x16xf32, #tpu.memory_space<vmem>>
    tpu.wait_dma2 semaphore(%arg19 : memref<!tpu.dma_semaphore, #tpu.memory_space<semaphore_mem>>) src(%dma_wait3A_562 : memref<1248x16xf32, #tpu.memory_space<vmem>>) dst(%dma_wait3A_558 : memref<1248x16xf32, #tpu.memory_space<hbm>>)
    %lt3A = arith.constant 8 : i32
    %lt3A_563 = arith.cmpi slt, %add3A, %lt3A : i32
    %convert_element_type3A_564 = arith.extui %lt3A_563 : i1 to i32
    %cond3A_565 = arith.constant 0 : i32
    %cond3A_566 = arith.cmpi ne, %convert_element_type3A_564, %cond3A_565 : i32
    scf.if %cond3A_566 {
      %mul3A_567 = arith.constant 8 : i32
      %mul3A_568 = arith.muli %add3A, %mul3A_567 : i32
      %add3A_569 = arith.constant 39936 : i32
      %add3A_570 = arith.addi %add3A_569, %mul3A_568 : i32
      %add3A_571 = arith.constant 0 : i32
      %add3A_572 = arith.addi %add3A_571, %add3A_570 : i32
      %run_scoped3A = arith.constant 0 : i32
      "tpu.region"() ({
        %run_scoped3A_794 = tpu.sem_alloc : memref<!tpu.dma_semaphore, #tpu.memory_space<semaphore_mem>>
        %dma_start3A_795 = arith.constant 0 : i32
        %dma_start3A_796 = tpu.memref_slice %arg14[%run_scoped3A, %dma_start3A_795] : memref<2x1248xi32, #tpu.memory_space<vmem>> -> memref<1x8xi32, #tpu.memory_space<vmem>>
        %dma_start3A_797 = tpu.memref_squeeze %dma_start3A_796 : memref<1x8xi32, #tpu.memory_space<vmem>> -> memref<8xi32, #tpu.memory_space<vmem>>
        %dma_start3A_798 = tpu.memref_slice %arg3[%add3A_572] : memref<160000xi32, #tpu.memory_space<hbm>> -> memref<8xi32, #tpu.memory_space<hbm>>
        %dma_start3A_799 = arith.constant 0 : i32
        %dma_start3A_800 = tpu.memref_slice %arg14[%run_scoped3A, %dma_start3A_799] : memref<2x1248xi32, #tpu.memory_space<vmem>> -> memref<1x8xi32, #tpu.memory_space<vmem>>
        %dma_start3A_801 = tpu.memref_squeeze %dma_start3A_800 : memref<1x8xi32, #tpu.memory_space<vmem>> -> memref<8xi32, #tpu.memory_space<vmem>>
        %dma_start3A_802 = tpu.memref_slice %arg3[%add3A_572] : memref<160000xi32, #tpu.memory_space<hbm>> -> memref<8xi32, #tpu.memory_space<hbm>>
        tpu.enqueue_dma source(%dma_start3A_802 : memref<8xi32, #tpu.memory_space<hbm>>) target(%dma_start3A_801 : memref<8xi32, #tpu.memory_space<vmem>>) target_semaphore(%run_scoped3A_794 : memref<!tpu.dma_semaphore, #tpu.memory_space<semaphore_mem>>)
        %dma_wait3A_803 = arith.constant 0 : i32
        %dma_wait3A_804 = tpu.memref_slice %arg14[%run_scoped3A, %dma_wait3A_803] : memref<2x1248xi32, #tpu.memory_space<vmem>> -> memref<1x8xi32, #tpu.memory_space<vmem>>
        %dma_wait3A_805 = tpu.memref_squeeze %dma_wait3A_804 : memref<1x8xi32, #tpu.memory_space<vmem>> -> memref<8xi32, #tpu.memory_space<vmem>>
        %dma_wait3A_806 = tpu.memref_slice %arg3[%add3A_572] : memref<160000xi32, #tpu.memory_space<hbm>> -> memref<8xi32, #tpu.memory_space<hbm>>
        %dma_wait3A_807 = arith.constant 0 : i32
        %dma_wait3A_808 = tpu.memref_slice %arg14[%run_scoped3A, %dma_wait3A_807] : memref<2x1248xi32, #tpu.memory_space<vmem>> -> memref<1x8xi32, #tpu.memory_space<vmem>>
        %dma_wait3A_809 = tpu.memref_squeeze %dma_wait3A_808 : memref<1x8xi32, #tpu.memory_space<vmem>> -> memref<8xi32, #tpu.memory_space<vmem>>
        %dma_wait3A_810 = tpu.memref_slice %arg3[%add3A_572] : memref<160000xi32, #tpu.memory_space<hbm>> -> memref<8xi32, #tpu.memory_space<hbm>>
        tpu.wait_dma2 semaphore(%run_scoped3A_794 : memref<!tpu.dma_semaphore, #tpu.memory_space<semaphore_mem>>) src(%dma_wait3A_810 : memref<8xi32, #tpu.memory_space<hbm>>) dst(%dma_wait3A_809 : memref<8xi32, #tpu.memory_space<vmem>>)
        tpu.yield
      }) : () -> ()
      %dma_start3A_573 = arith.constant 0 : i32
      %dma_start3A_574 = arith.constant 0 : i32
      %dma_start3A_575 = arith.constant 0 : i32
      %dma_start3A_576 = arith.constant 0 : i32
      %dma_start3A_577 = tpu.memref_slice %arg15[%dma_start3A_574, %dma_start3A_575, %dma_start3A_576] : memref<2x1248x16xf32, #tpu.memory_space<vmem>> -> memref<1x8x16xf32, #tpu.memory_space<vmem>>
      %dma_start3A_578 = tpu.memref_squeeze %dma_start3A_577 : memref<1x8x16xf32, #tpu.memory_space<vmem>> -> memref<8x16xf32, #tpu.memory_space<vmem>>
      %dma_start3A_579 = arith.constant 0 : i32
      %dma_start3A_580 = tpu.memref_slice %arg14[%dma_start3A_573, %dma_start3A_579] : memref<2x1248xi32, #tpu.memory_space<vmem>> -> memref<1x8xi32, #tpu.memory_space<vmem>>
      %dma_start3A_581 = tpu.memref_squeeze %dma_start3A_580 : memref<1x8xi32, #tpu.memory_space<vmem>> -> memref<8xi32, #tpu.memory_space<vmem>>
      %dma_start3A_582 = arith.constant 0 : i32
      %dma_start3A_583 = arith.constant 0 : i32
      %dma_start3A_584 = tpu.memref_slice %arg2[%dma_start3A_582, %dma_start3A_583] : memref<10000x16xf32, #tpu.memory_space<hbm>> -> memref<10000x16xf32, #tpu.memory_space<hbm>>
      tpu.enqueue_indirect_dma source(%dma_start3A_584 : memref<10000x16xf32, #tpu.memory_space<hbm>>) target(%dma_start3A_578 : memref<8x16xf32, #tpu.memory_space<vmem>>) offsets(%dma_start3A_581 : memref<8xi32, #tpu.memory_space<vmem>>) semaphore(%arg30 : memref<!tpu.dma_semaphore, #tpu.memory_space<semaphore_mem>>)
      %dma_wait3A_585 = arith.constant 0 : i32
      %dma_wait3A_586 = arith.constant 0 : i32
      %dma_wait3A_587 = arith.constant 0 : i32
      %dma_wait3A_588 = arith.constant 0 : i32
      %dma_wait3A_589 = tpu.memref_slice %arg15[%dma_wait3A_586, %dma_wait3A_587, %dma_wait3A_588] : memref<2x1248x16xf32, #tpu.memory_space<vmem>> -> memref<1x8x16xf32, #tpu.memory_space<vmem>>
      %dma_wait3A_590 = tpu.memref_squeeze %dma_wait3A_589 : memref<1x8x16xf32, #tpu.memory_space<vmem>> -> memref<8x16xf32, #tpu.memory_space<vmem>>
      %dma_wait3A_591 = arith.constant 0 : i32
      %dma_wait3A_592 = tpu.memref_slice %arg14[%dma_wait3A_585, %dma_wait3A_591] : memref<2x1248xi32, #tpu.memory_space<vmem>> -> memref<1x8xi32, #tpu.memory_space<vmem>>
      %dma_wait3A_593 = tpu.memref_squeeze %dma_wait3A_592 : memref<1x8xi32, #tpu.memory_space<vmem>> -> memref<8xi32, #tpu.memory_space<vmem>>
      %dma_wait3A_594 = arith.constant 0 : i32
      %dma_wait3A_595 = arith.constant 0 : i32
      %dma_wait3A_596 = tpu.memref_slice %arg2[%dma_wait3A_594, %dma_wait3A_595] : memref<10000x16xf32, #tpu.memory_space<hbm>> -> memref<10000x16xf32, #tpu.memory_space<hbm>>
      tpu.wait_indirect_dma semaphore(%arg30 : memref<!tpu.dma_semaphore, #tpu.memory_space<semaphore_mem>>) src(%dma_wait3A_596 : memref<10000x16xf32, #tpu.memory_space<hbm>>) dst(%dma_wait3A_590 : memref<8x16xf32, #tpu.memory_space<vmem>>)
      %run_scoped3A_597 = arith.constant 0 : i32
      "tpu.region"() ({
        %run_scoped3A_794 = tpu.sem_alloc : memref<!tpu.dma_semaphore, #tpu.memory_space<semaphore_mem>>
        %dma_start3A_795 = arith.constant 0 : i32
        %dma_start3A_796 = arith.constant 0 : i32
        %dma_start3A_797 = tpu.memref_slice %arg15[%run_scoped3A_597, %dma_start3A_795, %dma_start3A_796] : memref<2x1248x16xf32, #tpu.memory_space<vmem>> -> memref<1x8x16xf32, #tpu.memory_space<vmem>>
        %dma_start3A_798 = tpu.memref_squeeze %dma_start3A_797 : memref<1x8x16xf32, #tpu.memory_space<vmem>> -> memref<8x16xf32, #tpu.memory_space<vmem>>
        %dma_start3A_799 = arith.constant 0 : i32
        %dma_start3A_800 = tpu.memref_slice %arg9[%add3A_570, %dma_start3A_799] : memref<40000x128xf32, #tpu.memory_space<hbm>> -> memref<8x16xf32, #tpu.memory_space<hbm>>
        %dma_start3A_801 = arith.constant 0 : i32
        %dma_start3A_802 = tpu.memref_slice %arg9[%add3A_570, %dma_start3A_801] : memref<40000x128xf32, #tpu.memory_space<hbm>> -> memref<8x16xf32, #tpu.memory_space<hbm>>
        %dma_start3A_803 = arith.constant 0 : i32
        %dma_start3A_804 = arith.constant 0 : i32
        %dma_start3A_805 = tpu.memref_slice %arg15[%run_scoped3A_597, %dma_start3A_803, %dma_start3A_804] : memref<2x1248x16xf32, #tpu.memory_space<vmem>> -> memref<1x8x16xf32, #tpu.memory_space<vmem>>
        %dma_start3A_806 = tpu.memref_squeeze %dma_start3A_805 : memref<1x8x16xf32, #tpu.memory_space<vmem>> -> memref<8x16xf32, #tpu.memory_space<vmem>>
        tpu.enqueue_dma source(%dma_start3A_806 : memref<8x16xf32, #tpu.memory_space<vmem>>) target(%dma_start3A_802 : memref<8x16xf32, #tpu.memory_space<hbm>>) target_semaphore(%run_scoped3A_794 : memref<!tpu.dma_semaphore, #tpu.memory_space<semaphore_mem>>)
        %dma_wait3A_807 = arith.constant 0 : i32
        %dma_wait3A_808 = arith.constant 0 : i32
        %dma_wait3A_809 = tpu.memref_slice %arg15[%run_scoped3A_597, %dma_wait3A_807, %dma_wait3A_808] : memref<2x1248x16xf32, #tpu.memory_space<vmem>> -> memref<1x8x16xf32, #tpu.memory_space<vmem>>
        %dma_wait3A_810 = tpu.memref_squeeze %dma_wait3A_809 : memref<1x8x16xf32, #tpu.memory_space<vmem>> -> memref<8x16xf32, #tpu.memory_space<vmem>>
        %dma_wait3A_811 = arith.constant 0 : i32
        %dma_wait3A_812 = tpu.memref_slice %arg9[%add3A_570, %dma_wait3A_811] : memref<40000x128xf32, #tpu.memory_space<hbm>> -> memref<8x16xf32, #tpu.memory_space<hbm>>
        %dma_wait3A_813 = arith.constant 0 : i32
        %dma_wait3A_814 = tpu.memref_slice %arg9[%add3A_570, %dma_wait3A_813] : memref<40000x128xf32, #tpu.memory_space<hbm>> -> memref<8x16xf32, #tpu.memory_space<hbm>>
        %dma_wait3A_815 = arith.constant 0 : i32
        %dma_wait3A_816 = arith.constant 0 : i32
        %dma_wait3A_817 = tpu.memref_slice %arg15[%run_scoped3A_597, %dma_wait3A_815, %dma_wait3A_816] : memref<2x1248x16xf32, #tpu.memory_space<vmem>> -> memref<1x8x16xf32, #tpu.memory_space<vmem>>
        %dma_wait3A_818 = tpu.memref_squeeze %dma_wait3A_817 : memref<1x8x16xf32, #tpu.memory_space<vmem>> -> memref<8x16xf32, #tpu.memory_space<vmem>>
        tpu.wait_dma2 semaphore(%run_scoped3A_794 : memref<!tpu.dma_semaphore, #tpu.memory_space<semaphore_mem>>) src(%dma_wait3A_818 : memref<8x16xf32, #tpu.memory_space<vmem>>) dst(%dma_wait3A_814 : memref<8x16xf32, #tpu.memory_space<hbm>>)
        tpu.yield
      }) : () -> ()
      %add3A_598 = arith.constant 0 : i32
      %add3A_599 = arith.addi %add3A_598, %add3A_570 : i32
      %run_scoped3A_600 = arith.constant 0 : i32
      "tpu.region"() ({
        %run_scoped3A_794 = tpu.sem_alloc : memref<!tpu.dma_semaphore, #tpu.memory_space<semaphore_mem>>
        %dma_start3A_795 = arith.constant 0 : i32
        %dma_start3A_796 = tpu.memref_slice %arg14[%run_scoped3A_600, %dma_start3A_795] : memref<2x1248xi32, #tpu.memory_space<vmem>> -> memref<1x8xi32, #tpu.memory_space<vmem>>
        %dma_start3A_797 = tpu.memref_squeeze %dma_start3A_796 : memref<1x8xi32, #tpu.memory_space<vmem>> -> memref<8xi32, #tpu.memory_space<vmem>>
        %dma_start3A_798 = tpu.memref_slice %arg4[%add3A_599] : memref<160000xi32, #tpu.memory_space<hbm>> -> memref<8xi32, #tpu.memory_space<hbm>>
        %dma_start3A_799 = arith.constant 0 : i32
        %dma_start3A_800 = tpu.memref_slice %arg14[%run_scoped3A_600, %dma_start3A_799] : memref<2x1248xi32, #tpu.memory_space<vmem>> -> memref<1x8xi32, #tpu.memory_space<vmem>>
        %dma_start3A_801 = tpu.memref_squeeze %dma_start3A_800 : memref<1x8xi32, #tpu.memory_space<vmem>> -> memref<8xi32, #tpu.memory_space<vmem>>
        %dma_start3A_802 = tpu.memref_slice %arg4[%add3A_599] : memref<160000xi32, #tpu.memory_space<hbm>> -> memref<8xi32, #tpu.memory_space<hbm>>
        tpu.enqueue_dma source(%dma_start3A_802 : memref<8xi32, #tpu.memory_space<hbm>>) target(%dma_start3A_801 : memref<8xi32, #tpu.memory_space<vmem>>) target_semaphore(%run_scoped3A_794 : memref<!tpu.dma_semaphore, #tpu.memory_space<semaphore_mem>>)
        %dma_wait3A_803 = arith.constant 0 : i32
        %dma_wait3A_804 = tpu.memref_slice %arg14[%run_scoped3A_600, %dma_wait3A_803] : memref<2x1248xi32, #tpu.memory_space<vmem>> -> memref<1x8xi32, #tpu.memory_space<vmem>>
        %dma_wait3A_805 = tpu.memref_squeeze %dma_wait3A_804 : memref<1x8xi32, #tpu.memory_space<vmem>> -> memref<8xi32, #tpu.memory_space<vmem>>
        %dma_wait3A_806 = tpu.memref_slice %arg4[%add3A_599] : memref<160000xi32, #tpu.memory_space<hbm>> -> memref<8xi32, #tpu.memory_space<hbm>>
        %dma_wait3A_807 = arith.constant 0 : i32
        %dma_wait3A_808 = tpu.memref_slice %arg14[%run_scoped3A_600, %dma_wait3A_807] : memref<2x1248xi32, #tpu.memory_space<vmem>> -> memref<1x8xi32, #tpu.memory_space<vmem>>
        %dma_wait3A_809 = tpu.memref_squeeze %dma_wait3A_808 : memref<1x8xi32, #tpu.memory_space<vmem>> -> memref<8xi32, #tpu.memory_space<vmem>>
        %dma_wait3A_810 = tpu.memref_slice %arg4[%add3A_599] : memref<160000xi32, #tpu.memory_space<hbm>> -> memref<8xi32, #tpu.memory_space<hbm>>
        tpu.wait_dma2 semaphore(%run_scoped3A_794 : memref<!tpu.dma_semaphore, #tpu.memory_space<semaphore_mem>>) src(%dma_wait3A_810 : memref<8xi32, #tpu.memory_space<hbm>>) dst(%dma_wait3A_809 : memref<8xi32, #tpu.memory_space<vmem>>)
        tpu.yield
      }) : () -> ()
      %dma_start3A_601 = arith.constant 0 : i32
      %dma_start3A_602 = arith.constant 0 : i32
      %dma_start3A_603 = arith.constant 0 : i32
      %dma_start3A_604 = arith.constant 0 : i32
      %dma_start3A_605 = tpu.memref_slice %arg15[%dma_start3A_602, %dma_start3A_603, %dma_start3A_604] : memref<2x1248x16xf32, #tpu.memory_space<vmem>> -> memref<1x8x16xf32, #tpu.memory_space<vmem>>
      %dma_start3A_606 = tpu.memref_squeeze %dma_start3A_605 : memref<1x8x16xf32, #tpu.memory_space<vmem>> -> memref<8x16xf32, #tpu.memory_space<vmem>>
      %dma_start3A_607 = arith.constant 0 : i32
      %dma_start3A_608 = tpu.memref_slice %arg14[%dma_start3A_601, %dma_start3A_607] : memref<2x1248xi32, #tpu.memory_space<vmem>> -> memref<1x8xi32, #tpu.memory_space<vmem>>
      %dma_start3A_609 = tpu.memref_squeeze %dma_start3A_608 : memref<1x8xi32, #tpu.memory_space<vmem>> -> memref<8xi32, #tpu.memory_space<vmem>>
      %dma_start3A_610 = arith.constant 0 : i32
      %dma_start3A_611 = arith.constant 0 : i32
      %dma_start3A_612 = tpu.memref_slice %arg2[%dma_start3A_610, %dma_start3A_611] : memref<10000x16xf32, #tpu.memory_space<hbm>> -> memref<10000x16xf32, #tpu.memory_space<hbm>>
      tpu.enqueue_indirect_dma source(%dma_start3A_612 : memref<10000x16xf32, #tpu.memory_space<hbm>>) target(%dma_start3A_606 : memref<8x16xf32, #tpu.memory_space<vmem>>) offsets(%dma_start3A_609 : memref<8xi32, #tpu.memory_space<vmem>>) semaphore(%arg30 : memref<!tpu.dma_semaphore, #tpu.memory_space<semaphore_mem>>)
      %dma_wait3A_613 = arith.constant 0 : i32
      %dma_wait3A_614 = arith.constant 0 : i32
      %dma_wait3A_615 = arith.constant 0 : i32
      %dma_wait3A_616 = arith.constant 0 : i32
      %dma_wait3A_617 = tpu.memref_slice %arg15[%dma_wait3A_614, %dma_wait3A_615, %dma_wait3A_616] : memref<2x1248x16xf32, #tpu.memory_space<vmem>> -> memref<1x8x16xf32, #tpu.memory_space<vmem>>
      %dma_wait3A_618 = tpu.memref_squeeze %dma_wait3A_617 : memref<1x8x16xf32, #tpu.memory_space<vmem>> -> memref<8x16xf32, #tpu.memory_space<vmem>>
      %dma_wait3A_619 = arith.constant 0 : i32
      %dma_wait3A_620 = tpu.memref_slice %arg14[%dma_wait3A_613, %dma_wait3A_619] : memref<2x1248xi32, #tpu.memory_space<vmem>> -> memref<1x8xi32, #tpu.memory_space<vmem>>
      %dma_wait3A_621 = tpu.memref_squeeze %dma_wait3A_620 : memref<1x8xi32, #tpu.memory_space<vmem>> -> memref<8xi32, #tpu.memory_space<vmem>>
      %dma_wait3A_622 = arith.constant 0 : i32
      %dma_wait3A_623 = arith.constant 0 : i32
      %dma_wait3A_624 = tpu.memref_slice %arg2[%dma_wait3A_622, %dma_wait3A_623] : memref<10000x16xf32, #tpu.memory_space<hbm>> -> memref<10000x16xf32, #tpu.memory_space<hbm>>
      tpu.wait_indirect_dma semaphore(%arg30 : memref<!tpu.dma_semaphore, #tpu.memory_space<semaphore_mem>>) src(%dma_wait3A_624 : memref<10000x16xf32, #tpu.memory_space<hbm>>) dst(%dma_wait3A_618 : memref<8x16xf32, #tpu.memory_space<vmem>>)
      %run_scoped3A_625 = arith.constant 0 : i32
      "tpu.region"() ({
        %run_scoped3A_794 = tpu.sem_alloc : memref<!tpu.dma_semaphore, #tpu.memory_space<semaphore_mem>>
        %dma_start3A_795 = arith.constant 0 : i32
        %dma_start3A_796 = arith.constant 0 : i32
        %dma_start3A_797 = tpu.memref_slice %arg15[%run_scoped3A_625, %dma_start3A_795, %dma_start3A_796] : memref<2x1248x16xf32, #tpu.memory_space<vmem>> -> memref<1x8x16xf32, #tpu.memory_space<vmem>>
        %dma_start3A_798 = tpu.memref_squeeze %dma_start3A_797 : memref<1x8x16xf32, #tpu.memory_space<vmem>> -> memref<8x16xf32, #tpu.memory_space<vmem>>
        %dma_start3A_799 = arith.constant 16 : i32
        %dma_start3A_800 = tpu.memref_slice %arg9[%add3A_570, %dma_start3A_799] : memref<40000x128xf32, #tpu.memory_space<hbm>> -> memref<8x16xf32, #tpu.memory_space<hbm>>
        %dma_start3A_801 = arith.constant 16 : i32
        %dma_start3A_802 = tpu.memref_slice %arg9[%add3A_570, %dma_start3A_801] : memref<40000x128xf32, #tpu.memory_space<hbm>> -> memref<8x16xf32, #tpu.memory_space<hbm>>
        %dma_start3A_803 = arith.constant 0 : i32
        %dma_start3A_804 = arith.constant 0 : i32
        %dma_start3A_805 = tpu.memref_slice %arg15[%run_scoped3A_625, %dma_start3A_803, %dma_start3A_804] : memref<2x1248x16xf32, #tpu.memory_space<vmem>> -> memref<1x8x16xf32, #tpu.memory_space<vmem>>
        %dma_start3A_806 = tpu.memref_squeeze %dma_start3A_805 : memref<1x8x16xf32, #tpu.memory_space<vmem>> -> memref<8x16xf32, #tpu.memory_space<vmem>>
        tpu.enqueue_dma source(%dma_start3A_806 : memref<8x16xf32, #tpu.memory_space<vmem>>) target(%dma_start3A_802 : memref<8x16xf32, #tpu.memory_space<hbm>>) target_semaphore(%run_scoped3A_794 : memref<!tpu.dma_semaphore, #tpu.memory_space<semaphore_mem>>)
        %dma_wait3A_807 = arith.constant 0 : i32
        %dma_wait3A_808 = arith.constant 0 : i32
        %dma_wait3A_809 = tpu.memref_slice %arg15[%run_scoped3A_625, %dma_wait3A_807, %dma_wait3A_808] : memref<2x1248x16xf32, #tpu.memory_space<vmem>> -> memref<1x8x16xf32, #tpu.memory_space<vmem>>
        %dma_wait3A_810 = tpu.memref_squeeze %dma_wait3A_809 : memref<1x8x16xf32, #tpu.memory_space<vmem>> -> memref<8x16xf32, #tpu.memory_space<vmem>>
        %dma_wait3A_811 = arith.constant 16 : i32
        %dma_wait3A_812 = tpu.memref_slice %arg9[%add3A_570, %dma_wait3A_811] : memref<40000x128xf32, #tpu.memory_space<hbm>> -> memref<8x16xf32, #tpu.memory_space<hbm>>
        %dma_wait3A_813 = arith.constant 16 : i32
        %dma_wait3A_814 = tpu.memref_slice %arg9[%add3A_570, %dma_wait3A_813] : memref<40000x128xf32, #tpu.memory_space<hbm>> -> memref<8x16xf32, #tpu.memory_space<hbm>>
        %dma_wait3A_815 = arith.constant 0 : i32
        %dma_wait3A_816 = arith.constant 0 : i32
        %dma_wait3A_817 = tpu.memref_slice %arg15[%run_scoped3A_625, %dma_wait3A_815, %dma_wait3A_816] : memref<2x1248x16xf32, #tpu.memory_space<vmem>> -> memref<1x8x16xf32, #tpu.memory_space<vmem>>
        %dma_wait3A_818 = tpu.memref_squeeze %dma_wait3A_817 : memref<1x8x16xf32, #tpu.memory_space<vmem>> -> memref<8x16xf32, #tpu.memory_space<vmem>>
        tpu.wait_dma2 semaphore(%run_scoped3A_794 : memref<!tpu.dma_semaphore, #tpu.memory_space<semaphore_mem>>) src(%dma_wait3A_818 : memref<8x16xf32, #tpu.memory_space<vmem>>) dst(%dma_wait3A_814 : memref<8x16xf32, #tpu.memory_space<hbm>>)
        tpu.yield
      }) : () -> ()
      %add3A_626 = arith.constant 40000 : i32
      %add3A_627 = arith.addi %add3A_626, %add3A_570 : i32
      %run_scoped3A_628 = arith.constant 0 : i32
      "tpu.region"() ({
        %run_scoped3A_794 = tpu.sem_alloc : memref<!tpu.dma_semaphore, #tpu.memory_space<semaphore_mem>>
        %dma_start3A_795 = arith.constant 0 : i32
        %dma_start3A_796 = tpu.memref_slice %arg14[%run_scoped3A_628, %dma_start3A_795] : memref<2x1248xi32, #tpu.memory_space<vmem>> -> memref<1x8xi32, #tpu.memory_space<vmem>>
        %dma_start3A_797 = tpu.memref_squeeze %dma_start3A_796 : memref<1x8xi32, #tpu.memory_space<vmem>> -> memref<8xi32, #tpu.memory_space<vmem>>
        %dma_start3A_798 = tpu.memref_slice %arg3[%add3A_627] : memref<160000xi32, #tpu.memory_space<hbm>> -> memref<8xi32, #tpu.memory_space<hbm>>
        %dma_start3A_799 = arith.constant 0 : i32
        %dma_start3A_800 = tpu.memref_slice %arg14[%run_scoped3A_628, %dma_start3A_799] : memref<2x1248xi32, #tpu.memory_space<vmem>> -> memref<1x8xi32, #tpu.memory_space<vmem>>
        %dma_start3A_801 = tpu.memref_squeeze %dma_start3A_800 : memref<1x8xi32, #tpu.memory_space<vmem>> -> memref<8xi32, #tpu.memory_space<vmem>>
        %dma_start3A_802 = tpu.memref_slice %arg3[%add3A_627] : memref<160000xi32, #tpu.memory_space<hbm>> -> memref<8xi32, #tpu.memory_space<hbm>>
        tpu.enqueue_dma source(%dma_start3A_802 : memref<8xi32, #tpu.memory_space<hbm>>) target(%dma_start3A_801 : memref<8xi32, #tpu.memory_space<vmem>>) target_semaphore(%run_scoped3A_794 : memref<!tpu.dma_semaphore, #tpu.memory_space<semaphore_mem>>)
        %dma_wait3A_803 = arith.constant 0 : i32
        %dma_wait3A_804 = tpu.memref_slice %arg14[%run_scoped3A_628, %dma_wait3A_803] : memref<2x1248xi32, #tpu.memory_space<vmem>> -> memref<1x8xi32, #tpu.memory_space<vmem>>
        %dma_wait3A_805 = tpu.memref_squeeze %dma_wait3A_804 : memref<1x8xi32, #tpu.memory_space<vmem>> -> memref<8xi32, #tpu.memory_space<vmem>>
        %dma_wait3A_806 = tpu.memref_slice %arg3[%add3A_627] : memref<160000xi32, #tpu.memory_space<hbm>> -> memref<8xi32, #tpu.memory_space<hbm>>
        %dma_wait3A_807 = arith.constant 0 : i32
        %dma_wait3A_808 = tpu.memref_slice %arg14[%run_scoped3A_628, %dma_wait3A_807] : memref<2x1248xi32, #tpu.memory_space<vmem>> -> memref<1x8xi32, #tpu.memory_space<vmem>>
        %dma_wait3A_809 = tpu.memref_squeeze %dma_wait3A_808 : memref<1x8xi32, #tpu.memory_space<vmem>> -> memref<8xi32, #tpu.memory_space<vmem>>
        %dma_wait3A_810 = tpu.memref_slice %arg3[%add3A_627] : memref<160000xi32, #tpu.memory_space<hbm>> -> memref<8xi32, #tpu.memory_space<hbm>>
        tpu.wait_dma2 semaphore(%run_scoped3A_794 : memref<!tpu.dma_semaphore, #tpu.memory_space<semaphore_mem>>) src(%dma_wait3A_810 : memref<8xi32, #tpu.memory_space<hbm>>) dst(%dma_wait3A_809 : memref<8xi32, #tpu.memory_space<vmem>>)
        tpu.yield
      }) : () -> ()
      %dma_start3A_629 = arith.constant 0 : i32
      %dma_start3A_630 = arith.constant 0 : i32
      %dma_start3A_631 = arith.constant 0 : i32
      %dma_start3A_632 = arith.constant 0 : i32
      %dma_start3A_633 = tpu.memref_slice %arg15[%dma_start3A_630, %dma_start3A_631, %dma_start3A_632] : memref<2x1248x16xf32, #tpu.memory_space<vmem>> -> memref<1x8x16xf32, #tpu.memory_space<vmem>>
      %dma_start3A_634 = tpu.memref_squeeze %dma_start3A_633 : memref<1x8x16xf32, #tpu.memory_space<vmem>> -> memref<8x16xf32, #tpu.memory_space<vmem>>
      %dma_start3A_635 = arith.constant 0 : i32
      %dma_start3A_636 = tpu.memref_slice %arg14[%dma_start3A_629, %dma_start3A_635] : memref<2x1248xi32, #tpu.memory_space<vmem>> -> memref<1x8xi32, #tpu.memory_space<vmem>>
      %dma_start3A_637 = tpu.memref_squeeze %dma_start3A_636 : memref<1x8xi32, #tpu.memory_space<vmem>> -> memref<8xi32, #tpu.memory_space<vmem>>
      %dma_start3A_638 = arith.constant 0 : i32
      %dma_start3A_639 = arith.constant 0 : i32
      %dma_start3A_640 = tpu.memref_slice %arg2[%dma_start3A_638, %dma_start3A_639] : memref<10000x16xf32, #tpu.memory_space<hbm>> -> memref<10000x16xf32, #tpu.memory_space<hbm>>
      tpu.enqueue_indirect_dma source(%dma_start3A_640 : memref<10000x16xf32, #tpu.memory_space<hbm>>) target(%dma_start3A_634 : memref<8x16xf32, #tpu.memory_space<vmem>>) offsets(%dma_start3A_637 : memref<8xi32, #tpu.memory_space<vmem>>) semaphore(%arg30 : memref<!tpu.dma_semaphore, #tpu.memory_space<semaphore_mem>>)
      %dma_wait3A_641 = arith.constant 0 : i32
      %dma_wait3A_642 = arith.constant 0 : i32
      %dma_wait3A_643 = arith.constant 0 : i32
      %dma_wait3A_644 = arith.constant 0 : i32
      %dma_wait3A_645 = tpu.memref_slice %arg15[%dma_wait3A_642, %dma_wait3A_643, %dma_wait3A_644] : memref<2x1248x16xf32, #tpu.memory_space<vmem>> -> memref<1x8x16xf32, #tpu.memory_space<vmem>>
      %dma_wait3A_646 = tpu.memref_squeeze %dma_wait3A_645 : memref<1x8x16xf32, #tpu.memory_space<vmem>> -> memref<8x16xf32, #tpu.memory_space<vmem>>
      %dma_wait3A_647 = arith.constant 0 : i32
      %dma_wait3A_648 = tpu.memref_slice %arg14[%dma_wait3A_641, %dma_wait3A_647] : memref<2x1248xi32, #tpu.memory_space<vmem>> -> memref<1x8xi32, #tpu.memory_space<vmem>>
      %dma_wait3A_649 = tpu.memref_squeeze %dma_wait3A_648 : memref<1x8xi32, #tpu.memory_space<vmem>> -> memref<8xi32, #tpu.memory_space<vmem>>
      %dma_wait3A_650 = arith.constant 0 : i32
      %dma_wait3A_651 = arith.constant 0 : i32
      %dma_wait3A_652 = tpu.memref_slice %arg2[%dma_wait3A_650, %dma_wait3A_651] : memref<10000x16xf32, #tpu.memory_space<hbm>> -> memref<10000x16xf32, #tpu.memory_space<hbm>>
      tpu.wait_indirect_dma semaphore(%arg30 : memref<!tpu.dma_semaphore, #tpu.memory_space<semaphore_mem>>) src(%dma_wait3A_652 : memref<10000x16xf32, #tpu.memory_space<hbm>>) dst(%dma_wait3A_646 : memref<8x16xf32, #tpu.memory_space<vmem>>)
      %run_scoped3A_653 = arith.constant 0 : i32
      "tpu.region"() ({
        %run_scoped3A_794 = tpu.sem_alloc : memref<!tpu.dma_semaphore, #tpu.memory_space<semaphore_mem>>
        %dma_start3A_795 = arith.constant 0 : i32
        %dma_start3A_796 = arith.constant 0 : i32
        %dma_start3A_797 = tpu.memref_slice %arg15[%run_scoped3A_653, %dma_start3A_795, %dma_start3A_796] : memref<2x1248x16xf32, #tpu.memory_space<vmem>> -> memref<1x8x16xf32, #tpu.memory_space<vmem>>
        %dma_start3A_798 = tpu.memref_squeeze %dma_start3A_797 : memref<1x8x16xf32, #tpu.memory_space<vmem>> -> memref<8x16xf32, #tpu.memory_space<vmem>>
        %dma_start3A_799 = arith.constant 32 : i32
        %dma_start3A_800 = tpu.memref_slice %arg9[%add3A_570, %dma_start3A_799] : memref<40000x128xf32, #tpu.memory_space<hbm>> -> memref<8x16xf32, #tpu.memory_space<hbm>>
        %dma_start3A_801 = arith.constant 32 : i32
        %dma_start3A_802 = tpu.memref_slice %arg9[%add3A_570, %dma_start3A_801] : memref<40000x128xf32, #tpu.memory_space<hbm>> -> memref<8x16xf32, #tpu.memory_space<hbm>>
        %dma_start3A_803 = arith.constant 0 : i32
        %dma_start3A_804 = arith.constant 0 : i32
        %dma_start3A_805 = tpu.memref_slice %arg15[%run_scoped3A_653, %dma_start3A_803, %dma_start3A_804] : memref<2x1248x16xf32, #tpu.memory_space<vmem>> -> memref<1x8x16xf32, #tpu.memory_space<vmem>>
        %dma_start3A_806 = tpu.memref_squeeze %dma_start3A_805 : memref<1x8x16xf32, #tpu.memory_space<vmem>> -> memref<8x16xf32, #tpu.memory_space<vmem>>
        tpu.enqueue_dma source(%dma_start3A_806 : memref<8x16xf32, #tpu.memory_space<vmem>>) target(%dma_start3A_802 : memref<8x16xf32, #tpu.memory_space<hbm>>) target_semaphore(%run_scoped3A_794 : memref<!tpu.dma_semaphore, #tpu.memory_space<semaphore_mem>>)
        %dma_wait3A_807 = arith.constant 0 : i32
        %dma_wait3A_808 = arith.constant 0 : i32
        %dma_wait3A_809 = tpu.memref_slice %arg15[%run_scoped3A_653, %dma_wait3A_807, %dma_wait3A_808] : memref<2x1248x16xf32, #tpu.memory_space<vmem>> -> memref<1x8x16xf32, #tpu.memory_space<vmem>>
        %dma_wait3A_810 = tpu.memref_squeeze %dma_wait3A_809 : memref<1x8x16xf32, #tpu.memory_space<vmem>> -> memref<8x16xf32, #tpu.memory_space<vmem>>
        %dma_wait3A_811 = arith.constant 32 : i32
        %dma_wait3A_812 = tpu.memref_slice %arg9[%add3A_570, %dma_wait3A_811] : memref<40000x128xf32, #tpu.memory_space<hbm>> -> memref<8x16xf32, #tpu.memory_space<hbm>>
        %dma_wait3A_813 = arith.constant 32 : i32
        %dma_wait3A_814 = tpu.memref_slice %arg9[%add3A_570, %dma_wait3A_813] : memref<40000x128xf32, #tpu.memory_space<hbm>> -> memref<8x16xf32, #tpu.memory_space<hbm>>
        %dma_wait3A_815 = arith.constant 0 : i32
        %dma_wait3A_816 = arith.constant 0 : i32
        %dma_wait3A_817 = tpu.memref_slice %arg15[%run_scoped3A_653, %dma_wait3A_815, %dma_wait3A_816] : memref<2x1248x16xf32, #tpu.memory_space<vmem>> -> memref<1x8x16xf32, #tpu.memory_space<vmem>>
        %dma_wait3A_818 = tpu.memref_squeeze %dma_wait3A_817 : memref<1x8x16xf32, #tpu.memory_space<vmem>> -> memref<8x16xf32, #tpu.memory_space<vmem>>
        tpu.wait_dma2 semaphore(%run_scoped3A_794 : memref<!tpu.dma_semaphore, #tpu.memory_space<semaphore_mem>>) src(%dma_wait3A_818 : memref<8x16xf32, #tpu.memory_space<vmem>>) dst(%dma_wait3A_814 : memref<8x16xf32, #tpu.memory_space<hbm>>)
        tpu.yield
      }) : () -> ()
      %add3A_654 = arith.constant 40000 : i32
      %add3A_655 = arith.addi %add3A_654, %add3A_570 : i32
      %run_scoped3A_656 = arith.constant 0 : i32
      "tpu.region"() ({
        %run_scoped3A_794 = tpu.sem_alloc : memref<!tpu.dma_semaphore, #tpu.memory_space<semaphore_mem>>
        %dma_start3A_795 = arith.constant 0 : i32
        %dma_start3A_796 = tpu.memref_slice %arg14[%run_scoped3A_656, %dma_start3A_795] : memref<2x1248xi32, #tpu.memory_space<vmem>> -> memref<1x8xi32, #tpu.memory_space<vmem>>
        %dma_start3A_797 = tpu.memref_squeeze %dma_start3A_796 : memref<1x8xi32, #tpu.memory_space<vmem>> -> memref<8xi32, #tpu.memory_space<vmem>>
        %dma_start3A_798 = tpu.memref_slice %arg4[%add3A_655] : memref<160000xi32, #tpu.memory_space<hbm>> -> memref<8xi32, #tpu.memory_space<hbm>>
        %dma_start3A_799 = arith.constant 0 : i32
        %dma_start3A_800 = tpu.memref_slice %arg14[%run_scoped3A_656, %dma_start3A_799] : memref<2x1248xi32, #tpu.memory_space<vmem>> -> memref<1x8xi32, #tpu.memory_space<vmem>>
        %dma_start3A_801 = tpu.memref_squeeze %dma_start3A_800 : memref<1x8xi32, #tpu.memory_space<vmem>> -> memref<8xi32, #tpu.memory_space<vmem>>
        %dma_start3A_802 = tpu.memref_slice %arg4[%add3A_655] : memref<160000xi32, #tpu.memory_space<hbm>> -> memref<8xi32, #tpu.memory_space<hbm>>
        tpu.enqueue_dma source(%dma_start3A_802 : memref<8xi32, #tpu.memory_space<hbm>>) target(%dma_start3A_801 : memref<8xi32, #tpu.memory_space<vmem>>) target_semaphore(%run_scoped3A_794 : memref<!tpu.dma_semaphore, #tpu.memory_space<semaphore_mem>>)
        %dma_wait3A_803 = arith.constant 0 : i32
        %dma_wait3A_804 = tpu.memref_slice %arg14[%run_scoped3A_656, %dma_wait3A_803] : memref<2x1248xi32, #tpu.memory_space<vmem>> -> memref<1x8xi32, #tpu.memory_space<vmem>>
        %dma_wait3A_805 = tpu.memref_squeeze %dma_wait3A_804 : memref<1x8xi32, #tpu.memory_space<vmem>> -> memref<8xi32, #tpu.memory_space<vmem>>
        %dma_wait3A_806 = tpu.memref_slice %arg4[%add3A_655] : memref<160000xi32, #tpu.memory_space<hbm>> -> memref<8xi32, #tpu.memory_space<hbm>>
        %dma_wait3A_807 = arith.constant 0 : i32
        %dma_wait3A_808 = tpu.memref_slice %arg14[%run_scoped3A_656, %dma_wait3A_807] : memref<2x1248xi32, #tpu.memory_space<vmem>> -> memref<1x8xi32, #tpu.memory_space<vmem>>
        %dma_wait3A_809 = tpu.memref_squeeze %dma_wait3A_808 : memref<1x8xi32, #tpu.memory_space<vmem>> -> memref<8xi32, #tpu.memory_space<vmem>>
        %dma_wait3A_810 = tpu.memref_slice %arg4[%add3A_655] : memref<160000xi32, #tpu.memory_space<hbm>> -> memref<8xi32, #tpu.memory_space<hbm>>
        tpu.wait_dma2 semaphore(%run_scoped3A_794 : memref<!tpu.dma_semaphore, #tpu.memory_space<semaphore_mem>>) src(%dma_wait3A_810 : memref<8xi32, #tpu.memory_space<hbm>>) dst(%dma_wait3A_809 : memref<8xi32, #tpu.memory_space<vmem>>)
        tpu.yield
      }) : () -> ()
      %dma_start3A_657 = arith.constant 0 : i32
      %dma_start3A_658 = arith.constant 0 : i32
      %dma_start3A_659 = arith.constant 0 : i32
      %dma_start3A_660 = arith.constant 0 : i32
      %dma_start3A_661 = tpu.memref_slice %arg15[%dma_start3A_658, %dma_start3A_659, %dma_start3A_660] : memref<2x1248x16xf32, #tpu.memory_space<vmem>> -> memref<1x8x16xf32, #tpu.memory_space<vmem>>
      %dma_start3A_662 = tpu.memref_squeeze %dma_start3A_661 : memref<1x8x16xf32, #tpu.memory_space<vmem>> -> memref<8x16xf32, #tpu.memory_space<vmem>>
      %dma_start3A_663 = arith.constant 0 : i32
      %dma_start3A_664 = tpu.memref_slice %arg14[%dma_start3A_657, %dma_start3A_663] : memref<2x1248xi32, #tpu.memory_space<vmem>> -> memref<1x8xi32, #tpu.memory_space<vmem>>
      %dma_start3A_665 = tpu.memref_squeeze %dma_start3A_664 : memref<1x8xi32, #tpu.memory_space<vmem>> -> memref<8xi32, #tpu.memory_space<vmem>>
      %dma_start3A_666 = arith.constant 0 : i32
      %dma_start3A_667 = arith.constant 0 : i32
      %dma_start3A_668 = tpu.memref_slice %arg2[%dma_start3A_666, %dma_start3A_667] : memref<10000x16xf32, #tpu.memory_space<hbm>> -> memref<10000x16xf32, #tpu.memory_space<hbm>>
      tpu.enqueue_indirect_dma source(%dma_start3A_668 : memref<10000x16xf32, #tpu.memory_space<hbm>>) target(%dma_start3A_662 : memref<8x16xf32, #tpu.memory_space<vmem>>) offsets(%dma_start3A_665 : memref<8xi32, #tpu.memory_space<vmem>>) semaphore(%arg30 : memref<!tpu.dma_semaphore, #tpu.memory_space<semaphore_mem>>)
      %dma_wait3A_669 = arith.constant 0 : i32
      %dma_wait3A_670 = arith.constant 0 : i32
      %dma_wait3A_671 = arith.constant 0 : i32
      %dma_wait3A_672 = arith.constant 0 : i32
      %dma_wait3A_673 = tpu.memref_slice %arg15[%dma_wait3A_670, %dma_wait3A_671, %dma_wait3A_672] : memref<2x1248x16xf32, #tpu.memory_space<vmem>> -> memref<1x8x16xf32, #tpu.memory_space<vmem>>
      %dma_wait3A_674 = tpu.memref_squeeze %dma_wait3A_673 : memref<1x8x16xf32, #tpu.memory_space<vmem>> -> memref<8x16xf32, #tpu.memory_space<vmem>>
      %dma_wait3A_675 = arith.constant 0 : i32
      %dma_wait3A_676 = tpu.memref_slice %arg14[%dma_wait3A_669, %dma_wait3A_675] : memref<2x1248xi32, #tpu.memory_space<vmem>> -> memref<1x8xi32, #tpu.memory_space<vmem>>
      %dma_wait3A_677 = tpu.memref_squeeze %dma_wait3A_676 : memref<1x8xi32, #tpu.memory_space<vmem>> -> memref<8xi32, #tpu.memory_space<vmem>>
      %dma_wait3A_678 = arith.constant 0 : i32
      %dma_wait3A_679 = arith.constant 0 : i32
      %dma_wait3A_680 = tpu.memref_slice %arg2[%dma_wait3A_678, %dma_wait3A_679] : memref<10000x16xf32, #tpu.memory_space<hbm>> -> memref<10000x16xf32, #tpu.memory_space<hbm>>
      tpu.wait_indirect_dma semaphore(%arg30 : memref<!tpu.dma_semaphore, #tpu.memory_space<semaphore_mem>>) src(%dma_wait3A_680 : memref<10000x16xf32, #tpu.memory_space<hbm>>) dst(%dma_wait3A_674 : memref<8x16xf32, #tpu.memory_space<vmem>>)
      %run_scoped3A_681 = arith.constant 0 : i32
      "tpu.region"() ({
        %run_scoped3A_794 = tpu.sem_alloc : memref<!tpu.dma_semaphore, #tpu.memory_space<semaphore_mem>>
        %dma_start3A_795 = arith.constant 0 : i32
        %dma_start3A_796 = arith.constant 0 : i32
        %dma_start3A_797 = tpu.memref_slice %arg15[%run_scoped3A_681, %dma_start3A_795, %dma_start3A_796] : memref<2x1248x16xf32, #tpu.memory_space<vmem>> -> memref<1x8x16xf32, #tpu.memory_space<vmem>>
        %dma_start3A_798 = tpu.memref_squeeze %dma_start3A_797 : memref<1x8x16xf32, #tpu.memory_space<vmem>> -> memref<8x16xf32, #tpu.memory_space<vmem>>
        %dma_start3A_799 = arith.constant 48 : i32
        %dma_start3A_800 = tpu.memref_slice %arg9[%add3A_570, %dma_start3A_799] : memref<40000x128xf32, #tpu.memory_space<hbm>> -> memref<8x16xf32, #tpu.memory_space<hbm>>
        %dma_start3A_801 = arith.constant 48 : i32
        %dma_start3A_802 = tpu.memref_slice %arg9[%add3A_570, %dma_start3A_801] : memref<40000x128xf32, #tpu.memory_space<hbm>> -> memref<8x16xf32, #tpu.memory_space<hbm>>
        %dma_start3A_803 = arith.constant 0 : i32
        %dma_start3A_804 = arith.constant 0 : i32
        %dma_start3A_805 = tpu.memref_slice %arg15[%run_scoped3A_681, %dma_start3A_803, %dma_start3A_804] : memref<2x1248x16xf32, #tpu.memory_space<vmem>> -> memref<1x8x16xf32, #tpu.memory_space<vmem>>
        %dma_start3A_806 = tpu.memref_squeeze %dma_start3A_805 : memref<1x8x16xf32, #tpu.memory_space<vmem>> -> memref<8x16xf32, #tpu.memory_space<vmem>>
        tpu.enqueue_dma source(%dma_start3A_806 : memref<8x16xf32, #tpu.memory_space<vmem>>) target(%dma_start3A_802 : memref<8x16xf32, #tpu.memory_space<hbm>>) target_semaphore(%run_scoped3A_794 : memref<!tpu.dma_semaphore, #tpu.memory_space<semaphore_mem>>)
        %dma_wait3A_807 = arith.constant 0 : i32
        %dma_wait3A_808 = arith.constant 0 : i32
        %dma_wait3A_809 = tpu.memref_slice %arg15[%run_scoped3A_681, %dma_wait3A_807, %dma_wait3A_808] : memref<2x1248x16xf32, #tpu.memory_space<vmem>> -> memref<1x8x16xf32, #tpu.memory_space<vmem>>
        %dma_wait3A_810 = tpu.memref_squeeze %dma_wait3A_809 : memref<1x8x16xf32, #tpu.memory_space<vmem>> -> memref<8x16xf32, #tpu.memory_space<vmem>>
        %dma_wait3A_811 = arith.constant 48 : i32
        %dma_wait3A_812 = tpu.memref_slice %arg9[%add3A_570, %dma_wait3A_811] : memref<40000x128xf32, #tpu.memory_space<hbm>> -> memref<8x16xf32, #tpu.memory_space<hbm>>
        %dma_wait3A_813 = arith.constant 48 : i32
        %dma_wait3A_814 = tpu.memref_slice %arg9[%add3A_570, %dma_wait3A_813] : memref<40000x128xf32, #tpu.memory_space<hbm>> -> memref<8x16xf32, #tpu.memory_space<hbm>>
        %dma_wait3A_815 = arith.constant 0 : i32
        %dma_wait3A_816 = arith.constant 0 : i32
        %dma_wait3A_817 = tpu.memref_slice %arg15[%run_scoped3A_681, %dma_wait3A_815, %dma_wait3A_816] : memref<2x1248x16xf32, #tpu.memory_space<vmem>> -> memref<1x8x16xf32, #tpu.memory_space<vmem>>
        %dma_wait3A_818 = tpu.memref_squeeze %dma_wait3A_817 : memref<1x8x16xf32, #tpu.memory_space<vmem>> -> memref<8x16xf32, #tpu.memory_space<vmem>>
        tpu.wait_dma2 semaphore(%run_scoped3A_794 : memref<!tpu.dma_semaphore, #tpu.memory_space<semaphore_mem>>) src(%dma_wait3A_818 : memref<8x16xf32, #tpu.memory_space<vmem>>) dst(%dma_wait3A_814 : memref<8x16xf32, #tpu.memory_space<hbm>>)
        tpu.yield
      }) : () -> ()
      %add3A_682 = arith.constant 80000 : i32
      %add3A_683 = arith.addi %add3A_682, %add3A_570 : i32
      %run_scoped3A_684 = arith.constant 0 : i32
      "tpu.region"() ({
        %run_scoped3A_794 = tpu.sem_alloc : memref<!tpu.dma_semaphore, #tpu.memory_space<semaphore_mem>>
        %dma_start3A_795 = arith.constant 0 : i32
        %dma_start3A_796 = tpu.memref_slice %arg14[%run_scoped3A_684, %dma_start3A_795] : memref<2x1248xi32, #tpu.memory_space<vmem>> -> memref<1x8xi32, #tpu.memory_space<vmem>>
        %dma_start3A_797 = tpu.memref_squeeze %dma_start3A_796 : memref<1x8xi32, #tpu.memory_space<vmem>> -> memref<8xi32, #tpu.memory_space<vmem>>
        %dma_start3A_798 = tpu.memref_slice %arg3[%add3A_683] : memref<160000xi32, #tpu.memory_space<hbm>> -> memref<8xi32, #tpu.memory_space<hbm>>
        %dma_start3A_799 = arith.constant 0 : i32
        %dma_start3A_800 = tpu.memref_slice %arg14[%run_scoped3A_684, %dma_start3A_799] : memref<2x1248xi32, #tpu.memory_space<vmem>> -> memref<1x8xi32, #tpu.memory_space<vmem>>
        %dma_start3A_801 = tpu.memref_squeeze %dma_start3A_800 : memref<1x8xi32, #tpu.memory_space<vmem>> -> memref<8xi32, #tpu.memory_space<vmem>>
        %dma_start3A_802 = tpu.memref_slice %arg3[%add3A_683] : memref<160000xi32, #tpu.memory_space<hbm>> -> memref<8xi32, #tpu.memory_space<hbm>>
        tpu.enqueue_dma source(%dma_start3A_802 : memref<8xi32, #tpu.memory_space<hbm>>) target(%dma_start3A_801 : memref<8xi32, #tpu.memory_space<vmem>>) target_semaphore(%run_scoped3A_794 : memref<!tpu.dma_semaphore, #tpu.memory_space<semaphore_mem>>)
        %dma_wait3A_803 = arith.constant 0 : i32
        %dma_wait3A_804 = tpu.memref_slice %arg14[%run_scoped3A_684, %dma_wait3A_803] : memref<2x1248xi32, #tpu.memory_space<vmem>> -> memref<1x8xi32, #tpu.memory_space<vmem>>
        %dma_wait3A_805 = tpu.memref_squeeze %dma_wait3A_804 : memref<1x8xi32, #tpu.memory_space<vmem>> -> memref<8xi32, #tpu.memory_space<vmem>>
        %dma_wait3A_806 = tpu.memref_slice %arg3[%add3A_683] : memref<160000xi32, #tpu.memory_space<hbm>> -> memref<8xi32, #tpu.memory_space<hbm>>
        %dma_wait3A_807 = arith.constant 0 : i32
        %dma_wait3A_808 = tpu.memref_slice %arg14[%run_scoped3A_684, %dma_wait3A_807] : memref<2x1248xi32, #tpu.memory_space<vmem>> -> memref<1x8xi32, #tpu.memory_space<vmem>>
        %dma_wait3A_809 = tpu.memref_squeeze %dma_wait3A_808 : memref<1x8xi32, #tpu.memory_space<vmem>> -> memref<8xi32, #tpu.memory_space<vmem>>
        %dma_wait3A_810 = tpu.memref_slice %arg3[%add3A_683] : memref<160000xi32, #tpu.memory_space<hbm>> -> memref<8xi32, #tpu.memory_space<hbm>>
        tpu.wait_dma2 semaphore(%run_scoped3A_794 : memref<!tpu.dma_semaphore, #tpu.memory_space<semaphore_mem>>) src(%dma_wait3A_810 : memref<8xi32, #tpu.memory_space<hbm>>) dst(%dma_wait3A_809 : memref<8xi32, #tpu.memory_space<vmem>>)
        tpu.yield
      }) : () -> ()
      %dma_start3A_685 = arith.constant 0 : i32
      %dma_start3A_686 = arith.constant 0 : i32
      %dma_start3A_687 = arith.constant 0 : i32
      %dma_start3A_688 = arith.constant 0 : i32
      %dma_start3A_689 = tpu.memref_slice %arg15[%dma_start3A_686, %dma_start3A_687, %dma_start3A_688] : memref<2x1248x16xf32, #tpu.memory_space<vmem>> -> memref<1x8x16xf32, #tpu.memory_space<vmem>>
      %dma_start3A_690 = tpu.memref_squeeze %dma_start3A_689 : memref<1x8x16xf32, #tpu.memory_space<vmem>> -> memref<8x16xf32, #tpu.memory_space<vmem>>
      %dma_start3A_691 = arith.constant 0 : i32
      %dma_start3A_692 = tpu.memref_slice %arg14[%dma_start3A_685, %dma_start3A_691] : memref<2x1248xi32, #tpu.memory_space<vmem>> -> memref<1x8xi32, #tpu.memory_space<vmem>>
      %dma_start3A_693 = tpu.memref_squeeze %dma_start3A_692 : memref<1x8xi32, #tpu.memory_space<vmem>> -> memref<8xi32, #tpu.memory_space<vmem>>
      %dma_start3A_694 = arith.constant 0 : i32
      %dma_start3A_695 = arith.constant 0 : i32
      %dma_start3A_696 = tpu.memref_slice %arg2[%dma_start3A_694, %dma_start3A_695] : memref<10000x16xf32, #tpu.memory_space<hbm>> -> memref<10000x16xf32, #tpu.memory_space<hbm>>
      tpu.enqueue_indirect_dma source(%dma_start3A_696 : memref<10000x16xf32, #tpu.memory_space<hbm>>) target(%dma_start3A_690 : memref<8x16xf32, #tpu.memory_space<vmem>>) offsets(%dma_start3A_693 : memref<8xi32, #tpu.memory_space<vmem>>) semaphore(%arg30 : memref<!tpu.dma_semaphore, #tpu.memory_space<semaphore_mem>>)
      %dma_wait3A_697 = arith.constant 0 : i32
      %dma_wait3A_698 = arith.constant 0 : i32
      %dma_wait3A_699 = arith.constant 0 : i32
      %dma_wait3A_700 = arith.constant 0 : i32
      %dma_wait3A_701 = tpu.memref_slice %arg15[%dma_wait3A_698, %dma_wait3A_699, %dma_wait3A_700] : memref<2x1248x16xf32, #tpu.memory_space<vmem>> -> memref<1x8x16xf32, #tpu.memory_space<vmem>>
      %dma_wait3A_702 = tpu.memref_squeeze %dma_wait3A_701 : memref<1x8x16xf32, #tpu.memory_space<vmem>> -> memref<8x16xf32, #tpu.memory_space<vmem>>
      %dma_wait3A_703 = arith.constant 0 : i32
      %dma_wait3A_704 = tpu.memref_slice %arg14[%dma_wait3A_697, %dma_wait3A_703] : memref<2x1248xi32, #tpu.memory_space<vmem>> -> memref<1x8xi32, #tpu.memory_space<vmem>>
      %dma_wait3A_705 = tpu.memref_squeeze %dma_wait3A_704 : memref<1x8xi32, #tpu.memory_space<vmem>> -> memref<8xi32, #tpu.memory_space<vmem>>
      %dma_wait3A_706 = arith.constant 0 : i32
      %dma_wait3A_707 = arith.constant 0 : i32
      %dma_wait3A_708 = tpu.memref_slice %arg2[%dma_wait3A_706, %dma_wait3A_707] : memref<10000x16xf32, #tpu.memory_space<hbm>> -> memref<10000x16xf32, #tpu.memory_space<hbm>>
      tpu.wait_indirect_dma semaphore(%arg30 : memref<!tpu.dma_semaphore, #tpu.memory_space<semaphore_mem>>) src(%dma_wait3A_708 : memref<10000x16xf32, #tpu.memory_space<hbm>>) dst(%dma_wait3A_702 : memref<8x16xf32, #tpu.memory_space<vmem>>)
      %run_scoped3A_709 = arith.constant 0 : i32
      "tpu.region"() ({
        %run_scoped3A_794 = tpu.sem_alloc : memref<!tpu.dma_semaphore, #tpu.memory_space<semaphore_mem>>
        %dma_start3A_795 = arith.constant 0 : i32
        %dma_start3A_796 = arith.constant 0 : i32
        %dma_start3A_797 = tpu.memref_slice %arg15[%run_scoped3A_709, %dma_start3A_795, %dma_start3A_796] : memref<2x1248x16xf32, #tpu.memory_space<vmem>> -> memref<1x8x16xf32, #tpu.memory_space<vmem>>
        %dma_start3A_798 = tpu.memref_squeeze %dma_start3A_797 : memref<1x8x16xf32, #tpu.memory_space<vmem>> -> memref<8x16xf32, #tpu.memory_space<vmem>>
        %dma_start3A_799 = arith.constant 64 : i32
        %dma_start3A_800 = tpu.memref_slice %arg9[%add3A_570, %dma_start3A_799] : memref<40000x128xf32, #tpu.memory_space<hbm>> -> memref<8x16xf32, #tpu.memory_space<hbm>>
        %dma_start3A_801 = arith.constant 64 : i32
        %dma_start3A_802 = tpu.memref_slice %arg9[%add3A_570, %dma_start3A_801] : memref<40000x128xf32, #tpu.memory_space<hbm>> -> memref<8x16xf32, #tpu.memory_space<hbm>>
        %dma_start3A_803 = arith.constant 0 : i32
        %dma_start3A_804 = arith.constant 0 : i32
        %dma_start3A_805 = tpu.memref_slice %arg15[%run_scoped3A_709, %dma_start3A_803, %dma_start3A_804] : memref<2x1248x16xf32, #tpu.memory_space<vmem>> -> memref<1x8x16xf32, #tpu.memory_space<vmem>>
        %dma_start3A_806 = tpu.memref_squeeze %dma_start3A_805 : memref<1x8x16xf32, #tpu.memory_space<vmem>> -> memref<8x16xf32, #tpu.memory_space<vmem>>
        tpu.enqueue_dma source(%dma_start3A_806 : memref<8x16xf32, #tpu.memory_space<vmem>>) target(%dma_start3A_802 : memref<8x16xf32, #tpu.memory_space<hbm>>) target_semaphore(%run_scoped3A_794 : memref<!tpu.dma_semaphore, #tpu.memory_space<semaphore_mem>>)
        %dma_wait3A_807 = arith.constant 0 : i32
        %dma_wait3A_808 = arith.constant 0 : i32
        %dma_wait3A_809 = tpu.memref_slice %arg15[%run_scoped3A_709, %dma_wait3A_807, %dma_wait3A_808] : memref<2x1248x16xf32, #tpu.memory_space<vmem>> -> memref<1x8x16xf32, #tpu.memory_space<vmem>>
        %dma_wait3A_810 = tpu.memref_squeeze %dma_wait3A_809 : memref<1x8x16xf32, #tpu.memory_space<vmem>> -> memref<8x16xf32, #tpu.memory_space<vmem>>
        %dma_wait3A_811 = arith.constant 64 : i32
        %dma_wait3A_812 = tpu.memref_slice %arg9[%add3A_570, %dma_wait3A_811] : memref<40000x128xf32, #tpu.memory_space<hbm>> -> memref<8x16xf32, #tpu.memory_space<hbm>>
        %dma_wait3A_813 = arith.constant 64 : i32
        %dma_wait3A_814 = tpu.memref_slice %arg9[%add3A_570, %dma_wait3A_813] : memref<40000x128xf32, #tpu.memory_space<hbm>> -> memref<8x16xf32, #tpu.memory_space<hbm>>
        %dma_wait3A_815 = arith.constant 0 : i32
        %dma_wait3A_816 = arith.constant 0 : i32
        %dma_wait3A_817 = tpu.memref_slice %arg15[%run_scoped3A_709, %dma_wait3A_815, %dma_wait3A_816] : memref<2x1248x16xf32, #tpu.memory_space<vmem>> -> memref<1x8x16xf32, #tpu.memory_space<vmem>>
        %dma_wait3A_818 = tpu.memref_squeeze %dma_wait3A_817 : memref<1x8x16xf32, #tpu.memory_space<vmem>> -> memref<8x16xf32, #tpu.memory_space<vmem>>
        tpu.wait_dma2 semaphore(%run_scoped3A_794 : memref<!tpu.dma_semaphore, #tpu.memory_space<semaphore_mem>>) src(%dma_wait3A_818 : memref<8x16xf32, #tpu.memory_space<vmem>>) dst(%dma_wait3A_814 : memref<8x16xf32, #tpu.memory_space<hbm>>)
        tpu.yield
      }) : () -> ()
      %add3A_710 = arith.constant 80000 : i32
      %add3A_711 = arith.addi %add3A_710, %add3A_570 : i32
      %run_scoped3A_712 = arith.constant 0 : i32
      "tpu.region"() ({
        %run_scoped3A_794 = tpu.sem_alloc : memref<!tpu.dma_semaphore, #tpu.memory_space<semaphore_mem>>
        %dma_start3A_795 = arith.constant 0 : i32
        %dma_start3A_796 = tpu.memref_slice %arg14[%run_scoped3A_712, %dma_start3A_795] : memref<2x1248xi32, #tpu.memory_space<vmem>> -> memref<1x8xi32, #tpu.memory_space<vmem>>
        %dma_start3A_797 = tpu.memref_squeeze %dma_start3A_796 : memref<1x8xi32, #tpu.memory_space<vmem>> -> memref<8xi32, #tpu.memory_space<vmem>>
        %dma_start3A_798 = tpu.memref_slice %arg4[%add3A_711] : memref<160000xi32, #tpu.memory_space<hbm>> -> memref<8xi32, #tpu.memory_space<hbm>>
        %dma_start3A_799 = arith.constant 0 : i32
        %dma_start3A_800 = tpu.memref_slice %arg14[%run_scoped3A_712, %dma_start3A_799] : memref<2x1248xi32, #tpu.memory_space<vmem>> -> memref<1x8xi32, #tpu.memory_space<vmem>>
        %dma_start3A_801 = tpu.memref_squeeze %dma_start3A_800 : memref<1x8xi32, #tpu.memory_space<vmem>> -> memref<8xi32, #tpu.memory_space<vmem>>
        %dma_start3A_802 = tpu.memref_slice %arg4[%add3A_711] : memref<160000xi32, #tpu.memory_space<hbm>> -> memref<8xi32, #tpu.memory_space<hbm>>
        tpu.enqueue_dma source(%dma_start3A_802 : memref<8xi32, #tpu.memory_space<hbm>>) target(%dma_start3A_801 : memref<8xi32, #tpu.memory_space<vmem>>) target_semaphore(%run_scoped3A_794 : memref<!tpu.dma_semaphore, #tpu.memory_space<semaphore_mem>>)
        %dma_wait3A_803 = arith.constant 0 : i32
        %dma_wait3A_804 = tpu.memref_slice %arg14[%run_scoped3A_712, %dma_wait3A_803] : memref<2x1248xi32, #tpu.memory_space<vmem>> -> memref<1x8xi32, #tpu.memory_space<vmem>>
        %dma_wait3A_805 = tpu.memref_squeeze %dma_wait3A_804 : memref<1x8xi32, #tpu.memory_space<vmem>> -> memref<8xi32, #tpu.memory_space<vmem>>
        %dma_wait3A_806 = tpu.memref_slice %arg4[%add3A_711] : memref<160000xi32, #tpu.memory_space<hbm>> -> memref<8xi32, #tpu.memory_space<hbm>>
        %dma_wait3A_807 = arith.constant 0 : i32
        %dma_wait3A_808 = tpu.memref_slice %arg14[%run_scoped3A_712, %dma_wait3A_807] : memref<2x1248xi32, #tpu.memory_space<vmem>> -> memref<1x8xi32, #tpu.memory_space<vmem>>
        %dma_wait3A_809 = tpu.memref_squeeze %dma_wait3A_808 : memref<1x8xi32, #tpu.memory_space<vmem>> -> memref<8xi32, #tpu.memory_space<vmem>>
        %dma_wait3A_810 = tpu.memref_slice %arg4[%add3A_711] : memref<160000xi32, #tpu.memory_space<hbm>> -> memref<8xi32, #tpu.memory_space<hbm>>
        tpu.wait_dma2 semaphore(%run_scoped3A_794 : memref<!tpu.dma_semaphore, #tpu.memory_space<semaphore_mem>>) src(%dma_wait3A_810 : memref<8xi32, #tpu.memory_space<hbm>>) dst(%dma_wait3A_809 : memref<8xi32, #tpu.memory_space<vmem>>)
        tpu.yield
      }) : () -> ()
      %dma_start3A_713 = arith.constant 0 : i32
      %dma_start3A_714 = arith.constant 0 : i32
      %dma_start3A_715 = arith.constant 0 : i32
      %dma_start3A_716 = arith.constant 0 : i32
      %dma_start3A_717 = tpu.memref_slice %arg15[%dma_start3A_714, %dma_start3A_715, %dma_start3A_716] : memref<2x1248x16xf32, #tpu.memory_space<vmem>> -> memref<1x8x16xf32, #tpu.memory_space<vmem>>
      %dma_start3A_718 = tpu.memref_squeeze %dma_start3A_717 : memref<1x8x16xf32, #tpu.memory_space<vmem>> -> memref<8x16xf32, #tpu.memory_space<vmem>>
      %dma_start3A_719 = arith.constant 0 : i32
      %dma_start3A_720 = tpu.memref_slice %arg14[%dma_start3A_713, %dma_start3A_719] : memref<2x1248xi32, #tpu.memory_space<vmem>> -> memref<1x8xi32, #tpu.memory_space<vmem>>
      %dma_start3A_721 = tpu.memref_squeeze %dma_start3A_720 : memref<1x8xi32, #tpu.memory_space<vmem>> -> memref<8xi32, #tpu.memory_space<vmem>>
      %dma_start3A_722 = arith.constant 0 : i32
      %dma_start3A_723 = arith.constant 0 : i32
      %dma_start3A_724 = tpu.memref_slice %arg2[%dma_start3A_722, %dma_start3A_723] : memref<10000x16xf32, #tpu.memory_space<hbm>> -> memref<10000x16xf32, #tpu.memory_space<hbm>>
      tpu.enqueue_indirect_dma source(%dma_start3A_724 : memref<10000x16xf32, #tpu.memory_space<hbm>>) target(%dma_start3A_718 : memref<8x16xf32, #tpu.memory_space<vmem>>) offsets(%dma_start3A_721 : memref<8xi32, #tpu.memory_space<vmem>>) semaphore(%arg30 : memref<!tpu.dma_semaphore, #tpu.memory_space<semaphore_mem>>)
      %dma_wait3A_725 = arith.constant 0 : i32
      %dma_wait3A_726 = arith.constant 0 : i32
      %dma_wait3A_727 = arith.constant 0 : i32
      %dma_wait3A_728 = arith.constant 0 : i32
      %dma_wait3A_729 = tpu.memref_slice %arg15[%dma_wait3A_726, %dma_wait3A_727, %dma_wait3A_728] : memref<2x1248x16xf32, #tpu.memory_space<vmem>> -> memref<1x8x16xf32, #tpu.memory_space<vmem>>
      %dma_wait3A_730 = tpu.memref_squeeze %dma_wait3A_729 : memref<1x8x16xf32, #tpu.memory_space<vmem>> -> memref<8x16xf32, #tpu.memory_space<vmem>>
      %dma_wait3A_731 = arith.constant 0 : i32
      %dma_wait3A_732 = tpu.memref_slice %arg14[%dma_wait3A_725, %dma_wait3A_731] : memref<2x1248xi32, #tpu.memory_space<vmem>> -> memref<1x8xi32, #tpu.memory_space<vmem>>
      %dma_wait3A_733 = tpu.memref_squeeze %dma_wait3A_732 : memref<1x8xi32, #tpu.memory_space<vmem>> -> memref<8xi32, #tpu.memory_space<vmem>>
      %dma_wait3A_734 = arith.constant 0 : i32
      %dma_wait3A_735 = arith.constant 0 : i32
      %dma_wait3A_736 = tpu.memref_slice %arg2[%dma_wait3A_734, %dma_wait3A_735] : memref<10000x16xf32, #tpu.memory_space<hbm>> -> memref<10000x16xf32, #tpu.memory_space<hbm>>
      tpu.wait_indirect_dma semaphore(%arg30 : memref<!tpu.dma_semaphore, #tpu.memory_space<semaphore_mem>>) src(%dma_wait3A_736 : memref<10000x16xf32, #tpu.memory_space<hbm>>) dst(%dma_wait3A_730 : memref<8x16xf32, #tpu.memory_space<vmem>>)
      %run_scoped3A_737 = arith.constant 0 : i32
      "tpu.region"() ({
        %run_scoped3A_794 = tpu.sem_alloc : memref<!tpu.dma_semaphore, #tpu.memory_space<semaphore_mem>>
        %dma_start3A_795 = arith.constant 0 : i32
        %dma_start3A_796 = arith.constant 0 : i32
        %dma_start3A_797 = tpu.memref_slice %arg15[%run_scoped3A_737, %dma_start3A_795, %dma_start3A_796] : memref<2x1248x16xf32, #tpu.memory_space<vmem>> -> memref<1x8x16xf32, #tpu.memory_space<vmem>>
        %dma_start3A_798 = tpu.memref_squeeze %dma_start3A_797 : memref<1x8x16xf32, #tpu.memory_space<vmem>> -> memref<8x16xf32, #tpu.memory_space<vmem>>
        %dma_start3A_799 = arith.constant 80 : i32
        %dma_start3A_800 = tpu.memref_slice %arg9[%add3A_570, %dma_start3A_799] : memref<40000x128xf32, #tpu.memory_space<hbm>> -> memref<8x16xf32, #tpu.memory_space<hbm>>
        %dma_start3A_801 = arith.constant 80 : i32
        %dma_start3A_802 = tpu.memref_slice %arg9[%add3A_570, %dma_start3A_801] : memref<40000x128xf32, #tpu.memory_space<hbm>> -> memref<8x16xf32, #tpu.memory_space<hbm>>
        %dma_start3A_803 = arith.constant 0 : i32
        %dma_start3A_804 = arith.constant 0 : i32
        %dma_start3A_805 = tpu.memref_slice %arg15[%run_scoped3A_737, %dma_start3A_803, %dma_start3A_804] : memref<2x1248x16xf32, #tpu.memory_space<vmem>> -> memref<1x8x16xf32, #tpu.memory_space<vmem>>
        %dma_start3A_806 = tpu.memref_squeeze %dma_start3A_805 : memref<1x8x16xf32, #tpu.memory_space<vmem>> -> memref<8x16xf32, #tpu.memory_space<vmem>>
        tpu.enqueue_dma source(%dma_start3A_806 : memref<8x16xf32, #tpu.memory_space<vmem>>) target(%dma_start3A_802 : memref<8x16xf32, #tpu.memory_space<hbm>>) target_semaphore(%run_scoped3A_794 : memref<!tpu.dma_semaphore, #tpu.memory_space<semaphore_mem>>)
        %dma_wait3A_807 = arith.constant 0 : i32
        %dma_wait3A_808 = arith.constant 0 : i32
        %dma_wait3A_809 = tpu.memref_slice %arg15[%run_scoped3A_737, %dma_wait3A_807, %dma_wait3A_808] : memref<2x1248x16xf32, #tpu.memory_space<vmem>> -> memref<1x8x16xf32, #tpu.memory_space<vmem>>
        %dma_wait3A_810 = tpu.memref_squeeze %dma_wait3A_809 : memref<1x8x16xf32, #tpu.memory_space<vmem>> -> memref<8x16xf32, #tpu.memory_space<vmem>>
        %dma_wait3A_811 = arith.constant 80 : i32
        %dma_wait3A_812 = tpu.memref_slice %arg9[%add3A_570, %dma_wait3A_811] : memref<40000x128xf32, #tpu.memory_space<hbm>> -> memref<8x16xf32, #tpu.memory_space<hbm>>
        %dma_wait3A_813 = arith.constant 80 : i32
        %dma_wait3A_814 = tpu.memref_slice %arg9[%add3A_570, %dma_wait3A_813] : memref<40000x128xf32, #tpu.memory_space<hbm>> -> memref<8x16xf32, #tpu.memory_space<hbm>>
        %dma_wait3A_815 = arith.constant 0 : i32
        %dma_wait3A_816 = arith.constant 0 : i32
        %dma_wait3A_817 = tpu.memref_slice %arg15[%run_scoped3A_737, %dma_wait3A_815, %dma_wait3A_816] : memref<2x1248x16xf32, #tpu.memory_space<vmem>> -> memref<1x8x16xf32, #tpu.memory_space<vmem>>
        %dma_wait3A_818 = tpu.memref_squeeze %dma_wait3A_817 : memref<1x8x16xf32, #tpu.memory_space<vmem>> -> memref<8x16xf32, #tpu.memory_space<vmem>>
        tpu.wait_dma2 semaphore(%run_scoped3A_794 : memref<!tpu.dma_semaphore, #tpu.memory_space<semaphore_mem>>) src(%dma_wait3A_818 : memref<8x16xf32, #tpu.memory_space<vmem>>) dst(%dma_wait3A_814 : memref<8x16xf32, #tpu.memory_space<hbm>>)
        tpu.yield
      }) : () -> ()
      %add3A_738 = arith.constant 120000 : i32
      %add3A_739 = arith.addi %add3A_738, %add3A_570 : i32
      %run_scoped3A_740 = arith.constant 0 : i32
      "tpu.region"() ({
        %run_scoped3A_794 = tpu.sem_alloc : memref<!tpu.dma_semaphore, #tpu.memory_space<semaphore_mem>>
        %dma_start3A_795 = arith.constant 0 : i32
        %dma_start3A_796 = tpu.memref_slice %arg14[%run_scoped3A_740, %dma_start3A_795] : memref<2x1248xi32, #tpu.memory_space<vmem>> -> memref<1x8xi32, #tpu.memory_space<vmem>>
        %dma_start3A_797 = tpu.memref_squeeze %dma_start3A_796 : memref<1x8xi32, #tpu.memory_space<vmem>> -> memref<8xi32, #tpu.memory_space<vmem>>
        %dma_start3A_798 = tpu.memref_slice %arg3[%add3A_739] : memref<160000xi32, #tpu.memory_space<hbm>> -> memref<8xi32, #tpu.memory_space<hbm>>
        %dma_start3A_799 = arith.constant 0 : i32
        %dma_start3A_800 = tpu.memref_slice %arg14[%run_scoped3A_740, %dma_start3A_799] : memref<2x1248xi32, #tpu.memory_space<vmem>> -> memref<1x8xi32, #tpu.memory_space<vmem>>
        %dma_start3A_801 = tpu.memref_squeeze %dma_start3A_800 : memref<1x8xi32, #tpu.memory_space<vmem>> -> memref<8xi32, #tpu.memory_space<vmem>>
        %dma_start3A_802 = tpu.memref_slice %arg3[%add3A_739] : memref<160000xi32, #tpu.memory_space<hbm>> -> memref<8xi32, #tpu.memory_space<hbm>>
        tpu.enqueue_dma source(%dma_start3A_802 : memref<8xi32, #tpu.memory_space<hbm>>) target(%dma_start3A_801 : memref<8xi32, #tpu.memory_space<vmem>>) target_semaphore(%run_scoped3A_794 : memref<!tpu.dma_semaphore, #tpu.memory_space<semaphore_mem>>)
        %dma_wait3A_803 = arith.constant 0 : i32
        %dma_wait3A_804 = tpu.memref_slice %arg14[%run_scoped3A_740, %dma_wait3A_803] : memref<2x1248xi32, #tpu.memory_space<vmem>> -> memref<1x8xi32, #tpu.memory_space<vmem>>
        %dma_wait3A_805 = tpu.memref_squeeze %dma_wait3A_804 : memref<1x8xi32, #tpu.memory_space<vmem>> -> memref<8xi32, #tpu.memory_space<vmem>>
        %dma_wait3A_806 = tpu.memref_slice %arg3[%add3A_739] : memref<160000xi32, #tpu.memory_space<hbm>> -> memref<8xi32, #tpu.memory_space<hbm>>
        %dma_wait3A_807 = arith.constant 0 : i32
        %dma_wait3A_808 = tpu.memref_slice %arg14[%run_scoped3A_740, %dma_wait3A_807] : memref<2x1248xi32, #tpu.memory_space<vmem>> -> memref<1x8xi32, #tpu.memory_space<vmem>>
        %dma_wait3A_809 = tpu.memref_squeeze %dma_wait3A_808 : memref<1x8xi32, #tpu.memory_space<vmem>> -> memref<8xi32, #tpu.memory_space<vmem>>
        %dma_wait3A_810 = tpu.memref_slice %arg3[%add3A_739] : memref<160000xi32, #tpu.memory_space<hbm>> -> memref<8xi32, #tpu.memory_space<hbm>>
        tpu.wait_dma2 semaphore(%run_scoped3A_794 : memref<!tpu.dma_semaphore, #tpu.memory_space<semaphore_mem>>) src(%dma_wait3A_810 : memref<8xi32, #tpu.memory_space<hbm>>) dst(%dma_wait3A_809 : memref<8xi32, #tpu.memory_space<vmem>>)
        tpu.yield
      }) : () -> ()
      %dma_start3A_741 = arith.constant 0 : i32
      %dma_start3A_742 = arith.constant 0 : i32
      %dma_start3A_743 = arith.constant 0 : i32
      %dma_start3A_744 = arith.constant 0 : i32
      %dma_start3A_745 = tpu.memref_slice %arg15[%dma_start3A_742, %dma_start3A_743, %dma_start3A_744] : memref<2x1248x16xf32, #tpu.memory_space<vmem>> -> memref<1x8x16xf32, #tpu.memory_space<vmem>>
      %dma_start3A_746 = tpu.memref_squeeze %dma_start3A_745 : memref<1x8x16xf32, #tpu.memory_space<vmem>> -> memref<8x16xf32, #tpu.memory_space<vmem>>
      %dma_start3A_747 = arith.constant 0 : i32
      %dma_start3A_748 = tpu.memref_slice %arg14[%dma_start3A_741, %dma_start3A_747] : memref<2x1248xi32, #tpu.memory_space<vmem>> -> memref<1x8xi32, #tpu.memory_space<vmem>>
      %dma_start3A_749 = tpu.memref_squeeze %dma_start3A_748 : memref<1x8xi32, #tpu.memory_space<vmem>> -> memref<8xi32, #tpu.memory_space<vmem>>
      %dma_start3A_750 = arith.constant 0 : i32
      %dma_start3A_751 = arith.constant 0 : i32
      %dma_start3A_752 = tpu.memref_slice %arg2[%dma_start3A_750, %dma_start3A_751] : memref<10000x16xf32, #tpu.memory_space<hbm>> -> memref<10000x16xf32, #tpu.memory_space<hbm>>
      tpu.enqueue_indirect_dma source(%dma_start3A_752 : memref<10000x16xf32, #tpu.memory_space<hbm>>) target(%dma_start3A_746 : memref<8x16xf32, #tpu.memory_space<vmem>>) offsets(%dma_start3A_749 : memref<8xi32, #tpu.memory_space<vmem>>) semaphore(%arg30 : memref<!tpu.dma_semaphore, #tpu.memory_space<semaphore_mem>>)
      %dma_wait3A_753 = arith.constant 0 : i32
      %dma_wait3A_754 = arith.constant 0 : i32
      %dma_wait3A_755 = arith.constant 0 : i32
      %dma_wait3A_756 = arith.constant 0 : i32
      %dma_wait3A_757 = tpu.memref_slice %arg15[%dma_wait3A_754, %dma_wait3A_755, %dma_wait3A_756] : memref<2x1248x16xf32, #tpu.memory_space<vmem>> -> memref<1x8x16xf32, #tpu.memory_space<vmem>>
      %dma_wait3A_758 = tpu.memref_squeeze %dma_wait3A_757 : memref<1x8x16xf32, #tpu.memory_space<vmem>> -> memref<8x16xf32, #tpu.memory_space<vmem>>
      %dma_wait3A_759 = arith.constant 0 : i32
      %dma_wait3A_760 = tpu.memref_slice %arg14[%dma_wait3A_753, %dma_wait3A_759] : memref<2x1248xi32, #tpu.memory_space<vmem>> -> memref<1x8xi32, #tpu.memory_space<vmem>>
      %dma_wait3A_761 = tpu.memref_squeeze %dma_wait3A_760 : memref<1x8xi32, #tpu.memory_space<vmem>> -> memref<8xi32, #tpu.memory_space<vmem>>
      %dma_wait3A_762 = arith.constant 0 : i32
      %dma_wait3A_763 = arith.constant 0 : i32
      %dma_wait3A_764 = tpu.memref_slice %arg2[%dma_wait3A_762, %dma_wait3A_763] : memref<10000x16xf32, #tpu.memory_space<hbm>> -> memref<10000x16xf32, #tpu.memory_space<hbm>>
      tpu.wait_indirect_dma semaphore(%arg30 : memref<!tpu.dma_semaphore, #tpu.memory_space<semaphore_mem>>) src(%dma_wait3A_764 : memref<10000x16xf32, #tpu.memory_space<hbm>>) dst(%dma_wait3A_758 : memref<8x16xf32, #tpu.memory_space<vmem>>)
      %run_scoped3A_765 = arith.constant 0 : i32
      "tpu.region"() ({
        %run_scoped3A_794 = tpu.sem_alloc : memref<!tpu.dma_semaphore, #tpu.memory_space<semaphore_mem>>
        %dma_start3A_795 = arith.constant 0 : i32
        %dma_start3A_796 = arith.constant 0 : i32
        %dma_start3A_797 = tpu.memref_slice %arg15[%run_scoped3A_765, %dma_start3A_795, %dma_start3A_796] : memref<2x1248x16xf32, #tpu.memory_space<vmem>> -> memref<1x8x16xf32, #tpu.memory_space<vmem>>
        %dma_start3A_798 = tpu.memref_squeeze %dma_start3A_797 : memref<1x8x16xf32, #tpu.memory_space<vmem>> -> memref<8x16xf32, #tpu.memory_space<vmem>>
        %dma_start3A_799 = arith.constant 96 : i32
        %dma_start3A_800 = tpu.memref_slice %arg9[%add3A_570, %dma_start3A_799] : memref<40000x128xf32, #tpu.memory_space<hbm>> -> memref<8x16xf32, #tpu.memory_space<hbm>>
        %dma_start3A_801 = arith.constant 96 : i32
        %dma_start3A_802 = tpu.memref_slice %arg9[%add3A_570, %dma_start3A_801] : memref<40000x128xf32, #tpu.memory_space<hbm>> -> memref<8x16xf32, #tpu.memory_space<hbm>>
        %dma_start3A_803 = arith.constant 0 : i32
        %dma_start3A_804 = arith.constant 0 : i32
        %dma_start3A_805 = tpu.memref_slice %arg15[%run_scoped3A_765, %dma_start3A_803, %dma_start3A_804] : memref<2x1248x16xf32, #tpu.memory_space<vmem>> -> memref<1x8x16xf32, #tpu.memory_space<vmem>>
        %dma_start3A_806 = tpu.memref_squeeze %dma_start3A_805 : memref<1x8x16xf32, #tpu.memory_space<vmem>> -> memref<8x16xf32, #tpu.memory_space<vmem>>
        tpu.enqueue_dma source(%dma_start3A_806 : memref<8x16xf32, #tpu.memory_space<vmem>>) target(%dma_start3A_802 : memref<8x16xf32, #tpu.memory_space<hbm>>) target_semaphore(%run_scoped3A_794 : memref<!tpu.dma_semaphore, #tpu.memory_space<semaphore_mem>>)
        %dma_wait3A_807 = arith.constant 0 : i32
        %dma_wait3A_808 = arith.constant 0 : i32
        %dma_wait3A_809 = tpu.memref_slice %arg15[%run_scoped3A_765, %dma_wait3A_807, %dma_wait3A_808] : memref<2x1248x16xf32, #tpu.memory_space<vmem>> -> memref<1x8x16xf32, #tpu.memory_space<vmem>>
        %dma_wait3A_810 = tpu.memref_squeeze %dma_wait3A_809 : memref<1x8x16xf32, #tpu.memory_space<vmem>> -> memref<8x16xf32, #tpu.memory_space<vmem>>
        %dma_wait3A_811 = arith.constant 96 : i32
        %dma_wait3A_812 = tpu.memref_slice %arg9[%add3A_570, %dma_wait3A_811] : memref<40000x128xf32, #tpu.memory_space<hbm>> -> memref<8x16xf32, #tpu.memory_space<hbm>>
        %dma_wait3A_813 = arith.constant 96 : i32
        %dma_wait3A_814 = tpu.memref_slice %arg9[%add3A_570, %dma_wait3A_813] : memref<40000x128xf32, #tpu.memory_space<hbm>> -> memref<8x16xf32, #tpu.memory_space<hbm>>
        %dma_wait3A_815 = arith.constant 0 : i32
        %dma_wait3A_816 = arith.constant 0 : i32
        %dma_wait3A_817 = tpu.memref_slice %arg15[%run_scoped3A_765, %dma_wait3A_815, %dma_wait3A_816] : memref<2x1248x16xf32, #tpu.memory_space<vmem>> -> memref<1x8x16xf32, #tpu.memory_space<vmem>>
        %dma_wait3A_818 = tpu.memref_squeeze %dma_wait3A_817 : memref<1x8x16xf32, #tpu.memory_space<vmem>> -> memref<8x16xf32, #tpu.memory_space<vmem>>
        tpu.wait_dma2 semaphore(%run_scoped3A_794 : memref<!tpu.dma_semaphore, #tpu.memory_space<semaphore_mem>>) src(%dma_wait3A_818 : memref<8x16xf32, #tpu.memory_space<vmem>>) dst(%dma_wait3A_814 : memref<8x16xf32, #tpu.memory_space<hbm>>)
        tpu.yield
      }) : () -> ()
      %add3A_766 = arith.constant 120000 : i32
      %add3A_767 = arith.addi %add3A_766, %add3A_570 : i32
      %run_scoped3A_768 = arith.constant 0 : i32
      "tpu.region"() ({
        %run_scoped3A_794 = tpu.sem_alloc : memref<!tpu.dma_semaphore, #tpu.memory_space<semaphore_mem>>
        %dma_start3A_795 = arith.constant 0 : i32
        %dma_start3A_796 = tpu.memref_slice %arg14[%run_scoped3A_768, %dma_start3A_795] : memref<2x1248xi32, #tpu.memory_space<vmem>> -> memref<1x8xi32, #tpu.memory_space<vmem>>
        %dma_start3A_797 = tpu.memref_squeeze %dma_start3A_796 : memref<1x8xi32, #tpu.memory_space<vmem>> -> memref<8xi32, #tpu.memory_space<vmem>>
        %dma_start3A_798 = tpu.memref_slice %arg4[%add3A_767] : memref<160000xi32, #tpu.memory_space<hbm>> -> memref<8xi32, #tpu.memory_space<hbm>>
        %dma_start3A_799 = arith.constant 0 : i32
        %dma_start3A_800 = tpu.memref_slice %arg14[%run_scoped3A_768, %dma_start3A_799] : memref<2x1248xi32, #tpu.memory_space<vmem>> -> memref<1x8xi32, #tpu.memory_space<vmem>>
        %dma_start3A_801 = tpu.memref_squeeze %dma_start3A_800 : memref<1x8xi32, #tpu.memory_space<vmem>> -> memref<8xi32, #tpu.memory_space<vmem>>
        %dma_start3A_802 = tpu.memref_slice %arg4[%add3A_767] : memref<160000xi32, #tpu.memory_space<hbm>> -> memref<8xi32, #tpu.memory_space<hbm>>
        tpu.enqueue_dma source(%dma_start3A_802 : memref<8xi32, #tpu.memory_space<hbm>>) target(%dma_start3A_801 : memref<8xi32, #tpu.memory_space<vmem>>) target_semaphore(%run_scoped3A_794 : memref<!tpu.dma_semaphore, #tpu.memory_space<semaphore_mem>>)
        %dma_wait3A_803 = arith.constant 0 : i32
        %dma_wait3A_804 = tpu.memref_slice %arg14[%run_scoped3A_768, %dma_wait3A_803] : memref<2x1248xi32, #tpu.memory_space<vmem>> -> memref<1x8xi32, #tpu.memory_space<vmem>>
        %dma_wait3A_805 = tpu.memref_squeeze %dma_wait3A_804 : memref<1x8xi32, #tpu.memory_space<vmem>> -> memref<8xi32, #tpu.memory_space<vmem>>
        %dma_wait3A_806 = tpu.memref_slice %arg4[%add3A_767] : memref<160000xi32, #tpu.memory_space<hbm>> -> memref<8xi32, #tpu.memory_space<hbm>>
        %dma_wait3A_807 = arith.constant 0 : i32
        %dma_wait3A_808 = tpu.memref_slice %arg14[%run_scoped3A_768, %dma_wait3A_807] : memref<2x1248xi32, #tpu.memory_space<vmem>> -> memref<1x8xi32, #tpu.memory_space<vmem>>
        %dma_wait3A_809 = tpu.memref_squeeze %dma_wait3A_808 : memref<1x8xi32, #tpu.memory_space<vmem>> -> memref<8xi32, #tpu.memory_space<vmem>>
        %dma_wait3A_810 = tpu.memref_slice %arg4[%add3A_767] : memref<160000xi32, #tpu.memory_space<hbm>> -> memref<8xi32, #tpu.memory_space<hbm>>
        tpu.wait_dma2 semaphore(%run_scoped3A_794 : memref<!tpu.dma_semaphore, #tpu.memory_space<semaphore_mem>>) src(%dma_wait3A_810 : memref<8xi32, #tpu.memory_space<hbm>>) dst(%dma_wait3A_809 : memref<8xi32, #tpu.memory_space<vmem>>)
        tpu.yield
      }) : () -> ()
      %dma_start3A_769 = arith.constant 0 : i32
      %dma_start3A_770 = arith.constant 0 : i32
      %dma_start3A_771 = arith.constant 0 : i32
      %dma_start3A_772 = arith.constant 0 : i32
      %dma_start3A_773 = tpu.memref_slice %arg15[%dma_start3A_770, %dma_start3A_771, %dma_start3A_772] : memref<2x1248x16xf32, #tpu.memory_space<vmem>> -> memref<1x8x16xf32, #tpu.memory_space<vmem>>
      %dma_start3A_774 = tpu.memref_squeeze %dma_start3A_773 : memref<1x8x16xf32, #tpu.memory_space<vmem>> -> memref<8x16xf32, #tpu.memory_space<vmem>>
      %dma_start3A_775 = arith.constant 0 : i32
      %dma_start3A_776 = tpu.memref_slice %arg14[%dma_start3A_769, %dma_start3A_775] : memref<2x1248xi32, #tpu.memory_space<vmem>> -> memref<1x8xi32, #tpu.memory_space<vmem>>
      %dma_start3A_777 = tpu.memref_squeeze %dma_start3A_776 : memref<1x8xi32, #tpu.memory_space<vmem>> -> memref<8xi32, #tpu.memory_space<vmem>>
      %dma_start3A_778 = arith.constant 0 : i32
      %dma_start3A_779 = arith.constant 0 : i32
      %dma_start3A_780 = tpu.memref_slice %arg2[%dma_start3A_778, %dma_start3A_779] : memref<10000x16xf32, #tpu.memory_space<hbm>> -> memref<10000x16xf32, #tpu.memory_space<hbm>>
      tpu.enqueue_indirect_dma source(%dma_start3A_780 : memref<10000x16xf32, #tpu.memory_space<hbm>>) target(%dma_start3A_774 : memref<8x16xf32, #tpu.memory_space<vmem>>) offsets(%dma_start3A_777 : memref<8xi32, #tpu.memory_space<vmem>>) semaphore(%arg30 : memref<!tpu.dma_semaphore, #tpu.memory_space<semaphore_mem>>)
      %dma_wait3A_781 = arith.constant 0 : i32
      %dma_wait3A_782 = arith.constant 0 : i32
      %dma_wait3A_783 = arith.constant 0 : i32
      %dma_wait3A_784 = arith.constant 0 : i32
      %dma_wait3A_785 = tpu.memref_slice %arg15[%dma_wait3A_782, %dma_wait3A_783, %dma_wait3A_784] : memref<2x1248x16xf32, #tpu.memory_space<vmem>> -> memref<1x8x16xf32, #tpu.memory_space<vmem>>
      %dma_wait3A_786 = tpu.memref_squeeze %dma_wait3A_785 : memref<1x8x16xf32, #tpu.memory_space<vmem>> -> memref<8x16xf32, #tpu.memory_space<vmem>>
      %dma_wait3A_787 = arith.constant 0 : i32
      %dma_wait3A_788 = tpu.memref_slice %arg14[%dma_wait3A_781, %dma_wait3A_787] : memref<2x1248xi32, #tpu.memory_space<vmem>> -> memref<1x8xi32, #tpu.memory_space<vmem>>
      %dma_wait3A_789 = tpu.memref_squeeze %dma_wait3A_788 : memref<1x8xi32, #tpu.memory_space<vmem>> -> memref<8xi32, #tpu.memory_space<vmem>>
      %dma_wait3A_790 = arith.constant 0 : i32
      %dma_wait3A_791 = arith.constant 0 : i32
      %dma_wait3A_792 = tpu.memref_slice %arg2[%dma_wait3A_790, %dma_wait3A_791] : memref<10000x16xf32, #tpu.memory_space<hbm>> -> memref<10000x16xf32, #tpu.memory_space<hbm>>
      tpu.wait_indirect_dma semaphore(%arg30 : memref<!tpu.dma_semaphore, #tpu.memory_space<semaphore_mem>>) src(%dma_wait3A_792 : memref<10000x16xf32, #tpu.memory_space<hbm>>) dst(%dma_wait3A_786 : memref<8x16xf32, #tpu.memory_space<vmem>>)
      %run_scoped3A_793 = arith.constant 0 : i32
      "tpu.region"() ({
        %run_scoped3A_794 = tpu.sem_alloc : memref<!tpu.dma_semaphore, #tpu.memory_space<semaphore_mem>>
        %dma_start3A_795 = arith.constant 0 : i32
        %dma_start3A_796 = arith.constant 0 : i32
        %dma_start3A_797 = tpu.memref_slice %arg15[%run_scoped3A_793, %dma_start3A_795, %dma_start3A_796] : memref<2x1248x16xf32, #tpu.memory_space<vmem>> -> memref<1x8x16xf32, #tpu.memory_space<vmem>>
        %dma_start3A_798 = tpu.memref_squeeze %dma_start3A_797 : memref<1x8x16xf32, #tpu.memory_space<vmem>> -> memref<8x16xf32, #tpu.memory_space<vmem>>
        %dma_start3A_799 = arith.constant 112 : i32
        %dma_start3A_800 = tpu.memref_slice %arg9[%add3A_570, %dma_start3A_799] : memref<40000x128xf32, #tpu.memory_space<hbm>> -> memref<8x16xf32, #tpu.memory_space<hbm>>
        %dma_start3A_801 = arith.constant 112 : i32
        %dma_start3A_802 = tpu.memref_slice %arg9[%add3A_570, %dma_start3A_801] : memref<40000x128xf32, #tpu.memory_space<hbm>> -> memref<8x16xf32, #tpu.memory_space<hbm>>
        %dma_start3A_803 = arith.constant 0 : i32
        %dma_start3A_804 = arith.constant 0 : i32
        %dma_start3A_805 = tpu.memref_slice %arg15[%run_scoped3A_793, %dma_start3A_803, %dma_start3A_804] : memref<2x1248x16xf32, #tpu.memory_space<vmem>> -> memref<1x8x16xf32, #tpu.memory_space<vmem>>
        %dma_start3A_806 = tpu.memref_squeeze %dma_start3A_805 : memref<1x8x16xf32, #tpu.memory_space<vmem>> -> memref<8x16xf32, #tpu.memory_space<vmem>>
        tpu.enqueue_dma source(%dma_start3A_806 : memref<8x16xf32, #tpu.memory_space<vmem>>) target(%dma_start3A_802 : memref<8x16xf32, #tpu.memory_space<hbm>>) target_semaphore(%run_scoped3A_794 : memref<!tpu.dma_semaphore, #tpu.memory_space<semaphore_mem>>)
        %dma_wait3A_807 = arith.constant 0 : i32
        %dma_wait3A_808 = arith.constant 0 : i32
        %dma_wait3A_809 = tpu.memref_slice %arg15[%run_scoped3A_793, %dma_wait3A_807, %dma_wait3A_808] : memref<2x1248x16xf32, #tpu.memory_space<vmem>> -> memref<1x8x16xf32, #tpu.memory_space<vmem>>
        %dma_wait3A_810 = tpu.memref_squeeze %dma_wait3A_809 : memref<1x8x16xf32, #tpu.memory_space<vmem>> -> memref<8x16xf32, #tpu.memory_space<vmem>>
        %dma_wait3A_811 = arith.constant 112 : i32
        %dma_wait3A_812 = tpu.memref_slice %arg9[%add3A_570, %dma_wait3A_811] : memref<40000x128xf32, #tpu.memory_space<hbm>> -> memref<8x16xf32, #tpu.memory_space<hbm>>
        %dma_wait3A_813 = arith.constant 112 : i32
        %dma_wait3A_814 = tpu.memref_slice %arg9[%add3A_570, %dma_wait3A_813] : memref<40000x128xf32, #tpu.memory_space<hbm>> -> memref<8x16xf32, #tpu.memory_space<hbm>>
        %dma_wait3A_815 = arith.constant 0 : i32
        %dma_wait3A_816 = arith.constant 0 : i32
        %dma_wait3A_817 = tpu.memref_slice %arg15[%run_scoped3A_793, %dma_wait3A_815, %dma_wait3A_816] : memref<2x1248x16xf32, #tpu.memory_space<vmem>> -> memref<1x8x16xf32, #tpu.memory_space<vmem>>
        %dma_wait3A_818 = tpu.memref_squeeze %dma_wait3A_817 : memref<1x8x16xf32, #tpu.memory_space<vmem>> -> memref<8x16xf32, #tpu.memory_space<vmem>>
        tpu.wait_dma2 semaphore(%run_scoped3A_794 : memref<!tpu.dma_semaphore, #tpu.memory_space<semaphore_mem>>) src(%dma_wait3A_818 : memref<8x16xf32, #tpu.memory_space<vmem>>) dst(%dma_wait3A_814 : memref<8x16xf32, #tpu.memory_space<hbm>>)
        tpu.yield
      }) : () -> ()
    } else {
    }
    return
  }
}

module attributes {stable_mosaic.version = 14 : i64} {
  func.func @_dense_body(%arg0: i32, %arg1: memref<4000x128xf32, #tpu.memory_space<vmem>>, %arg2: memref<4000x128xf32, #tpu.memory_space<vmem>>, %arg3: memref<128x64xf32, #tpu.memory_space<vmem>>, %arg4: memref<1x64xf32, #tpu.memory_space<vmem>>, %arg5: memref<128x64xf32, #tpu.memory_space<vmem>>, %arg6: memref<128x1024xf32, #tpu.memory_space<vmem>>, %arg7: memref<64x1024xf32, #tpu.memory_space<vmem>>, %arg8: memref<1024x64xf32, #tpu.memory_space<vmem>>, %arg9: memref<128x64xf32, #tpu.memory_space<vmem>>, %arg10: memref<4000x128xf32, #tpu.memory_space<vmem>>) attributes {dimension_semantics = [#tpu.dimension_semantics<arbitrary>], iteration_bounds = array<i64: 10>, scalar_prefetch = 0 : i64, scratch_operands = 0 : i64, tpu.core_type = #tpu.core_type<tc>, window_params = [{transform_indices = @transform_0, window_bounds = array<i64: 4000, 128>}, {transform_indices = @transform_1, window_bounds = array<i64: 4000, 128>}, {pipeline_mode = #tpu.pipeline_mode<synchronous>, transform_indices = @transform_2, window_bounds = array<i64: 128, 64>}, {pipeline_mode = #tpu.pipeline_mode<synchronous>, transform_indices = @transform_3, window_bounds = array<i64: 1, 64>}, {pipeline_mode = #tpu.pipeline_mode<synchronous>, transform_indices = @transform_4, window_bounds = array<i64: 128, 64>}, {pipeline_mode = #tpu.pipeline_mode<synchronous>, transform_indices = @transform_5, window_bounds = array<i64: 128, 1024>}, {pipeline_mode = #tpu.pipeline_mode<synchronous>, transform_indices = @transform_6, window_bounds = array<i64: 64, 1024>}, {pipeline_mode = #tpu.pipeline_mode<synchronous>, transform_indices = @transform_7, window_bounds = array<i64: 1024, 64>}, {pipeline_mode = #tpu.pipeline_mode<synchronous>, transform_indices = @transform_8, window_bounds = array<i64: 128, 64>}, {transform_indices = @transform_9, window_bounds = array<i64: 4000, 128>}]} {
    %get3A = arith.constant 0 : index
    %get3A_0 = arith.constant 0 : index
    %get3A_1 = vector.load %arg1[%get3A, %get3A_0] : memref<4000x128xf32, #tpu.memory_space<vmem>>, vector<4000x128xf32>
    %get3A_2 = arith.constant 0 : index
    %get3A_3 = arith.constant 0 : index
    %get3A_4 = vector.load %arg2[%get3A_2, %get3A_3] : memref<4000x128xf32, #tpu.memory_space<vmem>>, vector<4000x128xf32>
    %get3A_5 = arith.constant 0 : index
    %get3A_6 = arith.constant 0 : index
    %get3A_7 = vector.load %arg3[%get3A_5, %get3A_6] : memref<128x64xf32, #tpu.memory_space<vmem>>, vector<128x64xf32>
    %dot_general3A = arith.constant dense<0.000000e+00> : vector<4000x64xf32>
    %dot_general3A_8 = tpu.matmul %get3A_1, %get3A_7, %dot_general3A {dimension_numbers = #tpu.dot_dimension_numbers<[1], [0], [0], [1], [0, 0, 1, 1], [], []>, transpose_lhs_hint = false} : vector<4000x128xf32>, vector<128x64xf32>, vector<4000x64xf32> -> vector<4000x64xf32>
    %get3A_9 = arith.constant 0 : index
    %get3A_10 = arith.constant 0 : index
    %get3A_11 = vector.load %arg4[%get3A_9, %get3A_10] : memref<1x64xf32, #tpu.memory_space<vmem>>, vector<1x64xf32>
    %add3A = vector.broadcast %get3A_11 : vector<1x64xf32> to vector<4000x64xf32>
    %add3A_12 = arith.addf %dot_general3A_8, %add3A : vector<4000x64xf32>
    %max3A = arith.constant 0.000000e+00 : f32
    %max3A_13 = vector.broadcast %max3A : f32 to vector<4000x64xf32>
    %max3A_14 = arith.maximumf %add3A_12, %max3A_13 : vector<4000x64xf32>
    %get3A_15 = arith.constant 0 : index
    %get3A_16 = arith.constant 0 : index
    %get3A_17 = vector.load %arg5[%get3A_15, %get3A_16] : memref<128x64xf32, #tpu.memory_space<vmem>>, vector<128x64xf32>
    %dot_general3A_18 = arith.constant dense<0.000000e+00> : vector<4000x64xf32>
    %dot_general3A_19 = tpu.matmul %get3A_1, %get3A_17, %dot_general3A_18 {dimension_numbers = #tpu.dot_dimension_numbers<[1], [0], [0], [1], [0, 0, 1, 1], [], []>, transpose_lhs_hint = false} : vector<4000x128xf32>, vector<128x64xf32>, vector<4000x64xf32> -> vector<4000x64xf32>
    %get3A_20 = arith.constant 0 : index
    %get3A_21 = arith.constant 0 : index
    %get3A_22 = vector.load %arg6[%get3A_20, %get3A_21] : memref<128x1024xf32, #tpu.memory_space<vmem>>, vector<128x1024xf32>
    %dot_general3A_23 = arith.constant dense<0.000000e+00> : vector<4000x1024xf32>
    %dot_general3A_24 = tpu.matmul %get3A_4, %get3A_22, %dot_general3A_23 {dimension_numbers = #tpu.dot_dimension_numbers<[1], [0], [0], [1], [0, 0, 1, 1], [], []>, transpose_lhs_hint = false} : vector<4000x128xf32>, vector<128x1024xf32>, vector<4000x1024xf32> -> vector<4000x1024xf32>
    %get3A_25 = arith.constant 0 : index
    %get3A_26 = arith.constant 0 : index
    %get3A_27 = vector.load %arg7[%get3A_25, %get3A_26] : memref<64x1024xf32, #tpu.memory_space<vmem>>, vector<64x1024xf32>
    %dot_general3A_28 = arith.constant dense<0.000000e+00> : vector<4000x1024xf32>
    %dot_general3A_29 = tpu.matmul %max3A_14, %get3A_27, %dot_general3A_28 {dimension_numbers = #tpu.dot_dimension_numbers<[1], [0], [0], [1], [0, 0, 1, 1], [], []>, transpose_lhs_hint = false} : vector<4000x64xf32>, vector<64x1024xf32>, vector<4000x1024xf32> -> vector<4000x1024xf32>
    %mul3A = arith.mulf %dot_general3A_29, %dot_general3A_24 : vector<4000x1024xf32>
    %get3A_30 = arith.constant 0 : index
    %get3A_31 = arith.constant 0 : index
    %get3A_32 = vector.load %arg8[%get3A_30, %get3A_31] : memref<1024x64xf32, #tpu.memory_space<vmem>>, vector<1024x64xf32>
    %dot_general3A_33 = arith.constant dense<0.000000e+00> : vector<4000x64xf32>
    %dot_general3A_34 = tpu.matmul %mul3A, %get3A_32, %dot_general3A_33 {dimension_numbers = #tpu.dot_dimension_numbers<[1], [0], [0], [1], [0, 0, 1, 1], [], []>, transpose_lhs_hint = false} : vector<4000x1024xf32>, vector<1024x64xf32>, vector<4000x64xf32> -> vector<4000x64xf32>
    %get3A_35 = arith.constant 0 : index
    %get3A_36 = arith.constant 0 : index
    %get3A_37 = vector.load %arg9[%get3A_35, %get3A_36] : memref<128x64xf32, #tpu.memory_space<vmem>>, vector<128x64xf32>
    %dot_general3A_38 = arith.constant dense<0.000000e+00> : vector<4000x64xf32>
    %dot_general3A_39 = tpu.matmul %get3A_4, %get3A_37, %dot_general3A_38 {dimension_numbers = #tpu.dot_dimension_numbers<[1], [0], [0], [1], [0, 0, 1, 1], [], []>, transpose_lhs_hint = false} : vector<4000x128xf32>, vector<128x64xf32>, vector<4000x64xf32> -> vector<4000x64xf32>
    %add3A_40 = arith.addf %dot_general3A_34, %dot_general3A_39 : vector<4000x64xf32>
    %tanh3A = math.tanh %add3A_40 : vector<4000x64xf32>
    %mul3A_41 = arith.mulf %tanh3A, %dot_general3A_19 : vector<4000x64xf32>
    %broadcast_in_dim3A = arith.constant 0.000000e+00 : f32
    %broadcast_in_dim3A_42 = vector.broadcast %broadcast_in_dim3A : f32 to vector<4000x64xf32>
    %concatenate3A = tpu.concatenate %mul3A_41, %broadcast_in_dim3A_42 in 1 : vector<4000x64xf32>, vector<4000x64xf32> -> vector<4000x128xf32>
    %swap3A = arith.constant 0 : index
    %swap3A_43 = arith.constant 0 : index
    %swap3A_44 = vector.load %arg10[%swap3A, %swap3A_43] : memref<4000x128xf32, #tpu.memory_space<vmem>>, vector<4000x128xf32>
    tpu.vector_store %arg10[%swap3A, %swap3A_43], %concatenate3A {strides = array<i32>} : memref<4000x128xf32, #tpu.memory_space<vmem>>, vector<4000x128xf32>,
    return
  }
  func.func @transform_0(%arg0: i32) -> (i32, i32) {
    %c0_i32 = arith.constant 0 : i32
    %c0_i32_0 = arith.constant 0 : i32
    return %arg0, %c0_i32 : i32, i32
  }
  func.func @transform_1(%arg0: i32) -> (i32, i32) {
    %c0_i32 = arith.constant 0 : i32
    %c0_i32_0 = arith.constant 0 : i32
    return %arg0, %c0_i32 : i32, i32
  }
  func.func @transform_2(%arg0: i32) -> (i32, i32) {
    %c0_i32 = arith.constant 0 : i32
    %c0_i32_0 = arith.constant 0 : i32
    %c0_i32_1 = arith.constant 0 : i32
    return %c0_i32, %c0_i32_0 : i32, i32
  }
  func.func @transform_3(%arg0: i32) -> (i32, i32) {
    %c0_i32 = arith.constant 0 : i32
    %c0_i32_0 = arith.constant 0 : i32
    %c0_i32_1 = arith.constant 0 : i32
    return %c0_i32, %c0_i32_0 : i32, i32
  }
  func.func @transform_4(%arg0: i32) -> (i32, i32) {
    %c0_i32 = arith.constant 0 : i32
    %c0_i32_0 = arith.constant 0 : i32
    %c0_i32_1 = arith.constant 0 : i32
    return %c0_i32, %c0_i32_0 : i32, i32
  }
  func.func @transform_5(%arg0: i32) -> (i32, i32) {
    %c0_i32 = arith.constant 0 : i32
    %c0_i32_0 = arith.constant 0 : i32
    %c0_i32_1 = arith.constant 0 : i32
    return %c0_i32, %c0_i32_0 : i32, i32
  }
  func.func @transform_6(%arg0: i32) -> (i32, i32) {
    %c0_i32 = arith.constant 0 : i32
    %c0_i32_0 = arith.constant 0 : i32
    %c0_i32_1 = arith.constant 0 : i32
    return %c0_i32, %c0_i32_0 : i32, i32
  }
  func.func @transform_7(%arg0: i32) -> (i32, i32) {
    %c0_i32 = arith.constant 0 : i32
    %c0_i32_0 = arith.constant 0 : i32
    %c0_i32_1 = arith.constant 0 : i32
    return %c0_i32, %c0_i32_0 : i32, i32
  }
  func.func @transform_8(%arg0: i32) -> (i32, i32) {
    %c0_i32 = arith.constant 0 : i32
    %c0_i32_0 = arith.constant 0 : i32
    %c0_i32_1 = arith.constant 0 : i32
    return %c0_i32, %c0_i32_0 : i32, i32
  }
  func.func @transform_9(%arg0: i32) -> (i32, i32) {
    %c0_i32 = arith.constant 0 : i32
    %c0_i32_0 = arith.constant 0 : i32
    return %arg0, %c0_i32 : i32, i32
  }
}

</mosaic_0001>

<sc_bundles>
// kernel: kernel.5.cloned.1.call-start
scs
__scs_entry_jumppad:
0x0: {  	(pc) =	sbr.rel $0x88, $3  }
0x1: {  	(tag) =	ssettag $0x0;
	lr =	simm.s32 $0x1  }
0x2: {  	[smem:$0x3F99] =	sst lr;
	_ =	strace $0xD0000000  }
0x3: {  	_ = 	snop  }
0x4: {  	_ = 	snop  }
0x5: {  	_ = 	snop  }
0x6: {  	_ = 	snop  }
0x7: {  	_ = 	snop  }
__scs_overlays_trampoline_lowered:
0x8: {  	[smem:$0x3FA8] =	sst s0  }
0x9: {  	[smem:$0x3FA9] =	sst s1  }
0xa: {  	[smem:$0x3FAA] =	sst s2  }
0xb: {  	[smem:$0x3FAB] =	sst s3  }
0xc: {  	[smem:$0x3FAC] =	sst s4  }
0xd: {  	[smem:$0x3FAD] =	sst s5  }
0xe: {  	[smem:$0x3FAE] =	sst s6  }
0xf: {  	[smem:$0x3FAF] =	sst s7  }
0x10: {  	[smem:$0x3FB0] =	sst s8  }
0x11: {  	[smem:$0x3FB1] =	sst s9;
	s0 =	simm.s32 @!p0 $0x0  }
0x12: {  	s1 =	sld [smem:$0x3F97];
	s0 =	simm.s32 @p0 $0x1  }
0x13: {  	[smem:$0x3FB2] =	sst s0;
	s0 =	simm.s32 @!p1 $0x0  }
0x14: {  	s2 =	sld [smem:$0x3F96];
	s0 =	simm.s32 @p1 $0x1  }
0x15: {  	[smem:$0x3FB3] =	sst s0;
	s0 =	simm.s32 @!p2 $0x0  }
0x16: {  	s3 =	sld [smem:$0x3FDB];
	s0 =	simm.s32 @p2 $0x1  }
0x17: {  	s4 =	simm.s32 $0x1BF5;
	[smem:$0x3FB5] =	sst s0  }
0x18: {  	s0 =	sld [smem:$0x3F98];
	_ =	swait.ge [sflag:s4], $0x0  }
0x19: {  	s7 =	sld [smem:$0x3F99]  }
0x1a: {  	s8 =	sadd.s32 $0xFFFFE003, lr  }
0x1b: {  	s9 =	sadd.s32 $0xFFFFFEF7, lr;
	s5 =	simm.s32 $0xFFFFFFFF;
	p2 =	slt.u32 s8, $0xFFFFF086  }
0x1c: {  	p1 =	slt.u32 s9, $0xF7A;
	s5 =	simm.s32 @!p2 $0x0  }
0x1d: {  	s5 =	simm.s32 @p1 $0x1;
	p0 =	seq.s32 s7, s2  }
0x1e: {  	s7 =	smul.u32 @!p0 $0xF7A, s2;
	p2 =	seq.s32 @!p0 s5, $0x0  }
0x1f: {  	s9 =	smul.u32 $0xF7A, s1;
	s8 =	simm.s32 @!p0 $0x1BF5;
	p2 =	por !p2, p0  }
0x20: {  	[sflag:s8] =	ssyncset.s32 @!p0 $0xFFFFF086;
	s6 =	sadd.s32 @!p0 s3, s7;
	s7 =	simm.s32 @!p0 $0x108  }
0x21: {  	s3 =	sadd.s32 s3, s9;
	s6 =	sadd.s32 @!p0 $0x88, s6;
	s7 =	simm.s32 @p2 $0x1082  }
0x22: {  	[simem:s7], [sflag:s8] =	dma.local @!p0 [hbm:s6], $0xF7A  }
0x23: {  	s9 =	sor.u32 $0xD0000000, s2;
	s6 =	simm.s32 $0x108;
	_ =	swait.ge @!p0 [sflag:s8], $0x0  }
0x24: {  	s3 =	sadd.s32 $0x88, s3;
	s6 =	simm.s32 @!p1 $0x1082;
	[sflag:s4] =	ssyncset.s32 $0xFFFFF086  }
0x25: {  	[simem:s6], [sflag:s4] =	dma.local [hbm:s3], $0xF7A  }
0x26: {  	[smem:$0x3F99] =	sst s1;
	(tag) =	ssettag s2;
	_ =	strace s9  }
0x27: {  	s1 =	sld [smem:$0x3FA9]  }
0x28: {  	s2 =	sld [smem:$0x3FAA]  }
0x29: {  	s4 =	sld [smem:$0x3FAC]  }
0x2a: {  	p0 =	seq.s32 s5, $0x0;
	s5 =	sld [smem:$0x3FAD]  }
0x2b: {  	s6 =	sld [smem:$0x3FAE]  }
0x2c: {  	s7 =	sld [smem:$0x3FAF]  }
0x2d: {  	s3 =	simm.s32 $0x108;
	s8 =	sld [smem:$0x3FB0]  }
0x2e: {  	s3 =	simm.s32 @!p0 $0x1082;
	s9 =	sld [smem:$0x3FB1]  }
0x2f: {  	lr =	sadd.s32 s0, s3;
	s0 =	sld [smem:$0x3FA8]  }
0x30: {  	s3 =	sld [smem:$0x3FAB]  }
0x31: {  	[smem:$0x3FB4] =	sst s10  }
0x32: {  	s10 =	sld [smem:$0x3FB2];
	_ =	sdelay $0x3  }
0x33: {  	p0 =	seq.s32 s10, $0x1;
	s10 =	sld [smem:$0x3FB4];
	_ =	sdelay $0x3  }
0x34: {  	[smem:$0x3FB4] =	sst s10  }
0x35: {  	s10 =	sld [smem:$0x3FB3];
	_ =	sdelay $0x3  }
0x36: {  	p1 =	seq.s32 s10, $0x1;
	s10 =	sld [smem:$0x3FB4];
	_ =	sdelay $0x3  }
0x37: {  	[smem:$0x3FB4] =	sst s10  }
0x38: {  	s10 =	sld [smem:$0x3FB5]  }
0x39: {  	_ = 	snop;
	(pc) =	sbr.ind lr, $3  }
0x3a: {  	_ = 	snop  }
0x3b: {  	_ = 	snop  }
0x3c: {  	p2 =	seq.s32 s10, $0x1;
	s10 =	sld [smem:$0x3FB4]  }
0x3d: {  	_ =	shalt  }
0x3e: {  	_ =	shalt  }
0x3f: {  	_ =	shalt  }
0x40: {  	_ =	shalt  }
0x41: {  	_ =	shalt  }
0x42: {  	_ =	shalt  }
0x43: {  	_ =	shalt  }
0x44: {  	_ =	shalt  }
0x45: {  	_ =	shalt  }
0x46: {  	_ =	shalt  }
0x47: {  	_ =	shalt  }
0x48: {  	_ =	shalt  }
0x49: {  	_ =	shalt  }
0x4a: {  	_ =	shalt  }
0x4b: {  	_ =	shalt  }
0x4c: {  	_ =	shalt  }
0x4d: {  	_ =	shalt  }
0x4e: {  	_ =	shalt  }
0x4f: {  	_ =	shalt  }
0x50: {  	_ =	shalt  }
0x51: {  	_ =	shalt  }
0x52: {  	_ =	shalt  }
0x53: {  	_ =	shalt  }
0x54: {  	_ =	shalt  }
0x55: {  	_ =	shalt  }
0x56: {  	_ =	shalt  }
0x57: {  	_ =	shalt  }
0x58: {  	_ =	shalt  }
0x59: {  	_ =	shalt  }
0x5a: {  	_ =	shalt  }
0x5b: {  	_ =	shalt  }
0x5c: {  	_ =	shalt  }
0x5d: {  	_ =	shalt  }
0x5e: {  	_ =	shalt  }
0x5f: {  	_ =	shalt  }
0x60: {  	_ =	shalt  }
0x61: {  	_ =	shalt  }
0x62: {  	_ =	shalt  }
0x63: {  	_ =	shalt  }
0x64: {  	_ =	shalt  }
0x65: {  	_ =	shalt  }
0x66: {  	_ =	shalt  }
0x67: {  	_ =	shalt  }
0x68: {  	_ =	shalt  }
0x69: {  	_ =	shalt  }
0x6a: {  	_ =	shalt  }
0x6b: {  	_ =	shalt  }
0x6c: {  	_ =	shalt  }
0x6d: {  	_ =	shalt  }
0x6e: {  	_ =	shalt  }
0x6f: {  	_ =	shalt  }
0x70: {  	_ =	shalt  }
0x71: {  	_ =	shalt  }
0x72: {  	_ =	shalt  }
0x73: {  	_ =	shalt  }
0x74: {  	_ =	shalt  }
0x75: {  	_ =	shalt  }
0x76: {  	_ =	shalt  }
0x77: {  	_ =	shalt  }
0x78: {  	_ =	shalt  }
0x79: {  	_ =	shalt  }
0x7a: {  	_ =	shalt  }
0x7b: {  	_ =	shalt  }
0x7c: {  	_ =	shalt  }
0x7d: {  	_ =	shalt  }
0x7e: {  	_ =	shalt  }
0x7f: {  	_ =	shalt  }
0x80: {  	_ =	shalt  }
0x81: {  	_ =	shalt  }
0x82: {  	_ =	shalt  }
0x83: {  	_ =	shalt  }
0x84: {  	_ =	shalt  }
0x85: {  	_ =	shalt  }
0x86: {  	_ =	shalt  }
0x87: {  	_ =	shalt  }
.Lfunc_end0:
.L_simem_size_0:
called_computation_lowered:
.L_overlay_start_0:
0x88: {  	s2 =	sld [smem:$0x3FD9]  }
0x89: {  	s3 =	sld [smem:$0x3FFE];
	_ =	sdelay $0x1  }
0x8a: {  	s1 =	srdreg.scid  }
0x8b: {  	s0 =	sand.u32 $0x1, s1  }
0x8c: {  	s17 =	sshll.u32 s0, $0xA;
	s2 =	sadd.s32 s3, s2  }
0x8d: {  	s2 =	sadd.s32 s2, s17  }
0x8e: {  	[smem:$0x3FC0] =	sst s2  }
0x8f: {  	_ = 	snop  }
0x90: {  	s2 =	sld [smem:$0x3FC4]  }
0x91: {  	s18 =	sld [smem:$0x3FC2]  }
0x92: {  	s4 =	sld [smem:$0x3FD0];
	(tm) =	ssettm $0x1  }
0x93: {  	s5 =	sld [smem:$0x3FFB];
	_ =	sdelay $0x3  }
0x94: {  	_ =	strace s5  }
0x95: {  	s5 =	sld [smem:$0x3FFC];
	_ =	sdelay $0x3  }
0x96: {  	_ =	strace s5  }
0x97: {  	s5 =	sld [smem:$0x3FFD];
	_ =	sdelay $0x3  }
0x98: {  	_ =	strace s5  }
0x99: {  	_ =	strace $0x8FFFFFFF  }
0x9a: {  	s19 =	sld [smem:$0x3FDB];
	_ =	sdelay $0x1  }
0x9b: {  	s6 =	simm.s32 $_scs_section_size  }
0x9c: {  	s7 =	simm.s32 $_size__tile_overlayer_lowered;
	s8 =	simm.s32 $_tile_overlayer_lowered  }
0x9d: {  	s22 =	simm.s32 $0x1BFF;
	s21 =	sshll.u32 s8, $0x1;
	s5 =	sadd.s32 s6, s19  }
0x9e: {  	s9 =	simm.s32 $0x0;
	s20 =	sshll.u32 s7, $0x1;
	s7 =	sadd.s32 s21, s5  }
0x9f: {  	[timem:s9], [sflag:s22] =	dma.local [hbm:s7], s20  }
0xa0: {  	_ =	swait.ge [sflag:s22], s20  }
0xa1: {  	s6 =	ssub.s32 $0x0, s20;
	[sflag:s22] =	ssyncset.done $0x0  }
0xa2: {  	[sflag:s22] =	ssyncadd.s32 s6;
	_ =	sdelay $0x1  }
0xa3: {  	s23 =	simm.s32 $0x1B8B  }
0xa4: {  	_ =	swait.ge [sflag:s23], $0x1  }
0xa5: {  	[sflag:s23] =	ssyncset.done $0x0  }
0xa6: {  	s25 =	simm.s32 $0x1B8E;
	s24 =	sld [smem:$0x3FFE];
	[sflag:s23] =	ssyncadd.s32 $0xFFFFFFFF  }
0xa7: {  	s26 =	simm.s32 $execute0_lowered;
	[smem:$0x3FD2] =	sst s25  }
0xa8: {  	s7 =	sshll.u32 s26, $0x1;
	_ =	strace $0x80000046;
	[dreg:$0x1] =	wrdreg $0xFFFFFFFF  }
0xa9: {  	s28 =	simm.s32 $_size_execute0_lowered;
	s5 =	sadd.s32 s5, s7;
	[dreg:$0x0] =	wrdreg $0x0  }
0xaa: {  	s7 =	sshll.u32 s28, $0x1;
	[dreg:$0x2] =	wrdreg s5  }
0xab: {  	[dreg:$0x3] =	wrdreg s7  }
0xac: {  	[dreg:$0x4] =	wrdreg $0xC0  }
0xad: {  	_ =	task [dreg:s9], $0x5FFFF  }
0xae: {  	[dreg:$0x1] =	wrdreg $0xFFFFFFFF  }
0xaf: {  	[dreg:$0x0] =	wrdreg $0x60  }
0xb0: {  	[dreg:$0x2] =	wrdreg s4  }
0xb1: {  	[dreg:$0x3] =	wrdreg s24  }
0xb2: {  	[dreg:$0x4] =	wrdreg s2  }
0xb3: {  	[dreg:$0x5] =	wrdreg s18  }
0xb4: {  	[dreg:$0x6] =	wrdreg $0x9  }
0xb5: {  	_ =	task.clear_ibuf [dreg:s9], $0x7FFFF;
	_ =	strace $0x90000046  }
0xb6: {  	s29 =	simm.s32 $0x9;
	_ =	strace $0x80000048  }
0xb7: {  	_ =	swait.ge [sflag:s29], $0x1  }
0xb8: {  	[sflag:s29] =	ssyncadd.s32 $0xFFFFFFFF  }
0xb9: {  	_ =	strace $0x90000048  }
0xba: {  	_ =	sfence  }
0xbb: {  	s30 =	sld [smem:$0x0];
	_ =	sdelay $0x2  }
0xbc: {  	s31 =	sshll.u32 s1, $0xD;
	s1 =	sshrl.u32 s1, $0x2  }
0xbd: {  	s3 =	sand.u32 $0x4000, s31;
	s1 =	sadd.s32 s1, s30  }
0xbe: {  	s0 =	sor.u32 s3, s0;
	s1 =	sshll.u32 s1, $0x11  }
0xbf: {  	s0 =	sor.u32 s1, s0  }
0xc0: {  	s0 =	sadd.s32 $0x8F2B, s0  }
0xc1: {  	[sflag:s0] =	ssyncadd.remote.s32 $0x1  }
0xc2: {  	_ =	sfence.sel $0xFFFF  }
0xc3: {  	[dreg:$0x0] =	wrdreg $0xFFFFFFFF;
	(pc) =	sbr.abs _section_cstart, $3  }
0xc4: {  	[dreg:$0x1] =	wrdreg $0xFFFFFFFF  }
0xc5: {  	_ =	task.clear_ibuf [dreg:s9], $0x2FFFF;
	_ =	strace $0x9FFFFFFF  }
0xc6: {  	(tm) =	ssettm $0x7FFFFFFF  }
0xc7: {  	_ =	shalt  }
tec
execute0_lowered:
.L_overlay_start_1:
0x0: {  	(tag) =	ssettag $0x1  }
0x1: {  	s0 =	srdreg.scid  }
0x2: {  	s14 =	stileid.u32;
	s29 =	rddreg [dreg:$0x0]  }
0x3: {  	s1 =	simm.s32 $0x0;
	s2 =	sand.u32 $0x1, s0;
	s0 =	rddreg [dreg:$0x1]  }
0x4: {  	s3 =	sshll.u32 s14, $0x1;
	[smem:$0x7FF] =	sst s1  }
0x5: {  	s3 =	sor.u32 s2, s3;
	s2 =	ssub.s32 $0x2, s2;
	s5 =	sadd.s32 $0x1800, s0  }
0x6: {  	s6 =	sadd.s32 $0x6800, s0;
	s4 =	smul.u32 $0x4E0, s3;
	s7 =	sshrl.u32 s2, $0x1  }
0x7: {  	s9 =	smul.u32 $0x4E00, s3;
	s11 =	sshll.u32 s3, $0x3;
	s15 =	sor.u32 $0x2708, s3  }
0x8: {  	s17 =	sor.u32 $0x3A90, s3;
	s2 =	ssub.s32 s2, s7;
	s16 =	sadd.s32 s5, s15  }
0x9: {  	s11 =	sor.u32 $0x9C00, s11;
	s19 =	sadd.s32 s5, s17;
	[dreg:$0xd] =	wrdreg s16  }
0xa: {  	s4 =	sshrl.u32 s4, $0x3;
	s12 =	sshrl.u32 s11, $0x3;
	[dreg:$0xf] =	wrdreg s19  }
0xb: {  	s16 =	sadd.s32 $0x1020A, s0;
	s19 =	sshll.u32 s11, $0x4;
	s18 =	sadd.s32 s5, s4  }
0xc: {  	s20 =	sadd.s32 s6, s4;
	s25 =	sadd.s32 $0x1388, s4;
	s26 =	sadd.s32 $0x2710, s4  }
0xd: {  	s4 =	sadd.s32 $0x3A98, s4;
	s13 =	sadd.s32 s5, s12;
	s7 =	sadd.s32 s6, s12  }
0xe: {  	s11 =	sadd.s32 s19, s16;
	s21 =	sadd.s32 s5, s25;
	[dreg:$0xb] =	wrdreg s13  }
0xf: {  	s22 =	sadd.s32 s6, s25;
	s23 =	sadd.s32 s5, s26;
	[dreg:$0xc] =	wrdreg s7  }
0x10: {  	s25 =	sadd.s32 s5, s4;
	s4 =	sadd.s32 s6, s4;
	[smem:$0x7D6] =	sst s11  }
0x11: {  	s24 =	sadd.s32 s6, s26;
	s7 =	sadd.s32 s6, s17;
	[dreg:$0xa] =	wrdreg s4  }
0x12: {  	s26 =	sor.u32 $0x4E18, s3;
	s4 =	sadd.s32 s6, s15;
	[dreg:$0x10] =	wrdreg s7  }
0x13: {  	s10 =	sadd.s32 $0x10202, s0;
	s5 =	sadd.s32 s5, s26;
	[dreg:$0xe] =	wrdreg s4  }
0x14: {  	s7 =	sadd.s32 s9, s10;
	[dreg:$0x11] =	wrdreg s5  }
0x15: {  	s8 =	sadd.s32 $0x10200, s0;
	s4 =	sadd.s32 s6, s26;
	[dreg:$0x14] =	wrdreg s7  }
0x16: {  	s6 =	sadd.s32 s8, s9;
	[dreg:$0x12] =	wrdreg s4  }
0x17: {  	s8 =	sadd.s32 s8, s19;
	[dreg:$0x13] =	wrdreg s6  }
0x18: {  	s5 =	sadd.s32 $0x10206, s0;
	s26 =	sadd.s32 s19, s10;
	[dreg:$0x1b] =	wrdreg s8  }
0x19: {  	s13 =	sadd.s32 s9, s5;
	[dreg:$0x1c] =	wrdreg s26  }
0x1a: {  	s4 =	sadd.s32 $0x10204, s0;
	s8 =	sadd.s32 s19, s5;
	[dreg:$0x16] =	wrdreg s13  }
0x1b: {  	s6 =	sadd.s32 $0x10208, s0;
	s12 =	sadd.s32 s9, s4;
	[dreg:$0x1e] =	wrdreg s8  }
0x1c: {  	s15 =	sadd.s32 s9, s6;
	[dreg:$0x15] =	wrdreg s12  }
0x1d: {  	s4 =	sadd.s32 s19, s4;
	[dreg:$0x17] =	wrdreg s15  }
0x1e: {  	s10 =	sadd.s32 s19, s6;
	[dreg:$0x1d] =	wrdreg s4  }
0x1f: {  	s17 =	sadd.s32 $0x1020C, s0;
	s12 =	sadd.s32 s9, s16;
	[dreg:$0x1f] =	wrdreg s10  }
0x20: {  	s13 =	sadd.s32 $0x1020E, s0;
	s15 =	sadd.s32 s9, s17;
	[dreg:$0x18] =	wrdreg s12  }
0x21: {  	s9 =	sadd.s32 s9, s13;
	[dreg:$0x19] =	wrdreg s15  }
0x22: {  	s13 =	sadd.s32 s19, s13;
	[dreg:$0x1a] =	wrdreg s9  }
0x23: {  	s12 =	sadd.s32 s19, s17;
	[smem:$0x7D8] =	sst s13  }
0x24: {  	s15 =	sadd.s32 $0x1200, s0;
	[smem:$0x7D7] =	sst s12  }
0x25: {  	s16 =	sadd.s32 $0x1400, s0;
	_ =	strace $0x80000047;
	[smem:$0x7D9] =	sst s15  }
0x26: {  	s17 =	sadd.s32 $0xC000, s0;
	[smem:$0x7DA] =	sst s16  }
0x27: {  	s19 =	sadd.s32 $0xBC00, s0;
	[smem:$0x7DB] =	sst s17  }
0x28: {  	s26 =	sadd.s32 $0xB800, s0;
	[smem:$0x7DC] =	sst s19  }
0x29: {  	s4 =	sadd.s32 $0x10000, s0;
	[smem:$0x7DD] =	sst s26  }
0x2a: {  	s5 =	sadd.s32 $0xC020, s0;
	[smem:$0x7DE] =	sst s4  }
0x2b: {  	s6 =	sadd.s32 $0xBC02, s0;
	[smem:$0x7DF] =	sst s5  }
0x2c: {  	s7 =	sadd.s32 $0xC040, s0;
	[smem:$0x7E0] =	sst s6  }
0x2d: {  	s8 =	sadd.s32 $0xBC04, s0;
	[smem:$0x7E1] =	sst s7  }
0x2e: {  	s9 =	sadd.s32 $0xC060, s0;
	[smem:$0x7E2] =	sst s8  }
0x2f: {  	s10 =	sadd.s32 $0xBC06, s0;
	[smem:$0x7E3] =	sst s9  }
0x30: {  	s11 =	sadd.s32 $0xD000, s0;
	[smem:$0x7E4] =	sst s10  }
0x31: {  	s12 =	sadd.s32 $0xBD00, s0;
	[smem:$0x7E5] =	sst s11  }
0x32: {  	s13 =	sadd.s32 $0xD020, s0;
	[smem:$0x7E6] =	sst s12  }
0x33: {  	[smem:$0x7E7] =	sst s13  }
0x34: {  	[dreg:$0x5] =	wrdreg s18  }
0x35: {  	[dreg:$0x6] =	wrdreg s20  }
0x36: {  	[dreg:$0x7] =	wrdreg s21  }
0x37: {  	[dreg:$0x8] =	wrdreg s22  }
0x38: {  	s15 =	sadd.s32 $0xBD02, s0;
	[dreg:$0x9] =	wrdreg s25  }
0x39: {  	s16 =	sadd.s32 $0xD040, s0;
	[smem:$0x7E8] =	sst s15  }
0x3a: {  	s17 =	sadd.s32 $0xBD04, s0;
	[smem:$0x7E9] =	sst s16  }
0x3b: {  	s19 =	sadd.s32 $0xD060, s0;
	[smem:$0x7EA] =	sst s17  }
0x3c: {  	s26 =	sadd.s32 $0xBD06, s0;
	[smem:$0x7EB] =	sst s19  }
0x3d: {  	s4 =	sadd.s32 $0xE000, s0;
	[smem:$0x7EC] =	sst s26  }
0x3e: {  	s5 =	sadd.s32 $0xBE00, s0;
	[smem:$0x7ED] =	sst s4  }
0x3f: {  	s6 =	sadd.s32 $0xE020, s0;
	[smem:$0x7EE] =	sst s5  }
0x40: {  	s28 =	simm.s32 $0x100;
	s7 =	sadd.s32 $0xBE02, s0;
	[smem:$0x7EF] =	sst s6  }
0x41: {  	s30 =	simm.s32 $0x400;
	s8 =	sadd.s32 $0xE040, s0;
	[smem:$0x7F0] =	sst s7  }
0x42: {  	s31 =	simm.s32 $0x10;
	s9 =	sadd.s32 $0xBE04, s0;
	[smem:$0x7F1] =	sst s8  }
0x43: {  	p1 =	sgt.u32 s14, $0x3;
	s10 =	sadd.s32 $0xE060, s0;
	[smem:$0x7F2] =	sst s9  }
0x44: {  	s14 =	simm.s32 $0xA5C0;
	s11 =	sadd.s32 $0xBE06, s0;
	[smem:$0x7F3] =	sst s10  }
0x45: {  	p0 =	sne.s32 s3, $0x0;
	s12 =	sadd.s32 $0xF000, s0;
	[smem:$0x7F4] =	sst s11  }
0x46: {  	s3 =	simm.s32 $0x9C0;
	s13 =	sadd.s32 $0xBF00, s0;
	[smem:$0x7F5] =	sst s12  }
0x47: {  	[smem:$0x7F6] =	sst s13;
	s15 =	sadd.s32 $0xF020, s0;
	s16 =	sadd.s32 $0xBF02, s0  }
0x48: {  	s17 =	sadd.s32 $0xF040, s0;
	s19 =	sadd.s32 $0xBF04, s0;
	s26 =	sadd.s32 $0xF060, s0  }
0x49: {  	s0 =	sadd.s32 $0xBF06, s0;
	s11 =	smax.u32 s2, $0x1;
	[smem:$0x7F7] =	sst s15  }
0x4a: {  	s12 =	simm.s32 $0x4E0;
	s2 =	simm.s32 $0x1;
	[smem:$0x7F8] =	sst s16  }
0x4b: {  	s4 =	simm.s32 $0x5;
	s5 =	simm.s32 $0x80;
	[smem:$0x7F9] =	sst s17  }
.Ltmp0:
0x4c: {  	s6 =	simm.s32 $0x2;
	[smem:$0x7FA] =	sst s19;
	(pc) =	sbr.rel .LBB2_1-.Ltmp0, $4  }
0x4d: {  	s7 =	simm.s32 $0x57C0;
	s8 =	simm.s32 $0x3;
	[smem:$0x7FB] =	sst s26  }
0x4e: {  	v0 =	vlaneseq.u32;
	s9 =	simm.s32 $0x4;
	[smem:$0x7FC] =	sst s0;
	s15 =	simm.s32 $0x6  }
0x4f: {  	v4 =	vimm.f32 $0.0e+00;
	v2 =	vshrl.u32 v0, $0x3;
	s16 =	simm.s32 $0xC5C0;
	s17 =	simm.s32 $0xC7C0;
	s26 =	simm.s32 $0xE7C0  }
0x50: {  	v1 =	vmul.u32 $0x20, v0;
	v3 =	vand.u32 $0x7, v0;
	v2 =	vmul.u32 $0x8, v2;
	s0 =	simm.s32 $0x40;
	s19 =	simm.s32 $0x0;
	[smem:$0x7FD] =	sst s11  }
.LBB2_13:
0x51: {  	s19 =	sadd.s32 $0x1, s19  }
0x52: {  	p2 =	sne.s32 s19, s11  }
.Ltmp1:
0x53: {  	_ = 	snop;
	(pc) =	sbr.rel @!p2 .LBB2_14-.Ltmp1, $1  }
0x54: {  	_ =	sdelay $0x3  }
.LBB2_1:
.Ltmp2:
0x55: {  	(pc) =	sbr.rel @p0 .LBB2_11-.Ltmp2, $1  }
0x56: {  	_ =	sdelay $0x3  }
0x57: {  	s13 =	sld [smem:$0x7DA];
	_ =	sdelay $0x1  }
0x58: {  	s21 =	simm.s32 $0x0  }
0x59: {  	[tilespmem:s14], [sflag:$0x6] =	stream.linear.gather [hbm4b:s13+s21], $0x2000, $0x38;
	[tilespmem:$0x12C40] =	vst v63  }
0x5a: {  	_ =	swait.ge [sflag:s15], $0x2000  }
0x5b: {  	[sflag:s15] =	ssyncset.done $0x0  }
0x5c: {  	[sflag:s15] =	ssyncadd.s32 $0xFFFFE000  }
0x5d: {  	s22 =	rddreg [dreg:$0x3]  }
0x5e: {  	[tilespmem:s16], [sflag:$0x6] =	stream.linear.gather [hbm4b:s22+s21], $0x200, $0x38;
	[tilespmem:$0x12C40] =	vst v63  }
0x5f: {  	_ =	swait.ge [sflag:s15], $0x200  }
0x60: {  	s10 =	smov.u32 s23;
	s23 =	sld [smem:$0x7D9]  }
0x61: {  	s11 =	smov.u32 s24;
	[sflag:s15] =	ssyncset.done $0x0  }
0x62: {  	s18 =	simm.s32 $0x10BC0;
	s24 =	simm.s32 $0x0;
	[sflag:s15] =	ssyncadd.s32 $0xFFFFFE00  }
0x63: {  	[tilespmem:s18], [sflag:$0x6] =	stream.linear.gather [hbm4b:s23+s21], $0x30, $0x38;
	[tilespmem:$0x12C40] =	vst v63  }
0x64: {  	v5 =	vmov s24;
	s22 =	sand.u32 $0xF, s21;
	_ =	swait.ge [sflag:s15], $0x30  }
0x65: {  	v6 =	vor.u32 s24, v1;
	v7 =	vand.u32 $0x7, v5;
	s25 =	sshll.u32 s22, $0x9;
	[sflag:s15] =	ssyncset.done $0x0  }
0x66: {  	v6 =	vand.u32 $0x1F8, v6;
	v7 =	vor.u32 s25, v7;
	[sflag:s15] =	ssyncadd.s32 $0xFFFFFFD0  }
0x67: {  	s20 =	simm.s32 $0x10BF0;
	s22 =	sshll.u32 s22, $0x4;
	v6 =	vor.u32 v6, v7;
	s18 =	rddreg [dreg:$0x2]  }
0x68: {  	[tilespmem:s20], [sflag:$0x6] =	stream.linear.gather [hbm4b:s18+s21], $0x10, $0x38;
	[tilespmem:$0x12C40] =	vst v63  }
0x69: {  	v5 =	vshll.u32 v5, $0x8;
	s23 =	simm.s32 $0x0;
	s20 =	simm.s32 $0x1;
	_ =	swait.ge [sflag:s15], $0x10  }
0x6a: {  	v5 =	vor.u32 s22, v5;
	v8 =	vmov s23;
	s25 =	sand.u32 $0xF, s20;
	[sflag:s15] =	ssyncset.done $0x0  }
0x6b: {  	v5 =	vor.u32 v3, v5;
	v7 =	vor.u32 s23, v1;
	v9 =	vand.u32 $0x7, v8;
	s24 =	sshll.u32 s25, $0x9;
	[sflag:s15] =	ssyncadd.s32 $0xFFFFFFF0  }
0x6c: {  	v10 =	vand.u32 $0x1F8, v7;
	v7 =	vor.u32 v2, v5;
	v9 =	vor.u32 s24, v9;
	v6 =	vld.idx.msk [tilespmem:v6+s14+$0x0], $0xffff  }
0x6d: {  	v5 =	vor.u32 v10, v9;
	_ =	sdelay $0x1  }
0x6e: {  	s22 =	simm.s32 $0x2;
	s23 =	simm.s32 $0x3  }
0x6f: {  	v8 =	vshll.u32 v8, $0x8;
	s13 =	sshll.u32 s25, $0x4;
	s25 =	simm.s32 $0x2;
	s24 =	simm.s32 $0x0  }
.LBB2_3:
0x70: {  	p2 =	sne.s32 s23, $0x1FF;
	s18 =	sand.u32 $0xF, s25;
	v9 =	vmov s24;
	v8 =	vor.u32 s13, v8;
	[tilespmem:v7+s17+$0x0] =	vst.idx.msk $0xffff, v6;
	s25 =	smov.u32 s23  }
0x71: {  	v7 =	vor.u32 s24, v1;
	v10 =	vand.u32 $0x7, v9;
	s13 =	sshll.u32 s18, $0x9;
	v6 =	vld.idx.msk [tilespmem:v5+s14+$0x0], $0xffff;
	v5 =	vor.u32 v3, v8  }
.Ltmp3:
0x72: {  	v8 =	vand.u32 $0x1F8, v7;
	v10 =	vor.u32 s13, v10;
	v7 =	vor.u32 v2, v5;
	(pc) =	sbr.rel @p2 .LBB2_3-.Ltmp3, $2  }
0x73: {  	v5 =	vor.u32 v8, v10;
	_ =	sdelay $0x2  }
0x74: {  	s23 =	sadd.s32 $0x1, s23;
	s24 =	sshrl.u32 s25, $0x4;
	s13 =	sshll.u32 s18, $0x4;
	v8 =	vshll.u32 v9, $0x8  }
0x75: {  	_ =	sdelay $0x2  }
0x76: {  	s18 =	sand.u32 $0xF, s25;
	v9 =	vmov s24;
	v8 =	vor.u32 s13, v8  }
0x77: {  	[tilespmem:v7+s17+$0x0] =	vst.idx.msk $0xffff, v6;
	v6 =	vor.u32 s24, v1;
	v7 =	vand.u32 $0x7, v9;
	s24 =	sshll.u32 s18, $0x9;
	v8 =	vor.u32 v3, v8  }
0x78: {  	v5 =	vld.idx.msk [tilespmem:v5+s14+$0x0], $0xffff;
	v6 =	vand.u32 $0x1F8, v6;
	v7 =	vor.u32 s24, v7;
	v8 =	vor.u32 v2, v8  }
0x79: {  	v6 =	vor.u32 v6, v7;
	_ =	sdelay $0x1  }
0x7a: {  	s25 =	sshll.u32 s18, $0x4;
	v7 =	vshll.u32 v9, $0x8  }
0x7b: {  	v7 =	vor.u32 s25, v7  }
0x7c: {  	[tilespmem:v8+s17+$0x0] =	vst.idx.msk $0xffff, v5;
	v5 =	vor.u32 v3, v7  }
0x7d: {  	v6 =	vld.idx.msk [tilespmem:v6+s14+$0x0], $0xffff;
	v5 =	vor.u32 v2, v5  }
0x7e: {  	v7 =	vor.u32 s21, v1;
	_ =	sdelay $0x2  }
0x7f: {  	v8 =	vmov s21  }
0x80: {  	[tilespmem:v5+s17+$0x0] =	vst.idx.msk $0xffff, v6;
	v6 =	vshll.u32 v8, $0x4  }
0x81: {  	v5 =	vld.idx.msk [tilespmem:v7+s16+$0x0], $0xffff;
	v7 =	vor.u32 v0, v6  }
0x82: {  	v6 =	vor.u32 s20, v1  }
.LBB2_5:
0x83: {  	p2 =	sne.s32 s22, $0x1F;
	_ =	sdelay $0x1  }
.Ltmp4:
0x84: {  	(pc) =	sbr.rel @p2 .LBB2_5-.Ltmp4, $4  }
0x85: {  	v8 =	vmov s20;
	s20 =	smov.u32 s22;
	[tilespmem:v7+s26+$0x0] =	vst.idx.msk $0xffff, v5  }
0x86: {  	v5 =	vld.idx.msk [tilespmem:v6+s16+$0x0], $0xffff;
	v6 =	vshll.u32 v8, $0x4  }
0x87: {  	v7 =	vor.u32 v0, v6  }
0x88: {  	s22 =	sadd.s32 $0x1, s22;
	v6 =	vor.u32 s20, v1  }
0x89: {  	_ =	sdelay $0x2  }
0x8a: {  	v8 =	vmov s20  }
0x8b: {  	[tilespmem:v7+s26+$0x0] =	vst.idx.msk $0xffff, v5;
	v5 =	vshll.u32 v8, $0x4  }
0x8c: {  	v6 =	vld.idx.msk [tilespmem:v6+s16+$0x0], $0xffff;
	v5 =	vor.u32 v0, v5;
	_ =	sdelay $0x1  }
0x8d: {  	s20 =	simm.s32 $0x0  }
0x8e: {  	s21 =	simm.s32 $0x40;
	s13 =	sand.u32 $0x7C00, s20  }
0x8f: {  	s23 =	smov.u32 s10;
	s18 =	sand.u32 $0xF0, s20;
	s13 =	sshrl.u32 s13, $0x2  }
0x90: {  	s24 =	smov.u32 s11;
	s25 =	rddreg [dreg:$0x9];
	s13 =	sor.u32 s18, s13;
	[tilespmem:v5+s26+$0x0] =	vst.idx.msk $0xffff, v6  }
.LBB2_7:
0x91: {  	p2 =	sne.s32 s21, $0x7FC0  }
0x92: {  	[tilespmem:s13+$0xE9C0] =	vst v4;
	s20 =	sadd.s32 $0x10, s20;
	s13 =	smov.u32 s21;
	s21 =	sadd.s32 $0x40, s21  }
.Ltmp5:
0x93: {  	(pc) =	sbr.rel @p2 .LBB2_7-.Ltmp5, $4  }
0x94: {  	_ = 	snop  }
0x95: {  	s13 =	sand.u32 $0x7C00, s13  }
0x96: {  	s18 =	sand.u32 $0xF0, s20;
	s13 =	sshrl.u32 s13, $0x2  }
0x97: {  	s13 =	sor.u32 s18, s13  }
0x98: {  	[tilespmem:s13+$0xE9C0] =	vst v4  }
0x99: {  	[tilespmem:$0x109C0] =	vst v4  }
0x9a: {  	[tilespmem:$0x109D0] =	vst v4  }
0x9b: {  	[tilespmem:$0x109E0] =	vst v4  }
0x9c: {  	[tilespmem:$0x109F0] =	vst v4  }
0x9d: {  	[tilespmem:$0x10A00] =	vst v4  }
0x9e: {  	[tilespmem:$0x10A10] =	vst v4  }
0x9f: {  	[tilespmem:$0x10A20] =	vst v4  }
0xa0: {  	[tilespmem:$0x10A30] =	vst v4  }
0xa1: {  	[tilespmem:$0x10A40] =	vst v4  }
0xa2: {  	[tilespmem:$0x10A50] =	vst v4  }
0xa3: {  	[tilespmem:$0x10A60] =	vst v4  }
0xa4: {  	[tilespmem:$0x10A70] =	vst v4  }
0xa5: {  	[tilespmem:$0x10A80] =	vst v4  }
0xa6: {  	[tilespmem:$0x10A90] =	vst v4  }
0xa7: {  	[tilespmem:$0x10AA0] =	vst v4  }
0xa8: {  	[tilespmem:$0x10AB0] =	vst v4  }
0xa9: {  	[tilespmem:$0x10AC0] =	vst v4  }
0xaa: {  	[tilespmem:$0x10AD0] =	vst v4  }
0xab: {  	[tilespmem:$0x10AE0] =	vst v4  }
0xac: {  	[tilespmem:$0x10AF0] =	vst v4  }
0xad: {  	[tilespmem:$0x10B00] =	vst v4  }
0xae: {  	[tilespmem:$0x10B10] =	vst v4  }
0xaf: {  	[tilespmem:$0x10B20] =	vst v4  }
0xb0: {  	[tilespmem:$0x10B30] =	vst v4  }
0xb1: {  	[tilespmem:$0x10B40] =	vst v4  }
0xb2: {  	[tilespmem:$0x10B50] =	vst v4  }
0xb3: {  	[tilespmem:$0x10B60] =	vst v4  }
0xb4: {  	[tilespmem:$0x10B70] =	vst v4  }
0xb5: {  	s20 =	simm.s32 $0x0;
	[tilespmem:$0x10B80] =	vst v4  }
0xb6: {  	[tilespmem:$0x10B90] =	vst v4;
	s22 =	sand.u32 $0x7F00, s20  }
0xb7: {  	s11 =	sld [smem:$0x7FD];
	[tilespmem:$0x10BA0] =	vst v4;
	s18 =	sand.u32 $0x30, s20;
	s13 =	sshrl.u32 s22, $0x2  }
0xb8: {  	s21 =	simm.s32 $0x40;
	[tilespmem:$0x10BB0] =	vst v4;
	s22 =	rddreg [dreg:$0x8];
	s13 =	sor.u32 s18, s13  }
.LBB2_9:
0xb9: {  	p2 =	sne.s32 s21, $0x7FC0  }
0xba: {  	[tilespmem:s13+$0x10C00] =	vst v4;
	s20 =	sadd.s32 $0x10, s20;
	s13 =	smov.u32 s21;
	s21 =	sadd.s32 $0x40, s21  }
.Ltmp6:
0xbb: {  	(pc) =	sbr.rel @p2 .LBB2_9-.Ltmp6, $4  }
0xbc: {  	_ = 	snop  }
0xbd: {  	s13 =	sand.u32 $0x7F00, s13  }
0xbe: {  	s18 =	sand.u32 $0x30, s20;
	s13 =	sshrl.u32 s13, $0x2  }
0xbf: {  	s13 =	sor.u32 s18, s13  }
0xc0: {  	[tilespmem:s13+$0x10C00] =	vst v4  }
0xc1: {  	v5 =	vld [tilespmem:$0x10BC0]  }
0xc2: {  	v6 =	vld [tilespmem:$0x10BD0]  }
0xc3: {  	v7 =	vld [tilespmem:$0x10BE0]  }
0xc4: {  	v8 =	vld [tilespmem:$0x10BF0]  }
0xc5: {  	v9 =	vld [tilespmem:$0x10BC0]  }
0xc6: {  	[tilespmem:$0x10C00] =	vst v5;
	v5 =	vld [tilespmem:$0x10BD0]  }
0xc7: {  	v60 =	vld [tilespmem:$0x10BC0];
	[tilespmem:$0x10C40] =	vst v6  }
0xc8: {  	v61 =	vld [tilespmem:$0x10BD0];
	[tilespmem:$0x10C80] =	vst v7  }
0xc9: {  	v6 =	vld [tilespmem:$0x10BE0];
	[tilespmem:$0x12C00] =	vst v8  }
0xca: {  	v7 =	vld [tilespmem:$0x10BF0];
	[tilespmem:$0x11410] =	vst v9  }
0xcb: {  	[tilespmem:$0x11450] =	vst v5;
	v5 =	vld [tilespmem:$0x10BE0]  }
0xcc: {  	v62 =	vld [tilespmem:$0x10BD0];
	[tilespmem:$0x11C20] =	vst v60  }
0xcd: {  	v63 =	vld [tilespmem:$0x10BE0];
	[tilespmem:$0x11C60] =	vst v61  }
0xce: {  	[tilespmem:$0x11490] =	vst v6;
	v6 =	vld [tilespmem:$0x10BF0]  }
0xcf: {  	[tilespmem:$0x12C10] =	vst v7;
	v7 =	vld [tilespmem:$0x10BC0]  }
0xd0: {  	[tilespmem:$0x11CA0] =	vst v5;
	v5 =	vld [tilespmem:$0x10BF0]  }
0xd1: {  	[tilespmem:$0x12470] =	vst v62  }
0xd2: {  	[tilespmem:$0x124B0] =	vst v63  }
0xd3: {  	s10 =	sld [smem:$0x7DB];
	[tilespmem:$0x12C20] =	vst v6  }
0xd4: {  	[tilespmem:$0x12430] =	vst v7  }
0xd5: {  	[tilespmem:$0x12C30] =	vst v5  }
0xd6: {  	[hbm4b:s10+s28] =	stream.strided.scatter [tilespmem:s17], [sflag:$0x6], $0x2000, s30, s28, $0x38;
	[tilespmem:$0x12C40] =	vst v63  }
0xd7: {  	_ =	swait.ge [sflag:s15], $0x2000  }
0xd8: {  	s13 =	sld [smem:$0x7DC]  }
0xd9: {  	[sflag:s15] =	ssyncset.done $0x0  }
0xda: {  	[sflag:s15] =	ssyncadd.s32 $0xFFFFE000  }
0xdb: {  	[hbm4b:s13+s31] =	stream.strided.scatter [tilespmem:s26], [sflag:$0x6], $0x200, s0, s31, $0x38;
	[tilespmem:$0x12C40] =	vst v63  }
0xdc: {  	_ =	swait.ge [sflag:s15], $0x200  }
0xdd: {  	s18 =	sld [smem:$0x7DF]  }
0xde: {  	[sflag:s15] =	ssyncset.done $0x0  }
0xdf: {  	s13 =	simm.s32 $0xE9C0;
	[sflag:s15] =	ssyncadd.s32 $0xFFFFFE00  }
0xe0: {  	[hbm4b:s18+s28] =	stream.strided.scatter [tilespmem:s13], [sflag:$0x6], $0x2000, s30, s28, $0x38;
	[tilespmem:$0x12C40] =	vst v63  }
0xe1: {  	_ =	swait.ge [sflag:s15], $0x2000  }
0xe2: {  	s20 =	sld [smem:$0x7E0]  }
0xe3: {  	[sflag:s15] =	ssyncset.done $0x0  }
0xe4: {  	s18 =	simm.s32 $0x109C0;
	[sflag:s15] =	ssyncadd.s32 $0xFFFFE000  }
0xe5: {  	[hbm4b:s20+s31] =	stream.strided.scatter [tilespmem:s18], [sflag:$0x6], $0x200, s0, s31, $0x38;
	[tilespmem:$0x12C40] =	vst v63  }
0xe6: {  	_ =	swait.ge [sflag:s15], $0x200  }
0xe7: {  	s21 =	sld [smem:$0x7E1]  }
0xe8: {  	[sflag:s15] =	ssyncset.done $0x0  }
0xe9: {  	[sflag:s15] =	ssyncadd.s32 $0xFFFFFE00  }
0xea: {  	[hbm4b:s21+s28] =	stream.strided.scatter [tilespmem:s13], [sflag:$0x6], $0x2000, s30, s28, $0x38;
	[tilespmem:$0x12C40] =	vst v63  }
0xeb: {  	_ =	swait.ge [sflag:s15], $0x2000  }
0xec: {  	s20 =	sld [smem:$0x7E2]  }
0xed: {  	[sflag:s15] =	ssyncset.done $0x0  }
0xee: {  	[sflag:s15] =	ssyncadd.s32 $0xFFFFE000  }
0xef: {  	[hbm4b:s20+s31] =	stream.strided.scatter [tilespmem:s18], [sflag:$0x6], $0x200, s0, s31, $0x38;
	[tilespmem:$0x12C40] =	vst v63  }
0xf0: {  	_ =	swait.ge [sflag:s15], $0x200  }
0xf1: {  	s21 =	sld [smem:$0x7E3]  }
0xf2: {  	[sflag:s15] =	ssyncset.done $0x0  }
0xf3: {  	[sflag:s15] =	ssyncadd.s32 $0xFFFFFE00  }
0xf4: {  	[hbm4b:s21+s28] =	stream.strided.scatter [tilespmem:s13], [sflag:$0x6], $0x2000, s30, s28, $0x38;
	[tilespmem:$0x12C40] =	vst v63  }
0xf5: {  	_ =	swait.ge [sflag:s15], $0x2000  }
0xf6: {  	s20 =	sld [smem:$0x7E4]  }
0xf7: {  	[sflag:s15] =	ssyncset.done $0x0  }
0xf8: {  	[sflag:s15] =	ssyncadd.s32 $0xFFFFE000  }
0xf9: {  	[hbm4b:s20+s31] =	stream.strided.scatter [tilespmem:s18], [sflag:$0x6], $0x200, s0, s31, $0x38;
	[tilespmem:$0x12C40] =	vst v63  }
0xfa: {  	_ =	swait.ge [sflag:s15], $0x200  }
0xfb: {  	s21 =	sld [smem:$0x7E5]  }
0xfc: {  	[sflag:s15] =	ssyncset.done $0x0  }
0xfd: {  	[sflag:s15] =	ssyncadd.s32 $0xFFFFFE00  }
0xfe: {  	[hbm4b:s21+s28] =	stream.strided.scatter [tilespmem:s13], [sflag:$0x6], $0x2000, s30, s28, $0x38;
	[tilespmem:$0x12C40] =	vst v63  }
0xff: {  	_ =	swait.ge [sflag:s15], $0x2000  }
0x100: {  	s20 =	sld [smem:$0x7E6]  }
0x101: {  	[sflag:s15] =	ssyncset.done $0x0  }
0x102: {  	[sflag:s15] =	ssyncadd.s32 $0xFFFFE000  }
0x103: {  	[hbm4b:s20+s31] =	stream.strided.scatter [tilespmem:s18], [sflag:$0x6], $0x200, s0, s31, $0x38;
	[tilespmem:$0x12C40] =	vst v63  }
0x104: {  	_ =	swait.ge [sflag:s15], $0x200  }
0x105: {  	s21 =	sld [smem:$0x7E7]  }
0x106: {  	[sflag:s15] =	ssyncset.done $0x0  }
0x107: {  	[sflag:s15] =	ssyncadd.s32 $0xFFFFFE00  }
0x108: {  	[hbm4b:s21+s28] =	stream.strided.scatter [tilespmem:s17], [sflag:$0x6], $0x2000, s30, s28, $0x38;
	[tilespmem:$0x12C40] =	vst v63  }
0x109: {  	_ =	swait.ge [sflag:s15], $0x2000  }
0x10a: {  	s20 =	sld [smem:$0x7E8]  }
0x10b: {  	[sflag:s15] =	ssyncset.done $0x0  }
0x10c: {  	[sflag:s15] =	ssyncadd.s32 $0xFFFFE000  }
0x10d: {  	[hbm4b:s20+s31] =	stream.strided.scatter [tilespmem:s26], [sflag:$0x6], $0x200, s0, s31, $0x38;
	[tilespmem:$0x12C40] =	vst v63  }
0x10e: {  	_ =	swait.ge [sflag:s15], $0x200  }
0x10f: {  	s21 =	sld [smem:$0x7E9]  }
0x110: {  	[sflag:s15] =	ssyncset.done $0x0  }
0x111: {  	[sflag:s15] =	ssyncadd.s32 $0xFFFFFE00  }
0x112: {  	[hbm4b:s21+s28] =	stream.strided.scatter [tilespmem:s13], [sflag:$0x6], $0x2000, s30, s28, $0x38;
	[tilespmem:$0x12C40] =	vst v63  }
0x113: {  	_ =	swait.ge [sflag:s15], $0x2000  }
0x114: {  	s20 =	sld [smem:$0x7EA]  }
0x115: {  	[sflag:s15] =	ssyncset.done $0x0  }
0x116: {  	[sflag:s15] =	ssyncadd.s32 $0xFFFFE000  }
0x117: {  	[hbm4b:s20+s31] =	stream.strided.scatter [tilespmem:s18], [sflag:$0x6], $0x200, s0, s31, $0x38;
	[tilespmem:$0x12C40] =	vst v63  }
0x118: {  	_ =	swait.ge [sflag:s15], $0x200  }
0x119: {  	s21 =	sld [smem:$0x7EB]  }
0x11a: {  	[sflag:s15] =	ssyncset.done $0x0  }
0x11b: {  	[sflag:s15] =	ssyncadd.s32 $0xFFFFFE00  }
0x11c: {  	[hbm4b:s21+s28] =	stream.strided.scatter [tilespmem:s13], [sflag:$0x6], $0x2000, s30, s28, $0x38;
	[tilespmem:$0x12C40] =	vst v63  }
0x11d: {  	_ =	swait.ge [sflag:s15], $0x2000  }
0x11e: {  	s20 =	sld [smem:$0x7EC]  }
0x11f: {  	[sflag:s15] =	ssyncset.done $0x0  }
0x120: {  	[sflag:s15] =	ssyncadd.s32 $0xFFFFE000  }
0x121: {  	[hbm4b:s20+s31] =	stream.strided.scatter [tilespmem:s18], [sflag:$0x6], $0x200, s0, s31, $0x38;
	[tilespmem:$0x12C40] =	vst v63  }
0x122: {  	_ =	swait.ge [sflag:s15], $0x200  }
0x123: {  	s21 =	sld [smem:$0x7ED]  }
0x124: {  	[sflag:s15] =	ssyncset.done $0x0  }
0x125: {  	[sflag:s15] =	ssyncadd.s32 $0xFFFFFE00  }
0x126: {  	[hbm4b:s21+s28] =	stream.strided.scatter [tilespmem:s13], [sflag:$0x6], $0x2000, s30, s28, $0x38;
	[tilespmem:$0x12C40] =	vst v63  }
0x127: {  	_ =	swait.ge [sflag:s15], $0x2000  }
0x128: {  	s20 =	sld [smem:$0x7EE]  }
0x129: {  	[sflag:s15] =	ssyncset.done $0x0  }
0x12a: {  	[sflag:s15] =	ssyncadd.s32 $0xFFFFE000  }
0x12b: {  	[hbm4b:s20+s31] =	stream.strided.scatter [tilespmem:s18], [sflag:$0x6], $0x200, s0, s31, $0x38;
	[tilespmem:$0x12C40] =	vst v63  }
0x12c: {  	_ =	swait.ge [sflag:s15], $0x200  }
0x12d: {  	s21 =	sld [smem:$0x7EF]  }
0x12e: {  	[sflag:s15] =	ssyncset.done $0x0  }
0x12f: {  	[sflag:s15] =	ssyncadd.s32 $0xFFFFFE00  }
0x130: {  	[hbm4b:s21+s28] =	stream.strided.scatter [tilespmem:s13], [sflag:$0x6], $0x2000, s30, s28, $0x38;
	[tilespmem:$0x12C40] =	vst v63  }
0x131: {  	_ =	swait.ge [sflag:s15], $0x2000  }
0x132: {  	s20 =	sld [smem:$0x7F0]  }
0x133: {  	[sflag:s15] =	ssyncset.done $0x0  }
0x134: {  	[sflag:s15] =	ssyncadd.s32 $0xFFFFE000  }
0x135: {  	[hbm4b:s20+s31] =	stream.strided.scatter [tilespmem:s18], [sflag:$0x6], $0x200, s0, s31, $0x38;
	[tilespmem:$0x12C40] =	vst v63  }
0x136: {  	_ =	swait.ge [sflag:s15], $0x200  }
0x137: {  	s21 =	sld [smem:$0x7F1]  }
0x138: {  	[sflag:s15] =	ssyncset.done $0x0  }
0x139: {  	[sflag:s15] =	ssyncadd.s32 $0xFFFFFE00  }
0x13a: {  	[hbm4b:s21+s28] =	stream.strided.scatter [tilespmem:s17], [sflag:$0x6], $0x2000, s30, s28, $0x38;
	[tilespmem:$0x12C40] =	vst v63  }
0x13b: {  	_ =	swait.ge [sflag:s15], $0x2000  }
0x13c: {  	s20 =	sld [smem:$0x7F2]  }
0x13d: {  	[sflag:s15] =	ssyncset.done $0x0  }
0x13e: {  	[sflag:s15] =	ssyncadd.s32 $0xFFFFE000  }
0x13f: {  	[hbm4b:s20+s31] =	stream.strided.scatter [tilespmem:s26], [sflag:$0x6], $0x200, s0, s31, $0x38;
	[tilespmem:$0x12C40] =	vst v63  }
0x140: {  	_ =	swait.ge [sflag:s15], $0x200  }
0x141: {  	s21 =	sld [smem:$0x7F3]  }
0x142: {  	[sflag:s15] =	ssyncset.done $0x0  }
0x143: {  	[sflag:s15] =	ssyncadd.s32 $0xFFFFFE00  }
0x144: {  	[hbm4b:s21+s28] =	stream.strided.scatter [tilespmem:s13], [sflag:$0x6], $0x2000, s30, s28, $0x38;
	[tilespmem:$0x12C40] =	vst v63  }
0x145: {  	_ =	swait.ge [sflag:s15], $0x2000  }
0x146: {  	s20 =	sld [smem:$0x7F4]  }
0x147: {  	[sflag:s15] =	ssyncset.done $0x0  }
0x148: {  	[sflag:s15] =	ssyncadd.s32 $0xFFFFE000  }
0x149: {  	[hbm4b:s20+s31] =	stream.strided.scatter [tilespmem:s18], [sflag:$0x6], $0x200, s0, s31, $0x38;
	[tilespmem:$0x12C40] =	vst v63  }
0x14a: {  	_ =	swait.ge [sflag:s15], $0x200  }
0x14b: {  	s21 =	sld [smem:$0x7F5]  }
0x14c: {  	[sflag:s15] =	ssyncset.done $0x0  }
0x14d: {  	[sflag:s15] =	ssyncadd.s32 $0xFFFFFE00  }
0x14e: {  	[hbm4b:s21+s28] =	stream.strided.scatter [tilespmem:s13], [sflag:$0x6], $0x2000, s30, s28, $0x38;
	[tilespmem:$0x12C40] =	vst v63  }
0x14f: {  	_ =	swait.ge [sflag:s15], $0x2000  }
0x150: {  	s20 =	sld [smem:$0x7F6]  }
0x151: {  	[sflag:s15] =	ssyncset.done $0x0  }
0x152: {  	[sflag:s15] =	ssyncadd.s32 $0xFFFFE000  }
0x153: {  	[hbm4b:s20+s31] =	stream.strided.scatter [tilespmem:s18], [sflag:$0x6], $0x200, s0, s31, $0x38;
	[tilespmem:$0x12C40] =	vst v63  }
0x154: {  	_ =	swait.ge [sflag:s15], $0x200  }
0x155: {  	s21 =	sld [smem:$0x7F7]  }
0x156: {  	[sflag:s15] =	ssyncset.done $0x0  }
0x157: {  	[sflag:s15] =	ssyncadd.s32 $0xFFFFFE00  }
0x158: {  	[hbm4b:s21+s28] =	stream.strided.scatter [tilespmem:s13], [sflag:$0x6], $0x2000, s30, s28, $0x38;
	[tilespmem:$0x12C40] =	vst v63  }
0x159: {  	_ =	swait.ge [sflag:s15], $0x2000  }
0x15a: {  	s20 =	sld [smem:$0x7F8]  }
0x15b: {  	[sflag:s15] =	ssyncset.done $0x0  }
0x15c: {  	[sflag:s15] =	ssyncadd.s32 $0xFFFFE000  }
0x15d: {  	[hbm4b:s20+s31] =	stream.strided.scatter [tilespmem:s18], [sflag:$0x6], $0x200, s0, s31, $0x38;
	[tilespmem:$0x12C40] =	vst v63  }
0x15e: {  	_ =	swait.ge [sflag:s15], $0x200  }
0x15f: {  	s21 =	sld [smem:$0x7F9]  }
0x160: {  	[sflag:s15] =	ssyncset.done $0x0  }
0x161: {  	[sflag:s15] =	ssyncadd.s32 $0xFFFFFE00  }
0x162: {  	[hbm4b:s21+s28] =	stream.strided.scatter [tilespmem:s13], [sflag:$0x6], $0x2000, s30, s28, $0x38;
	[tilespmem:$0x12C40] =	vst v63  }
0x163: {  	_ =	swait.ge [sflag:s15], $0x2000  }
0x164: {  	s13 =	sld [smem:$0x7FA]  }
0x165: {  	[sflag:s15] =	ssyncset.done $0x0  }
0x166: {  	[sflag:s15] =	ssyncadd.s32 $0xFFFFE000  }
0x167: {  	[hbm4b:s13+s31] =	stream.strided.scatter [tilespmem:s18], [sflag:$0x6], $0x200, s0, s31, $0x38;
	[tilespmem:$0x12C40] =	vst v63  }
0x168: {  	_ =	swait.ge [sflag:s15], $0x200  }
0x169: {  	s20 =	sld [smem:$0x7FB]  }
0x16a: {  	[sflag:s15] =	ssyncset.done $0x0  }
0x16b: {  	[sflag:s15] =	ssyncadd.s32 $0xFFFFFE00  }
0x16c: {  	[hbm4b:s20+s28] =	stream.strided.scatter [tilespmem:s17], [sflag:$0x6], $0x2000, s30, s28, $0x38;
	[tilespmem:$0x12C40] =	vst v63  }
0x16d: {  	_ =	swait.ge [sflag:s15], $0x2000  }
0x16e: {  	s21 =	sld [smem:$0x7FC]  }
0x16f: {  	[sflag:s15] =	ssyncset.done $0x0  }
0x170: {  	[sflag:s15] =	ssyncadd.s32 $0xFFFFE000  }
0x171: {  	[hbm4b:s21+s31] =	stream.strided.scatter [tilespmem:s26], [sflag:$0x6], $0x200, s0, s31, $0x38;
	[tilespmem:$0x12C40] =	vst v63  }
0x172: {  	_ =	swait.ge [sflag:s15], $0x200  }
0x173: {  	s13 =	sld [smem:$0x7DD]  }
0x174: {  	[sflag:s15] =	ssyncset.done $0x0  }
0x175: {  	s18 =	simm.s32 $0x10C00;
	[sflag:s15] =	ssyncadd.s32 $0xFFFFFE00  }
0x176: {  	[hbm4b:s13+s1] =	stream.linear.scatter [tilespmem:s18], [sflag:$0x6], $0x2000, $0x38;
	[tilespmem:$0x12C40] =	vst v63  }
0x177: {  	_ =	swait.ge [sflag:s15], $0x2000  }
0x178: {  	s20 =	sld [smem:$0x7DE]  }
0x179: {  	[sflag:s15] =	ssyncset.done $0x0  }
0x17a: {  	s21 =	simm.s32 $0x12C00;
	[sflag:s15] =	ssyncadd.s32 $0xFFFFE000  }
0x17b: {  	[hbm4b:s20+s1] =	stream.linear.scatter [tilespmem:s21], [sflag:$0x6], $0x40, $0x38;
	[tilespmem:$0x12C40] =	vst v63  }
0x17c: {  	_ =	swait.ge [sflag:s15], $0x40  }
0x17d: {  	s18 =	rddreg [dreg:$0x5]  }
0x17e: {  	[sflag:s15] =	ssyncset.done $0x0;
	s20 =	rddreg [dreg:$0x6]  }
0x17f: {  	s21 =	rddreg [dreg:$0x7];
	[sflag:s15] =	ssyncadd.s32 $0xFFFFFFC0  }
.LBB2_11:
0x180: {  	[tilespmem:s1], [sflag:$0x1] =	stream.linear.gather [hbm4b:s18+s1], $0x4E0, $0x38;
	[tilespmem:$0x12C40] =	vst v63  }
0x181: {  	_ = 	snop  }
0x182: {  	[tilespmem:s12], [sflag:$0x2] =	stream.linear.gather [hbm4b:s20+s1], $0x4E0, $0x38;
	[tilespmem:$0x12C40] =	vst v63  }
0x183: {  	_ =	swait.ge [sflag:s2], $0x4E0  }
0x184: {  	[sflag:s2] =	ssyncset.done $0x0  }
0x185: {  	[sflag:s2] =	ssyncadd.s32 $0xFFFFFB20  }
0x186: {  	[tilespmem:s3], [sflag:$0x5] =	stream.indirect.gather [hbm4b:s29+s12], $0x10, s1, s12, $0xb8;
	[tilespmem:$0x12C40] =	vst v63  }
0x187: {  	_ =	swait.ge [sflag:s4], $0x4E00  }
0x188: {  	[sflag:s4] =	ssyncset.done $0x0  }
0x189: {  	s10 =	rddreg [dreg:$0x13];
	[sflag:s4] =	ssyncadd.s32 $0xFFFFB200  }
0x18a: {  	[hbm4b:s10+s31] =	stream.strided.scatter [tilespmem:s3], [sflag:$0x3], $0x4E00, s5, s31, $0x38;
	[tilespmem:$0x12C40] =	vst v63  }
0x18b: {  	_ = 	snop  }
0x18c: {  	[tilespmem:s1], [sflag:$0x1] =	stream.linear.gather [hbm4b:s21+s1], $0x4E0, $0x38;
	[tilespmem:$0x12C40] =	vst v63  }
0x18d: {  	_ =	swait.ge [sflag:s6], $0x4E0  }
0x18e: {  	[sflag:s6] =	ssyncset.done $0x0  }
0x18f: {  	[sflag:s6] =	ssyncadd.s32 $0xFFFFFB20  }
0x190: {  	[tilespmem:s7], [sflag:$0x5] =	stream.indirect.gather [hbm4b:s29+s12], $0x10, s12, s12, $0xb8;
	[tilespmem:$0x12C40] =	vst v63  }
0x191: {  	_ =	swait.ge [sflag:s4], $0x4E00  }
0x192: {  	[sflag:s4] =	ssyncset.done $0x0  }
0x193: {  	s13 =	rddreg [dreg:$0x14];
	[sflag:s4] =	ssyncadd.s32 $0xFFFFB200  }
0x194: {  	[hbm4b:s13+s31] =	stream.strided.scatter [tilespmem:s7], [sflag:$0x4], $0x4E00, s5, s31, $0x38;
	[tilespmem:$0x12C40] =	vst v63  }
0x195: {  	_ = 	snop  }
0x196: {  	[tilespmem:s12], [sflag:$0x2] =	stream.linear.gather [hbm4b:s22+s1], $0x4E0, $0x38;
	[tilespmem:$0x12C40] =	vst v63  }
0x197: {  	_ =	swait.ge [sflag:s2], $0x4E0  }
0x198: {  	[sflag:s2] =	ssyncset.done $0x0  }
0x199: {  	[sflag:s2] =	ssyncadd.s32 $0xFFFFFB20  }
0x19a: {  	_ =	swait.ge [sflag:s8], $0x4E00  }
0x19b: {  	[sflag:s8] =	ssyncset.done $0x0  }
0x19c: {  	[sflag:s8] =	ssyncadd.s32 $0xFFFFB200  }
0x19d: {  	[tilespmem:s3], [sflag:$0x5] =	stream.indirect.gather [hbm4b:s29+s12], $0x10, s1, s12, $0xb8;
	[tilespmem:$0x12C40] =	vst v63  }
0x19e: {  	_ =	swait.ge [sflag:s4], $0x4E00  }
0x19f: {  	[sflag:s4] =	ssyncset.done $0x0  }
0x1a0: {  	s13 =	rddreg [dreg:$0x15];
	[sflag:s4] =	ssyncadd.s32 $0xFFFFB200  }
0x1a1: {  	[hbm4b:s13+s31] =	stream.strided.scatter [tilespmem:s3], [sflag:$0x3], $0x4E00, s5, s31, $0x38;
	[tilespmem:$0x12C40] =	vst v63  }
0x1a2: {  	_ = 	snop  }
0x1a3: {  	[tilespmem:s1], [sflag:$0x1] =	stream.linear.gather [hbm4b:s23+s1], $0x4E0, $0x38;
	[tilespmem:$0x12C40] =	vst v63  }
0x1a4: {  	_ =	swait.ge [sflag:s6], $0x4E0  }
0x1a5: {  	[sflag:s6] =	ssyncset.done $0x0  }
0x1a6: {  	[sflag:s6] =	ssyncadd.s32 $0xFFFFFB20  }
0x1a7: {  	_ =	swait.ge [sflag:s9], $0x4E00  }
0x1a8: {  	[sflag:s9] =	ssyncset.done $0x0  }
0x1a9: {  	[sflag:s9] =	ssyncadd.s32 $0xFFFFB200  }
0x1aa: {  	[tilespmem:s7], [sflag:$0x5] =	stream.indirect.gather [hbm4b:s29+s12], $0x10, s12, s12, $0xb8;
	[tilespmem:$0x12C40] =	vst v63  }
0x1ab: {  	_ =	swait.ge [sflag:s4], $0x4E00  }
0x1ac: {  	[sflag:s4] =	ssyncset.done $0x0  }
0x1ad: {  	s13 =	rddreg [dreg:$0x16];
	[sflag:s4] =	ssyncadd.s32 $0xFFFFB200  }
0x1ae: {  	[hbm4b:s13+s31] =	stream.strided.scatter [tilespmem:s7], [sflag:$0x4], $0x4E00, s5, s31, $0x38;
	[tilespmem:$0x12C40] =	vst v63  }
0x1af: {  	_ = 	snop  }
0x1b0: {  	[tilespmem:s12], [sflag:$0x2] =	stream.linear.gather [hbm4b:s24+s1], $0x4E0, $0x38;
	[tilespmem:$0x12C40] =	vst v63  }
0x1b1: {  	_ =	swait.ge [sflag:s2], $0x4E0  }
0x1b2: {  	[sflag:s2] =	ssyncset.done $0x0  }
0x1b3: {  	[sflag:s2] =	ssyncadd.s32 $0xFFFFFB20  }
0x1b4: {  	_ =	swait.ge [sflag:s8], $0x4E00  }
0x1b5: {  	[sflag:s8] =	ssyncset.done $0x0  }
0x1b6: {  	[sflag:s8] =	ssyncadd.s32 $0xFFFFB200  }
0x1b7: {  	[tilespmem:s3], [sflag:$0x5] =	stream.indirect.gather [hbm4b:s29+s12], $0x10, s1, s12, $0xb8;
	[tilespmem:$0x12C40] =	vst v63  }
0x1b8: {  	_ =	swait.ge [sflag:s4], $0x4E00  }
0x1b9: {  	[sflag:s4] =	ssyncset.done $0x0  }
0x1ba: {  	s13 =	rddreg [dreg:$0x17];
	[sflag:s4] =	ssyncadd.s32 $0xFFFFB200  }
0x1bb: {  	[hbm4b:s13+s31] =	stream.strided.scatter [tilespmem:s3], [sflag:$0x3], $0x4E00, s5, s31, $0x38;
	[tilespmem:$0x12C40] =	vst v63  }
0x1bc: {  	_ = 	snop  }
0x1bd: {  	[tilespmem:s1], [sflag:$0x1] =	stream.linear.gather [hbm4b:s25+s1], $0x4E0, $0x38;
	[tilespmem:$0x12C40] =	vst v63  }
0x1be: {  	_ =	swait.ge [sflag:s6], $0x4E0  }
0x1bf: {  	[sflag:s6] =	ssyncset.done $0x0  }
0x1c0: {  	[sflag:s6] =	ssyncadd.s32 $0xFFFFFB20  }
0x1c1: {  	_ =	swait.ge [sflag:s9], $0x4E00  }
0x1c2: {  	[sflag:s9] =	ssyncset.done $0x0  }
0x1c3: {  	[sflag:s9] =	ssyncadd.s32 $0xFFFFB200  }
0x1c4: {  	[tilespmem:s7], [sflag:$0x5] =	stream.indirect.gather [hbm4b:s29+s12], $0x10, s12, s12, $0xb8;
	[tilespmem:$0x12C40] =	vst v63  }
0x1c5: {  	_ =	swait.ge [sflag:s4], $0x4E00  }
0x1c6: {  	[sflag:s4] =	ssyncset.done $0x0  }
0x1c7: {  	s13 =	rddreg [dreg:$0x18];
	[sflag:s4] =	ssyncadd.s32 $0xFFFFB200  }
0x1c8: {  	[hbm4b:s13+s31] =	stream.strided.scatter [tilespmem:s7], [sflag:$0x4], $0x4E00, s5, s31, $0x38;
	[tilespmem:$0x12C40] =	vst v63  }
0x1c9: {  	s13 =	rddreg [dreg:$0xa]  }
0x1ca: {  	[tilespmem:s12], [sflag:$0x2] =	stream.linear.gather [hbm4b:s13+s1], $0x4E0, $0x38;
	[tilespmem:$0x12C40] =	vst v63  }
0x1cb: {  	_ =	swait.ge [sflag:s2], $0x4E0  }
0x1cc: {  	[sflag:s2] =	ssyncset.done $0x0  }
0x1cd: {  	[sflag:s2] =	ssyncadd.s32 $0xFFFFFB20  }
0x1ce: {  	_ =	swait.ge [sflag:s8], $0x4E00  }
0x1cf: {  	[sflag:s8] =	ssyncset.done $0x0  }
0x1d0: {  	[sflag:s8] =	ssyncadd.s32 $0xFFFFB200  }
0x1d1: {  	[tilespmem:s3], [sflag:$0x5] =	stream.indirect.gather [hbm4b:s29+s12], $0x10, s1, s12, $0xb8;
	[tilespmem:$0x12C40] =	vst v63  }
0x1d2: {  	_ =	swait.ge [sflag:s4], $0x4E00  }
0x1d3: {  	[sflag:s4] =	ssyncset.done $0x0  }
0x1d4: {  	s13 =	rddreg [dreg:$0x19];
	[sflag:s4] =	ssyncadd.s32 $0xFFFFB200  }
0x1d5: {  	[hbm4b:s13+s31] =	stream.strided.scatter [tilespmem:s3], [sflag:$0x3], $0x4E00, s5, s31, $0x38;
	[tilespmem:$0x12C40] =	vst v63  }
0x1d6: {  	_ =	swait.ge [sflag:s6], $0x4E0  }
0x1d7: {  	[sflag:s6] =	ssyncset.done $0x0  }
0x1d8: {  	[sflag:s6] =	ssyncadd.s32 $0xFFFFFB20  }
0x1d9: {  	_ =	swait.ge [sflag:s9], $0x4E00  }
0x1da: {  	[sflag:s9] =	ssyncset.done $0x0  }
0x1db: {  	[sflag:s9] =	ssyncadd.s32 $0xFFFFB200  }
0x1dc: {  	[tilespmem:s7], [sflag:$0x5] =	stream.indirect.gather [hbm4b:s29+s12], $0x10, s12, s12, $0xb8;
	[tilespmem:$0x12C40] =	vst v63  }
0x1dd: {  	_ =	swait.ge [sflag:s4], $0x4E00  }
0x1de: {  	[sflag:s4] =	ssyncset.done $0x0  }
0x1df: {  	s13 =	rddreg [dreg:$0x1a];
	[sflag:s4] =	ssyncadd.s32 $0xFFFFB200  }
0x1e0: {  	[hbm4b:s13+s31] =	stream.strided.scatter [tilespmem:s7], [sflag:$0x4], $0x4E00, s5, s31, $0x38;
	[tilespmem:$0x12C40] =	vst v63  }
0x1e1: {  	_ =	swait.ge [sflag:s8], $0x4E00  }
.Ltmp7:
0x1e2: {  	[sflag:s8] =	ssyncset.done $0x0;
	(pc) =	sbr.rel @p1 .LBB2_13-.Ltmp7, $4  }
0x1e3: {  	[sflag:s8] =	ssyncadd.s32 $0xFFFFB200  }
0x1e4: {  	_ =	swait.ge [sflag:s9], $0x4E00  }
0x1e5: {  	[sflag:s9] =	ssyncset.done $0x0  }
0x1e6: {  	[sflag:s9] =	ssyncadd.s32 $0xFFFFB200  }
0x1e7: {  	s10 =	rddreg [dreg:$0xb]  }
0x1e8: {  	[tilespmem:s1], [sflag:$0x6] =	stream.linear.gather [hbm4b:s10+s1], $0x8, $0x38;
	[tilespmem:$0x12C40] =	vst v63  }
0x1e9: {  	_ =	swait.ge [sflag:s15], $0x8  }
0x1ea: {  	[sflag:s15] =	ssyncset.done $0x0  }
0x1eb: {  	s13 =	simm.s32 $0x8;
	[sflag:s15] =	ssyncadd.s32 $0xFFFFFFF8  }
0x1ec: {  	[tilespmem:s3], [sflag:$0x5] =	stream.indirect.gather [hbm4b:s29+s13], $0x10, s1, s13, $0xb8;
	[tilespmem:$0x12C40] =	vst v63  }
0x1ed: {  	_ =	swait.ge [sflag:s4], $0x80  }
0x1ee: {  	[sflag:s4] =	ssyncset.done $0x0  }
0x1ef: {  	s10 =	rddreg [dreg:$0x1b];
	[sflag:s4] =	ssyncadd.s32 $0xFFFFFF80  }
0x1f0: {  	[hbm4b:s10+s31] =	stream.strided.scatter [tilespmem:s3], [sflag:$0x6], $0x80, s5, s31, $0x38;
	[tilespmem:$0x12C40] =	vst v63  }
0x1f1: {  	_ =	swait.ge [sflag:s15], $0x80  }
0x1f2: {  	[sflag:s15] =	ssyncset.done $0x0  }
0x1f3: {  	s10 =	rddreg [dreg:$0xc];
	[sflag:s15] =	ssyncadd.s32 $0xFFFFFF80  }
0x1f4: {  	[tilespmem:s1], [sflag:$0x6] =	stream.linear.gather [hbm4b:s10+s1], $0x8, $0x38;
	[tilespmem:$0x12C40] =	vst v63  }
0x1f5: {  	_ =	swait.ge [sflag:s15], $0x8  }
0x1f6: {  	[sflag:s15] =	ssyncset.done $0x0  }
0x1f7: {  	[sflag:s15] =	ssyncadd.s32 $0xFFFFFFF8  }
0x1f8: {  	[tilespmem:s3], [sflag:$0x5] =	stream.indirect.gather [hbm4b:s29+s13], $0x10, s1, s13, $0xb8;
	[tilespmem:$0x12C40] =	vst v63  }
0x1f9: {  	_ =	swait.ge [sflag:s4], $0x80  }
0x1fa: {  	[sflag:s4] =	ssyncset.done $0x0  }
0x1fb: {  	s10 =	rddreg [dreg:$0x1c];
	[sflag:s4] =	ssyncadd.s32 $0xFFFFFF80  }
0x1fc: {  	[hbm4b:s10+s31] =	stream.strided.scatter [tilespmem:s3], [sflag:$0x6], $0x80, s5, s31, $0x38;
	[tilespmem:$0x12C40] =	vst v63  }
0x1fd: {  	_ =	swait.ge [sflag:s15], $0x80  }
0x1fe: {  	[sflag:s15] =	ssyncset.done $0x0  }
0x1ff: {  	s10 =	rddreg [dreg:$0xd];
	[sflag:s15] =	ssyncadd.s32 $0xFFFFFF80  }
0x200: {  	[tilespmem:s1], [sflag:$0x6] =	stream.linear.gather [hbm4b:s10+s1], $0x8, $0x38;
	[tilespmem:$0x12C40] =	vst v63  }
0x201: {  	_ =	swait.ge [sflag:s15], $0x8  }
0x202: {  	[sflag:s15] =	ssyncset.done $0x0  }
0x203: {  	[sflag:s15] =	ssyncadd.s32 $0xFFFFFFF8  }
0x204: {  	[tilespmem:s3], [sflag:$0x5] =	stream.indirect.gather [hbm4b:s29+s13], $0x10, s1, s13, $0xb8;
	[tilespmem:$0x12C40] =	vst v63  }
0x205: {  	_ =	swait.ge [sflag:s4], $0x80  }
0x206: {  	[sflag:s4] =	ssyncset.done $0x0  }
0x207: {  	s10 =	rddreg [dreg:$0x1d];
	[sflag:s4] =	ssyncadd.s32 $0xFFFFFF80  }
0x208: {  	[hbm4b:s10+s31] =	stream.strided.scatter [tilespmem:s3], [sflag:$0x6], $0x80, s5, s31, $0x38;
	[tilespmem:$0x12C40] =	vst v63  }
0x209: {  	_ =	swait.ge [sflag:s15], $0x80  }
0x20a: {  	[sflag:s15] =	ssyncset.done $0x0  }
0x20b: {  	s10 =	rddreg [dreg:$0xe];
	[sflag:s15] =	ssyncadd.s32 $0xFFFFFF80  }
0x20c: {  	[tilespmem:s1], [sflag:$0x6] =	stream.linear.gather [hbm4b:s10+s1], $0x8, $0x38;
	[tilespmem:$0x12C40] =	vst v63  }
0x20d: {  	_ =	swait.ge [sflag:s15], $0x8  }
0x20e: {  	[sflag:s15] =	ssyncset.done $0x0  }
0x20f: {  	[sflag:s15] =	ssyncadd.s32 $0xFFFFFFF8  }
0x210: {  	[tilespmem:s3], [sflag:$0x5] =	stream.indirect.gather [hbm4b:s29+s13], $0x10, s1, s13, $0xb8;
	[tilespmem:$0x12C40] =	vst v63  }
0x211: {  	_ =	swait.ge [sflag:s4], $0x80  }
0x212: {  	[sflag:s4] =	ssyncset.done $0x0  }
0x213: {  	s10 =	rddreg [dreg:$0x1e];
	[sflag:s4] =	ssyncadd.s32 $0xFFFFFF80  }
0x214: {  	[hbm4b:s10+s31] =	stream.strided.scatter [tilespmem:s3], [sflag:$0x6], $0x80, s5, s31, $0x38;
	[tilespmem:$0x12C40] =	vst v63  }
0x215: {  	_ =	swait.ge [sflag:s15], $0x80  }
0x216: {  	[sflag:s15] =	ssyncset.done $0x0  }
0x217: {  	s10 =	rddreg [dreg:$0xf];
	[sflag:s15] =	ssyncadd.s32 $0xFFFFFF80  }
0x218: {  	[tilespmem:s1], [sflag:$0x6] =	stream.linear.gather [hbm4b:s10+s1], $0x8, $0x38;
	[tilespmem:$0x12C40] =	vst v63  }
0x219: {  	_ =	swait.ge [sflag:s15], $0x8  }
0x21a: {  	[sflag:s15] =	ssyncset.done $0x0  }
0x21b: {  	[sflag:s15] =	ssyncadd.s32 $0xFFFFFFF8  }
0x21c: {  	[tilespmem:s3], [sflag:$0x5] =	stream.indirect.gather [hbm4b:s29+s13], $0x10, s1, s13, $0xb8;
	[tilespmem:$0x12C40] =	vst v63  }
0x21d: {  	_ =	swait.ge [sflag:s4], $0x80  }
0x21e: {  	[sflag:s4] =	ssyncset.done $0x0  }
0x21f: {  	s10 =	rddreg [dreg:$0x1f];
	[sflag:s4] =	ssyncadd.s32 $0xFFFFFF80  }
0x220: {  	[hbm4b:s10+s31] =	stream.strided.scatter [tilespmem:s3], [sflag:$0x6], $0x80, s5, s31, $0x38;
	[tilespmem:$0x12C40] =	vst v63  }
0x221: {  	_ =	swait.ge [sflag:s15], $0x80  }
0x222: {  	[sflag:s15] =	ssyncset.done $0x0  }
0x223: {  	s10 =	rddreg [dreg:$0x10];
	[sflag:s15] =	ssyncadd.s32 $0xFFFFFF80  }
0x224: {  	[tilespmem:s1], [sflag:$0x6] =	stream.linear.gather [hbm4b:s10+s1], $0x8, $0x38;
	[tilespmem:$0x12C40] =	vst v63  }
0x225: {  	_ =	swait.ge [sflag:s15], $0x8  }
0x226: {  	[sflag:s15] =	ssyncset.done $0x0  }
0x227: {  	[sflag:s15] =	ssyncadd.s32 $0xFFFFFFF8  }
0x228: {  	[tilespmem:s3], [sflag:$0x5] =	stream.indirect.gather [hbm4b:s29+s13], $0x10, s1, s13, $0xb8;
	[tilespmem:$0x12C40] =	vst v63  }
0x229: {  	_ =	swait.ge [sflag:s4], $0x80  }
0x22a: {  	s10 =	sld [smem:$0x7D6]  }
0x22b: {  	[sflag:s4] =	ssyncset.done $0x0  }
0x22c: {  	[sflag:s4] =	ssyncadd.s32 $0xFFFFFF80  }
0x22d: {  	[hbm4b:s10+s31] =	stream.strided.scatter [tilespmem:s3], [sflag:$0x6], $0x80, s5, s31, $0x38;
	[tilespmem:$0x12C40] =	vst v63  }
0x22e: {  	_ =	swait.ge [sflag:s15], $0x80  }
0x22f: {  	[sflag:s15] =	ssyncset.done $0x0  }
0x230: {  	s10 =	rddreg [dreg:$0x11];
	[sflag:s15] =	ssyncadd.s32 $0xFFFFFF80  }
0x231: {  	[tilespmem:s1], [sflag:$0x6] =	stream.linear.gather [hbm4b:s10+s1], $0x8, $0x38;
	[tilespmem:$0x12C40] =	vst v63  }
0x232: {  	_ =	swait.ge [sflag:s15], $0x8  }
0x233: {  	[sflag:s15] =	ssyncset.done $0x0  }
0x234: {  	[sflag:s15] =	ssyncadd.s32 $0xFFFFFFF8  }
0x235: {  	[tilespmem:s3], [sflag:$0x5] =	stream.indirect.gather [hbm4b:s29+s13], $0x10, s1, s13, $0xb8;
	[tilespmem:$0x12C40] =	vst v63  }
0x236: {  	_ =	swait.ge [sflag:s4], $0x80  }
0x237: {  	s10 =	sld [smem:$0x7D7]  }
0x238: {  	[sflag:s4] =	ssyncset.done $0x0  }
0x239: {  	[sflag:s4] =	ssyncadd.s32 $0xFFFFFF80  }
0x23a: {  	[hbm4b:s10+s31] =	stream.strided.scatter [tilespmem:s3], [sflag:$0x6], $0x80, s5, s31, $0x38;
	[tilespmem:$0x12C40] =	vst v63  }
0x23b: {  	_ =	swait.ge [sflag:s15], $0x80  }
0x23c: {  	[sflag:s15] =	ssyncset.done $0x0  }
0x23d: {  	s10 =	rddreg [dreg:$0x12];
	[sflag:s15] =	ssyncadd.s32 $0xFFFFFF80  }
0x23e: {  	[tilespmem:s1], [sflag:$0x6] =	stream.linear.gather [hbm4b:s10+s1], $0x8, $0x38;
	[tilespmem:$0x12C40] =	vst v63  }
0x23f: {  	_ =	swait.ge [sflag:s15], $0x8  }
0x240: {  	[sflag:s15] =	ssyncset.done $0x0  }
0x241: {  	[sflag:s15] =	ssyncadd.s32 $0xFFFFFFF8  }
0x242: {  	[tilespmem:s3], [sflag:$0x5] =	stream.indirect.gather [hbm4b:s29+s13], $0x10, s1, s13, $0xb8;
	[tilespmem:$0x12C40] =	vst v63  }
0x243: {  	_ =	swait.ge [sflag:s4], $0x80  }
0x244: {  	s13 =	sld [smem:$0x7D8]  }
0x245: {  	[sflag:s4] =	ssyncset.done $0x0  }
.Ltmp8:
0x246: {  	[sflag:s4] =	ssyncadd.s32 $0xFFFFFF80;
	(pc) =	sbr.rel .LBB2_13-.Ltmp8, $4  }
0x247: {  	[hbm4b:s13+s31] =	stream.strided.scatter [tilespmem:s3], [sflag:$0x6], $0x80, s5, s31, $0x38;
	[tilespmem:$0x12C40] =	vst v63  }
0x248: {  	_ =	swait.ge [sflag:s15], $0x80  }
0x249: {  	[sflag:s15] =	ssyncset.done $0x0  }
0x24a: {  	[sflag:s15] =	ssyncadd.s32 $0xFFFFFF80  }
.LBB2_14:
0x24b: {  	_ =	sfence.sel $0x180000  }
0x24c: {  	[bflag:$0x0] =	sbarrier.arrive $0xFFFF  }
0x24d: {  	_ =	strace $0x90000047  }
0x24e: {  	s0 =	stileid.u32;
	[bflag:$0x2] =	sbarrier.arrive $0xFFFF  }
0x24f: {  	p0 =	sne.s32 s0, $0x0;
	s0 =	rddreg [dreg:$0x4]  }
0x250: {  	s0 =	sadd.s32 @!p0 $0x100000, s0  }
0x251: {  	[sflag:s0] =	ssyncadd.tile.s32 @!p0 $0x1;
	_ =	shalt  }
.Lfunc_end2:
_tile_overlayer_lowered:
.L_overlay_start_2:
0x252: {  	(tag) =	ssettag $0x2  }
0x253: {  	s0 =	rddreg [dreg:$0x0];
	s2 =	stileid.u32  }
0x254: {  	s1 =	rddreg [dreg:$0x1];
	p0 =	sne.s32 s2, $0x0  }
0x255: {  	s3 =	rddreg [dreg:$0x2];
	[bflag:$0x3] =	sbarrier.arrive $0xFFFF;
	s2 =	simm.s32 @!p0 $0x1C06  }
0x256: {  	[timem:s3], [sflag:s2] =	dma.local @!p0 [hbm:s0], s1  }
0x257: {  	s0 =	simm.s32 @!p0 $0x6  }
0x258: {  	_ =	swait.ge @!p0 [sflag:s0], s1  }
0x259: {  	s1 =	ssub.s32 @!p0 $0x0, s1;
	[sflag:s0] =	ssyncset.done @!p0 $0x0  }
0x25a: {  	[sflag:s0] =	ssyncadd.s32 @!p0 s1  }
0x25b: {  	[bflag:$0x3] =	sbarrier.arrive $0xFFFF  }
0x25c: {  	_ =	shalt  }

// kernel: kernel.8.cloned.1.call-start
scs
__scs_entry_jumppad:
0x0: {  	(pc) =	sbr.rel $0x88, $3  }
0x1: {  	(tag) =	ssettag $0x0;
	lr =	simm.s32 $0x1  }
0x2: {  	[smem:$0x3F99] =	sst lr;
	_ =	strace $0xD0000000  }
0x3: {  	_ = 	snop  }
0x4: {  	_ = 	snop  }
0x5: {  	_ = 	snop  }
0x6: {  	_ = 	snop  }
0x7: {  	_ = 	snop  }
__scs_overlays_trampoline_lowered:
0x8: {  	[smem:$0x3FA8] =	sst s0  }
0x9: {  	[smem:$0x3FA9] =	sst s1  }
0xa: {  	[smem:$0x3FAA] =	sst s2  }
0xb: {  	[smem:$0x3FAB] =	sst s3  }
0xc: {  	[smem:$0x3FAC] =	sst s4  }
0xd: {  	[smem:$0x3FAD] =	sst s5  }
0xe: {  	[smem:$0x3FAE] =	sst s6  }
0xf: {  	[smem:$0x3FAF] =	sst s7  }
0x10: {  	[smem:$0x3FB0] =	sst s8  }
0x11: {  	[smem:$0x3FB1] =	sst s9;
	s0 =	simm.s32 @!p0 $0x0  }
0x12: {  	s1 =	sld [smem:$0x3F97];
	s0 =	simm.s32 @p0 $0x1  }
0x13: {  	[smem:$0x3FB2] =	sst s0;
	s0 =	simm.s32 @!p1 $0x0  }
0x14: {  	s2 =	sld [smem:$0x3F96];
	s0 =	simm.s32 @p1 $0x1  }
0x15: {  	[smem:$0x3FB3] =	sst s0;
	s0 =	simm.s32 @!p2 $0x0  }
0x16: {  	s3 =	sld [smem:$0x3FDB];
	s0 =	simm.s32 @p2 $0x1  }
0x17: {  	s4 =	simm.s32 $0x1BF5;
	[smem:$0x3FB5] =	sst s0  }
0x18: {  	s0 =	sld [smem:$0x3F98];
	_ =	swait.ge [sflag:s4], $0x0  }
0x19: {  	s7 =	sld [smem:$0x3F99]  }
0x1a: {  	s8 =	sadd.s32 $0xFFFFE003, lr  }
0x1b: {  	s9 =	sadd.s32 $0xFFFFFEF7, lr;
	s5 =	simm.s32 $0xFFFFFFFF;
	p2 =	slt.u32 s8, $0xFFFFF086  }
0x1c: {  	p1 =	slt.u32 s9, $0xF7A;
	s5 =	simm.s32 @!p2 $0x0  }
0x1d: {  	s5 =	simm.s32 @p1 $0x1;
	p0 =	seq.s32 s7, s2  }
0x1e: {  	s7 =	smul.u32 @!p0 $0xF7A, s2;
	p2 =	seq.s32 @!p0 s5, $0x0  }
0x1f: {  	s9 =	smul.u32 $0xF7A, s1;
	s8 =	simm.s32 @!p0 $0x1BF5;
	p2 =	por !p2, p0  }
0x20: {  	[sflag:s8] =	ssyncset.s32 @!p0 $0xFFFFF086;
	s6 =	sadd.s32 @!p0 s3, s7;
	s7 =	simm.s32 @!p0 $0x108  }
0x21: {  	s3 =	sadd.s32 s3, s9;
	s6 =	sadd.s32 @!p0 $0x88, s6;
	s7 =	simm.s32 @p2 $0x1082  }
0x22: {  	[simem:s7], [sflag:s8] =	dma.local @!p0 [hbm:s6], $0xF7A  }
0x23: {  	s9 =	sor.u32 $0xD0000000, s2;
	s6 =	simm.s32 $0x108;
	_ =	swait.ge @!p0 [sflag:s8], $0x0  }
0x24: {  	s3 =	sadd.s32 $0x88, s3;
	s6 =	simm.s32 @!p1 $0x1082;
	[sflag:s4] =	ssyncset.s32 $0xFFFFF086  }
0x25: {  	[simem:s6], [sflag:s4] =	dma.local [hbm:s3], $0xF7A  }
0x26: {  	[smem:$0x3F99] =	sst s1;
	(tag) =	ssettag s2;
	_ =	strace s9  }
0x27: {  	s1 =	sld [smem:$0x3FA9]  }
0x28: {  	s2 =	sld [smem:$0x3FAA]  }
0x29: {  	s4 =	sld [smem:$0x3FAC]  }
0x2a: {  	p0 =	seq.s32 s5, $0x0;
	s5 =	sld [smem:$0x3FAD]  }
0x2b: {  	s6 =	sld [smem:$0x3FAE]  }
0x2c: {  	s7 =	sld [smem:$0x3FAF]  }
0x2d: {  	s3 =	simm.s32 $0x108;
	s8 =	sld [smem:$0x3FB0]  }
0x2e: {  	s3 =	simm.s32 @!p0 $0x1082;
	s9 =	sld [smem:$0x3FB1]  }
0x2f: {  	lr =	sadd.s32 s0, s3;
	s0 =	sld [smem:$0x3FA8]  }
0x30: {  	s3 =	sld [smem:$0x3FAB]  }
0x31: {  	[smem:$0x3FB4] =	sst s10  }
0x32: {  	s10 =	sld [smem:$0x3FB2];
	_ =	sdelay $0x3  }
0x33: {  	p0 =	seq.s32 s10, $0x1;
	s10 =	sld [smem:$0x3FB4];
	_ =	sdelay $0x3  }
0x34: {  	[smem:$0x3FB4] =	sst s10  }
0x35: {  	s10 =	sld [smem:$0x3FB3];
	_ =	sdelay $0x3  }
0x36: {  	p1 =	seq.s32 s10, $0x1;
	s10 =	sld [smem:$0x3FB4];
	_ =	sdelay $0x3  }
0x37: {  	[smem:$0x3FB4] =	sst s10  }
0x38: {  	s10 =	sld [smem:$0x3FB5]  }
0x39: {  	_ = 	snop;
	(pc) =	sbr.ind lr, $3  }
0x3a: {  	_ = 	snop  }
0x3b: {  	_ = 	snop  }
0x3c: {  	p2 =	seq.s32 s10, $0x1;
	s10 =	sld [smem:$0x3FB4]  }
0x3d: {  	_ =	shalt  }
0x3e: {  	_ =	shalt  }
0x3f: {  	_ =	shalt  }
0x40: {  	_ =	shalt  }
0x41: {  	_ =	shalt  }
0x42: {  	_ =	shalt  }
0x43: {  	_ =	shalt  }
0x44: {  	_ =	shalt  }
0x45: {  	_ =	shalt  }
0x46: {  	_ =	shalt  }
0x47: {  	_ =	shalt  }
0x48: {  	_ =	shalt  }
0x49: {  	_ =	shalt  }
0x4a: {  	_ =	shalt  }
0x4b: {  	_ =	shalt  }
0x4c: {  	_ =	shalt  }
0x4d: {  	_ =	shalt  }
0x4e: {  	_ =	shalt  }
0x4f: {  	_ =	shalt  }
0x50: {  	_ =	shalt  }
0x51: {  	_ =	shalt  }
0x52: {  	_ =	shalt  }
0x53: {  	_ =	shalt  }
0x54: {  	_ =	shalt  }
0x55: {  	_ =	shalt  }
0x56: {  	_ =	shalt  }
0x57: {  	_ =	shalt  }
0x58: {  	_ =	shalt  }
0x59: {  	_ =	shalt  }
0x5a: {  	_ =	shalt  }
0x5b: {  	_ =	shalt  }
0x5c: {  	_ =	shalt  }
0x5d: {  	_ =	shalt  }
0x5e: {  	_ =	shalt  }
0x5f: {  	_ =	shalt  }
0x60: {  	_ =	shalt  }
0x61: {  	_ =	shalt  }
0x62: {  	_ =	shalt  }
0x63: {  	_ =	shalt  }
0x64: {  	_ =	shalt  }
0x65: {  	_ =	shalt  }
0x66: {  	_ =	shalt  }
0x67: {  	_ =	shalt  }
0x68: {  	_ =	shalt  }
0x69: {  	_ =	shalt  }
0x6a: {  	_ =	shalt  }
0x6b: {  	_ =	shalt  }
0x6c: {  	_ =	shalt  }
0x6d: {  	_ =	shalt  }
0x6e: {  	_ =	shalt  }
0x6f: {  	_ =	shalt  }
0x70: {  	_ =	shalt  }
0x71: {  	_ =	shalt  }
0x72: {  	_ =	shalt  }
0x73: {  	_ =	shalt  }
0x74: {  	_ =	shalt  }
0x75: {  	_ =	shalt  }
0x76: {  	_ =	shalt  }
0x77: {  	_ =	shalt  }
0x78: {  	_ =	shalt  }
0x79: {  	_ =	shalt  }
0x7a: {  	_ =	shalt  }
0x7b: {  	_ =	shalt  }
0x7c: {  	_ =	shalt  }
0x7d: {  	_ =	shalt  }
0x7e: {  	_ =	shalt  }
0x7f: {  	_ =	shalt  }
0x80: {  	_ =	shalt  }
0x81: {  	_ =	shalt  }
0x82: {  	_ =	shalt  }
0x83: {  	_ =	shalt  }
0x84: {  	_ =	shalt  }
0x85: {  	_ =	shalt  }
0x86: {  	_ =	shalt  }
0x87: {  	_ =	shalt  }
.Lfunc_end0:
.L_simem_size_0:
called_computation.1_lowered:
.L_overlay_start_0:
0x88: {  	s0 =	sld [smem:$0x3FD9]  }
0x89: {  	s1 =	sld [smem:$0x3FFE];
	_ =	sdelay $0x3  }
0x8a: {  	s0 =	sadd.s32 s1, s0  }
0x8b: {  	[smem:$0x3FC0] =	sst s0  }
0x8c: {  	_ = 	snop  }
0x8d: {  	s0 =	sld [smem:$0x3FD0];
	(tm) =	ssettm $0x1  }
0x8e: {  	s16 =	sld [smem:$0x3FFB];
	_ =	sdelay $0x3  }
0x8f: {  	_ =	strace s16  }
0x90: {  	s1 =	sld [smem:$0x3FFC];
	_ =	sdelay $0x3  }
0x91: {  	_ =	strace s1  }
0x92: {  	s1 =	sld [smem:$0x3FFD];
	_ =	sdelay $0x3  }
0x93: {  	_ =	strace s1  }
0x94: {  	_ =	strace $0x8FFFFFFF  }
0x95: {  	s17 =	sld [smem:$0x3FDB];
	_ =	sdelay $0x1  }
0x96: {  	s2 =	simm.s32 $_scs_section_size  }
0x97: {  	s3 =	simm.s32 $_size__tile_overlayer_lowered;
	s4 =	simm.s32 $_tile_overlayer_lowered  }
0x98: {  	s20 =	simm.s32 $0x1BFF;
	s19 =	sshll.u32 s4, $0x1;
	s1 =	sadd.s32 s2, s17  }
0x99: {  	s5 =	simm.s32 $0x0;
	s18 =	sshll.u32 s3, $0x1;
	s3 =	sadd.s32 s19, s1  }
0x9a: {  	[timem:s5], [sflag:s20] =	dma.local [hbm:s3], s18  }
0x9b: {  	_ =	swait.ge [sflag:s20], s18  }
0x9c: {  	s2 =	ssub.s32 $0x0, s18;
	[sflag:s20] =	ssyncset.done $0x0  }
0x9d: {  	[sflag:s20] =	ssyncadd.s32 s2;
	_ =	sdelay $0x1  }
0x9e: {  	s21 =	simm.s32 $0x1B8B  }
0x9f: {  	_ =	swait.ge [sflag:s21], $0x1  }
0xa0: {  	[sflag:s21] =	ssyncset.done $0x0  }
0xa1: {  	s23 =	simm.s32 $0x1B8E;
	s22 =	sld [smem:$0x3FFE];
	[sflag:s21] =	ssyncadd.s32 $0xFFFFFFFF  }
0xa2: {  	s24 =	simm.s32 $execute0_lowered;
	[smem:$0x3FD2] =	sst s23  }
0xa3: {  	s3 =	sshll.u32 s24, $0x1;
	_ =	strace $0x80000049;
	[dreg:$0x1] =	wrdreg $0xFFFFFFFF  }
0xa4: {  	s25 =	simm.s32 $_size_execute0_lowered;
	s1 =	sadd.s32 s1, s3;
	[dreg:$0x0] =	wrdreg $0x0  }
0xa5: {  	s3 =	sshll.u32 s25, $0x1;
	[dreg:$0x2] =	wrdreg s1  }
0xa6: {  	[dreg:$0x3] =	wrdreg s3  }
0xa7: {  	[dreg:$0x4] =	wrdreg $0xC0  }
0xa8: {  	_ =	task [dreg:s5], $0x5FFFF  }
0xa9: {  	[dreg:$0x1] =	wrdreg $0xFFFFFFFF  }
0xaa: {  	[dreg:$0x0] =	wrdreg $0x60  }
0xab: {  	[dreg:$0x2] =	wrdreg s22  }
0xac: {  	[dreg:$0x3] =	wrdreg s0  }
0xad: {  	[dreg:$0x4] =	wrdreg $0x172900  }
0xae: {  	[dreg:$0x5] =	wrdreg $0x9  }
0xaf: {  	_ =	task.clear_ibuf [dreg:s5], $0x6FFFF;
	_ =	strace $0x90000049  }
0xb0: {  	s26 =	simm.s32 $0x9;
	_ =	strace $0x8000004B  }
0xb1: {  	_ =	swait.ge [sflag:s26], $0x1  }
0xb2: {  	[sflag:s26] =	ssyncadd.s32 $0xFFFFFFFF  }
0xb3: {  	_ =	strace $0x9000004B  }
0xb4: {  	_ =	sfence  }
0xb5: {  	s28 =	sld [smem:$0x0];
	_ =	sdelay $0x1  }
0xb6: {  	s29 =	srdreg.scid  }
0xb7: {  	s30 =	sshll.u32 s29, $0xD;
	s31 =	sshrl.u32 s29, $0x2  }
0xb8: {  	s2 =	sand.u32 $0x4000, s30;
	s1 =	sand.u32 $0x1, s29;
	s0 =	sadd.s32 s31, s28  }
0xb9: {  	s1 =	sor.u32 s2, s1;
	s0 =	sshll.u32 s0, $0x11  }
0xba: {  	s0 =	sor.u32 s0, s1  }
0xbb: {  	s0 =	sadd.s32 $0x8F2B, s0  }
0xbc: {  	[sflag:s0] =	ssyncadd.remote.s32 $0x1  }
0xbd: {  	_ =	sfence.sel $0xFFFF  }
0xbe: {  	[dreg:$0x0] =	wrdreg $0xFFFFFFFF;
	(pc) =	sbr.abs _section_cstart, $3  }
0xbf: {  	[dreg:$0x1] =	wrdreg $0xFFFFFFFF  }
0xc0: {  	_ =	task.clear_ibuf [dreg:s5], $0x2FFFF;
	_ =	strace $0x9FFFFFFF  }
0xc1: {  	(tm) =	ssettm $0x7FFFFFFF  }
tec
execute0_lowered:
.L_overlay_start_1:
0x0: {  	(tag) =	ssettag $0x1  }
0x1: {  	s1 =	rddreg [dreg:$0x0]  }
0x2: {  	s11 =	rddreg [dreg:$0x1]  }
0x3: {  	s2 =	rddreg [dreg:$0x2]  }
0x4: {  	s0 =	rddreg [dreg:$0x3];
	s3 =	simm.s32 $0x0;
	s4 =	simm.s32 $0x0  }
0x5: {  	[smem:$0x7FF] =	sst s3;
	s10 =	sadd.s32 $0xB800, s1;
	s7 =	sadd.s32 $0x6800, s1  }
0x6: {  	v0 =	vimm.f32 $0.0e+00;
	s1 =	stileid.u32;
	s3 =	simm.s32 $0x40;
	_ =	strace $0x8000004A  }
.LBB2_1:
0x7: {  	p0 =	sne.s32 s3, $0x9C00;
	[tilespmem:s4+$0x14B80] =	vst v0;
	s4 =	smov.u32 s3;
	s3 =	sadd.s32 $0x40, s3  }
.Ltmp0:
0x8: {  	(pc) =	sbr.rel @p0 .LBB2_1-.Ltmp0, $2  }
0x9: {  	_ =	sdelay $0x2  }
0xa: {  	s4 =	sshra.s32 s4, $0x2  }
0xb: {  	s15 =	smul.u32 $0x2710, s1;
	_ =	sdelay $0x1  }
0xc: {  	[tilespmem:s4+$0x14B80] =	vst v0;
	s28 =	simm.s32 $0x14B80;
	s4 =	simm.s32 $0x3;
	s3 =	sadd.s32 s15, s2  }
0xd: {  	[spmem:s3] =	stream.linear.scatter [tilespmem:s28], [sflag:$0x3], $0x2710, $0x38;
	[tilespmem:$0x199A0] =	vst v63  }
0xe: {  	s5 =	smul.u32 $0x9C0, s1;
	_ =	swait.ge [sflag:s4], $0x2710  }
0xf: {  	s16 =	smul.u32 $0x9C00, s1;
	[sflag:s4] =	ssyncset.done $0x0  }
0x10: {  	s8 =	simm.s32 $0x10;
	s5 =	sshrl.u32 s5, $0x3;
	[sflag:s4] =	ssyncadd.s32 $0xFFFFD8F0  }
0x11: {  	s14 =	sadd.s32 s7, s5;
	s5 =	simm.s32 $0x0;
	[bflag:$0x0] =	sbarrier.arrive $0xFFFF  }
0x12: {  	[tilespmem:s5], [sflag:$0x1] =	stream.linear.gather [hbm4b:s14+s5], $0x9C0, $0x38;
	[tilespmem:$0x199A0] =	vst v63  }
0x13: {  	s9 =	simm.s32 $0x80;
	s6 =	simm.s32 $0x1380;
	s12 =	sadd.s32 s10, s16  }
0x14: {  	[tilespmem:s6], [sflag:$0x1] =	stream.strided.gather [hbm4b:s12+s8], $0x9C00, s9, s8, $0x38;
	[tilespmem:$0x199A0] =	vst v63  }
0x15: {  	s17 =	simm.s32 $0x9C0;
	s13 =	sadd.s32 $0x1388, s14;
	s12 =	sadd.s32 $0x2, s10  }
0x16: {  	[tilespmem:s17], [sflag:$0x2] =	stream.linear.gather [hbm4b:s13+s5], $0x9C0, $0x38;
	[tilespmem:$0x199A0] =	vst v63  }
0x17: {  	s18 =	simm.s32 $0xAF80;
	s19 =	simm.s32 $0x1;
	s29 =	sadd.s32 s16, s12  }
0x18: {  	[tilespmem:s18], [sflag:$0x2] =	stream.strided.gather [hbm4b:s29+s8], $0x9C00, s9, s8, $0x38;
	[tilespmem:$0x199A0] =	vst v63  }
0x19: {  	_ =	swait.ge [sflag:s19], $0x9C0  }
0x1a: {  	[sflag:s19] =	ssyncset.done $0x0  }
0x1b: {  	[sflag:s19] =	ssyncadd.s32 $0xFFFFF640  }
0x1c: {  	_ =	swait.ge [sflag:s19], $0x9C00  }
0x1d: {  	[sflag:s19] =	ssyncset.done $0x0  }
0x1e: {  	[sflag:s19] =	ssyncadd.s32 $0xFFFF6400  }
0x1f: {  	[spmem:s2] =	stream.indirect.scatter.add.f32 [tilespmem:s6], [sflag:$0x3], $0x10, s5, s17, $0xb8;
	[tilespmem:$0x199A0] =	vst v63  }
0x20: {  	_ =	swait.ge [sflag:s4], $0x9C00  }
0x21: {  	[sflag:s4] =	ssyncset.done $0x0  }
0x22: {  	s20 =	sadd.s32 $0x2710, s14;
	s13 =	sadd.s32 $0x4, s10;
	[sflag:s4] =	ssyncadd.s32 $0xFFFF6400  }
0x23: {  	[tilespmem:s5], [sflag:$0x1] =	stream.linear.gather [hbm4b:s20+s5], $0x9C0, $0x38;
	[tilespmem:$0x199A0] =	vst v63  }
0x24: {  	s31 =	simm.s32 $0x2;
	s30 =	sadd.s32 s16, s13  }
0x25: {  	[tilespmem:s6], [sflag:$0x1] =	stream.strided.gather [hbm4b:s30+s8], $0x9C00, s9, s8, $0x38;
	[tilespmem:$0x199A0] =	vst v63  }
0x26: {  	_ =	swait.ge [sflag:s31], $0x9C0  }
0x27: {  	[sflag:s31] =	ssyncset.done $0x0  }
0x28: {  	[sflag:s31] =	ssyncadd.s32 $0xFFFFF640  }
0x29: {  	_ =	swait.ge [sflag:s31], $0x9C00  }
0x2a: {  	[sflag:s31] =	ssyncset.done $0x0  }
0x2b: {  	[sflag:s31] =	ssyncadd.s32 $0xFFFF6400  }
0x2c: {  	[spmem:s2] =	stream.indirect.scatter.add.f32 [tilespmem:s18], [sflag:$0x3], $0x10, s17, s17, $0xb8;
	[tilespmem:$0x199A0] =	vst v63  }
0x2d: {  	_ =	swait.ge [sflag:s4], $0x9C00  }
0x2e: {  	[sflag:s4] =	ssyncset.done $0x0  }
0x2f: {  	s21 =	sadd.s32 $0x3A98, s14;
	s14 =	sadd.s32 $0x6, s10;
	[sflag:s4] =	ssyncadd.s32 $0xFFFF6400  }
0x30: {  	[tilespmem:s17], [sflag:$0x2] =	stream.linear.gather [hbm4b:s21+s5], $0x9C0, $0x38;
	[tilespmem:$0x199A0] =	vst v63  }
0x31: {  	s16 =	sadd.s32 s16, s14  }
0x32: {  	[tilespmem:s18], [sflag:$0x2] =	stream.strided.gather [hbm4b:s16+s8], $0x9C00, s9, s8, $0x38;
	[tilespmem:$0x199A0] =	vst v63  }
0x33: {  	_ =	swait.ge [sflag:s19], $0x9C0  }
0x34: {  	[sflag:s19] =	ssyncset.done $0x0  }
0x35: {  	[sflag:s19] =	ssyncadd.s32 $0xFFFFF640  }
0x36: {  	_ =	swait.ge [sflag:s19], $0x9C00  }
0x37: {  	[sflag:s19] =	ssyncset.done $0x0  }
0x38: {  	[sflag:s19] =	ssyncadd.s32 $0xFFFF6400  }
0x39: {  	[spmem:s2] =	stream.indirect.scatter.add.f32 [tilespmem:s6], [sflag:$0x3], $0x10, s5, s17, $0xb8;
	[tilespmem:$0x199A0] =	vst v63  }
0x3a: {  	_ =	swait.ge [sflag:s4], $0x9C00  }
0x3b: {  	[sflag:s4] =	ssyncset.done $0x0  }
0x3c: {  	[sflag:s4] =	ssyncadd.s32 $0xFFFF6400  }
0x3d: {  	_ =	swait.ge [sflag:s31], $0x9C0  }
0x3e: {  	[sflag:s31] =	ssyncset.done $0x0  }
0x3f: {  	[sflag:s31] =	ssyncadd.s32 $0xFFFFF640  }
0x40: {  	_ =	swait.ge [sflag:s31], $0x9C00  }
0x41: {  	p0 =	sgt.u32 s1, $0x7;
	[sflag:s31] =	ssyncset.done $0x0  }
.Ltmp1:
0x42: {  	[sflag:s31] =	ssyncadd.s32 $0xFFFF6400;
	(pc) =	sbr.rel @p0 .LBB2_4-.Ltmp1, $4  }
0x43: {  	[spmem:s2] =	stream.indirect.scatter.add.f32 [tilespmem:s18], [sflag:$0x3], $0x10, s17, s17, $0xb8;
	[tilespmem:$0x199A0] =	vst v63  }
0x44: {  	_ =	swait.ge [sflag:s4], $0x9C00  }
0x45: {  	s15 =	sshrl.u32 s15, $0x3;
	[sflag:s4] =	ssyncset.done $0x0  }
0x46: {  	s11 =	sadd.s32 s11, s15;
	[sflag:s4] =	ssyncadd.s32 $0xFFFF6400  }
0x47: {  	s15 =	sshll.u32 s1, $0x3  }
0x48: {  	s15 =	sor.u32 $0x9C00, s15  }
0x49: {  	s16 =	sshrl.u32 s15, $0x3  }
0x4a: {  	s16 =	sadd.s32 s7, s16  }
0x4b: {  	[tilespmem:s5], [sflag:$0x3] =	stream.linear.gather [hbm4b:s16+s5], $0x8, $0x38;
	[tilespmem:$0x199A0] =	vst v63  }
0x4c: {  	_ =	swait.ge [sflag:s4], $0x8  }
0x4d: {  	s15 =	sshll.u32 s15, $0x4;
	[sflag:s4] =	ssyncset.done $0x0  }
0x4e: {  	s10 =	sadd.s32 s10, s15;
	[sflag:s4] =	ssyncadd.s32 $0xFFFFFFF8  }
0x4f: {  	[tilespmem:s6], [sflag:$0x3] =	stream.strided.gather [hbm4b:s10+s8], $0x80, s9, s8, $0x38;
	[tilespmem:$0x199A0] =	vst v63  }
0x50: {  	_ =	swait.ge [sflag:s4], $0x80  }
0x51: {  	[sflag:s4] =	ssyncset.done $0x0  }
0x52: {  	s25 =	simm.s32 $0x8;
	[sflag:s4] =	ssyncadd.s32 $0xFFFFFF80  }
0x53: {  	[spmem:s2] =	stream.indirect.scatter.add.f32 [tilespmem:s6], [sflag:$0x3], $0x10, s5, s25, $0xb8;
	[tilespmem:$0x199A0] =	vst v63  }
0x54: {  	_ =	swait.ge [sflag:s4], $0x80  }
0x55: {  	s26 =	sadd.s32 s1, s7;
	[sflag:s4] =	ssyncset.done $0x0  }
0x56: {  	s28 =	sadd.s32 $0x2708, s26;
	[sflag:s4] =	ssyncadd.s32 $0xFFFFFF80  }
0x57: {  	[tilespmem:s5], [sflag:$0x3] =	stream.linear.gather [hbm4b:s28+s5], $0x8, $0x38;
	[tilespmem:$0x199A0] =	vst v63  }
0x58: {  	_ =	swait.ge [sflag:s4], $0x8  }
0x59: {  	[sflag:s4] =	ssyncset.done $0x0  }
0x5a: {  	s12 =	sadd.s32 s15, s12;
	[sflag:s4] =	ssyncadd.s32 $0xFFFFFFF8  }
0x5b: {  	[tilespmem:s6], [sflag:$0x3] =	stream.strided.gather [hbm4b:s12+s8], $0x80, s9, s8, $0x38;
	[tilespmem:$0x199A0] =	vst v63  }
0x5c: {  	_ =	swait.ge [sflag:s4], $0x80  }
0x5d: {  	[sflag:s4] =	ssyncset.done $0x0  }
0x5e: {  	[sflag:s4] =	ssyncadd.s32 $0xFFFFFF80  }
0x5f: {  	[spmem:s2] =	stream.indirect.scatter.add.f32 [tilespmem:s6], [sflag:$0x3], $0x10, s5, s25, $0xb8;
	[tilespmem:$0x199A0] =	vst v63  }
0x60: {  	_ =	swait.ge [sflag:s4], $0x80  }
0x61: {  	[sflag:s4] =	ssyncset.done $0x0  }
0x62: {  	s29 =	sadd.s32 $0x3A90, s26;
	[sflag:s4] =	ssyncadd.s32 $0xFFFFFF80  }
0x63: {  	[tilespmem:s5], [sflag:$0x3] =	stream.linear.gather [hbm4b:s29+s5], $0x8, $0x38;
	[tilespmem:$0x199A0] =	vst v63  }
0x64: {  	_ =	swait.ge [sflag:s4], $0x8  }
0x65: {  	[sflag:s4] =	ssyncset.done $0x0  }
0x66: {  	s30 =	sadd.s32 s15, s13;
	[sflag:s4] =	ssyncadd.s32 $0xFFFFFFF8  }
0x67: {  	[tilespmem:s6], [sflag:$0x3] =	stream.strided.gather [hbm4b:s30+s8], $0x80, s9, s8, $0x38;
	[tilespmem:$0x199A0] =	vst v63  }
0x68: {  	_ =	swait.ge [sflag:s4], $0x80  }
0x69: {  	[sflag:s4] =	ssyncset.done $0x0  }
0x6a: {  	[sflag:s4] =	ssyncadd.s32 $0xFFFFFF80  }
0x6b: {  	[spmem:s2] =	stream.indirect.scatter.add.f32 [tilespmem:s6], [sflag:$0x3], $0x10, s5, s25, $0xb8;
	[tilespmem:$0x199A0] =	vst v63  }
0x6c: {  	_ =	swait.ge [sflag:s4], $0x80  }
0x6d: {  	[sflag:s4] =	ssyncset.done $0x0  }
0x6e: {  	s7 =	sadd.s32 $0x4E18, s26;
	[sflag:s4] =	ssyncadd.s32 $0xFFFFFF80  }
0x6f: {  	[tilespmem:s5], [sflag:$0x3] =	stream.linear.gather [hbm4b:s7+s5], $0x8, $0x38;
	[tilespmem:$0x199A0] =	vst v63  }
0x70: {  	_ =	swait.ge [sflag:s4], $0x8  }
0x71: {  	[sflag:s4] =	ssyncset.done $0x0  }
0x72: {  	s31 =	sadd.s32 s15, s14;
	[sflag:s4] =	ssyncadd.s32 $0xFFFFFFF8  }
0x73: {  	[tilespmem:s6], [sflag:$0x3] =	stream.strided.gather [hbm4b:s31+s8], $0x80, s9, s8, $0x38;
	[tilespmem:$0x199A0] =	vst v63  }
0x74: {  	_ =	swait.ge [sflag:s4], $0x80  }
0x75: {  	[sflag:s4] =	ssyncset.done $0x0  }
0x76: {  	[sflag:s4] =	ssyncadd.s32 $0xFFFFFF80  }
0x77: {  	[spmem:s2] =	stream.indirect.scatter.add.f32 [tilespmem:s6], [sflag:$0x3], $0x10, s5, s25, $0xb8;
	[tilespmem:$0x199A0] =	vst v63  }
0x78: {  	_ =	swait.ge [sflag:s4], $0x80  }
0x79: {  	[sflag:s4] =	ssyncset.done $0x0  }
0x7a: {  	[sflag:s4] =	ssyncadd.s32 $0xFFFFFF80  }
.LBB2_4:
0x7b: {  	s2 =	sshll.u32 s1, $0x6  }
0x7c: {  	[bflag:$0x0] =	sbarrier.arrive $0xFFFF;
	s3 =	sshrl.u32 s3, $0x3;
	s2 =	sor.u32 $0x1C03, s2  }
0x7d: {  	[hbm:s11], [sflag:s2] =	dma.local [spmem:s3], $0x4E2  }
0x7e: {  	_ =	swait.ge [sflag:s4], $0x4E2  }
0x7f: {  	[sflag:s4] =	ssyncset.done $0x0  }
0x80: {  	[sflag:s4] =	ssyncadd.s32 $0xFFFFFB1E  }
0x81: {  	_ =	sfence.sel $0x180000  }
0x82: {  	[bflag:$0x0] =	sbarrier.arrive $0xFFFF  }
0x83: {  	p0 =	sne.s32 s1, $0x0;
	_ =	strace $0x9000004A  }
0x84: {  	s0 =	sadd.s32 @!p0 $0x100000, s0;
	[bflag:$0x2] =	sbarrier.arrive $0xFFFF  }
0x85: {  	[sflag:s0] =	ssyncadd.tile.s32 @!p0 $0x1;
	_ =	shalt  }
.Lfunc_end2:
_tile_overlayer_lowered:
.L_overlay_start_2:
0x86: {  	(tag) =	ssettag $0x2  }
0x87: {  	s0 =	rddreg [dreg:$0x0];
	s2 =	stileid.u32  }
0x88: {  	s1 =	rddreg [dreg:$0x1];
	p0 =	sne.s32 s2, $0x0  }
0x89: {  	s3 =	rddreg [dreg:$0x2];
	[bflag:$0x3] =	sbarrier.arrive $0xFFFF;
	s2 =	simm.s32 @!p0 $0x1C03  }
0x8a: {  	[timem:s3], [sflag:s2] =	dma.local @!p0 [hbm:s0], s1  }
0x8b: {  	s0 =	simm.s32 @!p0 $0x3  }
0x8c: {  	_ =	swait.ge @!p0 [sflag:s0], s1  }
0x8d: {  	s1 =	ssub.s32 @!p0 $0x0, s1;
	[sflag:s0] =	ssyncset.done @!p0 $0x0  }
0x8e: {  	[sflag:s0] =	ssyncadd.s32 @!p0 s1  }
0x8f: {  	[bflag:$0x3] =	sbarrier.arrive $0xFFFF  }
0x90: {  	_ =	shalt  }

</sc_bundles>
